<compile_context>
chip_gen: v7x
topology: tpu7x:2x2x1
jax: 0.10.2.dev20260603
libtpu: 0.0.44.dev20260713+nightly
codegen_flags: <defaults>
</compile_context>

<pallas_src>
import functools
import math

import numpy as np
import jax
import jax.numpy as jnp
from jax import lax
from jax.experimental import pallas as pl
from jax.experimental.pallas import tpu as pltpu
from jax.experimental.pallas import tpu_sc as plsc

_HEADS = 8
_KD = 512
_HALF = 256
_NK = 512
_KNN = 32
_IN = 1024
_VD = 256
_BS = 2048
_TB = 256
_NB = _BS // _TB
_NCAND = 128
_NW = 32
_TPW = _BS // _NW


def _build_cand_tables():
    ci, cj = [], []
    for i in range(_KNN):
        for j in range(min(_KNN, _KNN // (i + 1))):
            ci.append(i)
            cj.append(j)
    n = len(ci)
    assert n <= _NCAND
    p1 = np.zeros((_KNN, _NCAND), np.float32)
    p2 = np.zeros((_KNN, _NCAND), np.float32)
    for c in range(n):
        p1[ci[c], c] = 1.0
        p2[cj[c], c] = 1.0
    bias = np.zeros((_NCAND, 1), np.float32)
    bias[n:, 0] = -1e30
    return p1, p2, bias


_P1, _P2, _BIAS = _build_cand_tables()


def _topk32_t(s, src=None):
    c, t = s.shape
    io = lax.broadcasted_iota(jnp.int32, (c, t), 0)
    lane = lax.broadcasted_iota(jnp.int32, (_KNN, t), 0)
    outv = jnp.zeros((_KNN, t), jnp.float32)
    outi = jnp.zeros((_KNN, t), jnp.float32)
    neg = jnp.float32(float("-inf"))
    for k in range(_KNN):
        m = jnp.max(s, axis=0, keepdims=True)
        am = jnp.min(jnp.where(s == m, io, c), axis=0, keepdims=True)
        hit = io == am
        if src is None:
            pick = am.astype(jnp.float32)
        else:
            pick = jnp.sum(jnp.where(hit, src, 0.0), axis=0, keepdims=True)
        outv = jnp.where(lane == k, m, outv)
        outi = jnp.where(lane == k, pick, outi)
        s = jnp.where(hit, neg, s)
    return outv, outi


def _tc_body(x_ref, wq_ref, bq_ref, keys_ref, p1_ref, p2_ref, bias_ref,
             eye_ref, sc_out_ref, idx_out_ref, sc_scr, idx_scr):
    h = pl.program_id(1)
    hi = lax.Precision.HIGHEST
    q = jnp.dot(x_ref[...], wq_ref[...],
                preferred_element_type=jnp.float32)
    q = q + bq_ref[0]
    k1 = keys_ref[0, 0]
    k2 = keys_ref[0, 1]
    dn = (((1,), (1,)), ((), ()))
    dt = (((1,), (1,)), ((), ()))
    s1t = lax.dot_general(k1, q[:, :_HALF], dt,
                          preferred_element_type=jnp.float32)
    s2t = lax.dot_general(k2, q[:, _HALF:], dt,
                          preferred_element_type=jnp.float32)
    v1t, i1t = _topk32_t(s1t)
    v2t, i2t = _topk32_t(s2t)
    p1 = p1_ref[...]
    p2 = p2_ref[...]
    d0 = (((0,), (0,)), ((), ()))
    cst = lax.dot_general(p1, v1t, d0, precision=hi,
                          preferred_element_type=jnp.float32) \
        + lax.dot_general(p2, v2t, d0, precision=hi,
                          preferred_element_type=jnp.float32) \
        + bias_ref[...]
    cidxt = lax.dot_general(p1, i1t, d0, precision=hi,
                            preferred_element_type=jnp.float32) \
        * jnp.float32(_NK) \
        + lax.dot_general(p2, i2t, d0, precision=hi,
                          preferred_element_type=jnp.float32)
    svt, sit = _topk32_t(cst, src=cidxt)
    e = jnp.exp(svt - svt[0:1])
    smt = e / jnp.sum(e, axis=0, keepdims=True)
    eye = eye_ref[...]
    sm = lax.dot_general(smt, eye, d0, precision=hi,
                         preferred_element_type=jnp.float32)
    si = lax.dot_general(sit, eye, d0, precision=hi,
                         preferred_element_type=jnp.float32)
    sc_scr[h] = sm
    idx_scr[h] = (si + jnp.float32(0.5)).astype(jnp.int32)

    @pl.when(h == _HEADS - 1)
    def _flush():
        sc_all = jnp.concatenate([sc_scr[i] for i in range(_HEADS)], axis=1)
        idx_all = jnp.concatenate([idx_scr[i] for i in range(_HEADS)], axis=1)
        sc_out_ref[...] = sc_all.reshape(2 * _TB, 128)
        idx_out_ref[...] = idx_all.reshape(2 * _TB, 128)


def _tc_topk(x, w_q, bq2, keys, p1, p2, bias):
    f32 = jnp.float32
    return pl.pallas_call(
        _tc_body,
        grid=(_NB, _HEADS),
        in_specs=[
            pl.BlockSpec((_TB, _IN), lambda b, h: (b, 0)),
            pl.BlockSpec((_IN, _KD), lambda b, h: (0, h)),
            pl.BlockSpec((1, 1, _KD), lambda b, h: (h, 0, 0)),
            pl.BlockSpec((1, 2, _NK, _HALF), lambda b, h: (h, 0, 0, 0)),
            pl.BlockSpec((_KNN, _NCAND), lambda b, h: (0, 0)),
            pl.BlockSpec((_KNN, _NCAND), lambda b, h: (0, 0)),
            pl.BlockSpec((_NCAND, 1), lambda b, h: (0, 0)),
            pl.BlockSpec((_KNN, _KNN), lambda b, h: (0, 0)),
        ],
        out_specs=[
            pl.BlockSpec((2 * _TB, 128), lambda b, h: (b, 0)),
            pl.BlockSpec((2 * _TB, 128), lambda b, h: (b, 0)),
        ],
        out_shape=[
            jax.ShapeDtypeStruct((_BS * 2, 128), f32),
            jax.ShapeDtypeStruct((_BS * 2, 128), jnp.int32),
        ],
        scratch_shapes=[
            pltpu.VMEM((_HEADS, _TB, _KNN), f32),
            pltpu.VMEM((_HEADS, _TB, _KNN), jnp.int32),
        ],
    )(x, w_q, bq2, keys, p1, p2, bias, jnp.eye(_KNN, dtype=f32))


def _acc_chunk(buf, acc):
    def body(r, a):
        r4 = r * 4
        for rr in range(4):
            a = tuple(
                a[c] + buf[r4 + rr, pl.ds(c * 16, 16)] for c in range(16)
            )
        return a
    return lax.fori_loop(0, 128 // 4, body, acc)


def _sc_body(values_hbm, idx_hbm, sc_hbm, out_hbm, idx_v, sc_v, buf0, buf1,
             res_v, sem0, sem1):
    nc = 2
    wid = lax.axis_index("s") * nc + lax.axis_index("c")
    base = wid * _TPW
    pltpu.sync_copy(idx_hbm.at[pl.ds(base * 2, _TPW * 2)], idx_v)
    pltpu.sync_copy(sc_hbm.at[pl.ds(base * 2, _TPW * 2)], sc_v)
    pltpu.async_copy(values_hbm.at[idx_v.at[0]], buf0, sem0)

    @pl.loop(0, _TPW)
    def _token(t):
        g = t * 2
        pltpu.async_copy(values_hbm.at[idx_v.at[g + 1]], buf1, sem1)
        pltpu.make_async_copy(values_hbm.at[idx_v.at[g]], buf0, sem0).wait()
        acc0 = tuple(jnp.zeros((16,), jnp.float32) for _ in range(16))
        acc = _acc_chunk(buf0, acc0)

        @pl.when(t < _TPW - 1)
        def _():
            pltpu.async_copy(values_hbm.at[idx_v.at[g + 2]], buf0, sem0)

        pltpu.make_async_copy(values_hbm.at[idx_v.at[g + 1]], buf1, sem1).wait()
        acc = _acc_chunk(buf1, acc)
        for c in range(16):
            res_v[t, pl.ds(c * 16, 16)] = \
                acc[c] * sc_v[g + c // 8, pl.ds((c % 8) * 16, 16)]

    pltpu.sync_copy(res_v, out_hbm.at[pl.ds(base, _TPW)])


def _sc_gather(values, idx, scores):
    mesh = plsc.VectorSubcoreMesh(core_axis_name="c", subcore_axis_name="s")
    f32 = jnp.float32
    call = pl.kernel(
        _sc_body,
        out_type=jax.ShapeDtypeStruct((_BS, _VD), f32),
        mesh=mesh,
        scratch_types=[
            pltpu.VMEM((_TPW * 2, 128), jnp.int32),
            pltpu.VMEM((_TPW * 2, 128), f32),
            pltpu.VMEM((128, _VD), f32),
            pltpu.VMEM((128, _VD), f32),
            pltpu.VMEM((_TPW, _VD), f32),
            pltpu.SemaphoreType.DMA,
            pltpu.SemaphoreType.DMA,
        ],
        compiler_params=pltpu.CompilerParams(use_tc_tiling_on_sc=False),
    )
    return call(values, idx, scores)


def kernel(x, W_q, b_q, keys, values):
    bq2 = b_q.reshape(_HEADS, 1, _KD)
    p1 = jnp.asarray(_P1)
    p2 = jnp.asarray(_P2)
    bias = jnp.asarray(_BIAS)
    sc, idx = _tc_topk(x, W_q, bq2, keys, p1, p2, bias)
    return _sc_gather(values, idx, sc)

# --- scband reference (transcript-rebuilt; emitter-appended) ---
"""Pipeline reference for scband-hashing-memory-51290499448944 (READ-ONLY COPY).

The authoritative reference and input builder live on the scoring server;
editing this copy changes nothing except your own understanding.
"""

import jax, jax.numpy as jnp
import numpy as np
import math

HEADS = 8
K_DIM = 512
HALF = K_DIM // 2
N_KEYS = 512
KNN = 32
INPUT_DIM = 1024
V_DIM = 256  # == HEADS * KNN so the (buggy-but-faithful) broadcast in the original works
SIZE = N_KEYS * N_KEYS
BS = 2048


def setup_inputs(seed: int = 0) -> dict:
    key = jax.random.key(seed)
    ks = jax.random.split(key, 5)
    x = jax.random.normal(ks[0], (BS, INPUT_DIM), dtype=jnp.float32)
    # query_proj: Dense(input_dim -> heads*k_dim)
    W_q = jax.random.normal(ks[1], (INPUT_DIM, HEADS * K_DIM), dtype=jnp.float32) * 0.02
    b_q = jnp.zeros((HEADS * K_DIM,), dtype=jnp.float32)
    # product keys: (heads, 2, n_keys, k_dim//2), uniform like nn.Linear init
    bound = 1.0 / math.sqrt(HALF)
    keys = jax.random.uniform(ks[2], (HEADS, 2, N_KEYS, HALF), minval=-bound, maxval=bound, dtype=jnp.float32)
    # values embedding table: (n_keys**2, v_dim)
    values = jax.random.normal(ks[3], (SIZE, V_DIM), dtype=jnp.float32) * 0.02
    return {"x": x, "W_q": W_q, "b_q": b_q, "keys": keys, "values": values}


def _get_indices_head(q, subkeys):
    # q: [bs, k_dim]; subkeys: [2, n_keys, half]
    bs = q.shape[0]
    q1 = q[:, :HALF]
    q2 = q[:, HALF:]
    s1 = q1 @ subkeys[0].T  # [bs, n_keys]
    s2 = q2 @ subkeys[1].T  # [bs, n_keys]
    s1, i1 = jax.lax.top_k(s1, KNN)
    s2, i2 = jax.lax.top_k(s2, KNN)
    all_scores = (s1[:, :, None] + s2[:, None, :]).reshape(bs, KNN * KNN)
    all_indices = (i1[:, :, None] * N_KEYS + i2[:, None, :]).reshape(bs, KNN * KNN)
    scores, best = jax.lax.top_k(all_scores, KNN)
    indices = jnp.take_along_axis(all_indices, best, axis=1)
    return scores, indices


def reference(x, W_q, b_q, keys, values):
    bs = x.shape[0]
    # query projection (dropout rates are 0.0 -> identity)
    query = x.reshape(-1, INPUT_DIM) @ W_q + b_q  # [bs, heads*k_dim]
    query = query.reshape(bs, HEADS, K_DIM)
    s_list = []
    i_list = []
    for h in range(HEADS):
        s, i = _get_indices_head(query[:, h], keys[h])
        s_list.append(s[:, None, :])
        i_list.append(i[:, None, :])
    scores = jnp.concatenate(s_list, axis=1).reshape(-1, KNN)  # [bs*heads, knn]
    indices = jnp.concatenate(i_list, axis=1).reshape(-1, KNN)
    scores = jax.nn.softmax(scores, axis=-1)
    indices = indices.reshape(bs, HEADS * KNN)
    scores = scores.reshape(bs, HEADS * KNN)
    out = jnp.take(values, indices, axis=0)  # [bs, heads*knn, v_dim]
    out = jnp.sum(out, axis=1)  # [bs, v_dim]  (faithful to original reduce_sum-then-multiply)
    out = out * scores  # broadcast works since v_dim == heads*knn
    return out

if __name__ == "__main__":
    import jax
    _d = setup_inputs()
    print(jax.jit(kernel)(*tuple(_d.values())))

</pallas_src>

<mosaic_0001>
#map = affine_map<(d0, d1) -> (0, 0)>
module attributes {stable_mosaic.version = 14 : i64} {
  func.func @_sc_body(%arg0: i32, %arg1: i32, %arg2: memref<262144x256xf32, #tpu.memory_space<hbm>>, %arg3: memref<4096x128xi32, #tpu.memory_space<hbm>>, %arg4: memref<4096x128xf32, #tpu.memory_space<hbm>>, %arg5: memref<2048x256xf32, #tpu.memory_space<hbm>>, %arg6: memref<128x128xi32, #tpu.memory_space<vmem>>, %arg7: memref<128x128xf32, #tpu.memory_space<vmem>>, %arg8: memref<128x256xf32, #tpu.memory_space<vmem>>, %arg9: memref<128x256xf32, #tpu.memory_space<vmem>>, %arg10: memref<64x256xf32, #tpu.memory_space<vmem>>, %arg11: memref<!tpu.dma_semaphore, #tpu.memory_space<semaphore_mem>>, %arg12: memref<!tpu.dma_semaphore, #tpu.memory_space<semaphore_mem>>) attributes {dimension_semantics = [#tpu.dimension_semantics<core_parallel>, #tpu.dimension_semantics<subcore_parallel>], iteration_bounds = array<i64: 2, 16>, scalar_prefetch = 0 : i64, scratch_operands = 7 : i64, tpu.core_type = #tpu.core_type<sc_vector_subcore>, window_params = [{transform_indices = #map}, {transform_indices = #map}, {transform_indices = #map}, {transform_indices = #map}]} {
    %mul3A = arith.constant 2 : i32
    %mul3A_0 = arith.muli %arg1, %mul3A : i32
    %add3A = arith.addi %mul3A_0, %arg0 : i32
    %mul3A_1 = arith.constant 64 : i32
    %mul3A_2 = arith.muli %add3A, %mul3A_1 : i32
    %mul3A_3 = arith.constant 2 : i32
    %mul3A_4 = arith.muli %mul3A_2, %mul3A_3 : i32
    "tpu.region"() ({
      %run_scoped3A = tpu.sem_alloc : memref<!tpu.dma_semaphore, #tpu.memory_space<semaphore_mem>>
      %dma_start3A_17 = arith.constant 0 : i32
      %dma_start3A_18 = tpu.memref_slice %arg3[%mul3A_4, %dma_start3A_17] : memref<4096x128xi32, #tpu.memory_space<hbm>> -> memref<128x128xi32, #tpu.memory_space<hbm>>
      %dma_start3A_19 = arith.constant 0 : i32
      %dma_start3A_20 = tpu.memref_slice %arg3[%mul3A_4, %dma_start3A_19] : memref<4096x128xi32, #tpu.memory_space<hbm>> -> memref<128x128xi32, #tpu.memory_space<hbm>>
      tpu.enqueue_dma source(%dma_start3A_20 : memref<128x128xi32, #tpu.memory_space<hbm>>) target(%arg6 : memref<128x128xi32, #tpu.memory_space<vmem>>) target_semaphore(%run_scoped3A : memref<!tpu.dma_semaphore, #tpu.memory_space<semaphore_mem>>)
      %dma_wait3A = arith.constant 0 : i32
      %dma_wait3A_21 = tpu.memref_slice %arg3[%mul3A_4, %dma_wait3A] : memref<4096x128xi32, #tpu.memory_space<hbm>> -> memref<128x128xi32, #tpu.memory_space<hbm>>
      %dma_wait3A_22 = arith.constant 0 : i32
      %dma_wait3A_23 = tpu.memref_slice %arg3[%mul3A_4, %dma_wait3A_22] : memref<4096x128xi32, #tpu.memory_space<hbm>> -> memref<128x128xi32, #tpu.memory_space<hbm>>
      tpu.wait_dma2 semaphore(%run_scoped3A : memref<!tpu.dma_semaphore, #tpu.memory_space<semaphore_mem>>) src(%dma_wait3A_23 : memref<128x128xi32, #tpu.memory_space<hbm>>) dst(%arg6 : memref<128x128xi32, #tpu.memory_space<vmem>>)
      tpu.yield
    }) : () -> ()
    %mul3A_5 = arith.constant 2 : i32
    %mul3A_6 = arith.muli %mul3A_2, %mul3A_5 : i32
    "tpu.region"() ({
      %run_scoped3A = tpu.sem_alloc : memref<!tpu.dma_semaphore, #tpu.memory_space<semaphore_mem>>
      %dma_start3A_17 = arith.constant 0 : i32
      %dma_start3A_18 = tpu.memref_slice %arg4[%mul3A_6, %dma_start3A_17] : memref<4096x128xf32, #tpu.memory_space<hbm>> -> memref<128x128xf32, #tpu.memory_space<hbm>>
      %dma_start3A_19 = arith.constant 0 : i32
      %dma_start3A_20 = tpu.memref_slice %arg4[%mul3A_6, %dma_start3A_19] : memref<4096x128xf32, #tpu.memory_space<hbm>> -> memref<128x128xf32, #tpu.memory_space<hbm>>
      tpu.enqueue_dma source(%dma_start3A_20 : memref<128x128xf32, #tpu.memory_space<hbm>>) target(%arg7 : memref<128x128xf32, #tpu.memory_space<vmem>>) target_semaphore(%run_scoped3A : memref<!tpu.dma_semaphore, #tpu.memory_space<semaphore_mem>>)
      %dma_wait3A = arith.constant 0 : i32
      %dma_wait3A_21 = tpu.memref_slice %arg4[%mul3A_6, %dma_wait3A] : memref<4096x128xf32, #tpu.memory_space<hbm>> -> memref<128x128xf32, #tpu.memory_space<hbm>>
      %dma_wait3A_22 = arith.constant 0 : i32
      %dma_wait3A_23 = tpu.memref_slice %arg4[%mul3A_6, %dma_wait3A_22] : memref<4096x128xf32, #tpu.memory_space<hbm>> -> memref<128x128xf32, #tpu.memory_space<hbm>>
      tpu.wait_dma2 semaphore(%run_scoped3A : memref<!tpu.dma_semaphore, #tpu.memory_space<semaphore_mem>>) src(%dma_wait3A_23 : memref<128x128xf32, #tpu.memory_space<hbm>>) dst(%arg7 : memref<128x128xf32, #tpu.memory_space<vmem>>)
      tpu.yield
    }) : () -> ()
    %dma_start3A = arith.constant 0 : i32
    %dma_start3A_7 = arith.constant 0 : i32
    %dma_start3A_8 = tpu.memref_slice %arg6[%dma_start3A, %dma_start3A_7] : memref<128x128xi32, #tpu.memory_space<vmem>> -> memref<1x128xi32, #tpu.memory_space<vmem>>
    %dma_start3A_9 = tpu.memref_squeeze %dma_start3A_8 : memref<1x128xi32, #tpu.memory_space<vmem>> -> memref<128xi32, #tpu.memory_space<vmem>>
    %dma_start3A_10 = arith.constant 0 : i32
    %dma_start3A_11 = arith.constant 0 : i32
    %dma_start3A_12 = tpu.memref_slice %arg2[%dma_start3A_10, %dma_start3A_11] : memref<262144x256xf32, #tpu.memory_space<hbm>> -> memref<262144x256xf32, #tpu.memory_space<hbm>>
    tpu.enqueue_indirect_dma source(%dma_start3A_12 : memref<262144x256xf32, #tpu.memory_space<hbm>>) target(%arg8 : memref<128x256xf32, #tpu.memory_space<vmem>>) offsets(%dma_start3A_9 : memref<128xi32, #tpu.memory_space<vmem>>) semaphore(%arg11 : memref<!tpu.dma_semaphore, #tpu.memory_space<semaphore_mem>>)
    %scan3A = arith.constant 0 : i32
    %scan3A_13 = arith.constant 64 : i32
    %scan3A_14 = arith.addi %scan3A, %scan3A_13 : i32
    %scan3A_15 = arith.constant 1 : i32
    scf.for %scan3A_17 = %scan3A to %scan3A_14 step %scan3A_15  : i32 {
      %mul3A_18 = arith.constant 1 : i32
      %mul3A_19 = arith.muli %scan3A_17, %mul3A_18 : i32
      %add3A_20 = arith.constant 0 : i32
      %add3A_21 = arith.addi %add3A_20, %mul3A_19 : i32
      %mul3A_22 = arith.constant 2 : i32
      %mul3A_23 = arith.muli %add3A_21, %mul3A_22 : i32
      %add3A_24 = arith.constant 1 : i32
      %add3A_25 = arith.addi %mul3A_23, %add3A_24 : i32
      %dma_start3A_26 = arith.constant 0 : i32
      %dma_start3A_27 = tpu.memref_slice %arg6[%add3A_25, %dma_start3A_26] : memref<128x128xi32, #tpu.memory_space<vmem>> -> memref<1x128xi32, #tpu.memory_space<vmem>>
      %dma_start3A_28 = tpu.memref_squeeze %dma_start3A_27 : memref<1x128xi32, #tpu.memory_space<vmem>> -> memref<128xi32, #tpu.memory_space<vmem>>
      %dma_start3A_29 = arith.constant 0 : i32
      %dma_start3A_30 = arith.constant 0 : i32
      %dma_start3A_31 = tpu.memref_slice %arg2[%dma_start3A_29, %dma_start3A_30] : memref<262144x256xf32, #tpu.memory_space<hbm>> -> memref<262144x256xf32, #tpu.memory_space<hbm>>
      tpu.enqueue_indirect_dma source(%dma_start3A_31 : memref<262144x256xf32, #tpu.memory_space<hbm>>) target(%arg9 : memref<128x256xf32, #tpu.memory_space<vmem>>) offsets(%dma_start3A_28 : memref<128xi32, #tpu.memory_space<vmem>>) semaphore(%arg12 : memref<!tpu.dma_semaphore, #tpu.memory_space<semaphore_mem>>)
      %dma_wait3A = arith.constant 0 : i32
      %dma_wait3A_32 = tpu.memref_slice %arg6[%mul3A_23, %dma_wait3A] : memref<128x128xi32, #tpu.memory_space<vmem>> -> memref<1x128xi32, #tpu.memory_space<vmem>>
      %dma_wait3A_33 = tpu.memref_squeeze %dma_wait3A_32 : memref<1x128xi32, #tpu.memory_space<vmem>> -> memref<128xi32, #tpu.memory_space<vmem>>
      %dma_wait3A_34 = arith.constant 0 : i32
      %dma_wait3A_35 = arith.constant 0 : i32
      %dma_wait3A_36 = tpu.memref_slice %arg2[%dma_wait3A_34, %dma_wait3A_35] : memref<262144x256xf32, #tpu.memory_space<hbm>> -> memref<262144x256xf32, #tpu.memory_space<hbm>>
      tpu.wait_indirect_dma semaphore(%arg11 : memref<!tpu.dma_semaphore, #tpu.memory_space<semaphore_mem>>) src(%dma_wait3A_36 : memref<262144x256xf32, #tpu.memory_space<hbm>>) dst(%arg8 : memref<128x256xf32, #tpu.memory_space<vmem>>)
      %broadcast_in_dim3A = arith.constant 0.000000e+00 : f32
      %broadcast_in_dim3A_37 = vector.broadcast %broadcast_in_dim3A : f32 to vector<16xf32>
      %broadcast_in_dim3A_38 = arith.constant 0.000000e+00 : f32
      %broadcast_in_dim3A_39 = vector.broadcast %broadcast_in_dim3A_38 : f32 to vector<16xf32>
      %broadcast_in_dim3A_40 = arith.constant 0.000000e+00 : f32
      %broadcast_in_dim3A_41 = vector.broadcast %broadcast_in_dim3A_40 : f32 to vector<16xf32>
      %broadcast_in_dim3A_42 = arith.constant 0.000000e+00 : f32
      %broadcast_in_dim3A_43 = vector.broadcast %broadcast_in_dim3A_42 : f32 to vector<16xf32>
      %broadcast_in_dim3A_44 = arith.constant 0.000000e+00 : f32
      %broadcast_in_dim3A_45 = vector.broadcast %broadcast_in_dim3A_44 : f32 to vector<16xf32>
      %broadcast_in_dim3A_46 = arith.constant 0.000000e+00 : f32
      %broadcast_in_dim3A_47 = vector.broadcast %broadcast_in_dim3A_46 : f32 to vector<16xf32>
      %broadcast_in_dim3A_48 = arith.constant 0.000000e+00 : f32
      %broadcast_in_dim3A_49 = vector.broadcast %broadcast_in_dim3A_48 : f32 to vector<16xf32>
      %broadcast_in_dim3A_50 = arith.constant 0.000000e+00 : f32
      %broadcast_in_dim3A_51 = vector.broadcast %broadcast_in_dim3A_50 : f32 to vector<16xf32>
      %broadcast_in_dim3A_52 = arith.constant 0.000000e+00 : f32
      %broadcast_in_dim3A_53 = vector.broadcast %broadcast_in_dim3A_52 : f32 to vector<16xf32>
      %broadcast_in_dim3A_54 = arith.constant 0.000000e+00 : f32
      %broadcast_in_dim3A_55 = vector.broadcast %broadcast_in_dim3A_54 : f32 to vector<16xf32>
      %broadcast_in_dim3A_56 = arith.constant 0.000000e+00 : f32
      %broadcast_in_dim3A_57 = vector.broadcast %broadcast_in_dim3A_56 : f32 to vector<16xf32>
      %broadcast_in_dim3A_58 = arith.constant 0.000000e+00 : f32
      %broadcast_in_dim3A_59 = vector.broadcast %broadcast_in_dim3A_58 : f32 to vector<16xf32>
      %broadcast_in_dim3A_60 = arith.constant 0.000000e+00 : f32
      %broadcast_in_dim3A_61 = vector.broadcast %broadcast_in_dim3A_60 : f32 to vector<16xf32>
      %broadcast_in_dim3A_62 = arith.constant 0.000000e+00 : f32
      %broadcast_in_dim3A_63 = vector.broadcast %broadcast_in_dim3A_62 : f32 to vector<16xf32>
      %broadcast_in_dim3A_64 = arith.constant 0.000000e+00 : f32
      %broadcast_in_dim3A_65 = vector.broadcast %broadcast_in_dim3A_64 : f32 to vector<16xf32>
      %broadcast_in_dim3A_66 = arith.constant 0.000000e+00 : f32
      %broadcast_in_dim3A_67 = vector.broadcast %broadcast_in_dim3A_66 : f32 to vector<16xf32>
      %scan3A_68 = arith.constant 0 : i32
      %scan3A_69 = arith.constant 32 : i32
      %scan3A_70 = arith.addi %scan3A_68, %scan3A_69 : i32
      %scan3A_71 = arith.constant 1 : i32
      %scan3A_72:16 = scf.for %scan3A_280 = %scan3A_68 to %scan3A_70 step %scan3A_71 iter_args(%scan3A_281 = %broadcast_in_dim3A_37, %scan3A_282 = %broadcast_in_dim3A_39, %scan3A_283 = %broadcast_in_dim3A_41, %scan3A_284 = %broadcast_in_dim3A_43, %scan3A_285 = %broadcast_in_dim3A_45, %scan3A_286 = %broadcast_in_dim3A_47, %scan3A_287 = %broadcast_in_dim3A_49, %scan3A_288 = %broadcast_in_dim3A_51, %scan3A_289 = %broadcast_in_dim3A_53, %scan3A_290 = %broadcast_in_dim3A_55, %scan3A_291 = %broadcast_in_dim3A_57, %scan3A_292 = %broadcast_in_dim3A_59, %scan3A_293 = %broadcast_in_dim3A_61, %scan3A_294 = %broadcast_in_dim3A_63, %scan3A_295 = %broadcast_in_dim3A_65, %scan3A_296 = %broadcast_in_dim3A_67) -> (vector<16xf32>, vector<16xf32>, vector<16xf32>, vector<16xf32>, vector<16xf32>, vector<16xf32>, vector<16xf32>, vector<16xf32>, vector<16xf32>, vector<16xf32>, vector<16xf32>, vector<16xf32>, vector<16xf32>, vector<16xf32>, vector<16xf32>, vector<16xf32>)  : i32 {
        %mul3A_297 = arith.constant 4 : i32
        %mul3A_298 = arith.muli %scan3A_280, %mul3A_297 : i32
        %add3A_299 = arith.constant 0 : i32
        %add3A_300 = arith.addi %mul3A_298, %add3A_299 : i32
        %get3A_301 = arith.index_cast %add3A_300 : i32 to index
        %get3A_302 = arith.constant 0 : index
        %get3A_303 = tpu.vector_load %arg8[%get3A_301, %get3A_302] {strides = array<i32>} : memref<128x256xf32, #tpu.memory_space<vmem>>, vector<1x16xf32>,
        %get3A_304 = vector.shape_cast %get3A_303 : vector<1x16xf32> to vector<16xf32>
        %add3A_305 = arith.addf %scan3A_281, %get3A_304 : vector<16xf32>
        %add3A_306 = arith.constant 0 : i32
        %add3A_307 = arith.addi %mul3A_298, %add3A_306 : i32
        %get3A_308 = arith.index_cast %add3A_307 : i32 to index
        %get3A_309 = arith.constant 16 : index
        %get3A_310 = tpu.vector_load %arg8[%get3A_308, %get3A_309] {strides = array<i32>} : memref<128x256xf32, #tpu.memory_space<vmem>>, vector<1x16xf32>,
        %get3A_311 = vector.shape_cast %get3A_310 : vector<1x16xf32> to vector<16xf32>
        %add3A_312 = arith.addf %scan3A_282, %get3A_311 : vector<16xf32>
        %add3A_313 = arith.constant 0 : i32
        %add3A_314 = arith.addi %mul3A_298, %add3A_313 : i32
        %get3A_315 = arith.index_cast %add3A_314 : i32 to index
        %get3A_316 = arith.constant 32 : index
        %get3A_317 = tpu.vector_load %arg8[%get3A_315, %get3A_316] {strides = array<i32>} : memref<128x256xf32, #tpu.memory_space<vmem>>, vector<1x16xf32>,
        %get3A_318 = vector.shape_cast %get3A_317 : vector<1x16xf32> to vector<16xf32>
        %add3A_319 = arith.addf %scan3A_283, %get3A_318 : vector<16xf32>
        %add3A_320 = arith.constant 0 : i32
        %add3A_321 = arith.addi %mul3A_298, %add3A_320 : i32
        %get3A_322 = arith.index_cast %add3A_321 : i32 to index
        %get3A_323 = arith.constant 48 : index
        %get3A_324 = tpu.vector_load %arg8[%get3A_322, %get3A_323] {strides = array<i32>} : memref<128x256xf32, #tpu.memory_space<vmem>>, vector<1x16xf32>,
        %get3A_325 = vector.shape_cast %get3A_324 : vector<1x16xf32> to vector<16xf32>
        %add3A_326 = arith.addf %scan3A_284, %get3A_325 : vector<16xf32>
        %add3A_327 = arith.constant 0 : i32
        %add3A_328 = arith.addi %mul3A_298, %add3A_327 : i32
        %get3A_329 = arith.index_cast %add3A_328 : i32 to index
        %get3A_330 = arith.constant 64 : index
        %get3A_331 = tpu.vector_load %arg8[%get3A_329, %get3A_330] {strides = array<i32>} : memref<128x256xf32, #tpu.memory_space<vmem>>, vector<1x16xf32>,
        %get3A_332 = vector.shape_cast %get3A_331 : vector<1x16xf32> to vector<16xf32>
        %add3A_333 = arith.addf %scan3A_285, %get3A_332 : vector<16xf32>
        %add3A_334 = arith.constant 0 : i32
        %add3A_335 = arith.addi %mul3A_298, %add3A_334 : i32
        %get3A_336 = arith.index_cast %add3A_335 : i32 to index
        %get3A_337 = arith.constant 80 : index
        %get3A_338 = tpu.vector_load %arg8[%get3A_336, %get3A_337] {strides = array<i32>} : memref<128x256xf32, #tpu.memory_space<vmem>>, vector<1x16xf32>,
        %get3A_339 = vector.shape_cast %get3A_338 : vector<1x16xf32> to vector<16xf32>
        %add3A_340 = arith.addf %scan3A_286, %get3A_339 : vector<16xf32>
        %add3A_341 = arith.constant 0 : i32
        %add3A_342 = arith.addi %mul3A_298, %add3A_341 : i32
        %get3A_343 = arith.index_cast %add3A_342 : i32 to index
        %get3A_344 = arith.constant 96 : index
        %get3A_345 = tpu.vector_load %arg8[%get3A_343, %get3A_344] {strides = array<i32>} : memref<128x256xf32, #tpu.memory_space<vmem>>, vector<1x16xf32>,
        %get3A_346 = vector.shape_cast %get3A_345 : vector<1x16xf32> to vector<16xf32>
        %add3A_347 = arith.addf %scan3A_287, %get3A_346 : vector<16xf32>
        %add3A_348 = arith.constant 0 : i32
        %add3A_349 = arith.addi %mul3A_298, %add3A_348 : i32
        %get3A_350 = arith.index_cast %add3A_349 : i32 to index
        %get3A_351 = arith.constant 112 : index
        %get3A_352 = tpu.vector_load %arg8[%get3A_350, %get3A_351] {strides = array<i32>} : memref<128x256xf32, #tpu.memory_space<vmem>>, vector<1x16xf32>,
        %get3A_353 = vector.shape_cast %get3A_352 : vector<1x16xf32> to vector<16xf32>
        %add3A_354 = arith.addf %scan3A_288, %get3A_353 : vector<16xf32>
        %add3A_355 = arith.constant 0 : i32
        %add3A_356 = arith.addi %mul3A_298, %add3A_355 : i32
        %get3A_357 = arith.index_cast %add3A_356 : i32 to index
        %get3A_358 = arith.constant 128 : index
        %get3A_359 = tpu.vector_load %arg8[%get3A_357, %get3A_358] {strides = array<i32>} : memref<128x256xf32, #tpu.memory_space<vmem>>, vector<1x16xf32>,
        %get3A_360 = vector.shape_cast %get3A_359 : vector<1x16xf32> to vector<16xf32>
        %add3A_361 = arith.addf %scan3A_289, %get3A_360 : vector<16xf32>
        %add3A_362 = arith.constant 0 : i32
        %add3A_363 = arith.addi %mul3A_298, %add3A_362 : i32
        %get3A_364 = arith.index_cast %add3A_363 : i32 to index
        %get3A_365 = arith.constant 144 : index
        %get3A_366 = tpu.vector_load %arg8[%get3A_364, %get3A_365] {strides = array<i32>} : memref<128x256xf32, #tpu.memory_space<vmem>>, vector<1x16xf32>,
        %get3A_367 = vector.shape_cast %get3A_366 : vector<1x16xf32> to vector<16xf32>
        %add3A_368 = arith.addf %scan3A_290, %get3A_367 : vector<16xf32>
        %add3A_369 = arith.constant 0 : i32
        %add3A_370 = arith.addi %mul3A_298, %add3A_369 : i32
        %get3A_371 = arith.index_cast %add3A_370 : i32 to index
        %get3A_372 = arith.constant 160 : index
        %get3A_373 = tpu.vector_load %arg8[%get3A_371, %get3A_372] {strides = array<i32>} : memref<128x256xf32, #tpu.memory_space<vmem>>, vector<1x16xf32>,
        %get3A_374 = vector.shape_cast %get3A_373 : vector<1x16xf32> to vector<16xf32>
        %add3A_375 = arith.addf %scan3A_291, %get3A_374 : vector<16xf32>
        %add3A_376 = arith.constant 0 : i32
        %add3A_377 = arith.addi %mul3A_298, %add3A_376 : i32
        %get3A_378 = arith.index_cast %add3A_377 : i32 to index
        %get3A_379 = arith.constant 176 : index
        %get3A_380 = tpu.vector_load %arg8[%get3A_378, %get3A_379] {strides = array<i32>} : memref<128x256xf32, #tpu.memory_space<vmem>>, vector<1x16xf32>,
        %get3A_381 = vector.shape_cast %get3A_380 : vector<1x16xf32> to vector<16xf32>
        %add3A_382 = arith.addf %scan3A_292, %get3A_381 : vector<16xf32>
        %add3A_383 = arith.constant 0 : i32
        %add3A_384 = arith.addi %mul3A_298, %add3A_383 : i32
        %get3A_385 = arith.index_cast %add3A_384 : i32 to index
        %get3A_386 = arith.constant 192 : index
        %get3A_387 = tpu.vector_load %arg8[%get3A_385, %get3A_386] {strides = array<i32>} : memref<128x256xf32, #tpu.memory_space<vmem>>, vector<1x16xf32>,
        %get3A_388 = vector.shape_cast %get3A_387 : vector<1x16xf32> to vector<16xf32>
        %add3A_389 = arith.addf %scan3A_293, %get3A_388 : vector<16xf32>
        %add3A_390 = arith.constant 0 : i32
        %add3A_391 = arith.addi %mul3A_298, %add3A_390 : i32
        %get3A_392 = arith.index_cast %add3A_391 : i32 to index
        %get3A_393 = arith.constant 208 : index
        %get3A_394 = tpu.vector_load %arg8[%get3A_392, %get3A_393] {strides = array<i32>} : memref<128x256xf32, #tpu.memory_space<vmem>>, vector<1x16xf32>,
        %get3A_395 = vector.shape_cast %get3A_394 : vector<1x16xf32> to vector<16xf32>
        %add3A_396 = arith.addf %scan3A_294, %get3A_395 : vector<16xf32>
        %add3A_397 = arith.constant 0 : i32
        %add3A_398 = arith.addi %mul3A_298, %add3A_397 : i32
        %get3A_399 = arith.index_cast %add3A_398 : i32 to index
        %get3A_400 = arith.constant 224 : index
        %get3A_401 = tpu.vector_load %arg8[%get3A_399, %get3A_400] {strides = array<i32>} : memref<128x256xf32, #tpu.memory_space<vmem>>, vector<1x16xf32>,
        %get3A_402 = vector.shape_cast %get3A_401 : vector<1x16xf32> to vector<16xf32>
        %add3A_403 = arith.addf %scan3A_295, %get3A_402 : vector<16xf32>
        %add3A_404 = arith.constant 0 : i32
        %add3A_405 = arith.addi %mul3A_298, %add3A_404 : i32
        %get3A_406 = arith.index_cast %add3A_405 : i32 to index
        %get3A_407 = arith.constant 240 : index
        %get3A_408 = tpu.vector_load %arg8[%get3A_406, %get3A_407] {strides = array<i32>} : memref<128x256xf32, #tpu.memory_space<vmem>>, vector<1x16xf32>,
        %get3A_409 = vector.shape_cast %get3A_408 : vector<1x16xf32> to vector<16xf32>
        %add3A_410 = arith.addf %scan3A_296, %get3A_409 : vector<16xf32>
        %add3A_411 = arith.constant 1 : i32
        %add3A_412 = arith.addi %mul3A_298, %add3A_411 : i32
        %get3A_413 = arith.index_cast %add3A_412 : i32 to index
        %get3A_414 = arith.constant 0 : index
        %get3A_415 = tpu.vector_load %arg8[%get3A_413, %get3A_414] {strides = array<i32>} : memref<128x256xf32, #tpu.memory_space<vmem>>, vector<1x16xf32>,
        %get3A_416 = vector.shape_cast %get3A_415 : vector<1x16xf32> to vector<16xf32>
        %add3A_417 = arith.addf %add3A_305, %get3A_416 : vector<16xf32>
        %add3A_418 = arith.constant 1 : i32
        %add3A_419 = arith.addi %mul3A_298, %add3A_418 : i32
        %get3A_420 = arith.index_cast %add3A_419 : i32 to index
        %get3A_421 = arith.constant 16 : index
        %get3A_422 = tpu.vector_load %arg8[%get3A_420, %get3A_421] {strides = array<i32>} : memref<128x256xf32, #tpu.memory_space<vmem>>, vector<1x16xf32>,
        %get3A_423 = vector.shape_cast %get3A_422 : vector<1x16xf32> to vector<16xf32>
        %add3A_424 = arith.addf %add3A_312, %get3A_423 : vector<16xf32>
        %add3A_425 = arith.constant 1 : i32
        %add3A_426 = arith.addi %mul3A_298, %add3A_425 : i32
        %get3A_427 = arith.index_cast %add3A_426 : i32 to index
        %get3A_428 = arith.constant 32 : index
        %get3A_429 = tpu.vector_load %arg8[%get3A_427, %get3A_428] {strides = array<i32>} : memref<128x256xf32, #tpu.memory_space<vmem>>, vector<1x16xf32>,
        %get3A_430 = vector.shape_cast %get3A_429 : vector<1x16xf32> to vector<16xf32>
        %add3A_431 = arith.addf %add3A_319, %get3A_430 : vector<16xf32>
        %add3A_432 = arith.constant 1 : i32
        %add3A_433 = arith.addi %mul3A_298, %add3A_432 : i32
        %get3A_434 = arith.index_cast %add3A_433 : i32 to index
        %get3A_435 = arith.constant 48 : index
        %get3A_436 = tpu.vector_load %arg8[%get3A_434, %get3A_435] {strides = array<i32>} : memref<128x256xf32, #tpu.memory_space<vmem>>, vector<1x16xf32>,
        %get3A_437 = vector.shape_cast %get3A_436 : vector<1x16xf32> to vector<16xf32>
        %add3A_438 = arith.addf %add3A_326, %get3A_437 : vector<16xf32>
        %add3A_439 = arith.constant 1 : i32
        %add3A_440 = arith.addi %mul3A_298, %add3A_439 : i32
        %get3A_441 = arith.index_cast %add3A_440 : i32 to index
        %get3A_442 = arith.constant 64 : index
        %get3A_443 = tpu.vector_load %arg8[%get3A_441, %get3A_442] {strides = array<i32>} : memref<128x256xf32, #tpu.memory_space<vmem>>, vector<1x16xf32>,
        %get3A_444 = vector.shape_cast %get3A_443 : vector<1x16xf32> to vector<16xf32>
        %add3A_445 = arith.addf %add3A_333, %get3A_444 : vector<16xf32>
        %add3A_446 = arith.constant 1 : i32
        %add3A_447 = arith.addi %mul3A_298, %add3A_446 : i32
        %get3A_448 = arith.index_cast %add3A_447 : i32 to index
        %get3A_449 = arith.constant 80 : index
        %get3A_450 = tpu.vector_load %arg8[%get3A_448, %get3A_449] {strides = array<i32>} : memref<128x256xf32, #tpu.memory_space<vmem>>, vector<1x16xf32>,
        %get3A_451 = vector.shape_cast %get3A_450 : vector<1x16xf32> to vector<16xf32>
        %add3A_452 = arith.addf %add3A_340, %get3A_451 : vector<16xf32>
        %add3A_453 = arith.constant 1 : i32
        %add3A_454 = arith.addi %mul3A_298, %add3A_453 : i32
        %get3A_455 = arith.index_cast %add3A_454 : i32 to index
        %get3A_456 = arith.constant 96 : index
        %get3A_457 = tpu.vector_load %arg8[%get3A_455, %get3A_456] {strides = array<i32>} : memref<128x256xf32, #tpu.memory_space<vmem>>, vector<1x16xf32>,
        %get3A_458 = vector.shape_cast %get3A_457 : vector<1x16xf32> to vector<16xf32>
        %add3A_459 = arith.addf %add3A_347, %get3A_458 : vector<16xf32>
        %add3A_460 = arith.constant 1 : i32
        %add3A_461 = arith.addi %mul3A_298, %add3A_460 : i32
        %get3A_462 = arith.index_cast %add3A_461 : i32 to index
        %get3A_463 = arith.constant 112 : index
        %get3A_464 = tpu.vector_load %arg8[%get3A_462, %get3A_463] {strides = array<i32>} : memref<128x256xf32, #tpu.memory_space<vmem>>, vector<1x16xf32>,
        %get3A_465 = vector.shape_cast %get3A_464 : vector<1x16xf32> to vector<16xf32>
        %add3A_466 = arith.addf %add3A_354, %get3A_465 : vector<16xf32>
        %add3A_467 = arith.constant 1 : i32
        %add3A_468 = arith.addi %mul3A_298, %add3A_467 : i32
        %get3A_469 = arith.index_cast %add3A_468 : i32 to index
        %get3A_470 = arith.constant 128 : index
        %get3A_471 = tpu.vector_load %arg8[%get3A_469, %get3A_470] {strides = array<i32>} : memref<128x256xf32, #tpu.memory_space<vmem>>, vector<1x16xf32>,
        %get3A_472 = vector.shape_cast %get3A_471 : vector<1x16xf32> to vector<16xf32>
        %add3A_473 = arith.addf %add3A_361, %get3A_472 : vector<16xf32>
        %add3A_474 = arith.constant 1 : i32
        %add3A_475 = arith.addi %mul3A_298, %add3A_474 : i32
        %get3A_476 = arith.index_cast %add3A_475 : i32 to index
        %get3A_477 = arith.constant 144 : index
        %get3A_478 = tpu.vector_load %arg8[%get3A_476, %get3A_477] {strides = array<i32>} : memref<128x256xf32, #tpu.memory_space<vmem>>, vector<1x16xf32>,
        %get3A_479 = vector.shape_cast %get3A_478 : vector<1x16xf32> to vector<16xf32>
        %add3A_480 = arith.addf %add3A_368, %get3A_479 : vector<16xf32>
        %add3A_481 = arith.constant 1 : i32
        %add3A_482 = arith.addi %mul3A_298, %add3A_481 : i32
        %get3A_483 = arith.index_cast %add3A_482 : i32 to index
        %get3A_484 = arith.constant 160 : index
        %get3A_485 = tpu.vector_load %arg8[%get3A_483, %get3A_484] {strides = array<i32>} : memref<128x256xf32, #tpu.memory_space<vmem>>, vector<1x16xf32>,
        %get3A_486 = vector.shape_cast %get3A_485 : vector<1x16xf32> to vector<16xf32>
        %add3A_487 = arith.addf %add3A_375, %get3A_486 : vector<16xf32>
        %add3A_488 = arith.constant 1 : i32
        %add3A_489 = arith.addi %mul3A_298, %add3A_488 : i32
        %get3A_490 = arith.index_cast %add3A_489 : i32 to index
        %get3A_491 = arith.constant 176 : index
        %get3A_492 = tpu.vector_load %arg8[%get3A_490, %get3A_491] {strides = array<i32>} : memref<128x256xf32, #tpu.memory_space<vmem>>, vector<1x16xf32>,
        %get3A_493 = vector.shape_cast %get3A_492 : vector<1x16xf32> to vector<16xf32>
        %add3A_494 = arith.addf %add3A_382, %get3A_493 : vector<16xf32>
        %add3A_495 = arith.constant 1 : i32
        %add3A_496 = arith.addi %mul3A_298, %add3A_495 : i32
        %get3A_497 = arith.index_cast %add3A_496 : i32 to index
        %get3A_498 = arith.constant 192 : index
        %get3A_499 = tpu.vector_load %arg8[%get3A_497, %get3A_498] {strides = array<i32>} : memref<128x256xf32, #tpu.memory_space<vmem>>, vector<1x16xf32>,
        %get3A_500 = vector.shape_cast %get3A_499 : vector<1x16xf32> to vector<16xf32>
        %add3A_501 = arith.addf %add3A_389, %get3A_500 : vector<16xf32>
        %add3A_502 = arith.constant 1 : i32
        %add3A_503 = arith.addi %mul3A_298, %add3A_502 : i32
        %get3A_504 = arith.index_cast %add3A_503 : i32 to index
        %get3A_505 = arith.constant 208 : index
        %get3A_506 = tpu.vector_load %arg8[%get3A_504, %get3A_505] {strides = array<i32>} : memref<128x256xf32, #tpu.memory_space<vmem>>, vector<1x16xf32>,
        %get3A_507 = vector.shape_cast %get3A_506 : vector<1x16xf32> to vector<16xf32>
        %add3A_508 = arith.addf %add3A_396, %get3A_507 : vector<16xf32>
        %add3A_509 = arith.constant 1 : i32
        %add3A_510 = arith.addi %mul3A_298, %add3A_509 : i32
        %get3A_511 = arith.index_cast %add3A_510 : i32 to index
        %get3A_512 = arith.constant 224 : index
        %get3A_513 = tpu.vector_load %arg8[%get3A_511, %get3A_512] {strides = array<i32>} : memref<128x256xf32, #tpu.memory_space<vmem>>, vector<1x16xf32>,
        %get3A_514 = vector.shape_cast %get3A_513 : vector<1x16xf32> to vector<16xf32>
        %add3A_515 = arith.addf %add3A_403, %get3A_514 : vector<16xf32>
        %add3A_516 = arith.constant 1 : i32
        %add3A_517 = arith.addi %mul3A_298, %add3A_516 : i32
        %get3A_518 = arith.index_cast %add3A_517 : i32 to index
        %get3A_519 = arith.constant 240 : index
        %get3A_520 = tpu.vector_load %arg8[%get3A_518, %get3A_519] {strides = array<i32>} : memref<128x256xf32, #tpu.memory_space<vmem>>, vector<1x16xf32>,
        %get3A_521 = vector.shape_cast %get3A_520 : vector<1x16xf32> to vector<16xf32>
        %add3A_522 = arith.addf %add3A_410, %get3A_521 : vector<16xf32>
        %add3A_523 = arith.constant 2 : i32
        %add3A_524 = arith.addi %mul3A_298, %add3A_523 : i32
        %get3A_525 = arith.index_cast %add3A_524 : i32 to index
        %get3A_526 = arith.constant 0 : index
        %get3A_527 = tpu.vector_load %arg8[%get3A_525, %get3A_526] {strides = array<i32>} : memref<128x256xf32, #tpu.memory_space<vmem>>, vector<1x16xf32>,
        %get3A_528 = vector.shape_cast %get3A_527 : vector<1x16xf32> to vector<16xf32>
        %add3A_529 = arith.addf %add3A_417, %get3A_528 : vector<16xf32>
        %add3A_530 = arith.constant 2 : i32
        %add3A_531 = arith.addi %mul3A_298, %add3A_530 : i32
        %get3A_532 = arith.index_cast %add3A_531 : i32 to index
        %get3A_533 = arith.constant 16 : index
        %get3A_534 = tpu.vector_load %arg8[%get3A_532, %get3A_533] {strides = array<i32>} : memref<128x256xf32, #tpu.memory_space<vmem>>, vector<1x16xf32>,
        %get3A_535 = vector.shape_cast %get3A_534 : vector<1x16xf32> to vector<16xf32>
        %add3A_536 = arith.addf %add3A_424, %get3A_535 : vector<16xf32>
        %add3A_537 = arith.constant 2 : i32
        %add3A_538 = arith.addi %mul3A_298, %add3A_537 : i32
        %get3A_539 = arith.index_cast %add3A_538 : i32 to index
        %get3A_540 = arith.constant 32 : index
        %get3A_541 = tpu.vector_load %arg8[%get3A_539, %get3A_540] {strides = array<i32>} : memref<128x256xf32, #tpu.memory_space<vmem>>, vector<1x16xf32>,
        %get3A_542 = vector.shape_cast %get3A_541 : vector<1x16xf32> to vector<16xf32>
        %add3A_543 = arith.addf %add3A_431, %get3A_542 : vector<16xf32>
        %add3A_544 = arith.constant 2 : i32
        %add3A_545 = arith.addi %mul3A_298, %add3A_544 : i32
        %get3A_546 = arith.index_cast %add3A_545 : i32 to index
        %get3A_547 = arith.constant 48 : index
        %get3A_548 = tpu.vector_load %arg8[%get3A_546, %get3A_547] {strides = array<i32>} : memref<128x256xf32, #tpu.memory_space<vmem>>, vector<1x16xf32>,
        %get3A_549 = vector.shape_cast %get3A_548 : vector<1x16xf32> to vector<16xf32>
        %add3A_550 = arith.addf %add3A_438, %get3A_549 : vector<16xf32>
        %add3A_551 = arith.constant 2 : i32
        %add3A_552 = arith.addi %mul3A_298, %add3A_551 : i32
        %get3A_553 = arith.index_cast %add3A_552 : i32 to index
        %get3A_554 = arith.constant 64 : index
        %get3A_555 = tpu.vector_load %arg8[%get3A_553, %get3A_554] {strides = array<i32>} : memref<128x256xf32, #tpu.memory_space<vmem>>, vector<1x16xf32>,
        %get3A_556 = vector.shape_cast %get3A_555 : vector<1x16xf32> to vector<16xf32>
        %add3A_557 = arith.addf %add3A_445, %get3A_556 : vector<16xf32>
        %add3A_558 = arith.constant 2 : i32
        %add3A_559 = arith.addi %mul3A_298, %add3A_558 : i32
        %get3A_560 = arith.index_cast %add3A_559 : i32 to index
        %get3A_561 = arith.constant 80 : index
        %get3A_562 = tpu.vector_load %arg8[%get3A_560, %get3A_561] {strides = array<i32>} : memref<128x256xf32, #tpu.memory_space<vmem>>, vector<1x16xf32>,
        %get3A_563 = vector.shape_cast %get3A_562 : vector<1x16xf32> to vector<16xf32>
        %add3A_564 = arith.addf %add3A_452, %get3A_563 : vector<16xf32>
        %add3A_565 = arith.constant 2 : i32
        %add3A_566 = arith.addi %mul3A_298, %add3A_565 : i32
        %get3A_567 = arith.index_cast %add3A_566 : i32 to index
        %get3A_568 = arith.constant 96 : index
        %get3A_569 = tpu.vector_load %arg8[%get3A_567, %get3A_568] {strides = array<i32>} : memref<128x256xf32, #tpu.memory_space<vmem>>, vector<1x16xf32>,
        %get3A_570 = vector.shape_cast %get3A_569 : vector<1x16xf32> to vector<16xf32>
        %add3A_571 = arith.addf %add3A_459, %get3A_570 : vector<16xf32>
        %add3A_572 = arith.constant 2 : i32
        %add3A_573 = arith.addi %mul3A_298, %add3A_572 : i32
        %get3A_574 = arith.index_cast %add3A_573 : i32 to index
        %get3A_575 = arith.constant 112 : index
        %get3A_576 = tpu.vector_load %arg8[%get3A_574, %get3A_575] {strides = array<i32>} : memref<128x256xf32, #tpu.memory_space<vmem>>, vector<1x16xf32>,
        %get3A_577 = vector.shape_cast %get3A_576 : vector<1x16xf32> to vector<16xf32>
        %add3A_578 = arith.addf %add3A_466, %get3A_577 : vector<16xf32>
        %add3A_579 = arith.constant 2 : i32
        %add3A_580 = arith.addi %mul3A_298, %add3A_579 : i32
        %get3A_581 = arith.index_cast %add3A_580 : i32 to index
        %get3A_582 = arith.constant 128 : index
        %get3A_583 = tpu.vector_load %arg8[%get3A_581, %get3A_582] {strides = array<i32>} : memref<128x256xf32, #tpu.memory_space<vmem>>, vector<1x16xf32>,
        %get3A_584 = vector.shape_cast %get3A_583 : vector<1x16xf32> to vector<16xf32>
        %add3A_585 = arith.addf %add3A_473, %get3A_584 : vector<16xf32>
        %add3A_586 = arith.constant 2 : i32
        %add3A_587 = arith.addi %mul3A_298, %add3A_586 : i32
        %get3A_588 = arith.index_cast %add3A_587 : i32 to index
        %get3A_589 = arith.constant 144 : index
        %get3A_590 = tpu.vector_load %arg8[%get3A_588, %get3A_589] {strides = array<i32>} : memref<128x256xf32, #tpu.memory_space<vmem>>, vector<1x16xf32>,
        %get3A_591 = vector.shape_cast %get3A_590 : vector<1x16xf32> to vector<16xf32>
        %add3A_592 = arith.addf %add3A_480, %get3A_591 : vector<16xf32>
        %add3A_593 = arith.constant 2 : i32
        %add3A_594 = arith.addi %mul3A_298, %add3A_593 : i32
        %get3A_595 = arith.index_cast %add3A_594 : i32 to index
        %get3A_596 = arith.constant 160 : index
        %get3A_597 = tpu.vector_load %arg8[%get3A_595, %get3A_596] {strides = array<i32>} : memref<128x256xf32, #tpu.memory_space<vmem>>, vector<1x16xf32>,
        %get3A_598 = vector.shape_cast %get3A_597 : vector<1x16xf32> to vector<16xf32>
        %add3A_599 = arith.addf %add3A_487, %get3A_598 : vector<16xf32>
        %add3A_600 = arith.constant 2 : i32
        %add3A_601 = arith.addi %mul3A_298, %add3A_600 : i32
        %get3A_602 = arith.index_cast %add3A_601 : i32 to index
        %get3A_603 = arith.constant 176 : index
        %get3A_604 = tpu.vector_load %arg8[%get3A_602, %get3A_603] {strides = array<i32>} : memref<128x256xf32, #tpu.memory_space<vmem>>, vector<1x16xf32>,
        %get3A_605 = vector.shape_cast %get3A_604 : vector<1x16xf32> to vector<16xf32>
        %add3A_606 = arith.addf %add3A_494, %get3A_605 : vector<16xf32>
        %add3A_607 = arith.constant 2 : i32
        %add3A_608 = arith.addi %mul3A_298, %add3A_607 : i32
        %get3A_609 = arith.index_cast %add3A_608 : i32 to index
        %get3A_610 = arith.constant 192 : index
        %get3A_611 = tpu.vector_load %arg8[%get3A_609, %get3A_610] {strides = array<i32>} : memref<128x256xf32, #tpu.memory_space<vmem>>, vector<1x16xf32>,
        %get3A_612 = vector.shape_cast %get3A_611 : vector<1x16xf32> to vector<16xf32>
        %add3A_613 = arith.addf %add3A_501, %get3A_612 : vector<16xf32>
        %add3A_614 = arith.constant 2 : i32
        %add3A_615 = arith.addi %mul3A_298, %add3A_614 : i32
        %get3A_616 = arith.index_cast %add3A_615 : i32 to index
        %get3A_617 = arith.constant 208 : index
        %get3A_618 = tpu.vector_load %arg8[%get3A_616, %get3A_617] {strides = array<i32>} : memref<128x256xf32, #tpu.memory_space<vmem>>, vector<1x16xf32>,
        %get3A_619 = vector.shape_cast %get3A_618 : vector<1x16xf32> to vector<16xf32>
        %add3A_620 = arith.addf %add3A_508, %get3A_619 : vector<16xf32>
        %add3A_621 = arith.constant 2 : i32
        %add3A_622 = arith.addi %mul3A_298, %add3A_621 : i32
        %get3A_623 = arith.index_cast %add3A_622 : i32 to index
        %get3A_624 = arith.constant 224 : index
        %get3A_625 = tpu.vector_load %arg8[%get3A_623, %get3A_624] {strides = array<i32>} : memref<128x256xf32, #tpu.memory_space<vmem>>, vector<1x16xf32>,
        %get3A_626 = vector.shape_cast %get3A_625 : vector<1x16xf32> to vector<16xf32>
        %add3A_627 = arith.addf %add3A_515, %get3A_626 : vector<16xf32>
        %add3A_628 = arith.constant 2 : i32
        %add3A_629 = arith.addi %mul3A_298, %add3A_628 : i32
        %get3A_630 = arith.index_cast %add3A_629 : i32 to index
        %get3A_631 = arith.constant 240 : index
        %get3A_632 = tpu.vector_load %arg8[%get3A_630, %get3A_631] {strides = array<i32>} : memref<128x256xf32, #tpu.memory_space<vmem>>, vector<1x16xf32>,
        %get3A_633 = vector.shape_cast %get3A_632 : vector<1x16xf32> to vector<16xf32>
        %add3A_634 = arith.addf %add3A_522, %get3A_633 : vector<16xf32>
        %add3A_635 = arith.constant 3 : i32
        %add3A_636 = arith.addi %mul3A_298, %add3A_635 : i32
        %get3A_637 = arith.index_cast %add3A_636 : i32 to index
        %get3A_638 = arith.constant 0 : index
        %get3A_639 = tpu.vector_load %arg8[%get3A_637, %get3A_638] {strides = array<i32>} : memref<128x256xf32, #tpu.memory_space<vmem>>, vector<1x16xf32>,
        %get3A_640 = vector.shape_cast %get3A_639 : vector<1x16xf32> to vector<16xf32>
        %add3A_641 = arith.addf %add3A_529, %get3A_640 : vector<16xf32>
        %add3A_642 = arith.constant 3 : i32
        %add3A_643 = arith.addi %mul3A_298, %add3A_642 : i32
        %get3A_644 = arith.index_cast %add3A_643 : i32 to index
        %get3A_645 = arith.constant 16 : index
        %get3A_646 = tpu.vector_load %arg8[%get3A_644, %get3A_645] {strides = array<i32>} : memref<128x256xf32, #tpu.memory_space<vmem>>, vector<1x16xf32>,
        %get3A_647 = vector.shape_cast %get3A_646 : vector<1x16xf32> to vector<16xf32>
        %add3A_648 = arith.addf %add3A_536, %get3A_647 : vector<16xf32>
        %add3A_649 = arith.constant 3 : i32
        %add3A_650 = arith.addi %mul3A_298, %add3A_649 : i32
        %get3A_651 = arith.index_cast %add3A_650 : i32 to index
        %get3A_652 = arith.constant 32 : index
        %get3A_653 = tpu.vector_load %arg8[%get3A_651, %get3A_652] {strides = array<i32>} : memref<128x256xf32, #tpu.memory_space<vmem>>, vector<1x16xf32>,
        %get3A_654 = vector.shape_cast %get3A_653 : vector<1x16xf32> to vector<16xf32>
        %add3A_655 = arith.addf %add3A_543, %get3A_654 : vector<16xf32>
        %add3A_656 = arith.constant 3 : i32
        %add3A_657 = arith.addi %mul3A_298, %add3A_656 : i32
        %get3A_658 = arith.index_cast %add3A_657 : i32 to index
        %get3A_659 = arith.constant 48 : index
        %get3A_660 = tpu.vector_load %arg8[%get3A_658, %get3A_659] {strides = array<i32>} : memref<128x256xf32, #tpu.memory_space<vmem>>, vector<1x16xf32>,
        %get3A_661 = vector.shape_cast %get3A_660 : vector<1x16xf32> to vector<16xf32>
        %add3A_662 = arith.addf %add3A_550, %get3A_661 : vector<16xf32>
        %add3A_663 = arith.constant 3 : i32
        %add3A_664 = arith.addi %mul3A_298, %add3A_663 : i32
        %get3A_665 = arith.index_cast %add3A_664 : i32 to index
        %get3A_666 = arith.constant 64 : index
        %get3A_667 = tpu.vector_load %arg8[%get3A_665, %get3A_666] {strides = array<i32>} : memref<128x256xf32, #tpu.memory_space<vmem>>, vector<1x16xf32>,
        %get3A_668 = vector.shape_cast %get3A_667 : vector<1x16xf32> to vector<16xf32>
        %add3A_669 = arith.addf %add3A_557, %get3A_668 : vector<16xf32>
        %add3A_670 = arith.constant 3 : i32
        %add3A_671 = arith.addi %mul3A_298, %add3A_670 : i32
        %get3A_672 = arith.index_cast %add3A_671 : i32 to index
        %get3A_673 = arith.constant 80 : index
        %get3A_674 = tpu.vector_load %arg8[%get3A_672, %get3A_673] {strides = array<i32>} : memref<128x256xf32, #tpu.memory_space<vmem>>, vector<1x16xf32>,
        %get3A_675 = vector.shape_cast %get3A_674 : vector<1x16xf32> to vector<16xf32>
        %add3A_676 = arith.addf %add3A_564, %get3A_675 : vector<16xf32>
        %add3A_677 = arith.constant 3 : i32
        %add3A_678 = arith.addi %mul3A_298, %add3A_677 : i32
        %get3A_679 = arith.index_cast %add3A_678 : i32 to index
        %get3A_680 = arith.constant 96 : index
        %get3A_681 = tpu.vector_load %arg8[%get3A_679, %get3A_680] {strides = array<i32>} : memref<128x256xf32, #tpu.memory_space<vmem>>, vector<1x16xf32>,
        %get3A_682 = vector.shape_cast %get3A_681 : vector<1x16xf32> to vector<16xf32>
        %add3A_683 = arith.addf %add3A_571, %get3A_682 : vector<16xf32>
        %add3A_684 = arith.constant 3 : i32
        %add3A_685 = arith.addi %mul3A_298, %add3A_684 : i32
        %get3A_686 = arith.index_cast %add3A_685 : i32 to index
        %get3A_687 = arith.constant 112 : index
        %get3A_688 = tpu.vector_load %arg8[%get3A_686, %get3A_687] {strides = array<i32>} : memref<128x256xf32, #tpu.memory_space<vmem>>, vector<1x16xf32>,
        %get3A_689 = vector.shape_cast %get3A_688 : vector<1x16xf32> to vector<16xf32>
        %add3A_690 = arith.addf %add3A_578, %get3A_689 : vector<16xf32>
        %add3A_691 = arith.constant 3 : i32
        %add3A_692 = arith.addi %mul3A_298, %add3A_691 : i32
        %get3A_693 = arith.index_cast %add3A_692 : i32 to index
        %get3A_694 = arith.constant 128 : index
        %get3A_695 = tpu.vector_load %arg8[%get3A_693, %get3A_694] {strides = array<i32>} : memref<128x256xf32, #tpu.memory_space<vmem>>, vector<1x16xf32>,
        %get3A_696 = vector.shape_cast %get3A_695 : vector<1x16xf32> to vector<16xf32>
        %add3A_697 = arith.addf %add3A_585, %get3A_696 : vector<16xf32>
        %add3A_698 = arith.constant 3 : i32
        %add3A_699 = arith.addi %mul3A_298, %add3A_698 : i32
        %get3A_700 = arith.index_cast %add3A_699 : i32 to index
        %get3A_701 = arith.constant 144 : index
        %get3A_702 = tpu.vector_load %arg8[%get3A_700, %get3A_701] {strides = array<i32>} : memref<128x256xf32, #tpu.memory_space<vmem>>, vector<1x16xf32>,
        %get3A_703 = vector.shape_cast %get3A_702 : vector<1x16xf32> to vector<16xf32>
        %add3A_704 = arith.addf %add3A_592, %get3A_703 : vector<16xf32>
        %add3A_705 = arith.constant 3 : i32
        %add3A_706 = arith.addi %mul3A_298, %add3A_705 : i32
        %get3A_707 = arith.index_cast %add3A_706 : i32 to index
        %get3A_708 = arith.constant 160 : index
        %get3A_709 = tpu.vector_load %arg8[%get3A_707, %get3A_708] {strides = array<i32>} : memref<128x256xf32, #tpu.memory_space<vmem>>, vector<1x16xf32>,
        %get3A_710 = vector.shape_cast %get3A_709 : vector<1x16xf32> to vector<16xf32>
        %add3A_711 = arith.addf %add3A_599, %get3A_710 : vector<16xf32>
        %add3A_712 = arith.constant 3 : i32
        %add3A_713 = arith.addi %mul3A_298, %add3A_712 : i32
        %get3A_714 = arith.index_cast %add3A_713 : i32 to index
        %get3A_715 = arith.constant 176 : index
        %get3A_716 = tpu.vector_load %arg8[%get3A_714, %get3A_715] {strides = array<i32>} : memref<128x256xf32, #tpu.memory_space<vmem>>, vector<1x16xf32>,
        %get3A_717 = vector.shape_cast %get3A_716 : vector<1x16xf32> to vector<16xf32>
        %add3A_718 = arith.addf %add3A_606, %get3A_717 : vector<16xf32>
        %add3A_719 = arith.constant 3 : i32
        %add3A_720 = arith.addi %mul3A_298, %add3A_719 : i32
        %get3A_721 = arith.index_cast %add3A_720 : i32 to index
        %get3A_722 = arith.constant 192 : index
        %get3A_723 = tpu.vector_load %arg8[%get3A_721, %get3A_722] {strides = array<i32>} : memref<128x256xf32, #tpu.memory_space<vmem>>, vector<1x16xf32>,
        %get3A_724 = vector.shape_cast %get3A_723 : vector<1x16xf32> to vector<16xf32>
        %add3A_725 = arith.addf %add3A_613, %get3A_724 : vector<16xf32>
        %add3A_726 = arith.constant 3 : i32
        %add3A_727 = arith.addi %mul3A_298, %add3A_726 : i32
        %get3A_728 = arith.index_cast %add3A_727 : i32 to index
        %get3A_729 = arith.constant 208 : index
        %get3A_730 = tpu.vector_load %arg8[%get3A_728, %get3A_729] {strides = array<i32>} : memref<128x256xf32, #tpu.memory_space<vmem>>, vector<1x16xf32>,
        %get3A_731 = vector.shape_cast %get3A_730 : vector<1x16xf32> to vector<16xf32>
        %add3A_732 = arith.addf %add3A_620, %get3A_731 : vector<16xf32>
        %add3A_733 = arith.constant 3 : i32
        %add3A_734 = arith.addi %mul3A_298, %add3A_733 : i32
        %get3A_735 = arith.index_cast %add3A_734 : i32 to index
        %get3A_736 = arith.constant 224 : index
        %get3A_737 = tpu.vector_load %arg8[%get3A_735, %get3A_736] {strides = array<i32>} : memref<128x256xf32, #tpu.memory_space<vmem>>, vector<1x16xf32>,
        %get3A_738 = vector.shape_cast %get3A_737 : vector<1x16xf32> to vector<16xf32>
        %add3A_739 = arith.addf %add3A_627, %get3A_738 : vector<16xf32>
        %add3A_740 = arith.constant 3 : i32
        %add3A_741 = arith.addi %mul3A_298, %add3A_740 : i32
        %get3A_742 = arith.index_cast %add3A_741 : i32 to index
        %get3A_743 = arith.constant 240 : index
        %get3A_744 = tpu.vector_load %arg8[%get3A_742, %get3A_743] {strides = array<i32>} : memref<128x256xf32, #tpu.memory_space<vmem>>, vector<1x16xf32>,
        %get3A_745 = vector.shape_cast %get3A_744 : vector<1x16xf32> to vector<16xf32>
        %add3A_746 = arith.addf %add3A_634, %get3A_745 : vector<16xf32>
        scf.yield %add3A_641, %add3A_648, %add3A_655, %add3A_662, %add3A_669, %add3A_676, %add3A_683, %add3A_690, %add3A_697, %add3A_704, %add3A_711, %add3A_718, %add3A_725, %add3A_732, %add3A_739, %add3A_746 : vector<16xf32>, vector<16xf32>, vector<16xf32>, vector<16xf32>, vector<16xf32>, vector<16xf32>, vector<16xf32>, vector<16xf32>, vector<16xf32>, vector<16xf32>, vector<16xf32>, vector<16xf32>, vector<16xf32>, vector<16xf32>, vector<16xf32>, vector<16xf32>
      }
      %scan3A_73 = arith.constant 32 : i32
      %lt3A = arith.constant 63 : i32
      %lt3A_74 = arith.cmpi slt, %add3A_21, %lt3A : i32
      %convert_element_type3A = arith.extui %lt3A_74 : i1 to i32
      %cond3A = arith.constant 0 : i32
      %cond3A_75 = arith.cmpi ne, %convert_element_type3A, %cond3A : i32
      scf.if %cond3A_75 {
        %add3A_280 = arith.constant 2 : i32
        %add3A_281 = arith.addi %mul3A_23, %add3A_280 : i32
        %dma_start3A_282 = arith.constant 0 : i32
        %dma_start3A_283 = tpu.memref_slice %arg6[%add3A_281, %dma_start3A_282] : memref<128x128xi32, #tpu.memory_space<vmem>> -> memref<1x128xi32, #tpu.memory_space<vmem>>
        %dma_start3A_284 = tpu.memref_squeeze %dma_start3A_283 : memref<1x128xi32, #tpu.memory_space<vmem>> -> memref<128xi32, #tpu.memory_space<vmem>>
        %dma_start3A_285 = arith.constant 0 : i32
        %dma_start3A_286 = arith.constant 0 : i32
        %dma_start3A_287 = tpu.memref_slice %arg2[%dma_start3A_285, %dma_start3A_286] : memref<262144x256xf32, #tpu.memory_space<hbm>> -> memref<262144x256xf32, #tpu.memory_space<hbm>>
        tpu.enqueue_indirect_dma source(%dma_start3A_287 : memref<262144x256xf32, #tpu.memory_space<hbm>>) target(%arg8 : memref<128x256xf32, #tpu.memory_space<vmem>>) offsets(%dma_start3A_284 : memref<128xi32, #tpu.memory_space<vmem>>) semaphore(%arg11 : memref<!tpu.dma_semaphore, #tpu.memory_space<semaphore_mem>>)
      } else {
      }
      %add3A_76 = arith.constant 1 : i32
      %add3A_77 = arith.addi %mul3A_23, %add3A_76 : i32
      %dma_wait3A_78 = arith.constant 0 : i32
      %dma_wait3A_79 = tpu.memref_slice %arg6[%add3A_77, %dma_wait3A_78] : memref<128x128xi32, #tpu.memory_space<vmem>> -> memref<1x128xi32, #tpu.memory_space<vmem>>
      %dma_wait3A_80 = tpu.memref_squeeze %dma_wait3A_79 : memref<1x128xi32, #tpu.memory_space<vmem>> -> memref<128xi32, #tpu.memory_space<vmem>>
      %dma_wait3A_81 = arith.constant 0 : i32
      %dma_wait3A_82 = arith.constant 0 : i32
      %dma_wait3A_83 = tpu.memref_slice %arg2[%dma_wait3A_81, %dma_wait3A_82] : memref<262144x256xf32, #tpu.memory_space<hbm>> -> memref<262144x256xf32, #tpu.memory_space<hbm>>
      tpu.wait_indirect_dma semaphore(%arg12 : memref<!tpu.dma_semaphore, #tpu.memory_space<semaphore_mem>>) src(%dma_wait3A_83 : memref<262144x256xf32, #tpu.memory_space<hbm>>) dst(%arg9 : memref<128x256xf32, #tpu.memory_space<vmem>>)
      %scan3A_84 = arith.constant 0 : i32
      %scan3A_85 = arith.constant 32 : i32
      %scan3A_86 = arith.addi %scan3A_84, %scan3A_85 : i32
      %scan3A_87 = arith.constant 1 : i32
      %scan3A_88:16 = scf.for %scan3A_280 = %scan3A_84 to %scan3A_86 step %scan3A_87 iter_args(%scan3A_281 = %scan3A_72#0, %scan3A_282 = %scan3A_72#1, %scan3A_283 = %scan3A_72#2, %scan3A_284 = %scan3A_72#3, %scan3A_285 = %scan3A_72#4, %scan3A_286 = %scan3A_72#5, %scan3A_287 = %scan3A_72#6, %scan3A_288 = %scan3A_72#7, %scan3A_289 = %scan3A_72#8, %scan3A_290 = %scan3A_72#9, %scan3A_291 = %scan3A_72#10, %scan3A_292 = %scan3A_72#11, %scan3A_293 = %scan3A_72#12, %scan3A_294 = %scan3A_72#13, %scan3A_295 = %scan3A_72#14, %scan3A_296 = %scan3A_72#15) -> (vector<16xf32>, vector<16xf32>, vector<16xf32>, vector<16xf32>, vector<16xf32>, vector<16xf32>, vector<16xf32>, vector<16xf32>, vector<16xf32>, vector<16xf32>, vector<16xf32>, vector<16xf32>, vector<16xf32>, vector<16xf32>, vector<16xf32>, vector<16xf32>)  : i32 {
        %mul3A_297 = arith.constant 4 : i32
        %mul3A_298 = arith.muli %scan3A_280, %mul3A_297 : i32
        %add3A_299 = arith.constant 0 : i32
        %add3A_300 = arith.addi %mul3A_298, %add3A_299 : i32
        %get3A_301 = arith.index_cast %add3A_300 : i32 to index
        %get3A_302 = arith.constant 0 : index
        %get3A_303 = tpu.vector_load %arg9[%get3A_301, %get3A_302] {strides = array<i32>} : memref<128x256xf32, #tpu.memory_space<vmem>>, vector<1x16xf32>,
        %get3A_304 = vector.shape_cast %get3A_303 : vector<1x16xf32> to vector<16xf32>
        %add3A_305 = arith.addf %scan3A_281, %get3A_304 : vector<16xf32>
        %add3A_306 = arith.constant 0 : i32
        %add3A_307 = arith.addi %mul3A_298, %add3A_306 : i32
        %get3A_308 = arith.index_cast %add3A_307 : i32 to index
        %get3A_309 = arith.constant 16 : index
        %get3A_310 = tpu.vector_load %arg9[%get3A_308, %get3A_309] {strides = array<i32>} : memref<128x256xf32, #tpu.memory_space<vmem>>, vector<1x16xf32>,
        %get3A_311 = vector.shape_cast %get3A_310 : vector<1x16xf32> to vector<16xf32>
        %add3A_312 = arith.addf %scan3A_282, %get3A_311 : vector<16xf32>
        %add3A_313 = arith.constant 0 : i32
        %add3A_314 = arith.addi %mul3A_298, %add3A_313 : i32
        %get3A_315 = arith.index_cast %add3A_314 : i32 to index
        %get3A_316 = arith.constant 32 : index
        %get3A_317 = tpu.vector_load %arg9[%get3A_315, %get3A_316] {strides = array<i32>} : memref<128x256xf32, #tpu.memory_space<vmem>>, vector<1x16xf32>,
        %get3A_318 = vector.shape_cast %get3A_317 : vector<1x16xf32> to vector<16xf32>
        %add3A_319 = arith.addf %scan3A_283, %get3A_318 : vector<16xf32>
        %add3A_320 = arith.constant 0 : i32
        %add3A_321 = arith.addi %mul3A_298, %add3A_320 : i32
        %get3A_322 = arith.index_cast %add3A_321 : i32 to index
        %get3A_323 = arith.constant 48 : index
        %get3A_324 = tpu.vector_load %arg9[%get3A_322, %get3A_323] {strides = array<i32>} : memref<128x256xf32, #tpu.memory_space<vmem>>, vector<1x16xf32>,
        %get3A_325 = vector.shape_cast %get3A_324 : vector<1x16xf32> to vector<16xf32>
        %add3A_326 = arith.addf %scan3A_284, %get3A_325 : vector<16xf32>
        %add3A_327 = arith.constant 0 : i32
        %add3A_328 = arith.addi %mul3A_298, %add3A_327 : i32
        %get3A_329 = arith.index_cast %add3A_328 : i32 to index
        %get3A_330 = arith.constant 64 : index
        %get3A_331 = tpu.vector_load %arg9[%get3A_329, %get3A_330] {strides = array<i32>} : memref<128x256xf32, #tpu.memory_space<vmem>>, vector<1x16xf32>,
        %get3A_332 = vector.shape_cast %get3A_331 : vector<1x16xf32> to vector<16xf32>
        %add3A_333 = arith.addf %scan3A_285, %get3A_332 : vector<16xf32>
        %add3A_334 = arith.constant 0 : i32
        %add3A_335 = arith.addi %mul3A_298, %add3A_334 : i32
        %get3A_336 = arith.index_cast %add3A_335 : i32 to index
        %get3A_337 = arith.constant 80 : index
        %get3A_338 = tpu.vector_load %arg9[%get3A_336, %get3A_337] {strides = array<i32>} : memref<128x256xf32, #tpu.memory_space<vmem>>, vector<1x16xf32>,
        %get3A_339 = vector.shape_cast %get3A_338 : vector<1x16xf32> to vector<16xf32>
        %add3A_340 = arith.addf %scan3A_286, %get3A_339 : vector<16xf32>
        %add3A_341 = arith.constant 0 : i32
        %add3A_342 = arith.addi %mul3A_298, %add3A_341 : i32
        %get3A_343 = arith.index_cast %add3A_342 : i32 to index
        %get3A_344 = arith.constant 96 : index
        %get3A_345 = tpu.vector_load %arg9[%get3A_343, %get3A_344] {strides = array<i32>} : memref<128x256xf32, #tpu.memory_space<vmem>>, vector<1x16xf32>,
        %get3A_346 = vector.shape_cast %get3A_345 : vector<1x16xf32> to vector<16xf32>
        %add3A_347 = arith.addf %scan3A_287, %get3A_346 : vector<16xf32>
        %add3A_348 = arith.constant 0 : i32
        %add3A_349 = arith.addi %mul3A_298, %add3A_348 : i32
        %get3A_350 = arith.index_cast %add3A_349 : i32 to index
        %get3A_351 = arith.constant 112 : index
        %get3A_352 = tpu.vector_load %arg9[%get3A_350, %get3A_351] {strides = array<i32>} : memref<128x256xf32, #tpu.memory_space<vmem>>, vector<1x16xf32>,
        %get3A_353 = vector.shape_cast %get3A_352 : vector<1x16xf32> to vector<16xf32>
        %add3A_354 = arith.addf %scan3A_288, %get3A_353 : vector<16xf32>
        %add3A_355 = arith.constant 0 : i32
        %add3A_356 = arith.addi %mul3A_298, %add3A_355 : i32
        %get3A_357 = arith.index_cast %add3A_356 : i32 to index
        %get3A_358 = arith.constant 128 : index
        %get3A_359 = tpu.vector_load %arg9[%get3A_357, %get3A_358] {strides = array<i32>} : memref<128x256xf32, #tpu.memory_space<vmem>>, vector<1x16xf32>,
        %get3A_360 = vector.shape_cast %get3A_359 : vector<1x16xf32> to vector<16xf32>
        %add3A_361 = arith.addf %scan3A_289, %get3A_360 : vector<16xf32>
        %add3A_362 = arith.constant 0 : i32
        %add3A_363 = arith.addi %mul3A_298, %add3A_362 : i32
        %get3A_364 = arith.index_cast %add3A_363 : i32 to index
        %get3A_365 = arith.constant 144 : index
        %get3A_366 = tpu.vector_load %arg9[%get3A_364, %get3A_365] {strides = array<i32>} : memref<128x256xf32, #tpu.memory_space<vmem>>, vector<1x16xf32>,
        %get3A_367 = vector.shape_cast %get3A_366 : vector<1x16xf32> to vector<16xf32>
        %add3A_368 = arith.addf %scan3A_290, %get3A_367 : vector<16xf32>
        %add3A_369 = arith.constant 0 : i32
        %add3A_370 = arith.addi %mul3A_298, %add3A_369 : i32
        %get3A_371 = arith.index_cast %add3A_370 : i32 to index
        %get3A_372 = arith.constant 160 : index
        %get3A_373 = tpu.vector_load %arg9[%get3A_371, %get3A_372] {strides = array<i32>} : memref<128x256xf32, #tpu.memory_space<vmem>>, vector<1x16xf32>,
        %get3A_374 = vector.shape_cast %get3A_373 : vector<1x16xf32> to vector<16xf32>
        %add3A_375 = arith.addf %scan3A_291, %get3A_374 : vector<16xf32>
        %add3A_376 = arith.constant 0 : i32
        %add3A_377 = arith.addi %mul3A_298, %add3A_376 : i32
        %get3A_378 = arith.index_cast %add3A_377 : i32 to index
        %get3A_379 = arith.constant 176 : index
        %get3A_380 = tpu.vector_load %arg9[%get3A_378, %get3A_379] {strides = array<i32>} : memref<128x256xf32, #tpu.memory_space<vmem>>, vector<1x16xf32>,
        %get3A_381 = vector.shape_cast %get3A_380 : vector<1x16xf32> to vector<16xf32>
        %add3A_382 = arith.addf %scan3A_292, %get3A_381 : vector<16xf32>
        %add3A_383 = arith.constant 0 : i32
        %add3A_384 = arith.addi %mul3A_298, %add3A_383 : i32
        %get3A_385 = arith.index_cast %add3A_384 : i32 to index
        %get3A_386 = arith.constant 192 : index
        %get3A_387 = tpu.vector_load %arg9[%get3A_385, %get3A_386] {strides = array<i32>} : memref<128x256xf32, #tpu.memory_space<vmem>>, vector<1x16xf32>,
        %get3A_388 = vector.shape_cast %get3A_387 : vector<1x16xf32> to vector<16xf32>
        %add3A_389 = arith.addf %scan3A_293, %get3A_388 : vector<16xf32>
        %add3A_390 = arith.constant 0 : i32
        %add3A_391 = arith.addi %mul3A_298, %add3A_390 : i32
        %get3A_392 = arith.index_cast %add3A_391 : i32 to index
        %get3A_393 = arith.constant 208 : index
        %get3A_394 = tpu.vector_load %arg9[%get3A_392, %get3A_393] {strides = array<i32>} : memref<128x256xf32, #tpu.memory_space<vmem>>, vector<1x16xf32>,
        %get3A_395 = vector.shape_cast %get3A_394 : vector<1x16xf32> to vector<16xf32>
        %add3A_396 = arith.addf %scan3A_294, %get3A_395 : vector<16xf32>
        %add3A_397 = arith.constant 0 : i32
        %add3A_398 = arith.addi %mul3A_298, %add3A_397 : i32
        %get3A_399 = arith.index_cast %add3A_398 : i32 to index
        %get3A_400 = arith.constant 224 : index
        %get3A_401 = tpu.vector_load %arg9[%get3A_399, %get3A_400] {strides = array<i32>} : memref<128x256xf32, #tpu.memory_space<vmem>>, vector<1x16xf32>,
        %get3A_402 = vector.shape_cast %get3A_401 : vector<1x16xf32> to vector<16xf32>
        %add3A_403 = arith.addf %scan3A_295, %get3A_402 : vector<16xf32>
        %add3A_404 = arith.constant 0 : i32
        %add3A_405 = arith.addi %mul3A_298, %add3A_404 : i32
        %get3A_406 = arith.index_cast %add3A_405 : i32 to index
        %get3A_407 = arith.constant 240 : index
        %get3A_408 = tpu.vector_load %arg9[%get3A_406, %get3A_407] {strides = array<i32>} : memref<128x256xf32, #tpu.memory_space<vmem>>, vector<1x16xf32>,
        %get3A_409 = vector.shape_cast %get3A_408 : vector<1x16xf32> to vector<16xf32>
        %add3A_410 = arith.addf %scan3A_296, %get3A_409 : vector<16xf32>
        %add3A_411 = arith.constant 1 : i32
        %add3A_412 = arith.addi %mul3A_298, %add3A_411 : i32
        %get3A_413 = arith.index_cast %add3A_412 : i32 to index
        %get3A_414 = arith.constant 0 : index
        %get3A_415 = tpu.vector_load %arg9[%get3A_413, %get3A_414] {strides = array<i32>} : memref<128x256xf32, #tpu.memory_space<vmem>>, vector<1x16xf32>,
        %get3A_416 = vector.shape_cast %get3A_415 : vector<1x16xf32> to vector<16xf32>
        %add3A_417 = arith.addf %add3A_305, %get3A_416 : vector<16xf32>
        %add3A_418 = arith.constant 1 : i32
        %add3A_419 = arith.addi %mul3A_298, %add3A_418 : i32
        %get3A_420 = arith.index_cast %add3A_419 : i32 to index
        %get3A_421 = arith.constant 16 : index
        %get3A_422 = tpu.vector_load %arg9[%get3A_420, %get3A_421] {strides = array<i32>} : memref<128x256xf32, #tpu.memory_space<vmem>>, vector<1x16xf32>,
        %get3A_423 = vector.shape_cast %get3A_422 : vector<1x16xf32> to vector<16xf32>
        %add3A_424 = arith.addf %add3A_312, %get3A_423 : vector<16xf32>
        %add3A_425 = arith.constant 1 : i32
        %add3A_426 = arith.addi %mul3A_298, %add3A_425 : i32
        %get3A_427 = arith.index_cast %add3A_426 : i32 to index
        %get3A_428 = arith.constant 32 : index
        %get3A_429 = tpu.vector_load %arg9[%get3A_427, %get3A_428] {strides = array<i32>} : memref<128x256xf32, #tpu.memory_space<vmem>>, vector<1x16xf32>,
        %get3A_430 = vector.shape_cast %get3A_429 : vector<1x16xf32> to vector<16xf32>
        %add3A_431 = arith.addf %add3A_319, %get3A_430 : vector<16xf32>
        %add3A_432 = arith.constant 1 : i32
        %add3A_433 = arith.addi %mul3A_298, %add3A_432 : i32
        %get3A_434 = arith.index_cast %add3A_433 : i32 to index
        %get3A_435 = arith.constant 48 : index
        %get3A_436 = tpu.vector_load %arg9[%get3A_434, %get3A_435] {strides = array<i32>} : memref<128x256xf32, #tpu.memory_space<vmem>>, vector<1x16xf32>,
        %get3A_437 = vector.shape_cast %get3A_436 : vector<1x16xf32> to vector<16xf32>
        %add3A_438 = arith.addf %add3A_326, %get3A_437 : vector<16xf32>
        %add3A_439 = arith.constant 1 : i32
        %add3A_440 = arith.addi %mul3A_298, %add3A_439 : i32
        %get3A_441 = arith.index_cast %add3A_440 : i32 to index
        %get3A_442 = arith.constant 64 : index
        %get3A_443 = tpu.vector_load %arg9[%get3A_441, %get3A_442] {strides = array<i32>} : memref<128x256xf32, #tpu.memory_space<vmem>>, vector<1x16xf32>,
        %get3A_444 = vector.shape_cast %get3A_443 : vector<1x16xf32> to vector<16xf32>
        %add3A_445 = arith.addf %add3A_333, %get3A_444 : vector<16xf32>
        %add3A_446 = arith.constant 1 : i32
        %add3A_447 = arith.addi %mul3A_298, %add3A_446 : i32
        %get3A_448 = arith.index_cast %add3A_447 : i32 to index
        %get3A_449 = arith.constant 80 : index
        %get3A_450 = tpu.vector_load %arg9[%get3A_448, %get3A_449] {strides = array<i32>} : memref<128x256xf32, #tpu.memory_space<vmem>>, vector<1x16xf32>,
        %get3A_451 = vector.shape_cast %get3A_450 : vector<1x16xf32> to vector<16xf32>
        %add3A_452 = arith.addf %add3A_340, %get3A_451 : vector<16xf32>
        %add3A_453 = arith.constant 1 : i32
        %add3A_454 = arith.addi %mul3A_298, %add3A_453 : i32
        %get3A_455 = arith.index_cast %add3A_454 : i32 to index
        %get3A_456 = arith.constant 96 : index
        %get3A_457 = tpu.vector_load %arg9[%get3A_455, %get3A_456] {strides = array<i32>} : memref<128x256xf32, #tpu.memory_space<vmem>>, vector<1x16xf32>,
        %get3A_458 = vector.shape_cast %get3A_457 : vector<1x16xf32> to vector<16xf32>
        %add3A_459 = arith.addf %add3A_347, %get3A_458 : vector<16xf32>
        %add3A_460 = arith.constant 1 : i32
        %add3A_461 = arith.addi %mul3A_298, %add3A_460 : i32
        %get3A_462 = arith.index_cast %add3A_461 : i32 to index
        %get3A_463 = arith.constant 112 : index
        %get3A_464 = tpu.vector_load %arg9[%get3A_462, %get3A_463] {strides = array<i32>} : memref<128x256xf32, #tpu.memory_space<vmem>>, vector<1x16xf32>,
        %get3A_465 = vector.shape_cast %get3A_464 : vector<1x16xf32> to vector<16xf32>
        %add3A_466 = arith.addf %add3A_354, %get3A_465 : vector<16xf32>
        %add3A_467 = arith.constant 1 : i32
        %add3A_468 = arith.addi %mul3A_298, %add3A_467 : i32
        %get3A_469 = arith.index_cast %add3A_468 : i32 to index
        %get3A_470 = arith.constant 128 : index
        %get3A_471 = tpu.vector_load %arg9[%get3A_469, %get3A_470] {strides = array<i32>} : memref<128x256xf32, #tpu.memory_space<vmem>>, vector<1x16xf32>,
        %get3A_472 = vector.shape_cast %get3A_471 : vector<1x16xf32> to vector<16xf32>
        %add3A_473 = arith.addf %add3A_361, %get3A_472 : vector<16xf32>
        %add3A_474 = arith.constant 1 : i32
        %add3A_475 = arith.addi %mul3A_298, %add3A_474 : i32
        %get3A_476 = arith.index_cast %add3A_475 : i32 to index
        %get3A_477 = arith.constant 144 : index
        %get3A_478 = tpu.vector_load %arg9[%get3A_476, %get3A_477] {strides = array<i32>} : memref<128x256xf32, #tpu.memory_space<vmem>>, vector<1x16xf32>,
        %get3A_479 = vector.shape_cast %get3A_478 : vector<1x16xf32> to vector<16xf32>
        %add3A_480 = arith.addf %add3A_368, %get3A_479 : vector<16xf32>
        %add3A_481 = arith.constant 1 : i32
        %add3A_482 = arith.addi %mul3A_298, %add3A_481 : i32
        %get3A_483 = arith.index_cast %add3A_482 : i32 to index
        %get3A_484 = arith.constant 160 : index
        %get3A_485 = tpu.vector_load %arg9[%get3A_483, %get3A_484] {strides = array<i32>} : memref<128x256xf32, #tpu.memory_space<vmem>>, vector<1x16xf32>,
        %get3A_486 = vector.shape_cast %get3A_485 : vector<1x16xf32> to vector<16xf32>
        %add3A_487 = arith.addf %add3A_375, %get3A_486 : vector<16xf32>
        %add3A_488 = arith.constant 1 : i32
        %add3A_489 = arith.addi %mul3A_298, %add3A_488 : i32
        %get3A_490 = arith.index_cast %add3A_489 : i32 to index
        %get3A_491 = arith.constant 176 : index
        %get3A_492 = tpu.vector_load %arg9[%get3A_490, %get3A_491] {strides = array<i32>} : memref<128x256xf32, #tpu.memory_space<vmem>>, vector<1x16xf32>,
        %get3A_493 = vector.shape_cast %get3A_492 : vector<1x16xf32> to vector<16xf32>
        %add3A_494 = arith.addf %add3A_382, %get3A_493 : vector<16xf32>
        %add3A_495 = arith.constant 1 : i32
        %add3A_496 = arith.addi %mul3A_298, %add3A_495 : i32
        %get3A_497 = arith.index_cast %add3A_496 : i32 to index
        %get3A_498 = arith.constant 192 : index
        %get3A_499 = tpu.vector_load %arg9[%get3A_497, %get3A_498] {strides = array<i32>} : memref<128x256xf32, #tpu.memory_space<vmem>>, vector<1x16xf32>,
        %get3A_500 = vector.shape_cast %get3A_499 : vector<1x16xf32> to vector<16xf32>
        %add3A_501 = arith.addf %add3A_389, %get3A_500 : vector<16xf32>
        %add3A_502 = arith.constant 1 : i32
        %add3A_503 = arith.addi %mul3A_298, %add3A_502 : i32
        %get3A_504 = arith.index_cast %add3A_503 : i32 to index
        %get3A_505 = arith.constant 208 : index
        %get3A_506 = tpu.vector_load %arg9[%get3A_504, %get3A_505] {strides = array<i32>} : memref<128x256xf32, #tpu.memory_space<vmem>>, vector<1x16xf32>,
        %get3A_507 = vector.shape_cast %get3A_506 : vector<1x16xf32> to vector<16xf32>
        %add3A_508 = arith.addf %add3A_396, %get3A_507 : vector<16xf32>
        %add3A_509 = arith.constant 1 : i32
        %add3A_510 = arith.addi %mul3A_298, %add3A_509 : i32
        %get3A_511 = arith.index_cast %add3A_510 : i32 to index
        %get3A_512 = arith.constant 224 : index
        %get3A_513 = tpu.vector_load %arg9[%get3A_511, %get3A_512] {strides = array<i32>} : memref<128x256xf32, #tpu.memory_space<vmem>>, vector<1x16xf32>,
        %get3A_514 = vector.shape_cast %get3A_513 : vector<1x16xf32> to vector<16xf32>
        %add3A_515 = arith.addf %add3A_403, %get3A_514 : vector<16xf32>
        %add3A_516 = arith.constant 1 : i32
        %add3A_517 = arith.addi %mul3A_298, %add3A_516 : i32
        %get3A_518 = arith.index_cast %add3A_517 : i32 to index
        %get3A_519 = arith.constant 240 : index
        %get3A_520 = tpu.vector_load %arg9[%get3A_518, %get3A_519] {strides = array<i32>} : memref<128x256xf32, #tpu.memory_space<vmem>>, vector<1x16xf32>,
        %get3A_521 = vector.shape_cast %get3A_520 : vector<1x16xf32> to vector<16xf32>
        %add3A_522 = arith.addf %add3A_410, %get3A_521 : vector<16xf32>
        %add3A_523 = arith.constant 2 : i32
        %add3A_524 = arith.addi %mul3A_298, %add3A_523 : i32
        %get3A_525 = arith.index_cast %add3A_524 : i32 to index
        %get3A_526 = arith.constant 0 : index
        %get3A_527 = tpu.vector_load %arg9[%get3A_525, %get3A_526] {strides = array<i32>} : memref<128x256xf32, #tpu.memory_space<vmem>>, vector<1x16xf32>,
        %get3A_528 = vector.shape_cast %get3A_527 : vector<1x16xf32> to vector<16xf32>
        %add3A_529 = arith.addf %add3A_417, %get3A_528 : vector<16xf32>
        %add3A_530 = arith.constant 2 : i32
        %add3A_531 = arith.addi %mul3A_298, %add3A_530 : i32
        %get3A_532 = arith.index_cast %add3A_531 : i32 to index
        %get3A_533 = arith.constant 16 : index
        %get3A_534 = tpu.vector_load %arg9[%get3A_532, %get3A_533] {strides = array<i32>} : memref<128x256xf32, #tpu.memory_space<vmem>>, vector<1x16xf32>,
        %get3A_535 = vector.shape_cast %get3A_534 : vector<1x16xf32> to vector<16xf32>
        %add3A_536 = arith.addf %add3A_424, %get3A_535 : vector<16xf32>
        %add3A_537 = arith.constant 2 : i32
        %add3A_538 = arith.addi %mul3A_298, %add3A_537 : i32
        %get3A_539 = arith.index_cast %add3A_538 : i32 to index
        %get3A_540 = arith.constant 32 : index
        %get3A_541 = tpu.vector_load %arg9[%get3A_539, %get3A_540] {strides = array<i32>} : memref<128x256xf32, #tpu.memory_space<vmem>>, vector<1x16xf32>,
        %get3A_542 = vector.shape_cast %get3A_541 : vector<1x16xf32> to vector<16xf32>
        %add3A_543 = arith.addf %add3A_431, %get3A_542 : vector<16xf32>
        %add3A_544 = arith.constant 2 : i32
        %add3A_545 = arith.addi %mul3A_298, %add3A_544 : i32
        %get3A_546 = arith.index_cast %add3A_545 : i32 to index
        %get3A_547 = arith.constant 48 : index
        %get3A_548 = tpu.vector_load %arg9[%get3A_546, %get3A_547] {strides = array<i32>} : memref<128x256xf32, #tpu.memory_space<vmem>>, vector<1x16xf32>,
        %get3A_549 = vector.shape_cast %get3A_548 : vector<1x16xf32> to vector<16xf32>
        %add3A_550 = arith.addf %add3A_438, %get3A_549 : vector<16xf32>
        %add3A_551 = arith.constant 2 : i32
        %add3A_552 = arith.addi %mul3A_298, %add3A_551 : i32
        %get3A_553 = arith.index_cast %add3A_552 : i32 to index
        %get3A_554 = arith.constant 64 : index
        %get3A_555 = tpu.vector_load %arg9[%get3A_553, %get3A_554] {strides = array<i32>} : memref<128x256xf32, #tpu.memory_space<vmem>>, vector<1x16xf32>,
        %get3A_556 = vector.shape_cast %get3A_555 : vector<1x16xf32> to vector<16xf32>
        %add3A_557 = arith.addf %add3A_445, %get3A_556 : vector<16xf32>
        %add3A_558 = arith.constant 2 : i32
        %add3A_559 = arith.addi %mul3A_298, %add3A_558 : i32
        %get3A_560 = arith.index_cast %add3A_559 : i32 to index
        %get3A_561 = arith.constant 80 : index
        %get3A_562 = tpu.vector_load %arg9[%get3A_560, %get3A_561] {strides = array<i32>} : memref<128x256xf32, #tpu.memory_space<vmem>>, vector<1x16xf32>,
        %get3A_563 = vector.shape_cast %get3A_562 : vector<1x16xf32> to vector<16xf32>
        %add3A_564 = arith.addf %add3A_452, %get3A_563 : vector<16xf32>
        %add3A_565 = arith.constant 2 : i32
        %add3A_566 = arith.addi %mul3A_298, %add3A_565 : i32
        %get3A_567 = arith.index_cast %add3A_566 : i32 to index
        %get3A_568 = arith.constant 96 : index
        %get3A_569 = tpu.vector_load %arg9[%get3A_567, %get3A_568] {strides = array<i32>} : memref<128x256xf32, #tpu.memory_space<vmem>>, vector<1x16xf32>,
        %get3A_570 = vector.shape_cast %get3A_569 : vector<1x16xf32> to vector<16xf32>
        %add3A_571 = arith.addf %add3A_459, %get3A_570 : vector<16xf32>
        %add3A_572 = arith.constant 2 : i32
        %add3A_573 = arith.addi %mul3A_298, %add3A_572 : i32
        %get3A_574 = arith.index_cast %add3A_573 : i32 to index
        %get3A_575 = arith.constant 112 : index
        %get3A_576 = tpu.vector_load %arg9[%get3A_574, %get3A_575] {strides = array<i32>} : memref<128x256xf32, #tpu.memory_space<vmem>>, vector<1x16xf32>,
        %get3A_577 = vector.shape_cast %get3A_576 : vector<1x16xf32> to vector<16xf32>
        %add3A_578 = arith.addf %add3A_466, %get3A_577 : vector<16xf32>
        %add3A_579 = arith.constant 2 : i32
        %add3A_580 = arith.addi %mul3A_298, %add3A_579 : i32
        %get3A_581 = arith.index_cast %add3A_580 : i32 to index
        %get3A_582 = arith.constant 128 : index
        %get3A_583 = tpu.vector_load %arg9[%get3A_581, %get3A_582] {strides = array<i32>} : memref<128x256xf32, #tpu.memory_space<vmem>>, vector<1x16xf32>,
        %get3A_584 = vector.shape_cast %get3A_583 : vector<1x16xf32> to vector<16xf32>
        %add3A_585 = arith.addf %add3A_473, %get3A_584 : vector<16xf32>
        %add3A_586 = arith.constant 2 : i32
        %add3A_587 = arith.addi %mul3A_298, %add3A_586 : i32
        %get3A_588 = arith.index_cast %add3A_587 : i32 to index
        %get3A_589 = arith.constant 144 : index
        %get3A_590 = tpu.vector_load %arg9[%get3A_588, %get3A_589] {strides = array<i32>} : memref<128x256xf32, #tpu.memory_space<vmem>>, vector<1x16xf32>,
        %get3A_591 = vector.shape_cast %get3A_590 : vector<1x16xf32> to vector<16xf32>
        %add3A_592 = arith.addf %add3A_480, %get3A_591 : vector<16xf32>
        %add3A_593 = arith.constant 2 : i32
        %add3A_594 = arith.addi %mul3A_298, %add3A_593 : i32
        %get3A_595 = arith.index_cast %add3A_594 : i32 to index
        %get3A_596 = arith.constant 160 : index
        %get3A_597 = tpu.vector_load %arg9[%get3A_595, %get3A_596] {strides = array<i32>} : memref<128x256xf32, #tpu.memory_space<vmem>>, vector<1x16xf32>,
        %get3A_598 = vector.shape_cast %get3A_597 : vector<1x16xf32> to vector<16xf32>
        %add3A_599 = arith.addf %add3A_487, %get3A_598 : vector<16xf32>
        %add3A_600 = arith.constant 2 : i32
        %add3A_601 = arith.addi %mul3A_298, %add3A_600 : i32
        %get3A_602 = arith.index_cast %add3A_601 : i32 to index
        %get3A_603 = arith.constant 176 : index
        %get3A_604 = tpu.vector_load %arg9[%get3A_602, %get3A_603] {strides = array<i32>} : memref<128x256xf32, #tpu.memory_space<vmem>>, vector<1x16xf32>,
        %get3A_605 = vector.shape_cast %get3A_604 : vector<1x16xf32> to vector<16xf32>
        %add3A_606 = arith.addf %add3A_494, %get3A_605 : vector<16xf32>
        %add3A_607 = arith.constant 2 : i32
        %add3A_608 = arith.addi %mul3A_298, %add3A_607 : i32
        %get3A_609 = arith.index_cast %add3A_608 : i32 to index
        %get3A_610 = arith.constant 192 : index
        %get3A_611 = tpu.vector_load %arg9[%get3A_609, %get3A_610] {strides = array<i32>} : memref<128x256xf32, #tpu.memory_space<vmem>>, vector<1x16xf32>,
        %get3A_612 = vector.shape_cast %get3A_611 : vector<1x16xf32> to vector<16xf32>
        %add3A_613 = arith.addf %add3A_501, %get3A_612 : vector<16xf32>
        %add3A_614 = arith.constant 2 : i32
        %add3A_615 = arith.addi %mul3A_298, %add3A_614 : i32
        %get3A_616 = arith.index_cast %add3A_615 : i32 to index
        %get3A_617 = arith.constant 208 : index
        %get3A_618 = tpu.vector_load %arg9[%get3A_616, %get3A_617] {strides = array<i32>} : memref<128x256xf32, #tpu.memory_space<vmem>>, vector<1x16xf32>,
        %get3A_619 = vector.shape_cast %get3A_618 : vector<1x16xf32> to vector<16xf32>
        %add3A_620 = arith.addf %add3A_508, %get3A_619 : vector<16xf32>
        %add3A_621 = arith.constant 2 : i32
        %add3A_622 = arith.addi %mul3A_298, %add3A_621 : i32
        %get3A_623 = arith.index_cast %add3A_622 : i32 to index
        %get3A_624 = arith.constant 224 : index
        %get3A_625 = tpu.vector_load %arg9[%get3A_623, %get3A_624] {strides = array<i32>} : memref<128x256xf32, #tpu.memory_space<vmem>>, vector<1x16xf32>,
        %get3A_626 = vector.shape_cast %get3A_625 : vector<1x16xf32> to vector<16xf32>
        %add3A_627 = arith.addf %add3A_515, %get3A_626 : vector<16xf32>
        %add3A_628 = arith.constant 2 : i32
        %add3A_629 = arith.addi %mul3A_298, %add3A_628 : i32
        %get3A_630 = arith.index_cast %add3A_629 : i32 to index
        %get3A_631 = arith.constant 240 : index
        %get3A_632 = tpu.vector_load %arg9[%get3A_630, %get3A_631] {strides = array<i32>} : memref<128x256xf32, #tpu.memory_space<vmem>>, vector<1x16xf32>,
        %get3A_633 = vector.shape_cast %get3A_632 : vector<1x16xf32> to vector<16xf32>
        %add3A_634 = arith.addf %add3A_522, %get3A_633 : vector<16xf32>
        %add3A_635 = arith.constant 3 : i32
        %add3A_636 = arith.addi %mul3A_298, %add3A_635 : i32
        %get3A_637 = arith.index_cast %add3A_636 : i32 to index
        %get3A_638 = arith.constant 0 : index
        %get3A_639 = tpu.vector_load %arg9[%get3A_637, %get3A_638] {strides = array<i32>} : memref<128x256xf32, #tpu.memory_space<vmem>>, vector<1x16xf32>,
        %get3A_640 = vector.shape_cast %get3A_639 : vector<1x16xf32> to vector<16xf32>
        %add3A_641 = arith.addf %add3A_529, %get3A_640 : vector<16xf32>
        %add3A_642 = arith.constant 3 : i32
        %add3A_643 = arith.addi %mul3A_298, %add3A_642 : i32
        %get3A_644 = arith.index_cast %add3A_643 : i32 to index
        %get3A_645 = arith.constant 16 : index
        %get3A_646 = tpu.vector_load %arg9[%get3A_644, %get3A_645] {strides = array<i32>} : memref<128x256xf32, #tpu.memory_space<vmem>>, vector<1x16xf32>,
        %get3A_647 = vector.shape_cast %get3A_646 : vector<1x16xf32> to vector<16xf32>
        %add3A_648 = arith.addf %add3A_536, %get3A_647 : vector<16xf32>
        %add3A_649 = arith.constant 3 : i32
        %add3A_650 = arith.addi %mul3A_298, %add3A_649 : i32
        %get3A_651 = arith.index_cast %add3A_650 : i32 to index
        %get3A_652 = arith.constant 32 : index
        %get3A_653 = tpu.vector_load %arg9[%get3A_651, %get3A_652] {strides = array<i32>} : memref<128x256xf32, #tpu.memory_space<vmem>>, vector<1x16xf32>,
        %get3A_654 = vector.shape_cast %get3A_653 : vector<1x16xf32> to vector<16xf32>
        %add3A_655 = arith.addf %add3A_543, %get3A_654 : vector<16xf32>
        %add3A_656 = arith.constant 3 : i32
        %add3A_657 = arith.addi %mul3A_298, %add3A_656 : i32
        %get3A_658 = arith.index_cast %add3A_657 : i32 to index
        %get3A_659 = arith.constant 48 : index
        %get3A_660 = tpu.vector_load %arg9[%get3A_658, %get3A_659] {strides = array<i32>} : memref<128x256xf32, #tpu.memory_space<vmem>>, vector<1x16xf32>,
        %get3A_661 = vector.shape_cast %get3A_660 : vector<1x16xf32> to vector<16xf32>
        %add3A_662 = arith.addf %add3A_550, %get3A_661 : vector<16xf32>
        %add3A_663 = arith.constant 3 : i32
        %add3A_664 = arith.addi %mul3A_298, %add3A_663 : i32
        %get3A_665 = arith.index_cast %add3A_664 : i32 to index
        %get3A_666 = arith.constant 64 : index
        %get3A_667 = tpu.vector_load %arg9[%get3A_665, %get3A_666] {strides = array<i32>} : memref<128x256xf32, #tpu.memory_space<vmem>>, vector<1x16xf32>,
        %get3A_668 = vector.shape_cast %get3A_667 : vector<1x16xf32> to vector<16xf32>
        %add3A_669 = arith.addf %add3A_557, %get3A_668 : vector<16xf32>
        %add3A_670 = arith.constant 3 : i32
        %add3A_671 = arith.addi %mul3A_298, %add3A_670 : i32
        %get3A_672 = arith.index_cast %add3A_671 : i32 to index
        %get3A_673 = arith.constant 80 : index
        %get3A_674 = tpu.vector_load %arg9[%get3A_672, %get3A_673] {strides = array<i32>} : memref<128x256xf32, #tpu.memory_space<vmem>>, vector<1x16xf32>,
        %get3A_675 = vector.shape_cast %get3A_674 : vector<1x16xf32> to vector<16xf32>
        %add3A_676 = arith.addf %add3A_564, %get3A_675 : vector<16xf32>
        %add3A_677 = arith.constant 3 : i32
        %add3A_678 = arith.addi %mul3A_298, %add3A_677 : i32
        %get3A_679 = arith.index_cast %add3A_678 : i32 to index
        %get3A_680 = arith.constant 96 : index
        %get3A_681 = tpu.vector_load %arg9[%get3A_679, %get3A_680] {strides = array<i32>} : memref<128x256xf32, #tpu.memory_space<vmem>>, vector<1x16xf32>,
        %get3A_682 = vector.shape_cast %get3A_681 : vector<1x16xf32> to vector<16xf32>
        %add3A_683 = arith.addf %add3A_571, %get3A_682 : vector<16xf32>
        %add3A_684 = arith.constant 3 : i32
        %add3A_685 = arith.addi %mul3A_298, %add3A_684 : i32
        %get3A_686 = arith.index_cast %add3A_685 : i32 to index
        %get3A_687 = arith.constant 112 : index
        %get3A_688 = tpu.vector_load %arg9[%get3A_686, %get3A_687] {strides = array<i32>} : memref<128x256xf32, #tpu.memory_space<vmem>>, vector<1x16xf32>,
        %get3A_689 = vector.shape_cast %get3A_688 : vector<1x16xf32> to vector<16xf32>
        %add3A_690 = arith.addf %add3A_578, %get3A_689 : vector<16xf32>
        %add3A_691 = arith.constant 3 : i32
        %add3A_692 = arith.addi %mul3A_298, %add3A_691 : i32
        %get3A_693 = arith.index_cast %add3A_692 : i32 to index
        %get3A_694 = arith.constant 128 : index
        %get3A_695 = tpu.vector_load %arg9[%get3A_693, %get3A_694] {strides = array<i32>} : memref<128x256xf32, #tpu.memory_space<vmem>>, vector<1x16xf32>,
        %get3A_696 = vector.shape_cast %get3A_695 : vector<1x16xf32> to vector<16xf32>
        %add3A_697 = arith.addf %add3A_585, %get3A_696 : vector<16xf32>
        %add3A_698 = arith.constant 3 : i32
        %add3A_699 = arith.addi %mul3A_298, %add3A_698 : i32
        %get3A_700 = arith.index_cast %add3A_699 : i32 to index
        %get3A_701 = arith.constant 144 : index
        %get3A_702 = tpu.vector_load %arg9[%get3A_700, %get3A_701] {strides = array<i32>} : memref<128x256xf32, #tpu.memory_space<vmem>>, vector<1x16xf32>,
        %get3A_703 = vector.shape_cast %get3A_702 : vector<1x16xf32> to vector<16xf32>
        %add3A_704 = arith.addf %add3A_592, %get3A_703 : vector<16xf32>
        %add3A_705 = arith.constant 3 : i32
        %add3A_706 = arith.addi %mul3A_298, %add3A_705 : i32
        %get3A_707 = arith.index_cast %add3A_706 : i32 to index
        %get3A_708 = arith.constant 160 : index
        %get3A_709 = tpu.vector_load %arg9[%get3A_707, %get3A_708] {strides = array<i32>} : memref<128x256xf32, #tpu.memory_space<vmem>>, vector<1x16xf32>,
        %get3A_710 = vector.shape_cast %get3A_709 : vector<1x16xf32> to vector<16xf32>
        %add3A_711 = arith.addf %add3A_599, %get3A_710 : vector<16xf32>
        %add3A_712 = arith.constant 3 : i32
        %add3A_713 = arith.addi %mul3A_298, %add3A_712 : i32
        %get3A_714 = arith.index_cast %add3A_713 : i32 to index
        %get3A_715 = arith.constant 176 : index
        %get3A_716 = tpu.vector_load %arg9[%get3A_714, %get3A_715] {strides = array<i32>} : memref<128x256xf32, #tpu.memory_space<vmem>>, vector<1x16xf32>,
        %get3A_717 = vector.shape_cast %get3A_716 : vector<1x16xf32> to vector<16xf32>
        %add3A_718 = arith.addf %add3A_606, %get3A_717 : vector<16xf32>
        %add3A_719 = arith.constant 3 : i32
        %add3A_720 = arith.addi %mul3A_298, %add3A_719 : i32
        %get3A_721 = arith.index_cast %add3A_720 : i32 to index
        %get3A_722 = arith.constant 192 : index
        %get3A_723 = tpu.vector_load %arg9[%get3A_721, %get3A_722] {strides = array<i32>} : memref<128x256xf32, #tpu.memory_space<vmem>>, vector<1x16xf32>,
        %get3A_724 = vector.shape_cast %get3A_723 : vector<1x16xf32> to vector<16xf32>
        %add3A_725 = arith.addf %add3A_613, %get3A_724 : vector<16xf32>
        %add3A_726 = arith.constant 3 : i32
        %add3A_727 = arith.addi %mul3A_298, %add3A_726 : i32
        %get3A_728 = arith.index_cast %add3A_727 : i32 to index
        %get3A_729 = arith.constant 208 : index
        %get3A_730 = tpu.vector_load %arg9[%get3A_728, %get3A_729] {strides = array<i32>} : memref<128x256xf32, #tpu.memory_space<vmem>>, vector<1x16xf32>,
        %get3A_731 = vector.shape_cast %get3A_730 : vector<1x16xf32> to vector<16xf32>
        %add3A_732 = arith.addf %add3A_620, %get3A_731 : vector<16xf32>
        %add3A_733 = arith.constant 3 : i32
        %add3A_734 = arith.addi %mul3A_298, %add3A_733 : i32
        %get3A_735 = arith.index_cast %add3A_734 : i32 to index
        %get3A_736 = arith.constant 224 : index
        %get3A_737 = tpu.vector_load %arg9[%get3A_735, %get3A_736] {strides = array<i32>} : memref<128x256xf32, #tpu.memory_space<vmem>>, vector<1x16xf32>,
        %get3A_738 = vector.shape_cast %get3A_737 : vector<1x16xf32> to vector<16xf32>
        %add3A_739 = arith.addf %add3A_627, %get3A_738 : vector<16xf32>
        %add3A_740 = arith.constant 3 : i32
        %add3A_741 = arith.addi %mul3A_298, %add3A_740 : i32
        %get3A_742 = arith.index_cast %add3A_741 : i32 to index
        %get3A_743 = arith.constant 240 : index
        %get3A_744 = tpu.vector_load %arg9[%get3A_742, %get3A_743] {strides = array<i32>} : memref<128x256xf32, #tpu.memory_space<vmem>>, vector<1x16xf32>,
        %get3A_745 = vector.shape_cast %get3A_744 : vector<1x16xf32> to vector<16xf32>
        %add3A_746 = arith.addf %add3A_634, %get3A_745 : vector<16xf32>
        scf.yield %add3A_641, %add3A_648, %add3A_655, %add3A_662, %add3A_669, %add3A_676, %add3A_683, %add3A_690, %add3A_697, %add3A_704, %add3A_711, %add3A_718, %add3A_725, %add3A_732, %add3A_739, %add3A_746 : vector<16xf32>, vector<16xf32>, vector<16xf32>, vector<16xf32>, vector<16xf32>, vector<16xf32>, vector<16xf32>, vector<16xf32>, vector<16xf32>, vector<16xf32>, vector<16xf32>, vector<16xf32>, vector<16xf32>, vector<16xf32>, vector<16xf32>, vector<16xf32>
      }
      %scan3A_89 = arith.constant 32 : i32
      %add3A_90 = arith.constant 0 : i32
      %add3A_91 = arith.addi %mul3A_23, %add3A_90 : i32
      %get3A = arith.index_cast %add3A_91 : i32 to index
      %get3A_92 = arith.constant 0 : index
      %get3A_93 = tpu.vector_load %arg7[%get3A, %get3A_92] {strides = array<i32>} : memref<128x128xf32, #tpu.memory_space<vmem>>, vector<1x16xf32>,
      %get3A_94 = vector.shape_cast %get3A_93 : vector<1x16xf32> to vector<16xf32>
      %mul3A_95 = arith.mulf %scan3A_88#0, %get3A_94 : vector<16xf32>
      %swap3A = arith.index_cast %add3A_21 : i32 to index
      %swap3A_96 = arith.constant 0 : index
      %swap3A_97 = tpu.vector_load %arg10[%swap3A, %swap3A_96] {strides = array<i32>} : memref<64x256xf32, #tpu.memory_space<vmem>>, vector<1x16xf32>,
      %swap3A_98 = vector.shape_cast %swap3A_97 : vector<1x16xf32> to vector<16xf32>
      %swap3A_99 = vector.shape_cast %mul3A_95 : vector<16xf32> to vector<1x16xf32>
      tpu.vector_store %arg10[%swap3A, %swap3A_96], %swap3A_99 {strides = array<i32>} : memref<64x256xf32, #tpu.memory_space<vmem>>, vector<1x16xf32>,
      %add3A_100 = arith.constant 0 : i32
      %add3A_101 = arith.addi %mul3A_23, %add3A_100 : i32
      %get3A_102 = arith.index_cast %add3A_101 : i32 to index
      %get3A_103 = arith.constant 16 : index
      %get3A_104 = tpu.vector_load %arg7[%get3A_102, %get3A_103] {strides = array<i32>} : memref<128x128xf32, #tpu.memory_space<vmem>>, vector<1x16xf32>,
      %get3A_105 = vector.shape_cast %get3A_104 : vector<1x16xf32> to vector<16xf32>
      %mul3A_106 = arith.mulf %scan3A_88#1, %get3A_105 : vector<16xf32>
      %swap3A_107 = arith.index_cast %add3A_21 : i32 to index
      %swap3A_108 = arith.constant 16 : index
      %swap3A_109 = tpu.vector_load %arg10[%swap3A_107, %swap3A_108] {strides = array<i32>} : memref<64x256xf32, #tpu.memory_space<vmem>>, vector<1x16xf32>,
      %swap3A_110 = vector.shape_cast %swap3A_109 : vector<1x16xf32> to vector<16xf32>
      %swap3A_111 = vector.shape_cast %mul3A_106 : vector<16xf32> to vector<1x16xf32>
      tpu.vector_store %arg10[%swap3A_107, %swap3A_108], %swap3A_111 {strides = array<i32>} : memref<64x256xf32, #tpu.memory_space<vmem>>, vector<1x16xf32>,
      %add3A_112 = arith.constant 0 : i32
      %add3A_113 = arith.addi %mul3A_23, %add3A_112 : i32
      %get3A_114 = arith.index_cast %add3A_113 : i32 to index
      %get3A_115 = arith.constant 32 : index
      %get3A_116 = tpu.vector_load %arg7[%get3A_114, %get3A_115] {strides = array<i32>} : memref<128x128xf32, #tpu.memory_space<vmem>>, vector<1x16xf32>,
      %get3A_117 = vector.shape_cast %get3A_116 : vector<1x16xf32> to vector<16xf32>
      %mul3A_118 = arith.mulf %scan3A_88#2, %get3A_117 : vector<16xf32>
      %swap3A_119 = arith.index_cast %add3A_21 : i32 to index
      %swap3A_120 = arith.constant 32 : index
      %swap3A_121 = tpu.vector_load %arg10[%swap3A_119, %swap3A_120] {strides = array<i32>} : memref<64x256xf32, #tpu.memory_space<vmem>>, vector<1x16xf32>,
      %swap3A_122 = vector.shape_cast %swap3A_121 : vector<1x16xf32> to vector<16xf32>
      %swap3A_123 = vector.shape_cast %mul3A_118 : vector<16xf32> to vector<1x16xf32>
      tpu.vector_store %arg10[%swap3A_119, %swap3A_120], %swap3A_123 {strides = array<i32>} : memref<64x256xf32, #tpu.memory_space<vmem>>, vector<1x16xf32>,
      %add3A_124 = arith.constant 0 : i32
      %add3A_125 = arith.addi %mul3A_23, %add3A_124 : i32
      %get3A_126 = arith.index_cast %add3A_125 : i32 to index
      %get3A_127 = arith.constant 48 : index
      %get3A_128 = tpu.vector_load %arg7[%get3A_126, %get3A_127] {strides = array<i32>} : memref<128x128xf32, #tpu.memory_space<vmem>>, vector<1x16xf32>,
      %get3A_129 = vector.shape_cast %get3A_128 : vector<1x16xf32> to vector<16xf32>
      %mul3A_130 = arith.mulf %scan3A_88#3, %get3A_129 : vector<16xf32>
      %swap3A_131 = arith.index_cast %add3A_21 : i32 to index
      %swap3A_132 = arith.constant 48 : index
      %swap3A_133 = tpu.vector_load %arg10[%swap3A_131, %swap3A_132] {strides = array<i32>} : memref<64x256xf32, #tpu.memory_space<vmem>>, vector<1x16xf32>,
      %swap3A_134 = vector.shape_cast %swap3A_133 : vector<1x16xf32> to vector<16xf32>
      %swap3A_135 = vector.shape_cast %mul3A_130 : vector<16xf32> to vector<1x16xf32>
      tpu.vector_store %arg10[%swap3A_131, %swap3A_132], %swap3A_135 {strides = array<i32>} : memref<64x256xf32, #tpu.memory_space<vmem>>, vector<1x16xf32>,
      %add3A_136 = arith.constant 0 : i32
      %add3A_137 = arith.addi %mul3A_23, %add3A_136 : i32
      %get3A_138 = arith.index_cast %add3A_137 : i32 to index
      %get3A_139 = arith.constant 64 : index
      %get3A_140 = tpu.vector_load %arg7[%get3A_138, %get3A_139] {strides = array<i32>} : memref<128x128xf32, #tpu.memory_space<vmem>>, vector<1x16xf32>,
      %get3A_141 = vector.shape_cast %get3A_140 : vector<1x16xf32> to vector<16xf32>
      %mul3A_142 = arith.mulf %scan3A_88#4, %get3A_141 : vector<16xf32>
      %swap3A_143 = arith.index_cast %add3A_21 : i32 to index
      %swap3A_144 = arith.constant 64 : index
      %swap3A_145 = tpu.vector_load %arg10[%swap3A_143, %swap3A_144] {strides = array<i32>} : memref<64x256xf32, #tpu.memory_space<vmem>>, vector<1x16xf32>,
      %swap3A_146 = vector.shape_cast %swap3A_145 : vector<1x16xf32> to vector<16xf32>
      %swap3A_147 = vector.shape_cast %mul3A_142 : vector<16xf32> to vector<1x16xf32>
      tpu.vector_store %arg10[%swap3A_143, %swap3A_144], %swap3A_147 {strides = array<i32>} : memref<64x256xf32, #tpu.memory_space<vmem>>, vector<1x16xf32>,
      %add3A_148 = arith.constant 0 : i32
      %add3A_149 = arith.addi %mul3A_23, %add3A_148 : i32
      %get3A_150 = arith.index_cast %add3A_149 : i32 to index
      %get3A_151 = arith.constant 80 : index
      %get3A_152 = tpu.vector_load %arg7[%get3A_150, %get3A_151] {strides = array<i32>} : memref<128x128xf32, #tpu.memory_space<vmem>>, vector<1x16xf32>,
      %get3A_153 = vector.shape_cast %get3A_152 : vector<1x16xf32> to vector<16xf32>
      %mul3A_154 = arith.mulf %scan3A_88#5, %get3A_153 : vector<16xf32>
      %swap3A_155 = arith.index_cast %add3A_21 : i32 to index
      %swap3A_156 = arith.constant 80 : index
      %swap3A_157 = tpu.vector_load %arg10[%swap3A_155, %swap3A_156] {strides = array<i32>} : memref<64x256xf32, #tpu.memory_space<vmem>>, vector<1x16xf32>,
      %swap3A_158 = vector.shape_cast %swap3A_157 : vector<1x16xf32> to vector<16xf32>
      %swap3A_159 = vector.shape_cast %mul3A_154 : vector<16xf32> to vector<1x16xf32>
      tpu.vector_store %arg10[%swap3A_155, %swap3A_156], %swap3A_159 {strides = array<i32>} : memref<64x256xf32, #tpu.memory_space<vmem>>, vector<1x16xf32>,
      %add3A_160 = arith.constant 0 : i32
      %add3A_161 = arith.addi %mul3A_23, %add3A_160 : i32
      %get3A_162 = arith.index_cast %add3A_161 : i32 to index
      %get3A_163 = arith.constant 96 : index
      %get3A_164 = tpu.vector_load %arg7[%get3A_162, %get3A_163] {strides = array<i32>} : memref<128x128xf32, #tpu.memory_space<vmem>>, vector<1x16xf32>,
      %get3A_165 = vector.shape_cast %get3A_164 : vector<1x16xf32> to vector<16xf32>
      %mul3A_166 = arith.mulf %scan3A_88#6, %get3A_165 : vector<16xf32>
      %swap3A_167 = arith.index_cast %add3A_21 : i32 to index
      %swap3A_168 = arith.constant 96 : index
      %swap3A_169 = tpu.vector_load %arg10[%swap3A_167, %swap3A_168] {strides = array<i32>} : memref<64x256xf32, #tpu.memory_space<vmem>>, vector<1x16xf32>,
      %swap3A_170 = vector.shape_cast %swap3A_169 : vector<1x16xf32> to vector<16xf32>
      %swap3A_171 = vector.shape_cast %mul3A_166 : vector<16xf32> to vector<1x16xf32>
      tpu.vector_store %arg10[%swap3A_167, %swap3A_168], %swap3A_171 {strides = array<i32>} : memref<64x256xf32, #tpu.memory_space<vmem>>, vector<1x16xf32>,
      %add3A_172 = arith.constant 0 : i32
      %add3A_173 = arith.addi %mul3A_23, %add3A_172 : i32
      %get3A_174 = arith.index_cast %add3A_173 : i32 to index
      %get3A_175 = arith.constant 112 : index
      %get3A_176 = tpu.vector_load %arg7[%get3A_174, %get3A_175] {strides = array<i32>} : memref<128x128xf32, #tpu.memory_space<vmem>>, vector<1x16xf32>,
      %get3A_177 = vector.shape_cast %get3A_176 : vector<1x16xf32> to vector<16xf32>
      %mul3A_178 = arith.mulf %scan3A_88#7, %get3A_177 : vector<16xf32>
      %swap3A_179 = arith.index_cast %add3A_21 : i32 to index
      %swap3A_180 = arith.constant 112 : index
      %swap3A_181 = tpu.vector_load %arg10[%swap3A_179, %swap3A_180] {strides = array<i32>} : memref<64x256xf32, #tpu.memory_space<vmem>>, vector<1x16xf32>,
      %swap3A_182 = vector.shape_cast %swap3A_181 : vector<1x16xf32> to vector<16xf32>
      %swap3A_183 = vector.shape_cast %mul3A_178 : vector<16xf32> to vector<1x16xf32>
      tpu.vector_store %arg10[%swap3A_179, %swap3A_180], %swap3A_183 {strides = array<i32>} : memref<64x256xf32, #tpu.memory_space<vmem>>, vector<1x16xf32>,
      %add3A_184 = arith.constant 1 : i32
      %add3A_185 = arith.addi %mul3A_23, %add3A_184 : i32
      %get3A_186 = arith.index_cast %add3A_185 : i32 to index
      %get3A_187 = arith.constant 0 : index
      %get3A_188 = tpu.vector_load %arg7[%get3A_186, %get3A_187] {strides = array<i32>} : memref<128x128xf32, #tpu.memory_space<vmem>>, vector<1x16xf32>,
      %get3A_189 = vector.shape_cast %get3A_188 : vector<1x16xf32> to vector<16xf32>
      %mul3A_190 = arith.mulf %scan3A_88#8, %get3A_189 : vector<16xf32>
      %swap3A_191 = arith.index_cast %add3A_21 : i32 to index
      %swap3A_192 = arith.constant 128 : index
      %swap3A_193 = tpu.vector_load %arg10[%swap3A_191, %swap3A_192] {strides = array<i32>} : memref<64x256xf32, #tpu.memory_space<vmem>>, vector<1x16xf32>,
      %swap3A_194 = vector.shape_cast %swap3A_193 : vector<1x16xf32> to vector<16xf32>
      %swap3A_195 = vector.shape_cast %mul3A_190 : vector<16xf32> to vector<1x16xf32>
      tpu.vector_store %arg10[%swap3A_191, %swap3A_192], %swap3A_195 {strides = array<i32>} : memref<64x256xf32, #tpu.memory_space<vmem>>, vector<1x16xf32>,
      %add3A_196 = arith.constant 1 : i32
      %add3A_197 = arith.addi %mul3A_23, %add3A_196 : i32
      %get3A_198 = arith.index_cast %add3A_197 : i32 to index
      %get3A_199 = arith.constant 16 : index
      %get3A_200 = tpu.vector_load %arg7[%get3A_198, %get3A_199] {strides = array<i32>} : memref<128x128xf32, #tpu.memory_space<vmem>>, vector<1x16xf32>,
      %get3A_201 = vector.shape_cast %get3A_200 : vector<1x16xf32> to vector<16xf32>
      %mul3A_202 = arith.mulf %scan3A_88#9, %get3A_201 : vector<16xf32>
      %swap3A_203 = arith.index_cast %add3A_21 : i32 to index
      %swap3A_204 = arith.constant 144 : index
      %swap3A_205 = tpu.vector_load %arg10[%swap3A_203, %swap3A_204] {strides = array<i32>} : memref<64x256xf32, #tpu.memory_space<vmem>>, vector<1x16xf32>,
      %swap3A_206 = vector.shape_cast %swap3A_205 : vector<1x16xf32> to vector<16xf32>
      %swap3A_207 = vector.shape_cast %mul3A_202 : vector<16xf32> to vector<1x16xf32>
      tpu.vector_store %arg10[%swap3A_203, %swap3A_204], %swap3A_207 {strides = array<i32>} : memref<64x256xf32, #tpu.memory_space<vmem>>, vector<1x16xf32>,
      %add3A_208 = arith.constant 1 : i32
      %add3A_209 = arith.addi %mul3A_23, %add3A_208 : i32
      %get3A_210 = arith.index_cast %add3A_209 : i32 to index
      %get3A_211 = arith.constant 32 : index
      %get3A_212 = tpu.vector_load %arg7[%get3A_210, %get3A_211] {strides = array<i32>} : memref<128x128xf32, #tpu.memory_space<vmem>>, vector<1x16xf32>,
      %get3A_213 = vector.shape_cast %get3A_212 : vector<1x16xf32> to vector<16xf32>
      %mul3A_214 = arith.mulf %scan3A_88#10, %get3A_213 : vector<16xf32>
      %swap3A_215 = arith.index_cast %add3A_21 : i32 to index
      %swap3A_216 = arith.constant 160 : index
      %swap3A_217 = tpu.vector_load %arg10[%swap3A_215, %swap3A_216] {strides = array<i32>} : memref<64x256xf32, #tpu.memory_space<vmem>>, vector<1x16xf32>,
      %swap3A_218 = vector.shape_cast %swap3A_217 : vector<1x16xf32> to vector<16xf32>
      %swap3A_219 = vector.shape_cast %mul3A_214 : vector<16xf32> to vector<1x16xf32>
      tpu.vector_store %arg10[%swap3A_215, %swap3A_216], %swap3A_219 {strides = array<i32>} : memref<64x256xf32, #tpu.memory_space<vmem>>, vector<1x16xf32>,
      %add3A_220 = arith.constant 1 : i32
      %add3A_221 = arith.addi %mul3A_23, %add3A_220 : i32
      %get3A_222 = arith.index_cast %add3A_221 : i32 to index
      %get3A_223 = arith.constant 48 : index
      %get3A_224 = tpu.vector_load %arg7[%get3A_222, %get3A_223] {strides = array<i32>} : memref<128x128xf32, #tpu.memory_space<vmem>>, vector<1x16xf32>,
      %get3A_225 = vector.shape_cast %get3A_224 : vector<1x16xf32> to vector<16xf32>
      %mul3A_226 = arith.mulf %scan3A_88#11, %get3A_225 : vector<16xf32>
      %swap3A_227 = arith.index_cast %add3A_21 : i32 to index
      %swap3A_228 = arith.constant 176 : index
      %swap3A_229 = tpu.vector_load %arg10[%swap3A_227, %swap3A_228] {strides = array<i32>} : memref<64x256xf32, #tpu.memory_space<vmem>>, vector<1x16xf32>,
      %swap3A_230 = vector.shape_cast %swap3A_229 : vector<1x16xf32> to vector<16xf32>
      %swap3A_231 = vector.shape_cast %mul3A_226 : vector<16xf32> to vector<1x16xf32>
      tpu.vector_store %arg10[%swap3A_227, %swap3A_228], %swap3A_231 {strides = array<i32>} : memref<64x256xf32, #tpu.memory_space<vmem>>, vector<1x16xf32>,
      %add3A_232 = arith.constant 1 : i32
      %add3A_233 = arith.addi %mul3A_23, %add3A_232 : i32
      %get3A_234 = arith.index_cast %add3A_233 : i32 to index
      %get3A_235 = arith.constant 64 : index
      %get3A_236 = tpu.vector_load %arg7[%get3A_234, %get3A_235] {strides = array<i32>} : memref<128x128xf32, #tpu.memory_space<vmem>>, vector<1x16xf32>,
      %get3A_237 = vector.shape_cast %get3A_236 : vector<1x16xf32> to vector<16xf32>
      %mul3A_238 = arith.mulf %scan3A_88#12, %get3A_237 : vector<16xf32>
      %swap3A_239 = arith.index_cast %add3A_21 : i32 to index
      %swap3A_240 = arith.constant 192 : index
      %swap3A_241 = tpu.vector_load %arg10[%swap3A_239, %swap3A_240] {strides = array<i32>} : memref<64x256xf32, #tpu.memory_space<vmem>>, vector<1x16xf32>,
      %swap3A_242 = vector.shape_cast %swap3A_241 : vector<1x16xf32> to vector<16xf32>
      %swap3A_243 = vector.shape_cast %mul3A_238 : vector<16xf32> to vector<1x16xf32>
      tpu.vector_store %arg10[%swap3A_239, %swap3A_240], %swap3A_243 {strides = array<i32>} : memref<64x256xf32, #tpu.memory_space<vmem>>, vector<1x16xf32>,
      %add3A_244 = arith.constant 1 : i32
      %add3A_245 = arith.addi %mul3A_23, %add3A_244 : i32
      %get3A_246 = arith.index_cast %add3A_245 : i32 to index
      %get3A_247 = arith.constant 80 : index
      %get3A_248 = tpu.vector_load %arg7[%get3A_246, %get3A_247] {strides = array<i32>} : memref<128x128xf32, #tpu.memory_space<vmem>>, vector<1x16xf32>,
      %get3A_249 = vector.shape_cast %get3A_248 : vector<1x16xf32> to vector<16xf32>
      %mul3A_250 = arith.mulf %scan3A_88#13, %get3A_249 : vector<16xf32>
      %swap3A_251 = arith.index_cast %add3A_21 : i32 to index
      %swap3A_252 = arith.constant 208 : index
      %swap3A_253 = tpu.vector_load %arg10[%swap3A_251, %swap3A_252] {strides = array<i32>} : memref<64x256xf32, #tpu.memory_space<vmem>>, vector<1x16xf32>,
      %swap3A_254 = vector.shape_cast %swap3A_253 : vector<1x16xf32> to vector<16xf32>
      %swap3A_255 = vector.shape_cast %mul3A_250 : vector<16xf32> to vector<1x16xf32>
      tpu.vector_store %arg10[%swap3A_251, %swap3A_252], %swap3A_255 {strides = array<i32>} : memref<64x256xf32, #tpu.memory_space<vmem>>, vector<1x16xf32>,
      %add3A_256 = arith.constant 1 : i32
      %add3A_257 = arith.addi %mul3A_23, %add3A_256 : i32
      %get3A_258 = arith.index_cast %add3A_257 : i32 to index
      %get3A_259 = arith.constant 96 : index
      %get3A_260 = tpu.vector_load %arg7[%get3A_258, %get3A_259] {strides = array<i32>} : memref<128x128xf32, #tpu.memory_space<vmem>>, vector<1x16xf32>,
      %get3A_261 = vector.shape_cast %get3A_260 : vector<1x16xf32> to vector<16xf32>
      %mul3A_262 = arith.mulf %scan3A_88#14, %get3A_261 : vector<16xf32>
      %swap3A_263 = arith.index_cast %add3A_21 : i32 to index
      %swap3A_264 = arith.constant 224 : index
      %swap3A_265 = tpu.vector_load %arg10[%swap3A_263, %swap3A_264] {strides = array<i32>} : memref<64x256xf32, #tpu.memory_space<vmem>>, vector<1x16xf32>,
      %swap3A_266 = vector.shape_cast %swap3A_265 : vector<1x16xf32> to vector<16xf32>
      %swap3A_267 = vector.shape_cast %mul3A_262 : vector<16xf32> to vector<1x16xf32>
      tpu.vector_store %arg10[%swap3A_263, %swap3A_264], %swap3A_267 {strides = array<i32>} : memref<64x256xf32, #tpu.memory_space<vmem>>, vector<1x16xf32>,
      %add3A_268 = arith.constant 1 : i32
      %add3A_269 = arith.addi %mul3A_23, %add3A_268 : i32
      %get3A_270 = arith.index_cast %add3A_269 : i32 to index
      %get3A_271 = arith.constant 112 : index
      %get3A_272 = tpu.vector_load %arg7[%get3A_270, %get3A_271] {strides = array<i32>} : memref<128x128xf32, #tpu.memory_space<vmem>>, vector<1x16xf32>,
      %get3A_273 = vector.shape_cast %get3A_272 : vector<1x16xf32> to vector<16xf32>
      %mul3A_274 = arith.mulf %scan3A_88#15, %get3A_273 : vector<16xf32>
      %swap3A_275 = arith.index_cast %add3A_21 : i32 to index
      %swap3A_276 = arith.constant 240 : index
      %swap3A_277 = tpu.vector_load %arg10[%swap3A_275, %swap3A_276] {strides = array<i32>} : memref<64x256xf32, #tpu.memory_space<vmem>>, vector<1x16xf32>,
      %swap3A_278 = vector.shape_cast %swap3A_277 : vector<1x16xf32> to vector<16xf32>
      %swap3A_279 = vector.shape_cast %mul3A_274 : vector<16xf32> to vector<1x16xf32>
      tpu.vector_store %arg10[%swap3A_275, %swap3A_276], %swap3A_279 {strides = array<i32>} : memref<64x256xf32, #tpu.memory_space<vmem>>, vector<1x16xf32>,
    }
    %scan3A_16 = arith.constant 64 : i32
    "tpu.region"() ({
      %run_scoped3A = tpu.sem_alloc : memref<!tpu.dma_semaphore, #tpu.memory_space<semaphore_mem>>
      %dma_start3A_17 = arith.constant 0 : i32
      %dma_start3A_18 = tpu.memref_slice %arg5[%mul3A_2, %dma_start3A_17] : memref<2048x256xf32, #tpu.memory_space<hbm>> -> memref<64x256xf32, #tpu.memory_space<hbm>>
      %dma_start3A_19 = arith.constant 0 : i32
      %dma_start3A_20 = tpu.memref_slice %arg5[%mul3A_2, %dma_start3A_19] : memref<2048x256xf32, #tpu.memory_space<hbm>> -> memref<64x256xf32, #tpu.memory_space<hbm>>
      tpu.enqueue_dma source(%arg10 : memref<64x256xf32, #tpu.memory_space<vmem>>) target(%dma_start3A_20 : memref<64x256xf32, #tpu.memory_space<hbm>>) target_semaphore(%run_scoped3A : memref<!tpu.dma_semaphore, #tpu.memory_space<semaphore_mem>>)
      %dma_wait3A = arith.constant 0 : i32
      %dma_wait3A_21 = tpu.memref_slice %arg5[%mul3A_2, %dma_wait3A] : memref<2048x256xf32, #tpu.memory_space<hbm>> -> memref<64x256xf32, #tpu.memory_space<hbm>>
      %dma_wait3A_22 = arith.constant 0 : i32
      %dma_wait3A_23 = tpu.memref_slice %arg5[%mul3A_2, %dma_wait3A_22] : memref<2048x256xf32, #tpu.memory_space<hbm>> -> memref<64x256xf32, #tpu.memory_space<hbm>>
      tpu.wait_dma2 semaphore(%run_scoped3A : memref<!tpu.dma_semaphore, #tpu.memory_space<semaphore_mem>>) src(%arg10 : memref<64x256xf32, #tpu.memory_space<vmem>>) dst(%dma_wait3A_23 : memref<64x256xf32, #tpu.memory_space<hbm>>)
      tpu.yield
    }) : () -> ()
    return
  }
}

module attributes {stable_mosaic.version = 14 : i64} {
  func.func @_tc_body(%arg0: i32, %arg1: i32, %arg2: memref<256x1024xf32, #tpu.memory_space<vmem>>, %arg3: memref<1024x512xf32, #tpu.memory_space<vmem>>, %arg4: memref<1x1x512xf32, #tpu.memory_space<vmem>>, %arg5: memref<1x2x512x256xf32, #tpu.memory_space<vmem>>, %arg6: memref<32x128xf32, #tpu.memory_space<vmem>>, %arg7: memref<32x128xf32, #tpu.memory_space<vmem>>, %arg8: memref<128x1xf32, #tpu.memory_space<vmem>>, %arg9: memref<32x32xf32, #tpu.memory_space<vmem>>, %arg10: memref<512x128xf32, #tpu.memory_space<vmem>>, %arg11: memref<512x128xi32, #tpu.memory_space<vmem>>, %arg12: memref<8x256x32xf32, #tpu.memory_space<vmem>>, %arg13: memref<8x256x32xi32, #tpu.memory_space<vmem>>) attributes {dimension_semantics = [#tpu.dimension_semantics<arbitrary>, #tpu.dimension_semantics<arbitrary>], iteration_bounds = array<i64: 8, 8>, scalar_prefetch = 0 : i64, scratch_operands = 2 : i64, tpu.core_type = #tpu.core_type<tc>, window_params = [{transform_indices = @transform_0, window_bounds = array<i64: 256, 1024>}, {transform_indices = @transform_1, window_bounds = array<i64: 1024, 512>}, {transform_indices = @transform_2, window_bounds = array<i64: 1, 1, 512>}, {transform_indices = @transform_3, window_bounds = array<i64: 1, 2, 512, 256>}, {pipeline_mode = #tpu.pipeline_mode<synchronous>, transform_indices = @transform_4, window_bounds = array<i64: 32, 128>}, {pipeline_mode = #tpu.pipeline_mode<synchronous>, transform_indices = @transform_5, window_bounds = array<i64: 32, 128>}, {pipeline_mode = #tpu.pipeline_mode<synchronous>, transform_indices = @transform_6, window_bounds = array<i64: 128, 1>}, {pipeline_mode = #tpu.pipeline_mode<synchronous>, transform_indices = @transform_7, window_bounds = array<i64: 32, 32>}, {transform_indices = @transform_8, window_bounds = array<i64: 512, 128>}, {transform_indices = @transform_9, window_bounds = array<i64: 512, 128>}]} {
    %get3A = arith.constant 0 : index
    %get3A_0 = arith.constant 0 : index
    %get3A_1 = vector.load %arg2[%get3A, %get3A_0] : memref<256x1024xf32, #tpu.memory_space<vmem>>, vector<256x1024xf32>
    %get3A_2 = arith.constant 0 : index
    %get3A_3 = arith.constant 0 : index
    %get3A_4 = vector.load %arg3[%get3A_2, %get3A_3] : memref<1024x512xf32, #tpu.memory_space<vmem>>, vector<1024x512xf32>
    %dot_general3A = arith.constant dense<0.000000e+00> : vector<256x512xf32>
    %dot_general3A_5 = tpu.matmul %get3A_1, %get3A_4, %dot_general3A {dimension_numbers = #tpu.dot_dimension_numbers<[1], [0], [0], [1], [0, 0, 1, 1], [], []>, transpose_lhs_hint = false} : vector<256x1024xf32>, vector<1024x512xf32>, vector<256x512xf32> -> vector<256x512xf32>
    %get3A_6 = arith.constant 0 : index
    %get3A_7 = arith.constant 0 : index
    %get3A_8 = arith.constant 0 : index
    %get3A_9 = vector.load %arg4[%get3A_6, %get3A_7, %get3A_8] : memref<1x1x512xf32, #tpu.memory_space<vmem>>, vector<1x1x512xf32>
    %get3A_10 = vector.shape_cast %get3A_9 : vector<1x1x512xf32> to vector<1x512xf32>
    %add3A = vector.broadcast %get3A_10 : vector<1x512xf32> to vector<256x512xf32>
    %add3A_11 = arith.addf %dot_general3A_5, %add3A : vector<256x512xf32>
    %get3A_12 = arith.constant 0 : index
    %get3A_13 = arith.constant 0 : index
    %get3A_14 = arith.constant 0 : index
    %get3A_15 = arith.constant 0 : index
    %get3A_16 = vector.load %arg5[%get3A_12, %get3A_13, %get3A_14, %get3A_15] : memref<1x2x512x256xf32, #tpu.memory_space<vmem>>, vector<1x1x512x256xf32>
    %get3A_17 = vector.shape_cast %get3A_16 : vector<1x1x512x256xf32> to vector<512x256xf32>
    %get3A_18 = arith.constant 0 : index
    %get3A_19 = arith.constant 1 : index
    %get3A_20 = arith.constant 0 : index
    %get3A_21 = arith.constant 0 : index
    %get3A_22 = vector.load %arg5[%get3A_18, %get3A_19, %get3A_20, %get3A_21] : memref<1x2x512x256xf32, #tpu.memory_space<vmem>>, vector<1x1x512x256xf32>
    %get3A_23 = vector.shape_cast %get3A_22 : vector<1x1x512x256xf32> to vector<512x256xf32>
    %slice3A = vector.extract_strided_slice %add3A_11 {offsets = [0, 0], sizes = [256, 256], strides = [1, 1]} : vector<256x512xf32> to vector<256x256xf32>
    %dot_general3A_24 = arith.constant dense<0.000000e+00> : vector<512x256xf32>
    %dot_general3A_25 = tpu.matmul %get3A_17, %slice3A, %dot_general3A_24 {dimension_numbers = #tpu.dot_dimension_numbers<[1], [1], [0], [0], [0, 0, 1, 0], [], []>, transpose_lhs_hint = false} : vector<512x256xf32>, vector<256x256xf32>, vector<512x256xf32> -> vector<512x256xf32>
    %slice3A_26 = vector.extract_strided_slice %add3A_11 {offsets = [0, 256], sizes = [256, 256], strides = [1, 1]} : vector<256x512xf32> to vector<256x256xf32>
    %dot_general3A_27 = arith.constant dense<0.000000e+00> : vector<512x256xf32>
    %dot_general3A_28 = tpu.matmul %get3A_23, %slice3A_26, %dot_general3A_27 {dimension_numbers = #tpu.dot_dimension_numbers<[1], [1], [0], [0], [0, 0, 1, 0], [], []>, transpose_lhs_hint = false} : vector<512x256xf32>, vector<256x256xf32>, vector<512x256xf32> -> vector<512x256xf32>
    %iota3A = tpu.iota {dimensions = array<i32: 0>} : vector<512x256xi32>
    %iota3A_29 = tpu.iota {dimensions = array<i32: 0>} : vector<32x256xi32>
    %broadcast_in_dim3A = arith.constant 0.000000e+00 : f32
    %broadcast_in_dim3A_30 = vector.broadcast %broadcast_in_dim3A : f32 to vector<32x256xf32>
    %broadcast_in_dim3A_31 = arith.constant 0.000000e+00 : f32
    %broadcast_in_dim3A_32 = vector.broadcast %broadcast_in_dim3A_31 : f32 to vector<32x256xf32>
    %reduce_max3A = arith.constant dense<0xFF800000> : vector<256xf32>
    %reduce_max3A_33 = vector.multi_reduction <maximumf>, %dot_general3A_25, %reduce_max3A [0] : vector<512x256xf32> to vector<256xf32>
    %broadcast_in_dim3A_34 = vector.shape_cast %reduce_max3A_33 : vector<256xf32> to vector<1x256xf32>
    %eq3A = vector.broadcast %broadcast_in_dim3A_34 : vector<1x256xf32> to vector<512x256xf32>
    %eq3A_35 = arith.cmpf oeq, %dot_general3A_25, %eq3A : vector<512x256xf32>
    %jit3A = arith.constant 512 : i32
    %broadcast_in_dim3A_36 = vector.broadcast %jit3A : i32 to vector<512x256xi32>
    %select_n3A = arith.select %eq3A_35, %iota3A, %broadcast_in_dim3A_36 : vector<512x256xi1>, vector<512x256xi32>
    %reduce_min3A = arith.constant dense<2147483647> : vector<256xi32>
    %reduce_min3A_37 = vector.multi_reduction <minsi>, %select_n3A, %reduce_min3A [0] : vector<512x256xi32> to vector<256xi32>
    %broadcast_in_dim3A_38 = vector.shape_cast %reduce_min3A_37 : vector<256xi32> to vector<1x256xi32>
    %eq3A_39 = vector.broadcast %broadcast_in_dim3A_38 : vector<1x256xi32> to vector<512x256xi32>
    %eq3A_40 = arith.cmpi eq, %iota3A, %eq3A_39 : vector<512x256xi32>
    %convert_element_type3A = arith.sitofp %broadcast_in_dim3A_38 : vector<1x256xi32> to vector<1x256xf32>
    %eq3A_41 = arith.constant 0 : i32
    %eq3A_42 = vector.broadcast %eq3A_41 : i32 to vector<32x256xi32>
    %eq3A_43 = arith.cmpi eq, %iota3A_29, %eq3A_42 : vector<32x256xi32>
    %broadcast_in_dim3A_44 = vector.shape_cast %broadcast_in_dim3A_34 : vector<1x256xf32> to vector<1x256xf32>
    %broadcast_in_dim3A_45 = vector.broadcast %broadcast_in_dim3A_44 : vector<1x256xf32> to vector<32x256xf32>
    %select_n3A_46 = arith.select %eq3A_43, %broadcast_in_dim3A_45, %broadcast_in_dim3A_30 : vector<32x256xi1>, vector<32x256xf32>
    %eq3A_47 = arith.constant 0 : i32
    %eq3A_48 = vector.broadcast %eq3A_47 : i32 to vector<32x256xi32>
    %eq3A_49 = arith.cmpi eq, %iota3A_29, %eq3A_48 : vector<32x256xi32>
    %broadcast_in_dim3A_50 = vector.shape_cast %convert_element_type3A : vector<1x256xf32> to vector<1x256xf32>
    %broadcast_in_dim3A_51 = vector.broadcast %broadcast_in_dim3A_50 : vector<1x256xf32> to vector<32x256xf32>
    %select_n3A_52 = arith.select %eq3A_49, %broadcast_in_dim3A_51, %broadcast_in_dim3A_32 : vector<32x256xi1>, vector<32x256xf32>
    %jit3A_53 = arith.constant 0xFF800000 : f32
    %broadcast_in_dim3A_54 = vector.broadcast %jit3A_53 : f32 to vector<512x256xf32>
    %select_n3A_55 = arith.select %eq3A_40, %broadcast_in_dim3A_54, %dot_general3A_25 : vector<512x256xi1>, vector<512x256xf32>
    %reduce_max3A_56 = arith.constant dense<0xFF800000> : vector<256xf32>
    %reduce_max3A_57 = vector.multi_reduction <maximumf>, %select_n3A_55, %reduce_max3A_56 [0] : vector<512x256xf32> to vector<256xf32>
    %broadcast_in_dim3A_58 = vector.shape_cast %reduce_max3A_57 : vector<256xf32> to vector<1x256xf32>
    %eq3A_59 = vector.broadcast %broadcast_in_dim3A_58 : vector<1x256xf32> to vector<512x256xf32>
    %eq3A_60 = arith.cmpf oeq, %select_n3A_55, %eq3A_59 : vector<512x256xf32>
    %jit3A_61 = arith.constant 512 : i32
    %broadcast_in_dim3A_62 = vector.broadcast %jit3A_61 : i32 to vector<512x256xi32>
    %select_n3A_63 = arith.select %eq3A_60, %iota3A, %broadcast_in_dim3A_62 : vector<512x256xi1>, vector<512x256xi32>
    %reduce_min3A_64 = arith.constant dense<2147483647> : vector<256xi32>
    %reduce_min3A_65 = vector.multi_reduction <minsi>, %select_n3A_63, %reduce_min3A_64 [0] : vector<512x256xi32> to vector<256xi32>
    %broadcast_in_dim3A_66 = vector.shape_cast %reduce_min3A_65 : vector<256xi32> to vector<1x256xi32>
    %eq3A_67 = vector.broadcast %broadcast_in_dim3A_66 : vector<1x256xi32> to vector<512x256xi32>
    %eq3A_68 = arith.cmpi eq, %iota3A, %eq3A_67 : vector<512x256xi32>
    %convert_element_type3A_69 = arith.sitofp %broadcast_in_dim3A_66 : vector<1x256xi32> to vector<1x256xf32>
    %eq3A_70 = arith.constant 1 : i32
    %eq3A_71 = vector.broadcast %eq3A_70 : i32 to vector<32x256xi32>
    %eq3A_72 = arith.cmpi eq, %iota3A_29, %eq3A_71 : vector<32x256xi32>
    %broadcast_in_dim3A_73 = vector.shape_cast %broadcast_in_dim3A_58 : vector<1x256xf32> to vector<1x256xf32>
    %broadcast_in_dim3A_74 = vector.broadcast %broadcast_in_dim3A_73 : vector<1x256xf32> to vector<32x256xf32>
    %select_n3A_75 = arith.select %eq3A_72, %broadcast_in_dim3A_74, %select_n3A_46 : vector<32x256xi1>, vector<32x256xf32>
    %eq3A_76 = arith.constant 1 : i32
    %eq3A_77 = vector.broadcast %eq3A_76 : i32 to vector<32x256xi32>
    %eq3A_78 = arith.cmpi eq, %iota3A_29, %eq3A_77 : vector<32x256xi32>
    %broadcast_in_dim3A_79 = vector.shape_cast %convert_element_type3A_69 : vector<1x256xf32> to vector<1x256xf32>
    %broadcast_in_dim3A_80 = vector.broadcast %broadcast_in_dim3A_79 : vector<1x256xf32> to vector<32x256xf32>
    %select_n3A_81 = arith.select %eq3A_78, %broadcast_in_dim3A_80, %select_n3A_52 : vector<32x256xi1>, vector<32x256xf32>
    %jit3A_82 = arith.constant 0xFF800000 : f32
    %broadcast_in_dim3A_83 = vector.broadcast %jit3A_82 : f32 to vector<512x256xf32>
    %select_n3A_84 = arith.select %eq3A_68, %broadcast_in_dim3A_83, %select_n3A_55 : vector<512x256xi1>, vector<512x256xf32>
    %reduce_max3A_85 = arith.constant dense<0xFF800000> : vector<256xf32>
    %reduce_max3A_86 = vector.multi_reduction <maximumf>, %select_n3A_84, %reduce_max3A_85 [0] : vector<512x256xf32> to vector<256xf32>
    %broadcast_in_dim3A_87 = vector.shape_cast %reduce_max3A_86 : vector<256xf32> to vector<1x256xf32>
    %eq3A_88 = vector.broadcast %broadcast_in_dim3A_87 : vector<1x256xf32> to vector<512x256xf32>
    %eq3A_89 = arith.cmpf oeq, %select_n3A_84, %eq3A_88 : vector<512x256xf32>
    %jit3A_90 = arith.constant 512 : i32
    %broadcast_in_dim3A_91 = vector.broadcast %jit3A_90 : i32 to vector<512x256xi32>
    %select_n3A_92 = arith.select %eq3A_89, %iota3A, %broadcast_in_dim3A_91 : vector<512x256xi1>, vector<512x256xi32>
    %reduce_min3A_93 = arith.constant dense<2147483647> : vector<256xi32>
    %reduce_min3A_94 = vector.multi_reduction <minsi>, %select_n3A_92, %reduce_min3A_93 [0] : vector<512x256xi32> to vector<256xi32>
    %broadcast_in_dim3A_95 = vector.shape_cast %reduce_min3A_94 : vector<256xi32> to vector<1x256xi32>
    %eq3A_96 = vector.broadcast %broadcast_in_dim3A_95 : vector<1x256xi32> to vector<512x256xi32>
    %eq3A_97 = arith.cmpi eq, %iota3A, %eq3A_96 : vector<512x256xi32>
    %convert_element_type3A_98 = arith.sitofp %broadcast_in_dim3A_95 : vector<1x256xi32> to vector<1x256xf32>
    %eq3A_99 = arith.constant 2 : i32
    %eq3A_100 = vector.broadcast %eq3A_99 : i32 to vector<32x256xi32>
    %eq3A_101 = arith.cmpi eq, %iota3A_29, %eq3A_100 : vector<32x256xi32>
    %broadcast_in_dim3A_102 = vector.shape_cast %broadcast_in_dim3A_87 : vector<1x256xf32> to vector<1x256xf32>
    %broadcast_in_dim3A_103 = vector.broadcast %broadcast_in_dim3A_102 : vector<1x256xf32> to vector<32x256xf32>
    %select_n3A_104 = arith.select %eq3A_101, %broadcast_in_dim3A_103, %select_n3A_75 : vector<32x256xi1>, vector<32x256xf32>
    %eq3A_105 = arith.constant 2 : i32
    %eq3A_106 = vector.broadcast %eq3A_105 : i32 to vector<32x256xi32>
    %eq3A_107 = arith.cmpi eq, %iota3A_29, %eq3A_106 : vector<32x256xi32>
    %broadcast_in_dim3A_108 = vector.shape_cast %convert_element_type3A_98 : vector<1x256xf32> to vector<1x256xf32>
    %broadcast_in_dim3A_109 = vector.broadcast %broadcast_in_dim3A_108 : vector<1x256xf32> to vector<32x256xf32>
    %select_n3A_110 = arith.select %eq3A_107, %broadcast_in_dim3A_109, %select_n3A_81 : vector<32x256xi1>, vector<32x256xf32>
    %jit3A_111 = arith.constant 0xFF800000 : f32
    %broadcast_in_dim3A_112 = vector.broadcast %jit3A_111 : f32 to vector<512x256xf32>
    %select_n3A_113 = arith.select %eq3A_97, %broadcast_in_dim3A_112, %select_n3A_84 : vector<512x256xi1>, vector<512x256xf32>
    %reduce_max3A_114 = arith.constant dense<0xFF800000> : vector<256xf32>
    %reduce_max3A_115 = vector.multi_reduction <maximumf>, %select_n3A_113, %reduce_max3A_114 [0] : vector<512x256xf32> to vector<256xf32>
    %broadcast_in_dim3A_116 = vector.shape_cast %reduce_max3A_115 : vector<256xf32> to vector<1x256xf32>
    %eq3A_117 = vector.broadcast %broadcast_in_dim3A_116 : vector<1x256xf32> to vector<512x256xf32>
    %eq3A_118 = arith.cmpf oeq, %select_n3A_113, %eq3A_117 : vector<512x256xf32>
    %jit3A_119 = arith.constant 512 : i32
    %broadcast_in_dim3A_120 = vector.broadcast %jit3A_119 : i32 to vector<512x256xi32>
    %select_n3A_121 = arith.select %eq3A_118, %iota3A, %broadcast_in_dim3A_120 : vector<512x256xi1>, vector<512x256xi32>
    %reduce_min3A_122 = arith.constant dense<2147483647> : vector<256xi32>
    %reduce_min3A_123 = vector.multi_reduction <minsi>, %select_n3A_121, %reduce_min3A_122 [0] : vector<512x256xi32> to vector<256xi32>
    %broadcast_in_dim3A_124 = vector.shape_cast %reduce_min3A_123 : vector<256xi32> to vector<1x256xi32>
    %eq3A_125 = vector.broadcast %broadcast_in_dim3A_124 : vector<1x256xi32> to vector<512x256xi32>
    %eq3A_126 = arith.cmpi eq, %iota3A, %eq3A_125 : vector<512x256xi32>
    %convert_element_type3A_127 = arith.sitofp %broadcast_in_dim3A_124 : vector<1x256xi32> to vector<1x256xf32>
    %eq3A_128 = arith.constant 3 : i32
    %eq3A_129 = vector.broadcast %eq3A_128 : i32 to vector<32x256xi32>
    %eq3A_130 = arith.cmpi eq, %iota3A_29, %eq3A_129 : vector<32x256xi32>
    %broadcast_in_dim3A_131 = vector.shape_cast %broadcast_in_dim3A_116 : vector<1x256xf32> to vector<1x256xf32>
    %broadcast_in_dim3A_132 = vector.broadcast %broadcast_in_dim3A_131 : vector<1x256xf32> to vector<32x256xf32>
    %select_n3A_133 = arith.select %eq3A_130, %broadcast_in_dim3A_132, %select_n3A_104 : vector<32x256xi1>, vector<32x256xf32>
    %eq3A_134 = arith.constant 3 : i32
    %eq3A_135 = vector.broadcast %eq3A_134 : i32 to vector<32x256xi32>
    %eq3A_136 = arith.cmpi eq, %iota3A_29, %eq3A_135 : vector<32x256xi32>
    %broadcast_in_dim3A_137 = vector.shape_cast %convert_element_type3A_127 : vector<1x256xf32> to vector<1x256xf32>
    %broadcast_in_dim3A_138 = vector.broadcast %broadcast_in_dim3A_137 : vector<1x256xf32> to vector<32x256xf32>
    %select_n3A_139 = arith.select %eq3A_136, %broadcast_in_dim3A_138, %select_n3A_110 : vector<32x256xi1>, vector<32x256xf32>
    %jit3A_140 = arith.constant 0xFF800000 : f32
    %broadcast_in_dim3A_141 = vector.broadcast %jit3A_140 : f32 to vector<512x256xf32>
    %select_n3A_142 = arith.select %eq3A_126, %broadcast_in_dim3A_141, %select_n3A_113 : vector<512x256xi1>, vector<512x256xf32>
    %reduce_max3A_143 = arith.constant dense<0xFF800000> : vector<256xf32>
    %reduce_max3A_144 = vector.multi_reduction <maximumf>, %select_n3A_142, %reduce_max3A_143 [0] : vector<512x256xf32> to vector<256xf32>
    %broadcast_in_dim3A_145 = vector.shape_cast %reduce_max3A_144 : vector<256xf32> to vector<1x256xf32>
    %eq3A_146 = vector.broadcast %broadcast_in_dim3A_145 : vector<1x256xf32> to vector<512x256xf32>
    %eq3A_147 = arith.cmpf oeq, %select_n3A_142, %eq3A_146 : vector<512x256xf32>
    %jit3A_148 = arith.constant 512 : i32
    %broadcast_in_dim3A_149 = vector.broadcast %jit3A_148 : i32 to vector<512x256xi32>
    %select_n3A_150 = arith.select %eq3A_147, %iota3A, %broadcast_in_dim3A_149 : vector<512x256xi1>, vector<512x256xi32>
    %reduce_min3A_151 = arith.constant dense<2147483647> : vector<256xi32>
    %reduce_min3A_152 = vector.multi_reduction <minsi>, %select_n3A_150, %reduce_min3A_151 [0] : vector<512x256xi32> to vector<256xi32>
    %broadcast_in_dim3A_153 = vector.shape_cast %reduce_min3A_152 : vector<256xi32> to vector<1x256xi32>
    %eq3A_154 = vector.broadcast %broadcast_in_dim3A_153 : vector<1x256xi32> to vector<512x256xi32>
    %eq3A_155 = arith.cmpi eq, %iota3A, %eq3A_154 : vector<512x256xi32>
    %convert_element_type3A_156 = arith.sitofp %broadcast_in_dim3A_153 : vector<1x256xi32> to vector<1x256xf32>
    %eq3A_157 = arith.constant 4 : i32
    %eq3A_158 = vector.broadcast %eq3A_157 : i32 to vector<32x256xi32>
    %eq3A_159 = arith.cmpi eq, %iota3A_29, %eq3A_158 : vector<32x256xi32>
    %broadcast_in_dim3A_160 = vector.shape_cast %broadcast_in_dim3A_145 : vector<1x256xf32> to vector<1x256xf32>
    %broadcast_in_dim3A_161 = vector.broadcast %broadcast_in_dim3A_160 : vector<1x256xf32> to vector<32x256xf32>
    %select_n3A_162 = arith.select %eq3A_159, %broadcast_in_dim3A_161, %select_n3A_133 : vector<32x256xi1>, vector<32x256xf32>
    %eq3A_163 = arith.constant 4 : i32
    %eq3A_164 = vector.broadcast %eq3A_163 : i32 to vector<32x256xi32>
    %eq3A_165 = arith.cmpi eq, %iota3A_29, %eq3A_164 : vector<32x256xi32>
    %broadcast_in_dim3A_166 = vector.shape_cast %convert_element_type3A_156 : vector<1x256xf32> to vector<1x256xf32>
    %broadcast_in_dim3A_167 = vector.broadcast %broadcast_in_dim3A_166 : vector<1x256xf32> to vector<32x256xf32>
    %select_n3A_168 = arith.select %eq3A_165, %broadcast_in_dim3A_167, %select_n3A_139 : vector<32x256xi1>, vector<32x256xf32>
    %jit3A_169 = arith.constant 0xFF800000 : f32
    %broadcast_in_dim3A_170 = vector.broadcast %jit3A_169 : f32 to vector<512x256xf32>
    %select_n3A_171 = arith.select %eq3A_155, %broadcast_in_dim3A_170, %select_n3A_142 : vector<512x256xi1>, vector<512x256xf32>
    %reduce_max3A_172 = arith.constant dense<0xFF800000> : vector<256xf32>
    %reduce_max3A_173 = vector.multi_reduction <maximumf>, %select_n3A_171, %reduce_max3A_172 [0] : vector<512x256xf32> to vector<256xf32>
    %broadcast_in_dim3A_174 = vector.shape_cast %reduce_max3A_173 : vector<256xf32> to vector<1x256xf32>
    %eq3A_175 = vector.broadcast %broadcast_in_dim3A_174 : vector<1x256xf32> to vector<512x256xf32>
    %eq3A_176 = arith.cmpf oeq, %select_n3A_171, %eq3A_175 : vector<512x256xf32>
    %jit3A_177 = arith.constant 512 : i32
    %broadcast_in_dim3A_178 = vector.broadcast %jit3A_177 : i32 to vector<512x256xi32>
    %select_n3A_179 = arith.select %eq3A_176, %iota3A, %broadcast_in_dim3A_178 : vector<512x256xi1>, vector<512x256xi32>
    %reduce_min3A_180 = arith.constant dense<2147483647> : vector<256xi32>
    %reduce_min3A_181 = vector.multi_reduction <minsi>, %select_n3A_179, %reduce_min3A_180 [0] : vector<512x256xi32> to vector<256xi32>
    %broadcast_in_dim3A_182 = vector.shape_cast %reduce_min3A_181 : vector<256xi32> to vector<1x256xi32>
    %eq3A_183 = vector.broadcast %broadcast_in_dim3A_182 : vector<1x256xi32> to vector<512x256xi32>
    %eq3A_184 = arith.cmpi eq, %iota3A, %eq3A_183 : vector<512x256xi32>
    %convert_element_type3A_185 = arith.sitofp %broadcast_in_dim3A_182 : vector<1x256xi32> to vector<1x256xf32>
    %eq3A_186 = arith.constant 5 : i32
    %eq3A_187 = vector.broadcast %eq3A_186 : i32 to vector<32x256xi32>
    %eq3A_188 = arith.cmpi eq, %iota3A_29, %eq3A_187 : vector<32x256xi32>
    %broadcast_in_dim3A_189 = vector.shape_cast %broadcast_in_dim3A_174 : vector<1x256xf32> to vector<1x256xf32>
    %broadcast_in_dim3A_190 = vector.broadcast %broadcast_in_dim3A_189 : vector<1x256xf32> to vector<32x256xf32>
    %select_n3A_191 = arith.select %eq3A_188, %broadcast_in_dim3A_190, %select_n3A_162 : vector<32x256xi1>, vector<32x256xf32>
    %eq3A_192 = arith.constant 5 : i32
    %eq3A_193 = vector.broadcast %eq3A_192 : i32 to vector<32x256xi32>
    %eq3A_194 = arith.cmpi eq, %iota3A_29, %eq3A_193 : vector<32x256xi32>
    %broadcast_in_dim3A_195 = vector.shape_cast %convert_element_type3A_185 : vector<1x256xf32> to vector<1x256xf32>
    %broadcast_in_dim3A_196 = vector.broadcast %broadcast_in_dim3A_195 : vector<1x256xf32> to vector<32x256xf32>
    %select_n3A_197 = arith.select %eq3A_194, %broadcast_in_dim3A_196, %select_n3A_168 : vector<32x256xi1>, vector<32x256xf32>
    %jit3A_198 = arith.constant 0xFF800000 : f32
    %broadcast_in_dim3A_199 = vector.broadcast %jit3A_198 : f32 to vector<512x256xf32>
    %select_n3A_200 = arith.select %eq3A_184, %broadcast_in_dim3A_199, %select_n3A_171 : vector<512x256xi1>, vector<512x256xf32>
    %reduce_max3A_201 = arith.constant dense<0xFF800000> : vector<256xf32>
    %reduce_max3A_202 = vector.multi_reduction <maximumf>, %select_n3A_200, %reduce_max3A_201 [0] : vector<512x256xf32> to vector<256xf32>
    %broadcast_in_dim3A_203 = vector.shape_cast %reduce_max3A_202 : vector<256xf32> to vector<1x256xf32>
    %eq3A_204 = vector.broadcast %broadcast_in_dim3A_203 : vector<1x256xf32> to vector<512x256xf32>
    %eq3A_205 = arith.cmpf oeq, %select_n3A_200, %eq3A_204 : vector<512x256xf32>
    %jit3A_206 = arith.constant 512 : i32
    %broadcast_in_dim3A_207 = vector.broadcast %jit3A_206 : i32 to vector<512x256xi32>
    %select_n3A_208 = arith.select %eq3A_205, %iota3A, %broadcast_in_dim3A_207 : vector<512x256xi1>, vector<512x256xi32>
    %reduce_min3A_209 = arith.constant dense<2147483647> : vector<256xi32>
    %reduce_min3A_210 = vector.multi_reduction <minsi>, %select_n3A_208, %reduce_min3A_209 [0] : vector<512x256xi32> to vector<256xi32>
    %broadcast_in_dim3A_211 = vector.shape_cast %reduce_min3A_210 : vector<256xi32> to vector<1x256xi32>
    %eq3A_212 = vector.broadcast %broadcast_in_dim3A_211 : vector<1x256xi32> to vector<512x256xi32>
    %eq3A_213 = arith.cmpi eq, %iota3A, %eq3A_212 : vector<512x256xi32>
    %convert_element_type3A_214 = arith.sitofp %broadcast_in_dim3A_211 : vector<1x256xi32> to vector<1x256xf32>
    %eq3A_215 = arith.constant 6 : i32
    %eq3A_216 = vector.broadcast %eq3A_215 : i32 to vector<32x256xi32>
    %eq3A_217 = arith.cmpi eq, %iota3A_29, %eq3A_216 : vector<32x256xi32>
    %broadcast_in_dim3A_218 = vector.shape_cast %broadcast_in_dim3A_203 : vector<1x256xf32> to vector<1x256xf32>
    %broadcast_in_dim3A_219 = vector.broadcast %broadcast_in_dim3A_218 : vector<1x256xf32> to vector<32x256xf32>
    %select_n3A_220 = arith.select %eq3A_217, %broadcast_in_dim3A_219, %select_n3A_191 : vector<32x256xi1>, vector<32x256xf32>
    %eq3A_221 = arith.constant 6 : i32
    %eq3A_222 = vector.broadcast %eq3A_221 : i32 to vector<32x256xi32>
    %eq3A_223 = arith.cmpi eq, %iota3A_29, %eq3A_222 : vector<32x256xi32>
    %broadcast_in_dim3A_224 = vector.shape_cast %convert_element_type3A_214 : vector<1x256xf32> to vector<1x256xf32>
    %broadcast_in_dim3A_225 = vector.broadcast %broadcast_in_dim3A_224 : vector<1x256xf32> to vector<32x256xf32>
    %select_n3A_226 = arith.select %eq3A_223, %broadcast_in_dim3A_225, %select_n3A_197 : vector<32x256xi1>, vector<32x256xf32>
    %jit3A_227 = arith.constant 0xFF800000 : f32
    %broadcast_in_dim3A_228 = vector.broadcast %jit3A_227 : f32 to vector<512x256xf32>
    %select_n3A_229 = arith.select %eq3A_213, %broadcast_in_dim3A_228, %select_n3A_200 : vector<512x256xi1>, vector<512x256xf32>
    %reduce_max3A_230 = arith.constant dense<0xFF800000> : vector<256xf32>
    %reduce_max3A_231 = vector.multi_reduction <maximumf>, %select_n3A_229, %reduce_max3A_230 [0] : vector<512x256xf32> to vector<256xf32>
    %broadcast_in_dim3A_232 = vector.shape_cast %reduce_max3A_231 : vector<256xf32> to vector<1x256xf32>
    %eq3A_233 = vector.broadcast %broadcast_in_dim3A_232 : vector<1x256xf32> to vector<512x256xf32>
    %eq3A_234 = arith.cmpf oeq, %select_n3A_229, %eq3A_233 : vector<512x256xf32>
    %jit3A_235 = arith.constant 512 : i32
    %broadcast_in_dim3A_236 = vector.broadcast %jit3A_235 : i32 to vector<512x256xi32>
    %select_n3A_237 = arith.select %eq3A_234, %iota3A, %broadcast_in_dim3A_236 : vector<512x256xi1>, vector<512x256xi32>
    %reduce_min3A_238 = arith.constant dense<2147483647> : vector<256xi32>
    %reduce_min3A_239 = vector.multi_reduction <minsi>, %select_n3A_237, %reduce_min3A_238 [0] : vector<512x256xi32> to vector<256xi32>
    %broadcast_in_dim3A_240 = vector.shape_cast %reduce_min3A_239 : vector<256xi32> to vector<1x256xi32>
    %eq3A_241 = vector.broadcast %broadcast_in_dim3A_240 : vector<1x256xi32> to vector<512x256xi32>
    %eq3A_242 = arith.cmpi eq, %iota3A, %eq3A_241 : vector<512x256xi32>
    %convert_element_type3A_243 = arith.sitofp %broadcast_in_dim3A_240 : vector<1x256xi32> to vector<1x256xf32>
    %eq3A_244 = arith.constant 7 : i32
    %eq3A_245 = vector.broadcast %eq3A_244 : i32 to vector<32x256xi32>
    %eq3A_246 = arith.cmpi eq, %iota3A_29, %eq3A_245 : vector<32x256xi32>
    %broadcast_in_dim3A_247 = vector.shape_cast %broadcast_in_dim3A_232 : vector<1x256xf32> to vector<1x256xf32>
    %broadcast_in_dim3A_248 = vector.broadcast %broadcast_in_dim3A_247 : vector<1x256xf32> to vector<32x256xf32>
    %select_n3A_249 = arith.select %eq3A_246, %broadcast_in_dim3A_248, %select_n3A_220 : vector<32x256xi1>, vector<32x256xf32>
    %eq3A_250 = arith.constant 7 : i32
    %eq3A_251 = vector.broadcast %eq3A_250 : i32 to vector<32x256xi32>
    %eq3A_252 = arith.cmpi eq, %iota3A_29, %eq3A_251 : vector<32x256xi32>
    %broadcast_in_dim3A_253 = vector.shape_cast %convert_element_type3A_243 : vector<1x256xf32> to vector<1x256xf32>
    %broadcast_in_dim3A_254 = vector.broadcast %broadcast_in_dim3A_253 : vector<1x256xf32> to vector<32x256xf32>
    %select_n3A_255 = arith.select %eq3A_252, %broadcast_in_dim3A_254, %select_n3A_226 : vector<32x256xi1>, vector<32x256xf32>
    %jit3A_256 = arith.constant 0xFF800000 : f32
    %broadcast_in_dim3A_257 = vector.broadcast %jit3A_256 : f32 to vector<512x256xf32>
    %select_n3A_258 = arith.select %eq3A_242, %broadcast_in_dim3A_257, %select_n3A_229 : vector<512x256xi1>, vector<512x256xf32>
    %reduce_max3A_259 = arith.constant dense<0xFF800000> : vector<256xf32>
    %reduce_max3A_260 = vector.multi_reduction <maximumf>, %select_n3A_258, %reduce_max3A_259 [0] : vector<512x256xf32> to vector<256xf32>
    %broadcast_in_dim3A_261 = vector.shape_cast %reduce_max3A_260 : vector<256xf32> to vector<1x256xf32>
    %eq3A_262 = vector.broadcast %broadcast_in_dim3A_261 : vector<1x256xf32> to vector<512x256xf32>
    %eq3A_263 = arith.cmpf oeq, %select_n3A_258, %eq3A_262 : vector<512x256xf32>
    %jit3A_264 = arith.constant 512 : i32
    %broadcast_in_dim3A_265 = vector.broadcast %jit3A_264 : i32 to vector<512x256xi32>
    %select_n3A_266 = arith.select %eq3A_263, %iota3A, %broadcast_in_dim3A_265 : vector<512x256xi1>, vector<512x256xi32>
    %reduce_min3A_267 = arith.constant dense<2147483647> : vector<256xi32>
    %reduce_min3A_268 = vector.multi_reduction <minsi>, %select_n3A_266, %reduce_min3A_267 [0] : vector<512x256xi32> to vector<256xi32>
    %broadcast_in_dim3A_269 = vector.shape_cast %reduce_min3A_268 : vector<256xi32> to vector<1x256xi32>
    %eq3A_270 = vector.broadcast %broadcast_in_dim3A_269 : vector<1x256xi32> to vector<512x256xi32>
    %eq3A_271 = arith.cmpi eq, %iota3A, %eq3A_270 : vector<512x256xi32>
    %convert_element_type3A_272 = arith.sitofp %broadcast_in_dim3A_269 : vector<1x256xi32> to vector<1x256xf32>
    %eq3A_273 = arith.constant 8 : i32
    %eq3A_274 = vector.broadcast %eq3A_273 : i32 to vector<32x256xi32>
    %eq3A_275 = arith.cmpi eq, %iota3A_29, %eq3A_274 : vector<32x256xi32>
    %broadcast_in_dim3A_276 = vector.shape_cast %broadcast_in_dim3A_261 : vector<1x256xf32> to vector<1x256xf32>
    %broadcast_in_dim3A_277 = vector.broadcast %broadcast_in_dim3A_276 : vector<1x256xf32> to vector<32x256xf32>
    %select_n3A_278 = arith.select %eq3A_275, %broadcast_in_dim3A_277, %select_n3A_249 : vector<32x256xi1>, vector<32x256xf32>
    %eq3A_279 = arith.constant 8 : i32
    %eq3A_280 = vector.broadcast %eq3A_279 : i32 to vector<32x256xi32>
    %eq3A_281 = arith.cmpi eq, %iota3A_29, %eq3A_280 : vector<32x256xi32>
    %broadcast_in_dim3A_282 = vector.shape_cast %convert_element_type3A_272 : vector<1x256xf32> to vector<1x256xf32>
    %broadcast_in_dim3A_283 = vector.broadcast %broadcast_in_dim3A_282 : vector<1x256xf32> to vector<32x256xf32>
    %select_n3A_284 = arith.select %eq3A_281, %broadcast_in_dim3A_283, %select_n3A_255 : vector<32x256xi1>, vector<32x256xf32>
    %jit3A_285 = arith.constant 0xFF800000 : f32
    %broadcast_in_dim3A_286 = vector.broadcast %jit3A_285 : f32 to vector<512x256xf32>
    %select_n3A_287 = arith.select %eq3A_271, %broadcast_in_dim3A_286, %select_n3A_258 : vector<512x256xi1>, vector<512x256xf32>
    %reduce_max3A_288 = arith.constant dense<0xFF800000> : vector<256xf32>
    %reduce_max3A_289 = vector.multi_reduction <maximumf>, %select_n3A_287, %reduce_max3A_288 [0] : vector<512x256xf32> to vector<256xf32>
    %broadcast_in_dim3A_290 = vector.shape_cast %reduce_max3A_289 : vector<256xf32> to vector<1x256xf32>
    %eq3A_291 = vector.broadcast %broadcast_in_dim3A_290 : vector<1x256xf32> to vector<512x256xf32>
    %eq3A_292 = arith.cmpf oeq, %select_n3A_287, %eq3A_291 : vector<512x256xf32>
    %jit3A_293 = arith.constant 512 : i32
    %broadcast_in_dim3A_294 = vector.broadcast %jit3A_293 : i32 to vector<512x256xi32>
    %select_n3A_295 = arith.select %eq3A_292, %iota3A, %broadcast_in_dim3A_294 : vector<512x256xi1>, vector<512x256xi32>
    %reduce_min3A_296 = arith.constant dense<2147483647> : vector<256xi32>
    %reduce_min3A_297 = vector.multi_reduction <minsi>, %select_n3A_295, %reduce_min3A_296 [0] : vector<512x256xi32> to vector<256xi32>
    %broadcast_in_dim3A_298 = vector.shape_cast %reduce_min3A_297 : vector<256xi32> to vector<1x256xi32>
    %eq3A_299 = vector.broadcast %broadcast_in_dim3A_298 : vector<1x256xi32> to vector<512x256xi32>
    %eq3A_300 = arith.cmpi eq, %iota3A, %eq3A_299 : vector<512x256xi32>
    %convert_element_type3A_301 = arith.sitofp %broadcast_in_dim3A_298 : vector<1x256xi32> to vector<1x256xf32>
    %eq3A_302 = arith.constant 9 : i32
    %eq3A_303 = vector.broadcast %eq3A_302 : i32 to vector<32x256xi32>
    %eq3A_304 = arith.cmpi eq, %iota3A_29, %eq3A_303 : vector<32x256xi32>
    %broadcast_in_dim3A_305 = vector.shape_cast %broadcast_in_dim3A_290 : vector<1x256xf32> to vector<1x256xf32>
    %broadcast_in_dim3A_306 = vector.broadcast %broadcast_in_dim3A_305 : vector<1x256xf32> to vector<32x256xf32>
    %select_n3A_307 = arith.select %eq3A_304, %broadcast_in_dim3A_306, %select_n3A_278 : vector<32x256xi1>, vector<32x256xf32>
    %eq3A_308 = arith.constant 9 : i32
    %eq3A_309 = vector.broadcast %eq3A_308 : i32 to vector<32x256xi32>
    %eq3A_310 = arith.cmpi eq, %iota3A_29, %eq3A_309 : vector<32x256xi32>
    %broadcast_in_dim3A_311 = vector.shape_cast %convert_element_type3A_301 : vector<1x256xf32> to vector<1x256xf32>
    %broadcast_in_dim3A_312 = vector.broadcast %broadcast_in_dim3A_311 : vector<1x256xf32> to vector<32x256xf32>
    %select_n3A_313 = arith.select %eq3A_310, %broadcast_in_dim3A_312, %select_n3A_284 : vector<32x256xi1>, vector<32x256xf32>
    %jit3A_314 = arith.constant 0xFF800000 : f32
    %broadcast_in_dim3A_315 = vector.broadcast %jit3A_314 : f32 to vector<512x256xf32>
    %select_n3A_316 = arith.select %eq3A_300, %broadcast_in_dim3A_315, %select_n3A_287 : vector<512x256xi1>, vector<512x256xf32>
    %reduce_max3A_317 = arith.constant dense<0xFF800000> : vector<256xf32>
    %reduce_max3A_318 = vector.multi_reduction <maximumf>, %select_n3A_316, %reduce_max3A_317 [0] : vector<512x256xf32> to vector<256xf32>
    %broadcast_in_dim3A_319 = vector.shape_cast %reduce_max3A_318 : vector<256xf32> to vector<1x256xf32>
    %eq3A_320 = vector.broadcast %broadcast_in_dim3A_319 : vector<1x256xf32> to vector<512x256xf32>
    %eq3A_321 = arith.cmpf oeq, %select_n3A_316, %eq3A_320 : vector<512x256xf32>
    %jit3A_322 = arith.constant 512 : i32
    %broadcast_in_dim3A_323 = vector.broadcast %jit3A_322 : i32 to vector<512x256xi32>
    %select_n3A_324 = arith.select %eq3A_321, %iota3A, %broadcast_in_dim3A_323 : vector<512x256xi1>, vector<512x256xi32>
    %reduce_min3A_325 = arith.constant dense<2147483647> : vector<256xi32>
    %reduce_min3A_326 = vector.multi_reduction <minsi>, %select_n3A_324, %reduce_min3A_325 [0] : vector<512x256xi32> to vector<256xi32>
    %broadcast_in_dim3A_327 = vector.shape_cast %reduce_min3A_326 : vector<256xi32> to vector<1x256xi32>
    %eq3A_328 = vector.broadcast %broadcast_in_dim3A_327 : vector<1x256xi32> to vector<512x256xi32>
    %eq3A_329 = arith.cmpi eq, %iota3A, %eq3A_328 : vector<512x256xi32>
    %convert_element_type3A_330 = arith.sitofp %broadcast_in_dim3A_327 : vector<1x256xi32> to vector<1x256xf32>
    %eq3A_331 = arith.constant 10 : i32
    %eq3A_332 = vector.broadcast %eq3A_331 : i32 to vector<32x256xi32>
    %eq3A_333 = arith.cmpi eq, %iota3A_29, %eq3A_332 : vector<32x256xi32>
    %broadcast_in_dim3A_334 = vector.shape_cast %broadcast_in_dim3A_319 : vector<1x256xf32> to vector<1x256xf32>
    %broadcast_in_dim3A_335 = vector.broadcast %broadcast_in_dim3A_334 : vector<1x256xf32> to vector<32x256xf32>
    %select_n3A_336 = arith.select %eq3A_333, %broadcast_in_dim3A_335, %select_n3A_307 : vector<32x256xi1>, vector<32x256xf32>
    %eq3A_337 = arith.constant 10 : i32
    %eq3A_338 = vector.broadcast %eq3A_337 : i32 to vector<32x256xi32>
    %eq3A_339 = arith.cmpi eq, %iota3A_29, %eq3A_338 : vector<32x256xi32>
    %broadcast_in_dim3A_340 = vector.shape_cast %convert_element_type3A_330 : vector<1x256xf32> to vector<1x256xf32>
    %broadcast_in_dim3A_341 = vector.broadcast %broadcast_in_dim3A_340 : vector<1x256xf32> to vector<32x256xf32>
    %select_n3A_342 = arith.select %eq3A_339, %broadcast_in_dim3A_341, %select_n3A_313 : vector<32x256xi1>, vector<32x256xf32>
    %jit3A_343 = arith.constant 0xFF800000 : f32
    %broadcast_in_dim3A_344 = vector.broadcast %jit3A_343 : f32 to vector<512x256xf32>
    %select_n3A_345 = arith.select %eq3A_329, %broadcast_in_dim3A_344, %select_n3A_316 : vector<512x256xi1>, vector<512x256xf32>
    %reduce_max3A_346 = arith.constant dense<0xFF800000> : vector<256xf32>
    %reduce_max3A_347 = vector.multi_reduction <maximumf>, %select_n3A_345, %reduce_max3A_346 [0] : vector<512x256xf32> to vector<256xf32>
    %broadcast_in_dim3A_348 = vector.shape_cast %reduce_max3A_347 : vector<256xf32> to vector<1x256xf32>
    %eq3A_349 = vector.broadcast %broadcast_in_dim3A_348 : vector<1x256xf32> to vector<512x256xf32>
    %eq3A_350 = arith.cmpf oeq, %select_n3A_345, %eq3A_349 : vector<512x256xf32>
    %jit3A_351 = arith.constant 512 : i32
    %broadcast_in_dim3A_352 = vector.broadcast %jit3A_351 : i32 to vector<512x256xi32>
    %select_n3A_353 = arith.select %eq3A_350, %iota3A, %broadcast_in_dim3A_352 : vector<512x256xi1>, vector<512x256xi32>
    %reduce_min3A_354 = arith.constant dense<2147483647> : vector<256xi32>
    %reduce_min3A_355 = vector.multi_reduction <minsi>, %select_n3A_353, %reduce_min3A_354 [0] : vector<512x256xi32> to vector<256xi32>
    %broadcast_in_dim3A_356 = vector.shape_cast %reduce_min3A_355 : vector<256xi32> to vector<1x256xi32>
    %eq3A_357 = vector.broadcast %broadcast_in_dim3A_356 : vector<1x256xi32> to vector<512x256xi32>
    %eq3A_358 = arith.cmpi eq, %iota3A, %eq3A_357 : vector<512x256xi32>
    %convert_element_type3A_359 = arith.sitofp %broadcast_in_dim3A_356 : vector<1x256xi32> to vector<1x256xf32>
    %eq3A_360 = arith.constant 11 : i32
    %eq3A_361 = vector.broadcast %eq3A_360 : i32 to vector<32x256xi32>
    %eq3A_362 = arith.cmpi eq, %iota3A_29, %eq3A_361 : vector<32x256xi32>
    %broadcast_in_dim3A_363 = vector.shape_cast %broadcast_in_dim3A_348 : vector<1x256xf32> to vector<1x256xf32>
    %broadcast_in_dim3A_364 = vector.broadcast %broadcast_in_dim3A_363 : vector<1x256xf32> to vector<32x256xf32>
    %select_n3A_365 = arith.select %eq3A_362, %broadcast_in_dim3A_364, %select_n3A_336 : vector<32x256xi1>, vector<32x256xf32>
    %eq3A_366 = arith.constant 11 : i32
    %eq3A_367 = vector.broadcast %eq3A_366 : i32 to vector<32x256xi32>
    %eq3A_368 = arith.cmpi eq, %iota3A_29, %eq3A_367 : vector<32x256xi32>
    %broadcast_in_dim3A_369 = vector.shape_cast %convert_element_type3A_359 : vector<1x256xf32> to vector<1x256xf32>
    %broadcast_in_dim3A_370 = vector.broadcast %broadcast_in_dim3A_369 : vector<1x256xf32> to vector<32x256xf32>
    %select_n3A_371 = arith.select %eq3A_368, %broadcast_in_dim3A_370, %select_n3A_342 : vector<32x256xi1>, vector<32x256xf32>
    %jit3A_372 = arith.constant 0xFF800000 : f32
    %broadcast_in_dim3A_373 = vector.broadcast %jit3A_372 : f32 to vector<512x256xf32>
    %select_n3A_374 = arith.select %eq3A_358, %broadcast_in_dim3A_373, %select_n3A_345 : vector<512x256xi1>, vector<512x256xf32>
    %reduce_max3A_375 = arith.constant dense<0xFF800000> : vector<256xf32>
    %reduce_max3A_376 = vector.multi_reduction <maximumf>, %select_n3A_374, %reduce_max3A_375 [0] : vector<512x256xf32> to vector<256xf32>
    %broadcast_in_dim3A_377 = vector.shape_cast %reduce_max3A_376 : vector<256xf32> to vector<1x256xf32>
    %eq3A_378 = vector.broadcast %broadcast_in_dim3A_377 : vector<1x256xf32> to vector<512x256xf32>
    %eq3A_379 = arith.cmpf oeq, %select_n3A_374, %eq3A_378 : vector<512x256xf32>
    %jit3A_380 = arith.constant 512 : i32
    %broadcast_in_dim3A_381 = vector.broadcast %jit3A_380 : i32 to vector<512x256xi32>
    %select_n3A_382 = arith.select %eq3A_379, %iota3A, %broadcast_in_dim3A_381 : vector<512x256xi1>, vector<512x256xi32>
    %reduce_min3A_383 = arith.constant dense<2147483647> : vector<256xi32>
    %reduce_min3A_384 = vector.multi_reduction <minsi>, %select_n3A_382, %reduce_min3A_383 [0] : vector<512x256xi32> to vector<256xi32>
    %broadcast_in_dim3A_385 = vector.shape_cast %reduce_min3A_384 : vector<256xi32> to vector<1x256xi32>
    %eq3A_386 = vector.broadcast %broadcast_in_dim3A_385 : vector<1x256xi32> to vector<512x256xi32>
    %eq3A_387 = arith.cmpi eq, %iota3A, %eq3A_386 : vector<512x256xi32>
    %convert_element_type3A_388 = arith.sitofp %broadcast_in_dim3A_385 : vector<1x256xi32> to vector<1x256xf32>
    %eq3A_389 = arith.constant 12 : i32
    %eq3A_390 = vector.broadcast %eq3A_389 : i32 to vector<32x256xi32>
    %eq3A_391 = arith.cmpi eq, %iota3A_29, %eq3A_390 : vector<32x256xi32>
    %broadcast_in_dim3A_392 = vector.shape_cast %broadcast_in_dim3A_377 : vector<1x256xf32> to vector<1x256xf32>
    %broadcast_in_dim3A_393 = vector.broadcast %broadcast_in_dim3A_392 : vector<1x256xf32> to vector<32x256xf32>
    %select_n3A_394 = arith.select %eq3A_391, %broadcast_in_dim3A_393, %select_n3A_365 : vector<32x256xi1>, vector<32x256xf32>
    %eq3A_395 = arith.constant 12 : i32
    %eq3A_396 = vector.broadcast %eq3A_395 : i32 to vector<32x256xi32>
    %eq3A_397 = arith.cmpi eq, %iota3A_29, %eq3A_396 : vector<32x256xi32>
    %broadcast_in_dim3A_398 = vector.shape_cast %convert_element_type3A_388 : vector<1x256xf32> to vector<1x256xf32>
    %broadcast_in_dim3A_399 = vector.broadcast %broadcast_in_dim3A_398 : vector<1x256xf32> to vector<32x256xf32>
    %select_n3A_400 = arith.select %eq3A_397, %broadcast_in_dim3A_399, %select_n3A_371 : vector<32x256xi1>, vector<32x256xf32>
    %jit3A_401 = arith.constant 0xFF800000 : f32
    %broadcast_in_dim3A_402 = vector.broadcast %jit3A_401 : f32 to vector<512x256xf32>
    %select_n3A_403 = arith.select %eq3A_387, %broadcast_in_dim3A_402, %select_n3A_374 : vector<512x256xi1>, vector<512x256xf32>
    %reduce_max3A_404 = arith.constant dense<0xFF800000> : vector<256xf32>
    %reduce_max3A_405 = vector.multi_reduction <maximumf>, %select_n3A_403, %reduce_max3A_404 [0] : vector<512x256xf32> to vector<256xf32>
    %broadcast_in_dim3A_406 = vector.shape_cast %reduce_max3A_405 : vector<256xf32> to vector<1x256xf32>
    %eq3A_407 = vector.broadcast %broadcast_in_dim3A_406 : vector<1x256xf32> to vector<512x256xf32>
    %eq3A_408 = arith.cmpf oeq, %select_n3A_403, %eq3A_407 : vector<512x256xf32>
    %jit3A_409 = arith.constant 512 : i32
    %broadcast_in_dim3A_410 = vector.broadcast %jit3A_409 : i32 to vector<512x256xi32>
    %select_n3A_411 = arith.select %eq3A_408, %iota3A, %broadcast_in_dim3A_410 : vector<512x256xi1>, vector<512x256xi32>
    %reduce_min3A_412 = arith.constant dense<2147483647> : vector<256xi32>
    %reduce_min3A_413 = vector.multi_reduction <minsi>, %select_n3A_411, %reduce_min3A_412 [0] : vector<512x256xi32> to vector<256xi32>
    %broadcast_in_dim3A_414 = vector.shape_cast %reduce_min3A_413 : vector<256xi32> to vector<1x256xi32>
    %eq3A_415 = vector.broadcast %broadcast_in_dim3A_414 : vector<1x256xi32> to vector<512x256xi32>
    %eq3A_416 = arith.cmpi eq, %iota3A, %eq3A_415 : vector<512x256xi32>
    %convert_element_type3A_417 = arith.sitofp %broadcast_in_dim3A_414 : vector<1x256xi32> to vector<1x256xf32>
    %eq3A_418 = arith.constant 13 : i32
    %eq3A_419 = vector.broadcast %eq3A_418 : i32 to vector<32x256xi32>
    %eq3A_420 = arith.cmpi eq, %iota3A_29, %eq3A_419 : vector<32x256xi32>
    %broadcast_in_dim3A_421 = vector.shape_cast %broadcast_in_dim3A_406 : vector<1x256xf32> to vector<1x256xf32>
    %broadcast_in_dim3A_422 = vector.broadcast %broadcast_in_dim3A_421 : vector<1x256xf32> to vector<32x256xf32>
    %select_n3A_423 = arith.select %eq3A_420, %broadcast_in_dim3A_422, %select_n3A_394 : vector<32x256xi1>, vector<32x256xf32>
    %eq3A_424 = arith.constant 13 : i32
    %eq3A_425 = vector.broadcast %eq3A_424 : i32 to vector<32x256xi32>
    %eq3A_426 = arith.cmpi eq, %iota3A_29, %eq3A_425 : vector<32x256xi32>
    %broadcast_in_dim3A_427 = vector.shape_cast %convert_element_type3A_417 : vector<1x256xf32> to vector<1x256xf32>
    %broadcast_in_dim3A_428 = vector.broadcast %broadcast_in_dim3A_427 : vector<1x256xf32> to vector<32x256xf32>
    %select_n3A_429 = arith.select %eq3A_426, %broadcast_in_dim3A_428, %select_n3A_400 : vector<32x256xi1>, vector<32x256xf32>
    %jit3A_430 = arith.constant 0xFF800000 : f32
    %broadcast_in_dim3A_431 = vector.broadcast %jit3A_430 : f32 to vector<512x256xf32>
    %select_n3A_432 = arith.select %eq3A_416, %broadcast_in_dim3A_431, %select_n3A_403 : vector<512x256xi1>, vector<512x256xf32>
    %reduce_max3A_433 = arith.constant dense<0xFF800000> : vector<256xf32>
    %reduce_max3A_434 = vector.multi_reduction <maximumf>, %select_n3A_432, %reduce_max3A_433 [0] : vector<512x256xf32> to vector<256xf32>
    %broadcast_in_dim3A_435 = vector.shape_cast %reduce_max3A_434 : vector<256xf32> to vector<1x256xf32>
    %eq3A_436 = vector.broadcast %broadcast_in_dim3A_435 : vector<1x256xf32> to vector<512x256xf32>
    %eq3A_437 = arith.cmpf oeq, %select_n3A_432, %eq3A_436 : vector<512x256xf32>
    %jit3A_438 = arith.constant 512 : i32
    %broadcast_in_dim3A_439 = vector.broadcast %jit3A_438 : i32 to vector<512x256xi32>
    %select_n3A_440 = arith.select %eq3A_437, %iota3A, %broadcast_in_dim3A_439 : vector<512x256xi1>, vector<512x256xi32>
    %reduce_min3A_441 = arith.constant dense<2147483647> : vector<256xi32>
    %reduce_min3A_442 = vector.multi_reduction <minsi>, %select_n3A_440, %reduce_min3A_441 [0] : vector<512x256xi32> to vector<256xi32>
    %broadcast_in_dim3A_443 = vector.shape_cast %reduce_min3A_442 : vector<256xi32> to vector<1x256xi32>
    %eq3A_444 = vector.broadcast %broadcast_in_dim3A_443 : vector<1x256xi32> to vector<512x256xi32>
    %eq3A_445 = arith.cmpi eq, %iota3A, %eq3A_444 : vector<512x256xi32>
    %convert_element_type3A_446 = arith.sitofp %broadcast_in_dim3A_443 : vector<1x256xi32> to vector<1x256xf32>
    %eq3A_447 = arith.constant 14 : i32
    %eq3A_448 = vector.broadcast %eq3A_447 : i32 to vector<32x256xi32>
    %eq3A_449 = arith.cmpi eq, %iota3A_29, %eq3A_448 : vector<32x256xi32>
    %broadcast_in_dim3A_450 = vector.shape_cast %broadcast_in_dim3A_435 : vector<1x256xf32> to vector<1x256xf32>
    %broadcast_in_dim3A_451 = vector.broadcast %broadcast_in_dim3A_450 : vector<1x256xf32> to vector<32x256xf32>
    %select_n3A_452 = arith.select %eq3A_449, %broadcast_in_dim3A_451, %select_n3A_423 : vector<32x256xi1>, vector<32x256xf32>
    %eq3A_453 = arith.constant 14 : i32
    %eq3A_454 = vector.broadcast %eq3A_453 : i32 to vector<32x256xi32>
    %eq3A_455 = arith.cmpi eq, %iota3A_29, %eq3A_454 : vector<32x256xi32>
    %broadcast_in_dim3A_456 = vector.shape_cast %convert_element_type3A_446 : vector<1x256xf32> to vector<1x256xf32>
    %broadcast_in_dim3A_457 = vector.broadcast %broadcast_in_dim3A_456 : vector<1x256xf32> to vector<32x256xf32>
    %select_n3A_458 = arith.select %eq3A_455, %broadcast_in_dim3A_457, %select_n3A_429 : vector<32x256xi1>, vector<32x256xf32>
    %jit3A_459 = arith.constant 0xFF800000 : f32
    %broadcast_in_dim3A_460 = vector.broadcast %jit3A_459 : f32 to vector<512x256xf32>
    %select_n3A_461 = arith.select %eq3A_445, %broadcast_in_dim3A_460, %select_n3A_432 : vector<512x256xi1>, vector<512x256xf32>
    %reduce_max3A_462 = arith.constant dense<0xFF800000> : vector<256xf32>
    %reduce_max3A_463 = vector.multi_reduction <maximumf>, %select_n3A_461, %reduce_max3A_462 [0] : vector<512x256xf32> to vector<256xf32>
    %broadcast_in_dim3A_464 = vector.shape_cast %reduce_max3A_463 : vector<256xf32> to vector<1x256xf32>
    %eq3A_465 = vector.broadcast %broadcast_in_dim3A_464 : vector<1x256xf32> to vector<512x256xf32>
    %eq3A_466 = arith.cmpf oeq, %select_n3A_461, %eq3A_465 : vector<512x256xf32>
    %jit3A_467 = arith.constant 512 : i32
    %broadcast_in_dim3A_468 = vector.broadcast %jit3A_467 : i32 to vector<512x256xi32>
    %select_n3A_469 = arith.select %eq3A_466, %iota3A, %broadcast_in_dim3A_468 : vector<512x256xi1>, vector<512x256xi32>
    %reduce_min3A_470 = arith.constant dense<2147483647> : vector<256xi32>
    %reduce_min3A_471 = vector.multi_reduction <minsi>, %select_n3A_469, %reduce_min3A_470 [0] : vector<512x256xi32> to vector<256xi32>
    %broadcast_in_dim3A_472 = vector.shape_cast %reduce_min3A_471 : vector<256xi32> to vector<1x256xi32>
    %eq3A_473 = vector.broadcast %broadcast_in_dim3A_472 : vector<1x256xi32> to vector<512x256xi32>
    %eq3A_474 = arith.cmpi eq, %iota3A, %eq3A_473 : vector<512x256xi32>
    %convert_element_type3A_475 = arith.sitofp %broadcast_in_dim3A_472 : vector<1x256xi32> to vector<1x256xf32>
    %eq3A_476 = arith.constant 15 : i32
    %eq3A_477 = vector.broadcast %eq3A_476 : i32 to vector<32x256xi32>
    %eq3A_478 = arith.cmpi eq, %iota3A_29, %eq3A_477 : vector<32x256xi32>
    %broadcast_in_dim3A_479 = vector.shape_cast %broadcast_in_dim3A_464 : vector<1x256xf32> to vector<1x256xf32>
    %broadcast_in_dim3A_480 = vector.broadcast %broadcast_in_dim3A_479 : vector<1x256xf32> to vector<32x256xf32>
    %select_n3A_481 = arith.select %eq3A_478, %broadcast_in_dim3A_480, %select_n3A_452 : vector<32x256xi1>, vector<32x256xf32>
    %eq3A_482 = arith.constant 15 : i32
    %eq3A_483 = vector.broadcast %eq3A_482 : i32 to vector<32x256xi32>
    %eq3A_484 = arith.cmpi eq, %iota3A_29, %eq3A_483 : vector<32x256xi32>
    %broadcast_in_dim3A_485 = vector.shape_cast %convert_element_type3A_475 : vector<1x256xf32> to vector<1x256xf32>
    %broadcast_in_dim3A_486 = vector.broadcast %broadcast_in_dim3A_485 : vector<1x256xf32> to vector<32x256xf32>
    %select_n3A_487 = arith.select %eq3A_484, %broadcast_in_dim3A_486, %select_n3A_458 : vector<32x256xi1>, vector<32x256xf32>
    %jit3A_488 = arith.constant 0xFF800000 : f32
    %broadcast_in_dim3A_489 = vector.broadcast %jit3A_488 : f32 to vector<512x256xf32>
    %select_n3A_490 = arith.select %eq3A_474, %broadcast_in_dim3A_489, %select_n3A_461 : vector<512x256xi1>, vector<512x256xf32>
    %reduce_max3A_491 = arith.constant dense<0xFF800000> : vector<256xf32>
    %reduce_max3A_492 = vector.multi_reduction <maximumf>, %select_n3A_490, %reduce_max3A_491 [0] : vector<512x256xf32> to vector<256xf32>
    %broadcast_in_dim3A_493 = vector.shape_cast %reduce_max3A_492 : vector<256xf32> to vector<1x256xf32>
    %eq3A_494 = vector.broadcast %broadcast_in_dim3A_493 : vector<1x256xf32> to vector<512x256xf32>
    %eq3A_495 = arith.cmpf oeq, %select_n3A_490, %eq3A_494 : vector<512x256xf32>
    %jit3A_496 = arith.constant 512 : i32
    %broadcast_in_dim3A_497 = vector.broadcast %jit3A_496 : i32 to vector<512x256xi32>
    %select_n3A_498 = arith.select %eq3A_495, %iota3A, %broadcast_in_dim3A_497 : vector<512x256xi1>, vector<512x256xi32>
    %reduce_min3A_499 = arith.constant dense<2147483647> : vector<256xi32>
    %reduce_min3A_500 = vector.multi_reduction <minsi>, %select_n3A_498, %reduce_min3A_499 [0] : vector<512x256xi32> to vector<256xi32>
    %broadcast_in_dim3A_501 = vector.shape_cast %reduce_min3A_500 : vector<256xi32> to vector<1x256xi32>
    %eq3A_502 = vector.broadcast %broadcast_in_dim3A_501 : vector<1x256xi32> to vector<512x256xi32>
    %eq3A_503 = arith.cmpi eq, %iota3A, %eq3A_502 : vector<512x256xi32>
    %convert_element_type3A_504 = arith.sitofp %broadcast_in_dim3A_501 : vector<1x256xi32> to vector<1x256xf32>
    %eq3A_505 = arith.constant 16 : i32
    %eq3A_506 = vector.broadcast %eq3A_505 : i32 to vector<32x256xi32>
    %eq3A_507 = arith.cmpi eq, %iota3A_29, %eq3A_506 : vector<32x256xi32>
    %broadcast_in_dim3A_508 = vector.shape_cast %broadcast_in_dim3A_493 : vector<1x256xf32> to vector<1x256xf32>
    %broadcast_in_dim3A_509 = vector.broadcast %broadcast_in_dim3A_508 : vector<1x256xf32> to vector<32x256xf32>
    %select_n3A_510 = arith.select %eq3A_507, %broadcast_in_dim3A_509, %select_n3A_481 : vector<32x256xi1>, vector<32x256xf32>
    %eq3A_511 = arith.constant 16 : i32
    %eq3A_512 = vector.broadcast %eq3A_511 : i32 to vector<32x256xi32>
    %eq3A_513 = arith.cmpi eq, %iota3A_29, %eq3A_512 : vector<32x256xi32>
    %broadcast_in_dim3A_514 = vector.shape_cast %convert_element_type3A_504 : vector<1x256xf32> to vector<1x256xf32>
    %broadcast_in_dim3A_515 = vector.broadcast %broadcast_in_dim3A_514 : vector<1x256xf32> to vector<32x256xf32>
    %select_n3A_516 = arith.select %eq3A_513, %broadcast_in_dim3A_515, %select_n3A_487 : vector<32x256xi1>, vector<32x256xf32>
    %jit3A_517 = arith.constant 0xFF800000 : f32
    %broadcast_in_dim3A_518 = vector.broadcast %jit3A_517 : f32 to vector<512x256xf32>
    %select_n3A_519 = arith.select %eq3A_503, %broadcast_in_dim3A_518, %select_n3A_490 : vector<512x256xi1>, vector<512x256xf32>
    %reduce_max3A_520 = arith.constant dense<0xFF800000> : vector<256xf32>
    %reduce_max3A_521 = vector.multi_reduction <maximumf>, %select_n3A_519, %reduce_max3A_520 [0] : vector<512x256xf32> to vector<256xf32>
    %broadcast_in_dim3A_522 = vector.shape_cast %reduce_max3A_521 : vector<256xf32> to vector<1x256xf32>
    %eq3A_523 = vector.broadcast %broadcast_in_dim3A_522 : vector<1x256xf32> to vector<512x256xf32>
    %eq3A_524 = arith.cmpf oeq, %select_n3A_519, %eq3A_523 : vector<512x256xf32>
    %jit3A_525 = arith.constant 512 : i32
    %broadcast_in_dim3A_526 = vector.broadcast %jit3A_525 : i32 to vector<512x256xi32>
    %select_n3A_527 = arith.select %eq3A_524, %iota3A, %broadcast_in_dim3A_526 : vector<512x256xi1>, vector<512x256xi32>
    %reduce_min3A_528 = arith.constant dense<2147483647> : vector<256xi32>
    %reduce_min3A_529 = vector.multi_reduction <minsi>, %select_n3A_527, %reduce_min3A_528 [0] : vector<512x256xi32> to vector<256xi32>
    %broadcast_in_dim3A_530 = vector.shape_cast %reduce_min3A_529 : vector<256xi32> to vector<1x256xi32>
    %eq3A_531 = vector.broadcast %broadcast_in_dim3A_530 : vector<1x256xi32> to vector<512x256xi32>
    %eq3A_532 = arith.cmpi eq, %iota3A, %eq3A_531 : vector<512x256xi32>
    %convert_element_type3A_533 = arith.sitofp %broadcast_in_dim3A_530 : vector<1x256xi32> to vector<1x256xf32>
    %eq3A_534 = arith.constant 17 : i32
    %eq3A_535 = vector.broadcast %eq3A_534 : i32 to vector<32x256xi32>
    %eq3A_536 = arith.cmpi eq, %iota3A_29, %eq3A_535 : vector<32x256xi32>
    %broadcast_in_dim3A_537 = vector.shape_cast %broadcast_in_dim3A_522 : vector<1x256xf32> to vector<1x256xf32>
    %broadcast_in_dim3A_538 = vector.broadcast %broadcast_in_dim3A_537 : vector<1x256xf32> to vector<32x256xf32>
    %select_n3A_539 = arith.select %eq3A_536, %broadcast_in_dim3A_538, %select_n3A_510 : vector<32x256xi1>, vector<32x256xf32>
    %eq3A_540 = arith.constant 17 : i32
    %eq3A_541 = vector.broadcast %eq3A_540 : i32 to vector<32x256xi32>
    %eq3A_542 = arith.cmpi eq, %iota3A_29, %eq3A_541 : vector<32x256xi32>
    %broadcast_in_dim3A_543 = vector.shape_cast %convert_element_type3A_533 : vector<1x256xf32> to vector<1x256xf32>
    %broadcast_in_dim3A_544 = vector.broadcast %broadcast_in_dim3A_543 : vector<1x256xf32> to vector<32x256xf32>
    %select_n3A_545 = arith.select %eq3A_542, %broadcast_in_dim3A_544, %select_n3A_516 : vector<32x256xi1>, vector<32x256xf32>
    %jit3A_546 = arith.constant 0xFF800000 : f32
    %broadcast_in_dim3A_547 = vector.broadcast %jit3A_546 : f32 to vector<512x256xf32>
    %select_n3A_548 = arith.select %eq3A_532, %broadcast_in_dim3A_547, %select_n3A_519 : vector<512x256xi1>, vector<512x256xf32>
    %reduce_max3A_549 = arith.constant dense<0xFF800000> : vector<256xf32>
    %reduce_max3A_550 = vector.multi_reduction <maximumf>, %select_n3A_548, %reduce_max3A_549 [0] : vector<512x256xf32> to vector<256xf32>
    %broadcast_in_dim3A_551 = vector.shape_cast %reduce_max3A_550 : vector<256xf32> to vector<1x256xf32>
    %eq3A_552 = vector.broadcast %broadcast_in_dim3A_551 : vector<1x256xf32> to vector<512x256xf32>
    %eq3A_553 = arith.cmpf oeq, %select_n3A_548, %eq3A_552 : vector<512x256xf32>
    %jit3A_554 = arith.constant 512 : i32
    %broadcast_in_dim3A_555 = vector.broadcast %jit3A_554 : i32 to vector<512x256xi32>
    %select_n3A_556 = arith.select %eq3A_553, %iota3A, %broadcast_in_dim3A_555 : vector<512x256xi1>, vector<512x256xi32>
    %reduce_min3A_557 = arith.constant dense<2147483647> : vector<256xi32>
    %reduce_min3A_558 = vector.multi_reduction <minsi>, %select_n3A_556, %reduce_min3A_557 [0] : vector<512x256xi32> to vector<256xi32>
    %broadcast_in_dim3A_559 = vector.shape_cast %reduce_min3A_558 : vector<256xi32> to vector<1x256xi32>
    %eq3A_560 = vector.broadcast %broadcast_in_dim3A_559 : vector<1x256xi32> to vector<512x256xi32>
    %eq3A_561 = arith.cmpi eq, %iota3A, %eq3A_560 : vector<512x256xi32>
    %convert_element_type3A_562 = arith.sitofp %broadcast_in_dim3A_559 : vector<1x256xi32> to vector<1x256xf32>
    %eq3A_563 = arith.constant 18 : i32
    %eq3A_564 = vector.broadcast %eq3A_563 : i32 to vector<32x256xi32>
    %eq3A_565 = arith.cmpi eq, %iota3A_29, %eq3A_564 : vector<32x256xi32>
    %broadcast_in_dim3A_566 = vector.shape_cast %broadcast_in_dim3A_551 : vector<1x256xf32> to vector<1x256xf32>
    %broadcast_in_dim3A_567 = vector.broadcast %broadcast_in_dim3A_566 : vector<1x256xf32> to vector<32x256xf32>
    %select_n3A_568 = arith.select %eq3A_565, %broadcast_in_dim3A_567, %select_n3A_539 : vector<32x256xi1>, vector<32x256xf32>
    %eq3A_569 = arith.constant 18 : i32
    %eq3A_570 = vector.broadcast %eq3A_569 : i32 to vector<32x256xi32>
    %eq3A_571 = arith.cmpi eq, %iota3A_29, %eq3A_570 : vector<32x256xi32>
    %broadcast_in_dim3A_572 = vector.shape_cast %convert_element_type3A_562 : vector<1x256xf32> to vector<1x256xf32>
    %broadcast_in_dim3A_573 = vector.broadcast %broadcast_in_dim3A_572 : vector<1x256xf32> to vector<32x256xf32>
    %select_n3A_574 = arith.select %eq3A_571, %broadcast_in_dim3A_573, %select_n3A_545 : vector<32x256xi1>, vector<32x256xf32>
    %jit3A_575 = arith.constant 0xFF800000 : f32
    %broadcast_in_dim3A_576 = vector.broadcast %jit3A_575 : f32 to vector<512x256xf32>
    %select_n3A_577 = arith.select %eq3A_561, %broadcast_in_dim3A_576, %select_n3A_548 : vector<512x256xi1>, vector<512x256xf32>
    %reduce_max3A_578 = arith.constant dense<0xFF800000> : vector<256xf32>
    %reduce_max3A_579 = vector.multi_reduction <maximumf>, %select_n3A_577, %reduce_max3A_578 [0] : vector<512x256xf32> to vector<256xf32>
    %broadcast_in_dim3A_580 = vector.shape_cast %reduce_max3A_579 : vector<256xf32> to vector<1x256xf32>
    %eq3A_581 = vector.broadcast %broadcast_in_dim3A_580 : vector<1x256xf32> to vector<512x256xf32>
    %eq3A_582 = arith.cmpf oeq, %select_n3A_577, %eq3A_581 : vector<512x256xf32>
    %jit3A_583 = arith.constant 512 : i32
    %broadcast_in_dim3A_584 = vector.broadcast %jit3A_583 : i32 to vector<512x256xi32>
    %select_n3A_585 = arith.select %eq3A_582, %iota3A, %broadcast_in_dim3A_584 : vector<512x256xi1>, vector<512x256xi32>
    %reduce_min3A_586 = arith.constant dense<2147483647> : vector<256xi32>
    %reduce_min3A_587 = vector.multi_reduction <minsi>, %select_n3A_585, %reduce_min3A_586 [0] : vector<512x256xi32> to vector<256xi32>
    %broadcast_in_dim3A_588 = vector.shape_cast %reduce_min3A_587 : vector<256xi32> to vector<1x256xi32>
    %eq3A_589 = vector.broadcast %broadcast_in_dim3A_588 : vector<1x256xi32> to vector<512x256xi32>
    %eq3A_590 = arith.cmpi eq, %iota3A, %eq3A_589 : vector<512x256xi32>
    %convert_element_type3A_591 = arith.sitofp %broadcast_in_dim3A_588 : vector<1x256xi32> to vector<1x256xf32>
    %eq3A_592 = arith.constant 19 : i32
    %eq3A_593 = vector.broadcast %eq3A_592 : i32 to vector<32x256xi32>
    %eq3A_594 = arith.cmpi eq, %iota3A_29, %eq3A_593 : vector<32x256xi32>
    %broadcast_in_dim3A_595 = vector.shape_cast %broadcast_in_dim3A_580 : vector<1x256xf32> to vector<1x256xf32>
    %broadcast_in_dim3A_596 = vector.broadcast %broadcast_in_dim3A_595 : vector<1x256xf32> to vector<32x256xf32>
    %select_n3A_597 = arith.select %eq3A_594, %broadcast_in_dim3A_596, %select_n3A_568 : vector<32x256xi1>, vector<32x256xf32>
    %eq3A_598 = arith.constant 19 : i32
    %eq3A_599 = vector.broadcast %eq3A_598 : i32 to vector<32x256xi32>
    %eq3A_600 = arith.cmpi eq, %iota3A_29, %eq3A_599 : vector<32x256xi32>
    %broadcast_in_dim3A_601 = vector.shape_cast %convert_element_type3A_591 : vector<1x256xf32> to vector<1x256xf32>
    %broadcast_in_dim3A_602 = vector.broadcast %broadcast_in_dim3A_601 : vector<1x256xf32> to vector<32x256xf32>
    %select_n3A_603 = arith.select %eq3A_600, %broadcast_in_dim3A_602, %select_n3A_574 : vector<32x256xi1>, vector<32x256xf32>
    %jit3A_604 = arith.constant 0xFF800000 : f32
    %broadcast_in_dim3A_605 = vector.broadcast %jit3A_604 : f32 to vector<512x256xf32>
    %select_n3A_606 = arith.select %eq3A_590, %broadcast_in_dim3A_605, %select_n3A_577 : vector<512x256xi1>, vector<512x256xf32>
    %reduce_max3A_607 = arith.constant dense<0xFF800000> : vector<256xf32>
    %reduce_max3A_608 = vector.multi_reduction <maximumf>, %select_n3A_606, %reduce_max3A_607 [0] : vector<512x256xf32> to vector<256xf32>
    %broadcast_in_dim3A_609 = vector.shape_cast %reduce_max3A_608 : vector<256xf32> to vector<1x256xf32>
    %eq3A_610 = vector.broadcast %broadcast_in_dim3A_609 : vector<1x256xf32> to vector<512x256xf32>
    %eq3A_611 = arith.cmpf oeq, %select_n3A_606, %eq3A_610 : vector<512x256xf32>
    %jit3A_612 = arith.constant 512 : i32
    %broadcast_in_dim3A_613 = vector.broadcast %jit3A_612 : i32 to vector<512x256xi32>
    %select_n3A_614 = arith.select %eq3A_611, %iota3A, %broadcast_in_dim3A_613 : vector<512x256xi1>, vector<512x256xi32>
    %reduce_min3A_615 = arith.constant dense<2147483647> : vector<256xi32>
    %reduce_min3A_616 = vector.multi_reduction <minsi>, %select_n3A_614, %reduce_min3A_615 [0] : vector<512x256xi32> to vector<256xi32>
    %broadcast_in_dim3A_617 = vector.shape_cast %reduce_min3A_616 : vector<256xi32> to vector<1x256xi32>
    %eq3A_618 = vector.broadcast %broadcast_in_dim3A_617 : vector<1x256xi32> to vector<512x256xi32>
    %eq3A_619 = arith.cmpi eq, %iota3A, %eq3A_618 : vector<512x256xi32>
    %convert_element_type3A_620 = arith.sitofp %broadcast_in_dim3A_617 : vector<1x256xi32> to vector<1x256xf32>
    %eq3A_621 = arith.constant 20 : i32
    %eq3A_622 = vector.broadcast %eq3A_621 : i32 to vector<32x256xi32>
    %eq3A_623 = arith.cmpi eq, %iota3A_29, %eq3A_622 : vector<32x256xi32>
    %broadcast_in_dim3A_624 = vector.shape_cast %broadcast_in_dim3A_609 : vector<1x256xf32> to vector<1x256xf32>
    %broadcast_in_dim3A_625 = vector.broadcast %broadcast_in_dim3A_624 : vector<1x256xf32> to vector<32x256xf32>
    %select_n3A_626 = arith.select %eq3A_623, %broadcast_in_dim3A_625, %select_n3A_597 : vector<32x256xi1>, vector<32x256xf32>
    %eq3A_627 = arith.constant 20 : i32
    %eq3A_628 = vector.broadcast %eq3A_627 : i32 to vector<32x256xi32>
    %eq3A_629 = arith.cmpi eq, %iota3A_29, %eq3A_628 : vector<32x256xi32>
    %broadcast_in_dim3A_630 = vector.shape_cast %convert_element_type3A_620 : vector<1x256xf32> to vector<1x256xf32>
    %broadcast_in_dim3A_631 = vector.broadcast %broadcast_in_dim3A_630 : vector<1x256xf32> to vector<32x256xf32>
    %select_n3A_632 = arith.select %eq3A_629, %broadcast_in_dim3A_631, %select_n3A_603 : vector<32x256xi1>, vector<32x256xf32>
    %jit3A_633 = arith.constant 0xFF800000 : f32
    %broadcast_in_dim3A_634 = vector.broadcast %jit3A_633 : f32 to vector<512x256xf32>
    %select_n3A_635 = arith.select %eq3A_619, %broadcast_in_dim3A_634, %select_n3A_606 : vector<512x256xi1>, vector<512x256xf32>
    %reduce_max3A_636 = arith.constant dense<0xFF800000> : vector<256xf32>
    %reduce_max3A_637 = vector.multi_reduction <maximumf>, %select_n3A_635, %reduce_max3A_636 [0] : vector<512x256xf32> to vector<256xf32>
    %broadcast_in_dim3A_638 = vector.shape_cast %reduce_max3A_637 : vector<256xf32> to vector<1x256xf32>
    %eq3A_639 = vector.broadcast %broadcast_in_dim3A_638 : vector<1x256xf32> to vector<512x256xf32>
    %eq3A_640 = arith.cmpf oeq, %select_n3A_635, %eq3A_639 : vector<512x256xf32>
    %jit3A_641 = arith.constant 512 : i32
    %broadcast_in_dim3A_642 = vector.broadcast %jit3A_641 : i32 to vector<512x256xi32>
    %select_n3A_643 = arith.select %eq3A_640, %iota3A, %broadcast_in_dim3A_642 : vector<512x256xi1>, vector<512x256xi32>
    %reduce_min3A_644 = arith.constant dense<2147483647> : vector<256xi32>
    %reduce_min3A_645 = vector.multi_reduction <minsi>, %select_n3A_643, %reduce_min3A_644 [0] : vector<512x256xi32> to vector<256xi32>
    %broadcast_in_dim3A_646 = vector.shape_cast %reduce_min3A_645 : vector<256xi32> to vector<1x256xi32>
    %eq3A_647 = vector.broadcast %broadcast_in_dim3A_646 : vector<1x256xi32> to vector<512x256xi32>
    %eq3A_648 = arith.cmpi eq, %iota3A, %eq3A_647 : vector<512x256xi32>
    %convert_element_type3A_649 = arith.sitofp %broadcast_in_dim3A_646 : vector<1x256xi32> to vector<1x256xf32>
    %eq3A_650 = arith.constant 21 : i32
    %eq3A_651 = vector.broadcast %eq3A_650 : i32 to vector<32x256xi32>
    %eq3A_652 = arith.cmpi eq, %iota3A_29, %eq3A_651 : vector<32x256xi32>
    %broadcast_in_dim3A_653 = vector.shape_cast %broadcast_in_dim3A_638 : vector<1x256xf32> to vector<1x256xf32>
    %broadcast_in_dim3A_654 = vector.broadcast %broadcast_in_dim3A_653 : vector<1x256xf32> to vector<32x256xf32>
    %select_n3A_655 = arith.select %eq3A_652, %broadcast_in_dim3A_654, %select_n3A_626 : vector<32x256xi1>, vector<32x256xf32>
    %eq3A_656 = arith.constant 21 : i32
    %eq3A_657 = vector.broadcast %eq3A_656 : i32 to vector<32x256xi32>
    %eq3A_658 = arith.cmpi eq, %iota3A_29, %eq3A_657 : vector<32x256xi32>
    %broadcast_in_dim3A_659 = vector.shape_cast %convert_element_type3A_649 : vector<1x256xf32> to vector<1x256xf32>
    %broadcast_in_dim3A_660 = vector.broadcast %broadcast_in_dim3A_659 : vector<1x256xf32> to vector<32x256xf32>
    %select_n3A_661 = arith.select %eq3A_658, %broadcast_in_dim3A_660, %select_n3A_632 : vector<32x256xi1>, vector<32x256xf32>
    %jit3A_662 = arith.constant 0xFF800000 : f32
    %broadcast_in_dim3A_663 = vector.broadcast %jit3A_662 : f32 to vector<512x256xf32>
    %select_n3A_664 = arith.select %eq3A_648, %broadcast_in_dim3A_663, %select_n3A_635 : vector<512x256xi1>, vector<512x256xf32>
    %reduce_max3A_665 = arith.constant dense<0xFF800000> : vector<256xf32>
    %reduce_max3A_666 = vector.multi_reduction <maximumf>, %select_n3A_664, %reduce_max3A_665 [0] : vector<512x256xf32> to vector<256xf32>
    %broadcast_in_dim3A_667 = vector.shape_cast %reduce_max3A_666 : vector<256xf32> to vector<1x256xf32>
    %eq3A_668 = vector.broadcast %broadcast_in_dim3A_667 : vector<1x256xf32> to vector<512x256xf32>
    %eq3A_669 = arith.cmpf oeq, %select_n3A_664, %eq3A_668 : vector<512x256xf32>
    %jit3A_670 = arith.constant 512 : i32
    %broadcast_in_dim3A_671 = vector.broadcast %jit3A_670 : i32 to vector<512x256xi32>
    %select_n3A_672 = arith.select %eq3A_669, %iota3A, %broadcast_in_dim3A_671 : vector<512x256xi1>, vector<512x256xi32>
    %reduce_min3A_673 = arith.constant dense<2147483647> : vector<256xi32>
    %reduce_min3A_674 = vector.multi_reduction <minsi>, %select_n3A_672, %reduce_min3A_673 [0] : vector<512x256xi32> to vector<256xi32>
    %broadcast_in_dim3A_675 = vector.shape_cast %reduce_min3A_674 : vector<256xi32> to vector<1x256xi32>
    %eq3A_676 = vector.broadcast %broadcast_in_dim3A_675 : vector<1x256xi32> to vector<512x256xi32>
    %eq3A_677 = arith.cmpi eq, %iota3A, %eq3A_676 : vector<512x256xi32>
    %convert_element_type3A_678 = arith.sitofp %broadcast_in_dim3A_675 : vector<1x256xi32> to vector<1x256xf32>
    %eq3A_679 = arith.constant 22 : i32
    %eq3A_680 = vector.broadcast %eq3A_679 : i32 to vector<32x256xi32>
    %eq3A_681 = arith.cmpi eq, %iota3A_29, %eq3A_680 : vector<32x256xi32>
    %broadcast_in_dim3A_682 = vector.shape_cast %broadcast_in_dim3A_667 : vector<1x256xf32> to vector<1x256xf32>
    %broadcast_in_dim3A_683 = vector.broadcast %broadcast_in_dim3A_682 : vector<1x256xf32> to vector<32x256xf32>
    %select_n3A_684 = arith.select %eq3A_681, %broadcast_in_dim3A_683, %select_n3A_655 : vector<32x256xi1>, vector<32x256xf32>
    %eq3A_685 = arith.constant 22 : i32
    %eq3A_686 = vector.broadcast %eq3A_685 : i32 to vector<32x256xi32>
    %eq3A_687 = arith.cmpi eq, %iota3A_29, %eq3A_686 : vector<32x256xi32>
    %broadcast_in_dim3A_688 = vector.shape_cast %convert_element_type3A_678 : vector<1x256xf32> to vector<1x256xf32>
    %broadcast_in_dim3A_689 = vector.broadcast %broadcast_in_dim3A_688 : vector<1x256xf32> to vector<32x256xf32>
    %select_n3A_690 = arith.select %eq3A_687, %broadcast_in_dim3A_689, %select_n3A_661 : vector<32x256xi1>, vector<32x256xf32>
    %jit3A_691 = arith.constant 0xFF800000 : f32
    %broadcast_in_dim3A_692 = vector.broadcast %jit3A_691 : f32 to vector<512x256xf32>
    %select_n3A_693 = arith.select %eq3A_677, %broadcast_in_dim3A_692, %select_n3A_664 : vector<512x256xi1>, vector<512x256xf32>
    %reduce_max3A_694 = arith.constant dense<0xFF800000> : vector<256xf32>
    %reduce_max3A_695 = vector.multi_reduction <maximumf>, %select_n3A_693, %reduce_max3A_694 [0] : vector<512x256xf32> to vector<256xf32>
    %broadcast_in_dim3A_696 = vector.shape_cast %reduce_max3A_695 : vector<256xf32> to vector<1x256xf32>
    %eq3A_697 = vector.broadcast %broadcast_in_dim3A_696 : vector<1x256xf32> to vector<512x256xf32>
    %eq3A_698 = arith.cmpf oeq, %select_n3A_693, %eq3A_697 : vector<512x256xf32>
    %jit3A_699 = arith.constant 512 : i32
    %broadcast_in_dim3A_700 = vector.broadcast %jit3A_699 : i32 to vector<512x256xi32>
    %select_n3A_701 = arith.select %eq3A_698, %iota3A, %broadcast_in_dim3A_700 : vector<512x256xi1>, vector<512x256xi32>
    %reduce_min3A_702 = arith.constant dense<2147483647> : vector<256xi32>
    %reduce_min3A_703 = vector.multi_reduction <minsi>, %select_n3A_701, %reduce_min3A_702 [0] : vector<512x256xi32> to vector<256xi32>
    %broadcast_in_dim3A_704 = vector.shape_cast %reduce_min3A_703 : vector<256xi32> to vector<1x256xi32>
    %eq3A_705 = vector.broadcast %broadcast_in_dim3A_704 : vector<1x256xi32> to vector<512x256xi32>
    %eq3A_706 = arith.cmpi eq, %iota3A, %eq3A_705 : vector<512x256xi32>
    %convert_element_type3A_707 = arith.sitofp %broadcast_in_dim3A_704 : vector<1x256xi32> to vector<1x256xf32>
    %eq3A_708 = arith.constant 23 : i32
    %eq3A_709 = vector.broadcast %eq3A_708 : i32 to vector<32x256xi32>
    %eq3A_710 = arith.cmpi eq, %iota3A_29, %eq3A_709 : vector<32x256xi32>
    %broadcast_in_dim3A_711 = vector.shape_cast %broadcast_in_dim3A_696 : vector<1x256xf32> to vector<1x256xf32>
    %broadcast_in_dim3A_712 = vector.broadcast %broadcast_in_dim3A_711 : vector<1x256xf32> to vector<32x256xf32>
    %select_n3A_713 = arith.select %eq3A_710, %broadcast_in_dim3A_712, %select_n3A_684 : vector<32x256xi1>, vector<32x256xf32>
    %eq3A_714 = arith.constant 23 : i32
    %eq3A_715 = vector.broadcast %eq3A_714 : i32 to vector<32x256xi32>
    %eq3A_716 = arith.cmpi eq, %iota3A_29, %eq3A_715 : vector<32x256xi32>
    %broadcast_in_dim3A_717 = vector.shape_cast %convert_element_type3A_707 : vector<1x256xf32> to vector<1x256xf32>
    %broadcast_in_dim3A_718 = vector.broadcast %broadcast_in_dim3A_717 : vector<1x256xf32> to vector<32x256xf32>
    %select_n3A_719 = arith.select %eq3A_716, %broadcast_in_dim3A_718, %select_n3A_690 : vector<32x256xi1>, vector<32x256xf32>
    %jit3A_720 = arith.constant 0xFF800000 : f32
    %broadcast_in_dim3A_721 = vector.broadcast %jit3A_720 : f32 to vector<512x256xf32>
    %select_n3A_722 = arith.select %eq3A_706, %broadcast_in_dim3A_721, %select_n3A_693 : vector<512x256xi1>, vector<512x256xf32>
    %reduce_max3A_723 = arith.constant dense<0xFF800000> : vector<256xf32>
    %reduce_max3A_724 = vector.multi_reduction <maximumf>, %select_n3A_722, %reduce_max3A_723 [0] : vector<512x256xf32> to vector<256xf32>
    %broadcast_in_dim3A_725 = vector.shape_cast %reduce_max3A_724 : vector<256xf32> to vector<1x256xf32>
    %eq3A_726 = vector.broadcast %broadcast_in_dim3A_725 : vector<1x256xf32> to vector<512x256xf32>
    %eq3A_727 = arith.cmpf oeq, %select_n3A_722, %eq3A_726 : vector<512x256xf32>
    %jit3A_728 = arith.constant 512 : i32
    %broadcast_in_dim3A_729 = vector.broadcast %jit3A_728 : i32 to vector<512x256xi32>
    %select_n3A_730 = arith.select %eq3A_727, %iota3A, %broadcast_in_dim3A_729 : vector<512x256xi1>, vector<512x256xi32>
    %reduce_min3A_731 = arith.constant dense<2147483647> : vector<256xi32>
    %reduce_min3A_732 = vector.multi_reduction <minsi>, %select_n3A_730, %reduce_min3A_731 [0] : vector<512x256xi32> to vector<256xi32>
    %broadcast_in_dim3A_733 = vector.shape_cast %reduce_min3A_732 : vector<256xi32> to vector<1x256xi32>
    %eq3A_734 = vector.broadcast %broadcast_in_dim3A_733 : vector<1x256xi32> to vector<512x256xi32>
    %eq3A_735 = arith.cmpi eq, %iota3A, %eq3A_734 : vector<512x256xi32>
    %convert_element_type3A_736 = arith.sitofp %broadcast_in_dim3A_733 : vector<1x256xi32> to vector<1x256xf32>
    %eq3A_737 = arith.constant 24 : i32
    %eq3A_738 = vector.broadcast %eq3A_737 : i32 to vector<32x256xi32>
    %eq3A_739 = arith.cmpi eq, %iota3A_29, %eq3A_738 : vector<32x256xi32>
    %broadcast_in_dim3A_740 = vector.shape_cast %broadcast_in_dim3A_725 : vector<1x256xf32> to vector<1x256xf32>
    %broadcast_in_dim3A_741 = vector.broadcast %broadcast_in_dim3A_740 : vector<1x256xf32> to vector<32x256xf32>
    %select_n3A_742 = arith.select %eq3A_739, %broadcast_in_dim3A_741, %select_n3A_713 : vector<32x256xi1>, vector<32x256xf32>
    %eq3A_743 = arith.constant 24 : i32
    %eq3A_744 = vector.broadcast %eq3A_743 : i32 to vector<32x256xi32>
    %eq3A_745 = arith.cmpi eq, %iota3A_29, %eq3A_744 : vector<32x256xi32>
    %broadcast_in_dim3A_746 = vector.shape_cast %convert_element_type3A_736 : vector<1x256xf32> to vector<1x256xf32>
    %broadcast_in_dim3A_747 = vector.broadcast %broadcast_in_dim3A_746 : vector<1x256xf32> to vector<32x256xf32>
    %select_n3A_748 = arith.select %eq3A_745, %broadcast_in_dim3A_747, %select_n3A_719 : vector<32x256xi1>, vector<32x256xf32>
    %jit3A_749 = arith.constant 0xFF800000 : f32
    %broadcast_in_dim3A_750 = vector.broadcast %jit3A_749 : f32 to vector<512x256xf32>
    %select_n3A_751 = arith.select %eq3A_735, %broadcast_in_dim3A_750, %select_n3A_722 : vector<512x256xi1>, vector<512x256xf32>
    %reduce_max3A_752 = arith.constant dense<0xFF800000> : vector<256xf32>
    %reduce_max3A_753 = vector.multi_reduction <maximumf>, %select_n3A_751, %reduce_max3A_752 [0] : vector<512x256xf32> to vector<256xf32>
    %broadcast_in_dim3A_754 = vector.shape_cast %reduce_max3A_753 : vector<256xf32> to vector<1x256xf32>
    %eq3A_755 = vector.broadcast %broadcast_in_dim3A_754 : vector<1x256xf32> to vector<512x256xf32>
    %eq3A_756 = arith.cmpf oeq, %select_n3A_751, %eq3A_755 : vector<512x256xf32>
    %jit3A_757 = arith.constant 512 : i32
    %broadcast_in_dim3A_758 = vector.broadcast %jit3A_757 : i32 to vector<512x256xi32>
    %select_n3A_759 = arith.select %eq3A_756, %iota3A, %broadcast_in_dim3A_758 : vector<512x256xi1>, vector<512x256xi32>
    %reduce_min3A_760 = arith.constant dense<2147483647> : vector<256xi32>
    %reduce_min3A_761 = vector.multi_reduction <minsi>, %select_n3A_759, %reduce_min3A_760 [0] : vector<512x256xi32> to vector<256xi32>
    %broadcast_in_dim3A_762 = vector.shape_cast %reduce_min3A_761 : vector<256xi32> to vector<1x256xi32>
    %eq3A_763 = vector.broadcast %broadcast_in_dim3A_762 : vector<1x256xi32> to vector<512x256xi32>
    %eq3A_764 = arith.cmpi eq, %iota3A, %eq3A_763 : vector<512x256xi32>
    %convert_element_type3A_765 = arith.sitofp %broadcast_in_dim3A_762 : vector<1x256xi32> to vector<1x256xf32>
    %eq3A_766 = arith.constant 25 : i32
    %eq3A_767 = vector.broadcast %eq3A_766 : i32 to vector<32x256xi32>
    %eq3A_768 = arith.cmpi eq, %iota3A_29, %eq3A_767 : vector<32x256xi32>
    %broadcast_in_dim3A_769 = vector.shape_cast %broadcast_in_dim3A_754 : vector<1x256xf32> to vector<1x256xf32>
    %broadcast_in_dim3A_770 = vector.broadcast %broadcast_in_dim3A_769 : vector<1x256xf32> to vector<32x256xf32>
    %select_n3A_771 = arith.select %eq3A_768, %broadcast_in_dim3A_770, %select_n3A_742 : vector<32x256xi1>, vector<32x256xf32>
    %eq3A_772 = arith.constant 25 : i32
    %eq3A_773 = vector.broadcast %eq3A_772 : i32 to vector<32x256xi32>
    %eq3A_774 = arith.cmpi eq, %iota3A_29, %eq3A_773 : vector<32x256xi32>
    %broadcast_in_dim3A_775 = vector.shape_cast %convert_element_type3A_765 : vector<1x256xf32> to vector<1x256xf32>
    %broadcast_in_dim3A_776 = vector.broadcast %broadcast_in_dim3A_775 : vector<1x256xf32> to vector<32x256xf32>
    %select_n3A_777 = arith.select %eq3A_774, %broadcast_in_dim3A_776, %select_n3A_748 : vector<32x256xi1>, vector<32x256xf32>
    %jit3A_778 = arith.constant 0xFF800000 : f32
    %broadcast_in_dim3A_779 = vector.broadcast %jit3A_778 : f32 to vector<512x256xf32>
    %select_n3A_780 = arith.select %eq3A_764, %broadcast_in_dim3A_779, %select_n3A_751 : vector<512x256xi1>, vector<512x256xf32>
    %reduce_max3A_781 = arith.constant dense<0xFF800000> : vector<256xf32>
    %reduce_max3A_782 = vector.multi_reduction <maximumf>, %select_n3A_780, %reduce_max3A_781 [0] : vector<512x256xf32> to vector<256xf32>
    %broadcast_in_dim3A_783 = vector.shape_cast %reduce_max3A_782 : vector<256xf32> to vector<1x256xf32>
    %eq3A_784 = vector.broadcast %broadcast_in_dim3A_783 : vector<1x256xf32> to vector<512x256xf32>
    %eq3A_785 = arith.cmpf oeq, %select_n3A_780, %eq3A_784 : vector<512x256xf32>
    %jit3A_786 = arith.constant 512 : i32
    %broadcast_in_dim3A_787 = vector.broadcast %jit3A_786 : i32 to vector<512x256xi32>
    %select_n3A_788 = arith.select %eq3A_785, %iota3A, %broadcast_in_dim3A_787 : vector<512x256xi1>, vector<512x256xi32>
    %reduce_min3A_789 = arith.constant dense<2147483647> : vector<256xi32>
    %reduce_min3A_790 = vector.multi_reduction <minsi>, %select_n3A_788, %reduce_min3A_789 [0] : vector<512x256xi32> to vector<256xi32>
    %broadcast_in_dim3A_791 = vector.shape_cast %reduce_min3A_790 : vector<256xi32> to vector<1x256xi32>
    %eq3A_792 = vector.broadcast %broadcast_in_dim3A_791 : vector<1x256xi32> to vector<512x256xi32>
    %eq3A_793 = arith.cmpi eq, %iota3A, %eq3A_792 : vector<512x256xi32>
    %convert_element_type3A_794 = arith.sitofp %broadcast_in_dim3A_791 : vector<1x256xi32> to vector<1x256xf32>
    %eq3A_795 = arith.constant 26 : i32
    %eq3A_796 = vector.broadcast %eq3A_795 : i32 to vector<32x256xi32>
    %eq3A_797 = arith.cmpi eq, %iota3A_29, %eq3A_796 : vector<32x256xi32>
    %broadcast_in_dim3A_798 = vector.shape_cast %broadcast_in_dim3A_783 : vector<1x256xf32> to vector<1x256xf32>
    %broadcast_in_dim3A_799 = vector.broadcast %broadcast_in_dim3A_798 : vector<1x256xf32> to vector<32x256xf32>
    %select_n3A_800 = arith.select %eq3A_797, %broadcast_in_dim3A_799, %select_n3A_771 : vector<32x256xi1>, vector<32x256xf32>
    %eq3A_801 = arith.constant 26 : i32
    %eq3A_802 = vector.broadcast %eq3A_801 : i32 to vector<32x256xi32>
    %eq3A_803 = arith.cmpi eq, %iota3A_29, %eq3A_802 : vector<32x256xi32>
    %broadcast_in_dim3A_804 = vector.shape_cast %convert_element_type3A_794 : vector<1x256xf32> to vector<1x256xf32>
    %broadcast_in_dim3A_805 = vector.broadcast %broadcast_in_dim3A_804 : vector<1x256xf32> to vector<32x256xf32>
    %select_n3A_806 = arith.select %eq3A_803, %broadcast_in_dim3A_805, %select_n3A_777 : vector<32x256xi1>, vector<32x256xf32>
    %jit3A_807 = arith.constant 0xFF800000 : f32
    %broadcast_in_dim3A_808 = vector.broadcast %jit3A_807 : f32 to vector<512x256xf32>
    %select_n3A_809 = arith.select %eq3A_793, %broadcast_in_dim3A_808, %select_n3A_780 : vector<512x256xi1>, vector<512x256xf32>
    %reduce_max3A_810 = arith.constant dense<0xFF800000> : vector<256xf32>
    %reduce_max3A_811 = vector.multi_reduction <maximumf>, %select_n3A_809, %reduce_max3A_810 [0] : vector<512x256xf32> to vector<256xf32>
    %broadcast_in_dim3A_812 = vector.shape_cast %reduce_max3A_811 : vector<256xf32> to vector<1x256xf32>
    %eq3A_813 = vector.broadcast %broadcast_in_dim3A_812 : vector<1x256xf32> to vector<512x256xf32>
    %eq3A_814 = arith.cmpf oeq, %select_n3A_809, %eq3A_813 : vector<512x256xf32>
    %jit3A_815 = arith.constant 512 : i32
    %broadcast_in_dim3A_816 = vector.broadcast %jit3A_815 : i32 to vector<512x256xi32>
    %select_n3A_817 = arith.select %eq3A_814, %iota3A, %broadcast_in_dim3A_816 : vector<512x256xi1>, vector<512x256xi32>
    %reduce_min3A_818 = arith.constant dense<2147483647> : vector<256xi32>
    %reduce_min3A_819 = vector.multi_reduction <minsi>, %select_n3A_817, %reduce_min3A_818 [0] : vector<512x256xi32> to vector<256xi32>
    %broadcast_in_dim3A_820 = vector.shape_cast %reduce_min3A_819 : vector<256xi32> to vector<1x256xi32>
    %eq3A_821 = vector.broadcast %broadcast_in_dim3A_820 : vector<1x256xi32> to vector<512x256xi32>
    %eq3A_822 = arith.cmpi eq, %iota3A, %eq3A_821 : vector<512x256xi32>
    %convert_element_type3A_823 = arith.sitofp %broadcast_in_dim3A_820 : vector<1x256xi32> to vector<1x256xf32>
    %eq3A_824 = arith.constant 27 : i32
    %eq3A_825 = vector.broadcast %eq3A_824 : i32 to vector<32x256xi32>
    %eq3A_826 = arith.cmpi eq, %iota3A_29, %eq3A_825 : vector<32x256xi32>
    %broadcast_in_dim3A_827 = vector.shape_cast %broadcast_in_dim3A_812 : vector<1x256xf32> to vector<1x256xf32>
    %broadcast_in_dim3A_828 = vector.broadcast %broadcast_in_dim3A_827 : vector<1x256xf32> to vector<32x256xf32>
    %select_n3A_829 = arith.select %eq3A_826, %broadcast_in_dim3A_828, %select_n3A_800 : vector<32x256xi1>, vector<32x256xf32>
    %eq3A_830 = arith.constant 27 : i32
    %eq3A_831 = vector.broadcast %eq3A_830 : i32 to vector<32x256xi32>
    %eq3A_832 = arith.cmpi eq, %iota3A_29, %eq3A_831 : vector<32x256xi32>
    %broadcast_in_dim3A_833 = vector.shape_cast %convert_element_type3A_823 : vector<1x256xf32> to vector<1x256xf32>
    %broadcast_in_dim3A_834 = vector.broadcast %broadcast_in_dim3A_833 : vector<1x256xf32> to vector<32x256xf32>
    %select_n3A_835 = arith.select %eq3A_832, %broadcast_in_dim3A_834, %select_n3A_806 : vector<32x256xi1>, vector<32x256xf32>
    %jit3A_836 = arith.constant 0xFF800000 : f32
    %broadcast_in_dim3A_837 = vector.broadcast %jit3A_836 : f32 to vector<512x256xf32>
    %select_n3A_838 = arith.select %eq3A_822, %broadcast_in_dim3A_837, %select_n3A_809 : vector<512x256xi1>, vector<512x256xf32>
    %reduce_max3A_839 = arith.constant dense<0xFF800000> : vector<256xf32>
    %reduce_max3A_840 = vector.multi_reduction <maximumf>, %select_n3A_838, %reduce_max3A_839 [0] : vector<512x256xf32> to vector<256xf32>
    %broadcast_in_dim3A_841 = vector.shape_cast %reduce_max3A_840 : vector<256xf32> to vector<1x256xf32>
    %eq3A_842 = vector.broadcast %broadcast_in_dim3A_841 : vector<1x256xf32> to vector<512x256xf32>
    %eq3A_843 = arith.cmpf oeq, %select_n3A_838, %eq3A_842 : vector<512x256xf32>
    %jit3A_844 = arith.constant 512 : i32
    %broadcast_in_dim3A_845 = vector.broadcast %jit3A_844 : i32 to vector<512x256xi32>
    %select_n3A_846 = arith.select %eq3A_843, %iota3A, %broadcast_in_dim3A_845 : vector<512x256xi1>, vector<512x256xi32>
    %reduce_min3A_847 = arith.constant dense<2147483647> : vector<256xi32>
    %reduce_min3A_848 = vector.multi_reduction <minsi>, %select_n3A_846, %reduce_min3A_847 [0] : vector<512x256xi32> to vector<256xi32>
    %broadcast_in_dim3A_849 = vector.shape_cast %reduce_min3A_848 : vector<256xi32> to vector<1x256xi32>
    %eq3A_850 = vector.broadcast %broadcast_in_dim3A_849 : vector<1x256xi32> to vector<512x256xi32>
    %eq3A_851 = arith.cmpi eq, %iota3A, %eq3A_850 : vector<512x256xi32>
    %convert_element_type3A_852 = arith.sitofp %broadcast_in_dim3A_849 : vector<1x256xi32> to vector<1x256xf32>
    %eq3A_853 = arith.constant 28 : i32
    %eq3A_854 = vector.broadcast %eq3A_853 : i32 to vector<32x256xi32>
    %eq3A_855 = arith.cmpi eq, %iota3A_29, %eq3A_854 : vector<32x256xi32>
    %broadcast_in_dim3A_856 = vector.shape_cast %broadcast_in_dim3A_841 : vector<1x256xf32> to vector<1x256xf32>
    %broadcast_in_dim3A_857 = vector.broadcast %broadcast_in_dim3A_856 : vector<1x256xf32> to vector<32x256xf32>
    %select_n3A_858 = arith.select %eq3A_855, %broadcast_in_dim3A_857, %select_n3A_829 : vector<32x256xi1>, vector<32x256xf32>
    %eq3A_859 = arith.constant 28 : i32
    %eq3A_860 = vector.broadcast %eq3A_859 : i32 to vector<32x256xi32>
    %eq3A_861 = arith.cmpi eq, %iota3A_29, %eq3A_860 : vector<32x256xi32>
    %broadcast_in_dim3A_862 = vector.shape_cast %convert_element_type3A_852 : vector<1x256xf32> to vector<1x256xf32>
    %broadcast_in_dim3A_863 = vector.broadcast %broadcast_in_dim3A_862 : vector<1x256xf32> to vector<32x256xf32>
    %select_n3A_864 = arith.select %eq3A_861, %broadcast_in_dim3A_863, %select_n3A_835 : vector<32x256xi1>, vector<32x256xf32>
    %jit3A_865 = arith.constant 0xFF800000 : f32
    %broadcast_in_dim3A_866 = vector.broadcast %jit3A_865 : f32 to vector<512x256xf32>
    %select_n3A_867 = arith.select %eq3A_851, %broadcast_in_dim3A_866, %select_n3A_838 : vector<512x256xi1>, vector<512x256xf32>
    %reduce_max3A_868 = arith.constant dense<0xFF800000> : vector<256xf32>
    %reduce_max3A_869 = vector.multi_reduction <maximumf>, %select_n3A_867, %reduce_max3A_868 [0] : vector<512x256xf32> to vector<256xf32>
    %broadcast_in_dim3A_870 = vector.shape_cast %reduce_max3A_869 : vector<256xf32> to vector<1x256xf32>
    %eq3A_871 = vector.broadcast %broadcast_in_dim3A_870 : vector<1x256xf32> to vector<512x256xf32>
    %eq3A_872 = arith.cmpf oeq, %select_n3A_867, %eq3A_871 : vector<512x256xf32>
    %jit3A_873 = arith.constant 512 : i32
    %broadcast_in_dim3A_874 = vector.broadcast %jit3A_873 : i32 to vector<512x256xi32>
    %select_n3A_875 = arith.select %eq3A_872, %iota3A, %broadcast_in_dim3A_874 : vector<512x256xi1>, vector<512x256xi32>
    %reduce_min3A_876 = arith.constant dense<2147483647> : vector<256xi32>
    %reduce_min3A_877 = vector.multi_reduction <minsi>, %select_n3A_875, %reduce_min3A_876 [0] : vector<512x256xi32> to vector<256xi32>
    %broadcast_in_dim3A_878 = vector.shape_cast %reduce_min3A_877 : vector<256xi32> to vector<1x256xi32>
    %eq3A_879 = vector.broadcast %broadcast_in_dim3A_878 : vector<1x256xi32> to vector<512x256xi32>
    %eq3A_880 = arith.cmpi eq, %iota3A, %eq3A_879 : vector<512x256xi32>
    %convert_element_type3A_881 = arith.sitofp %broadcast_in_dim3A_878 : vector<1x256xi32> to vector<1x256xf32>
    %eq3A_882 = arith.constant 29 : i32
    %eq3A_883 = vector.broadcast %eq3A_882 : i32 to vector<32x256xi32>
    %eq3A_884 = arith.cmpi eq, %iota3A_29, %eq3A_883 : vector<32x256xi32>
    %broadcast_in_dim3A_885 = vector.shape_cast %broadcast_in_dim3A_870 : vector<1x256xf32> to vector<1x256xf32>
    %broadcast_in_dim3A_886 = vector.broadcast %broadcast_in_dim3A_885 : vector<1x256xf32> to vector<32x256xf32>
    %select_n3A_887 = arith.select %eq3A_884, %broadcast_in_dim3A_886, %select_n3A_858 : vector<32x256xi1>, vector<32x256xf32>
    %eq3A_888 = arith.constant 29 : i32
    %eq3A_889 = vector.broadcast %eq3A_888 : i32 to vector<32x256xi32>
    %eq3A_890 = arith.cmpi eq, %iota3A_29, %eq3A_889 : vector<32x256xi32>
    %broadcast_in_dim3A_891 = vector.shape_cast %convert_element_type3A_881 : vector<1x256xf32> to vector<1x256xf32>
    %broadcast_in_dim3A_892 = vector.broadcast %broadcast_in_dim3A_891 : vector<1x256xf32> to vector<32x256xf32>
    %select_n3A_893 = arith.select %eq3A_890, %broadcast_in_dim3A_892, %select_n3A_864 : vector<32x256xi1>, vector<32x256xf32>
    %jit3A_894 = arith.constant 0xFF800000 : f32
    %broadcast_in_dim3A_895 = vector.broadcast %jit3A_894 : f32 to vector<512x256xf32>
    %select_n3A_896 = arith.select %eq3A_880, %broadcast_in_dim3A_895, %select_n3A_867 : vector<512x256xi1>, vector<512x256xf32>
    %reduce_max3A_897 = arith.constant dense<0xFF800000> : vector<256xf32>
    %reduce_max3A_898 = vector.multi_reduction <maximumf>, %select_n3A_896, %reduce_max3A_897 [0] : vector<512x256xf32> to vector<256xf32>
    %broadcast_in_dim3A_899 = vector.shape_cast %reduce_max3A_898 : vector<256xf32> to vector<1x256xf32>
    %eq3A_900 = vector.broadcast %broadcast_in_dim3A_899 : vector<1x256xf32> to vector<512x256xf32>
    %eq3A_901 = arith.cmpf oeq, %select_n3A_896, %eq3A_900 : vector<512x256xf32>
    %jit3A_902 = arith.constant 512 : i32
    %broadcast_in_dim3A_903 = vector.broadcast %jit3A_902 : i32 to vector<512x256xi32>
    %select_n3A_904 = arith.select %eq3A_901, %iota3A, %broadcast_in_dim3A_903 : vector<512x256xi1>, vector<512x256xi32>
    %reduce_min3A_905 = arith.constant dense<2147483647> : vector<256xi32>
    %reduce_min3A_906 = vector.multi_reduction <minsi>, %select_n3A_904, %reduce_min3A_905 [0] : vector<512x256xi32> to vector<256xi32>
    %broadcast_in_dim3A_907 = vector.shape_cast %reduce_min3A_906 : vector<256xi32> to vector<1x256xi32>
    %eq3A_908 = vector.broadcast %broadcast_in_dim3A_907 : vector<1x256xi32> to vector<512x256xi32>
    %eq3A_909 = arith.cmpi eq, %iota3A, %eq3A_908 : vector<512x256xi32>
    %convert_element_type3A_910 = arith.sitofp %broadcast_in_dim3A_907 : vector<1x256xi32> to vector<1x256xf32>
    %eq3A_911 = arith.constant 30 : i32
    %eq3A_912 = vector.broadcast %eq3A_911 : i32 to vector<32x256xi32>
    %eq3A_913 = arith.cmpi eq, %iota3A_29, %eq3A_912 : vector<32x256xi32>
    %broadcast_in_dim3A_914 = vector.shape_cast %broadcast_in_dim3A_899 : vector<1x256xf32> to vector<1x256xf32>
    %broadcast_in_dim3A_915 = vector.broadcast %broadcast_in_dim3A_914 : vector<1x256xf32> to vector<32x256xf32>
    %select_n3A_916 = arith.select %eq3A_913, %broadcast_in_dim3A_915, %select_n3A_887 : vector<32x256xi1>, vector<32x256xf32>
    %eq3A_917 = arith.constant 30 : i32
    %eq3A_918 = vector.broadcast %eq3A_917 : i32 to vector<32x256xi32>
    %eq3A_919 = arith.cmpi eq, %iota3A_29, %eq3A_918 : vector<32x256xi32>
    %broadcast_in_dim3A_920 = vector.shape_cast %convert_element_type3A_910 : vector<1x256xf32> to vector<1x256xf32>
    %broadcast_in_dim3A_921 = vector.broadcast %broadcast_in_dim3A_920 : vector<1x256xf32> to vector<32x256xf32>
    %select_n3A_922 = arith.select %eq3A_919, %broadcast_in_dim3A_921, %select_n3A_893 : vector<32x256xi1>, vector<32x256xf32>
    %jit3A_923 = arith.constant 0xFF800000 : f32
    %broadcast_in_dim3A_924 = vector.broadcast %jit3A_923 : f32 to vector<512x256xf32>
    %select_n3A_925 = arith.select %eq3A_909, %broadcast_in_dim3A_924, %select_n3A_896 : vector<512x256xi1>, vector<512x256xf32>
    %reduce_max3A_926 = arith.constant dense<0xFF800000> : vector<256xf32>
    %reduce_max3A_927 = vector.multi_reduction <maximumf>, %select_n3A_925, %reduce_max3A_926 [0] : vector<512x256xf32> to vector<256xf32>
    %broadcast_in_dim3A_928 = vector.shape_cast %reduce_max3A_927 : vector<256xf32> to vector<1x256xf32>
    %eq3A_929 = vector.broadcast %broadcast_in_dim3A_928 : vector<1x256xf32> to vector<512x256xf32>
    %eq3A_930 = arith.cmpf oeq, %select_n3A_925, %eq3A_929 : vector<512x256xf32>
    %jit3A_931 = arith.constant 512 : i32
    %broadcast_in_dim3A_932 = vector.broadcast %jit3A_931 : i32 to vector<512x256xi32>
    %select_n3A_933 = arith.select %eq3A_930, %iota3A, %broadcast_in_dim3A_932 : vector<512x256xi1>, vector<512x256xi32>
    %reduce_min3A_934 = arith.constant dense<2147483647> : vector<256xi32>
    %reduce_min3A_935 = vector.multi_reduction <minsi>, %select_n3A_933, %reduce_min3A_934 [0] : vector<512x256xi32> to vector<256xi32>
    %broadcast_in_dim3A_936 = vector.shape_cast %reduce_min3A_935 : vector<256xi32> to vector<1x256xi32>
    %convert_element_type3A_937 = arith.sitofp %broadcast_in_dim3A_936 : vector<1x256xi32> to vector<1x256xf32>
    %eq3A_938 = arith.constant 31 : i32
    %eq3A_939 = vector.broadcast %eq3A_938 : i32 to vector<32x256xi32>
    %eq3A_940 = arith.cmpi eq, %iota3A_29, %eq3A_939 : vector<32x256xi32>
    %broadcast_in_dim3A_941 = vector.shape_cast %broadcast_in_dim3A_928 : vector<1x256xf32> to vector<1x256xf32>
    %broadcast_in_dim3A_942 = vector.broadcast %broadcast_in_dim3A_941 : vector<1x256xf32> to vector<32x256xf32>
    %select_n3A_943 = arith.select %eq3A_940, %broadcast_in_dim3A_942, %select_n3A_916 : vector<32x256xi1>, vector<32x256xf32>
    %eq3A_944 = arith.constant 31 : i32
    %eq3A_945 = vector.broadcast %eq3A_944 : i32 to vector<32x256xi32>
    %eq3A_946 = arith.cmpi eq, %iota3A_29, %eq3A_945 : vector<32x256xi32>
    %broadcast_in_dim3A_947 = vector.shape_cast %convert_element_type3A_937 : vector<1x256xf32> to vector<1x256xf32>
    %broadcast_in_dim3A_948 = vector.broadcast %broadcast_in_dim3A_947 : vector<1x256xf32> to vector<32x256xf32>
    %select_n3A_949 = arith.select %eq3A_946, %broadcast_in_dim3A_948, %select_n3A_922 : vector<32x256xi1>, vector<32x256xf32>
    %iota3A_950 = tpu.iota {dimensions = array<i32: 0>} : vector<512x256xi32>
    %iota3A_951 = tpu.iota {dimensions = array<i32: 0>} : vector<32x256xi32>
    %broadcast_in_dim3A_952 = arith.constant 0.000000e+00 : f32
    %broadcast_in_dim3A_953 = vector.broadcast %broadcast_in_dim3A_952 : f32 to vector<32x256xf32>
    %broadcast_in_dim3A_954 = arith.constant 0.000000e+00 : f32
    %broadcast_in_dim3A_955 = vector.broadcast %broadcast_in_dim3A_954 : f32 to vector<32x256xf32>
    %reduce_max3A_956 = arith.constant dense<0xFF800000> : vector<256xf32>
    %reduce_max3A_957 = vector.multi_reduction <maximumf>, %dot_general3A_28, %reduce_max3A_956 [0] : vector<512x256xf32> to vector<256xf32>
    %broadcast_in_dim3A_958 = vector.shape_cast %reduce_max3A_957 : vector<256xf32> to vector<1x256xf32>
    %eq3A_959 = vector.broadcast %broadcast_in_dim3A_958 : vector<1x256xf32> to vector<512x256xf32>
    %eq3A_960 = arith.cmpf oeq, %dot_general3A_28, %eq3A_959 : vector<512x256xf32>
    %jit3A_961 = arith.constant 512 : i32
    %broadcast_in_dim3A_962 = vector.broadcast %jit3A_961 : i32 to vector<512x256xi32>
    %select_n3A_963 = arith.select %eq3A_960, %iota3A_950, %broadcast_in_dim3A_962 : vector<512x256xi1>, vector<512x256xi32>
    %reduce_min3A_964 = arith.constant dense<2147483647> : vector<256xi32>
    %reduce_min3A_965 = vector.multi_reduction <minsi>, %select_n3A_963, %reduce_min3A_964 [0] : vector<512x256xi32> to vector<256xi32>
    %broadcast_in_dim3A_966 = vector.shape_cast %reduce_min3A_965 : vector<256xi32> to vector<1x256xi32>
    %eq3A_967 = vector.broadcast %broadcast_in_dim3A_966 : vector<1x256xi32> to vector<512x256xi32>
    %eq3A_968 = arith.cmpi eq, %iota3A_950, %eq3A_967 : vector<512x256xi32>
    %convert_element_type3A_969 = arith.sitofp %broadcast_in_dim3A_966 : vector<1x256xi32> to vector<1x256xf32>
    %eq3A_970 = arith.constant 0 : i32
    %eq3A_971 = vector.broadcast %eq3A_970 : i32 to vector<32x256xi32>
    %eq3A_972 = arith.cmpi eq, %iota3A_951, %eq3A_971 : vector<32x256xi32>
    %broadcast_in_dim3A_973 = vector.shape_cast %broadcast_in_dim3A_958 : vector<1x256xf32> to vector<1x256xf32>
    %broadcast_in_dim3A_974 = vector.broadcast %broadcast_in_dim3A_973 : vector<1x256xf32> to vector<32x256xf32>
    %select_n3A_975 = arith.select %eq3A_972, %broadcast_in_dim3A_974, %broadcast_in_dim3A_953 : vector<32x256xi1>, vector<32x256xf32>
    %eq3A_976 = arith.constant 0 : i32
    %eq3A_977 = vector.broadcast %eq3A_976 : i32 to vector<32x256xi32>
    %eq3A_978 = arith.cmpi eq, %iota3A_951, %eq3A_977 : vector<32x256xi32>
    %broadcast_in_dim3A_979 = vector.shape_cast %convert_element_type3A_969 : vector<1x256xf32> to vector<1x256xf32>
    %broadcast_in_dim3A_980 = vector.broadcast %broadcast_in_dim3A_979 : vector<1x256xf32> to vector<32x256xf32>
    %select_n3A_981 = arith.select %eq3A_978, %broadcast_in_dim3A_980, %broadcast_in_dim3A_955 : vector<32x256xi1>, vector<32x256xf32>
    %jit3A_982 = arith.constant 0xFF800000 : f32
    %broadcast_in_dim3A_983 = vector.broadcast %jit3A_982 : f32 to vector<512x256xf32>
    %select_n3A_984 = arith.select %eq3A_968, %broadcast_in_dim3A_983, %dot_general3A_28 : vector<512x256xi1>, vector<512x256xf32>
    %reduce_max3A_985 = arith.constant dense<0xFF800000> : vector<256xf32>
    %reduce_max3A_986 = vector.multi_reduction <maximumf>, %select_n3A_984, %reduce_max3A_985 [0] : vector<512x256xf32> to vector<256xf32>
    %broadcast_in_dim3A_987 = vector.shape_cast %reduce_max3A_986 : vector<256xf32> to vector<1x256xf32>
    %eq3A_988 = vector.broadcast %broadcast_in_dim3A_987 : vector<1x256xf32> to vector<512x256xf32>
    %eq3A_989 = arith.cmpf oeq, %select_n3A_984, %eq3A_988 : vector<512x256xf32>
    %jit3A_990 = arith.constant 512 : i32
    %broadcast_in_dim3A_991 = vector.broadcast %jit3A_990 : i32 to vector<512x256xi32>
    %select_n3A_992 = arith.select %eq3A_989, %iota3A_950, %broadcast_in_dim3A_991 : vector<512x256xi1>, vector<512x256xi32>
    %reduce_min3A_993 = arith.constant dense<2147483647> : vector<256xi32>
    %reduce_min3A_994 = vector.multi_reduction <minsi>, %select_n3A_992, %reduce_min3A_993 [0] : vector<512x256xi32> to vector<256xi32>
    %broadcast_in_dim3A_995 = vector.shape_cast %reduce_min3A_994 : vector<256xi32> to vector<1x256xi32>
    %eq3A_996 = vector.broadcast %broadcast_in_dim3A_995 : vector<1x256xi32> to vector<512x256xi32>
    %eq3A_997 = arith.cmpi eq, %iota3A_950, %eq3A_996 : vector<512x256xi32>
    %convert_element_type3A_998 = arith.sitofp %broadcast_in_dim3A_995 : vector<1x256xi32> to vector<1x256xf32>
    %eq3A_999 = arith.constant 1 : i32
    %eq3A_1000 = vector.broadcast %eq3A_999 : i32 to vector<32x256xi32>
    %eq3A_1001 = arith.cmpi eq, %iota3A_951, %eq3A_1000 : vector<32x256xi32>
    %broadcast_in_dim3A_1002 = vector.shape_cast %broadcast_in_dim3A_987 : vector<1x256xf32> to vector<1x256xf32>
    %broadcast_in_dim3A_1003 = vector.broadcast %broadcast_in_dim3A_1002 : vector<1x256xf32> to vector<32x256xf32>
    %select_n3A_1004 = arith.select %eq3A_1001, %broadcast_in_dim3A_1003, %select_n3A_975 : vector<32x256xi1>, vector<32x256xf32>
    %eq3A_1005 = arith.constant 1 : i32
    %eq3A_1006 = vector.broadcast %eq3A_1005 : i32 to vector<32x256xi32>
    %eq3A_1007 = arith.cmpi eq, %iota3A_951, %eq3A_1006 : vector<32x256xi32>
    %broadcast_in_dim3A_1008 = vector.shape_cast %convert_element_type3A_998 : vector<1x256xf32> to vector<1x256xf32>
    %broadcast_in_dim3A_1009 = vector.broadcast %broadcast_in_dim3A_1008 : vector<1x256xf32> to vector<32x256xf32>
    %select_n3A_1010 = arith.select %eq3A_1007, %broadcast_in_dim3A_1009, %select_n3A_981 : vector<32x256xi1>, vector<32x256xf32>
    %jit3A_1011 = arith.constant 0xFF800000 : f32
    %broadcast_in_dim3A_1012 = vector.broadcast %jit3A_1011 : f32 to vector<512x256xf32>
    %select_n3A_1013 = arith.select %eq3A_997, %broadcast_in_dim3A_1012, %select_n3A_984 : vector<512x256xi1>, vector<512x256xf32>
    %reduce_max3A_1014 = arith.constant dense<0xFF800000> : vector<256xf32>
    %reduce_max3A_1015 = vector.multi_reduction <maximumf>, %select_n3A_1013, %reduce_max3A_1014 [0] : vector<512x256xf32> to vector<256xf32>
    %broadcast_in_dim3A_1016 = vector.shape_cast %reduce_max3A_1015 : vector<256xf32> to vector<1x256xf32>
    %eq3A_1017 = vector.broadcast %broadcast_in_dim3A_1016 : vector<1x256xf32> to vector<512x256xf32>
    %eq3A_1018 = arith.cmpf oeq, %select_n3A_1013, %eq3A_1017 : vector<512x256xf32>
    %jit3A_1019 = arith.constant 512 : i32
    %broadcast_in_dim3A_1020 = vector.broadcast %jit3A_1019 : i32 to vector<512x256xi32>
    %select_n3A_1021 = arith.select %eq3A_1018, %iota3A_950, %broadcast_in_dim3A_1020 : vector<512x256xi1>, vector<512x256xi32>
    %reduce_min3A_1022 = arith.constant dense<2147483647> : vector<256xi32>
    %reduce_min3A_1023 = vector.multi_reduction <minsi>, %select_n3A_1021, %reduce_min3A_1022 [0] : vector<512x256xi32> to vector<256xi32>
    %broadcast_in_dim3A_1024 = vector.shape_cast %reduce_min3A_1023 : vector<256xi32> to vector<1x256xi32>
    %eq3A_1025 = vector.broadcast %broadcast_in_dim3A_1024 : vector<1x256xi32> to vector<512x256xi32>
    %eq3A_1026 = arith.cmpi eq, %iota3A_950, %eq3A_1025 : vector<512x256xi32>
    %convert_element_type3A_1027 = arith.sitofp %broadcast_in_dim3A_1024 : vector<1x256xi32> to vector<1x256xf32>
    %eq3A_1028 = arith.constant 2 : i32
    %eq3A_1029 = vector.broadcast %eq3A_1028 : i32 to vector<32x256xi32>
    %eq3A_1030 = arith.cmpi eq, %iota3A_951, %eq3A_1029 : vector<32x256xi32>
    %broadcast_in_dim3A_1031 = vector.shape_cast %broadcast_in_dim3A_1016 : vector<1x256xf32> to vector<1x256xf32>
    %broadcast_in_dim3A_1032 = vector.broadcast %broadcast_in_dim3A_1031 : vector<1x256xf32> to vector<32x256xf32>
    %select_n3A_1033 = arith.select %eq3A_1030, %broadcast_in_dim3A_1032, %select_n3A_1004 : vector<32x256xi1>, vector<32x256xf32>
    %eq3A_1034 = arith.constant 2 : i32
    %eq3A_1035 = vector.broadcast %eq3A_1034 : i32 to vector<32x256xi32>
    %eq3A_1036 = arith.cmpi eq, %iota3A_951, %eq3A_1035 : vector<32x256xi32>
    %broadcast_in_dim3A_1037 = vector.shape_cast %convert_element_type3A_1027 : vector<1x256xf32> to vector<1x256xf32>
    %broadcast_in_dim3A_1038 = vector.broadcast %broadcast_in_dim3A_1037 : vector<1x256xf32> to vector<32x256xf32>
    %select_n3A_1039 = arith.select %eq3A_1036, %broadcast_in_dim3A_1038, %select_n3A_1010 : vector<32x256xi1>, vector<32x256xf32>
    %jit3A_1040 = arith.constant 0xFF800000 : f32
    %broadcast_in_dim3A_1041 = vector.broadcast %jit3A_1040 : f32 to vector<512x256xf32>
    %select_n3A_1042 = arith.select %eq3A_1026, %broadcast_in_dim3A_1041, %select_n3A_1013 : vector<512x256xi1>, vector<512x256xf32>
    %reduce_max3A_1043 = arith.constant dense<0xFF800000> : vector<256xf32>
    %reduce_max3A_1044 = vector.multi_reduction <maximumf>, %select_n3A_1042, %reduce_max3A_1043 [0] : vector<512x256xf32> to vector<256xf32>
    %broadcast_in_dim3A_1045 = vector.shape_cast %reduce_max3A_1044 : vector<256xf32> to vector<1x256xf32>
    %eq3A_1046 = vector.broadcast %broadcast_in_dim3A_1045 : vector<1x256xf32> to vector<512x256xf32>
    %eq3A_1047 = arith.cmpf oeq, %select_n3A_1042, %eq3A_1046 : vector<512x256xf32>
    %jit3A_1048 = arith.constant 512 : i32
    %broadcast_in_dim3A_1049 = vector.broadcast %jit3A_1048 : i32 to vector<512x256xi32>
    %select_n3A_1050 = arith.select %eq3A_1047, %iota3A_950, %broadcast_in_dim3A_1049 : vector<512x256xi1>, vector<512x256xi32>
    %reduce_min3A_1051 = arith.constant dense<2147483647> : vector<256xi32>
    %reduce_min3A_1052 = vector.multi_reduction <minsi>, %select_n3A_1050, %reduce_min3A_1051 [0] : vector<512x256xi32> to vector<256xi32>
    %broadcast_in_dim3A_1053 = vector.shape_cast %reduce_min3A_1052 : vector<256xi32> to vector<1x256xi32>
    %eq3A_1054 = vector.broadcast %broadcast_in_dim3A_1053 : vector<1x256xi32> to vector<512x256xi32>
    %eq3A_1055 = arith.cmpi eq, %iota3A_950, %eq3A_1054 : vector<512x256xi32>
    %convert_element_type3A_1056 = arith.sitofp %broadcast_in_dim3A_1053 : vector<1x256xi32> to vector<1x256xf32>
    %eq3A_1057 = arith.constant 3 : i32
    %eq3A_1058 = vector.broadcast %eq3A_1057 : i32 to vector<32x256xi32>
    %eq3A_1059 = arith.cmpi eq, %iota3A_951, %eq3A_1058 : vector<32x256xi32>
    %broadcast_in_dim3A_1060 = vector.shape_cast %broadcast_in_dim3A_1045 : vector<1x256xf32> to vector<1x256xf32>
    %broadcast_in_dim3A_1061 = vector.broadcast %broadcast_in_dim3A_1060 : vector<1x256xf32> to vector<32x256xf32>
    %select_n3A_1062 = arith.select %eq3A_1059, %broadcast_in_dim3A_1061, %select_n3A_1033 : vector<32x256xi1>, vector<32x256xf32>
    %eq3A_1063 = arith.constant 3 : i32
    %eq3A_1064 = vector.broadcast %eq3A_1063 : i32 to vector<32x256xi32>
    %eq3A_1065 = arith.cmpi eq, %iota3A_951, %eq3A_1064 : vector<32x256xi32>
    %broadcast_in_dim3A_1066 = vector.shape_cast %convert_element_type3A_1056 : vector<1x256xf32> to vector<1x256xf32>
    %broadcast_in_dim3A_1067 = vector.broadcast %broadcast_in_dim3A_1066 : vector<1x256xf32> to vector<32x256xf32>
    %select_n3A_1068 = arith.select %eq3A_1065, %broadcast_in_dim3A_1067, %select_n3A_1039 : vector<32x256xi1>, vector<32x256xf32>
    %jit3A_1069 = arith.constant 0xFF800000 : f32
    %broadcast_in_dim3A_1070 = vector.broadcast %jit3A_1069 : f32 to vector<512x256xf32>
    %select_n3A_1071 = arith.select %eq3A_1055, %broadcast_in_dim3A_1070, %select_n3A_1042 : vector<512x256xi1>, vector<512x256xf32>
    %reduce_max3A_1072 = arith.constant dense<0xFF800000> : vector<256xf32>
    %reduce_max3A_1073 = vector.multi_reduction <maximumf>, %select_n3A_1071, %reduce_max3A_1072 [0] : vector<512x256xf32> to vector<256xf32>
    %broadcast_in_dim3A_1074 = vector.shape_cast %reduce_max3A_1073 : vector<256xf32> to vector<1x256xf32>
    %eq3A_1075 = vector.broadcast %broadcast_in_dim3A_1074 : vector<1x256xf32> to vector<512x256xf32>
    %eq3A_1076 = arith.cmpf oeq, %select_n3A_1071, %eq3A_1075 : vector<512x256xf32>
    %jit3A_1077 = arith.constant 512 : i32
    %broadcast_in_dim3A_1078 = vector.broadcast %jit3A_1077 : i32 to vector<512x256xi32>
    %select_n3A_1079 = arith.select %eq3A_1076, %iota3A_950, %broadcast_in_dim3A_1078 : vector<512x256xi1>, vector<512x256xi32>
    %reduce_min3A_1080 = arith.constant dense<2147483647> : vector<256xi32>
    %reduce_min3A_1081 = vector.multi_reduction <minsi>, %select_n3A_1079, %reduce_min3A_1080 [0] : vector<512x256xi32> to vector<256xi32>
    %broadcast_in_dim3A_1082 = vector.shape_cast %reduce_min3A_1081 : vector<256xi32> to vector<1x256xi32>
    %eq3A_1083 = vector.broadcast %broadcast_in_dim3A_1082 : vector<1x256xi32> to vector<512x256xi32>
    %eq3A_1084 = arith.cmpi eq, %iota3A_950, %eq3A_1083 : vector<512x256xi32>
    %convert_element_type3A_1085 = arith.sitofp %broadcast_in_dim3A_1082 : vector<1x256xi32> to vector<1x256xf32>
    %eq3A_1086 = arith.constant 4 : i32
    %eq3A_1087 = vector.broadcast %eq3A_1086 : i32 to vector<32x256xi32>
    %eq3A_1088 = arith.cmpi eq, %iota3A_951, %eq3A_1087 : vector<32x256xi32>
    %broadcast_in_dim3A_1089 = vector.shape_cast %broadcast_in_dim3A_1074 : vector<1x256xf32> to vector<1x256xf32>
    %broadcast_in_dim3A_1090 = vector.broadcast %broadcast_in_dim3A_1089 : vector<1x256xf32> to vector<32x256xf32>
    %select_n3A_1091 = arith.select %eq3A_1088, %broadcast_in_dim3A_1090, %select_n3A_1062 : vector<32x256xi1>, vector<32x256xf32>
    %eq3A_1092 = arith.constant 4 : i32
    %eq3A_1093 = vector.broadcast %eq3A_1092 : i32 to vector<32x256xi32>
    %eq3A_1094 = arith.cmpi eq, %iota3A_951, %eq3A_1093 : vector<32x256xi32>
    %broadcast_in_dim3A_1095 = vector.shape_cast %convert_element_type3A_1085 : vector<1x256xf32> to vector<1x256xf32>
    %broadcast_in_dim3A_1096 = vector.broadcast %broadcast_in_dim3A_1095 : vector<1x256xf32> to vector<32x256xf32>
    %select_n3A_1097 = arith.select %eq3A_1094, %broadcast_in_dim3A_1096, %select_n3A_1068 : vector<32x256xi1>, vector<32x256xf32>
    %jit3A_1098 = arith.constant 0xFF800000 : f32
    %broadcast_in_dim3A_1099 = vector.broadcast %jit3A_1098 : f32 to vector<512x256xf32>
    %select_n3A_1100 = arith.select %eq3A_1084, %broadcast_in_dim3A_1099, %select_n3A_1071 : vector<512x256xi1>, vector<512x256xf32>
    %reduce_max3A_1101 = arith.constant dense<0xFF800000> : vector<256xf32>
    %reduce_max3A_1102 = vector.multi_reduction <maximumf>, %select_n3A_1100, %reduce_max3A_1101 [0] : vector<512x256xf32> to vector<256xf32>
    %broadcast_in_dim3A_1103 = vector.shape_cast %reduce_max3A_1102 : vector<256xf32> to vector<1x256xf32>
    %eq3A_1104 = vector.broadcast %broadcast_in_dim3A_1103 : vector<1x256xf32> to vector<512x256xf32>
    %eq3A_1105 = arith.cmpf oeq, %select_n3A_1100, %eq3A_1104 : vector<512x256xf32>
    %jit3A_1106 = arith.constant 512 : i32
    %broadcast_in_dim3A_1107 = vector.broadcast %jit3A_1106 : i32 to vector<512x256xi32>
    %select_n3A_1108 = arith.select %eq3A_1105, %iota3A_950, %broadcast_in_dim3A_1107 : vector<512x256xi1>, vector<512x256xi32>
    %reduce_min3A_1109 = arith.constant dense<2147483647> : vector<256xi32>
    %reduce_min3A_1110 = vector.multi_reduction <minsi>, %select_n3A_1108, %reduce_min3A_1109 [0] : vector<512x256xi32> to vector<256xi32>
    %broadcast_in_dim3A_1111 = vector.shape_cast %reduce_min3A_1110 : vector<256xi32> to vector<1x256xi32>
    %eq3A_1112 = vector.broadcast %broadcast_in_dim3A_1111 : vector<1x256xi32> to vector<512x256xi32>
    %eq3A_1113 = arith.cmpi eq, %iota3A_950, %eq3A_1112 : vector<512x256xi32>
    %convert_element_type3A_1114 = arith.sitofp %broadcast_in_dim3A_1111 : vector<1x256xi32> to vector<1x256xf32>
    %eq3A_1115 = arith.constant 5 : i32
    %eq3A_1116 = vector.broadcast %eq3A_1115 : i32 to vector<32x256xi32>
    %eq3A_1117 = arith.cmpi eq, %iota3A_951, %eq3A_1116 : vector<32x256xi32>
    %broadcast_in_dim3A_1118 = vector.shape_cast %broadcast_in_dim3A_1103 : vector<1x256xf32> to vector<1x256xf32>
    %broadcast_in_dim3A_1119 = vector.broadcast %broadcast_in_dim3A_1118 : vector<1x256xf32> to vector<32x256xf32>
    %select_n3A_1120 = arith.select %eq3A_1117, %broadcast_in_dim3A_1119, %select_n3A_1091 : vector<32x256xi1>, vector<32x256xf32>
    %eq3A_1121 = arith.constant 5 : i32
    %eq3A_1122 = vector.broadcast %eq3A_1121 : i32 to vector<32x256xi32>
    %eq3A_1123 = arith.cmpi eq, %iota3A_951, %eq3A_1122 : vector<32x256xi32>
    %broadcast_in_dim3A_1124 = vector.shape_cast %convert_element_type3A_1114 : vector<1x256xf32> to vector<1x256xf32>
    %broadcast_in_dim3A_1125 = vector.broadcast %broadcast_in_dim3A_1124 : vector<1x256xf32> to vector<32x256xf32>
    %select_n3A_1126 = arith.select %eq3A_1123, %broadcast_in_dim3A_1125, %select_n3A_1097 : vector<32x256xi1>, vector<32x256xf32>
    %jit3A_1127 = arith.constant 0xFF800000 : f32
    %broadcast_in_dim3A_1128 = vector.broadcast %jit3A_1127 : f32 to vector<512x256xf32>
    %select_n3A_1129 = arith.select %eq3A_1113, %broadcast_in_dim3A_1128, %select_n3A_1100 : vector<512x256xi1>, vector<512x256xf32>
    %reduce_max3A_1130 = arith.constant dense<0xFF800000> : vector<256xf32>
    %reduce_max3A_1131 = vector.multi_reduction <maximumf>, %select_n3A_1129, %reduce_max3A_1130 [0] : vector<512x256xf32> to vector<256xf32>
    %broadcast_in_dim3A_1132 = vector.shape_cast %reduce_max3A_1131 : vector<256xf32> to vector<1x256xf32>
    %eq3A_1133 = vector.broadcast %broadcast_in_dim3A_1132 : vector<1x256xf32> to vector<512x256xf32>
    %eq3A_1134 = arith.cmpf oeq, %select_n3A_1129, %eq3A_1133 : vector<512x256xf32>
    %jit3A_1135 = arith.constant 512 : i32
    %broadcast_in_dim3A_1136 = vector.broadcast %jit3A_1135 : i32 to vector<512x256xi32>
    %select_n3A_1137 = arith.select %eq3A_1134, %iota3A_950, %broadcast_in_dim3A_1136 : vector<512x256xi1>, vector<512x256xi32>
    %reduce_min3A_1138 = arith.constant dense<2147483647> : vector<256xi32>
    %reduce_min3A_1139 = vector.multi_reduction <minsi>, %select_n3A_1137, %reduce_min3A_1138 [0] : vector<512x256xi32> to vector<256xi32>
    %broadcast_in_dim3A_1140 = vector.shape_cast %reduce_min3A_1139 : vector<256xi32> to vector<1x256xi32>
    %eq3A_1141 = vector.broadcast %broadcast_in_dim3A_1140 : vector<1x256xi32> to vector<512x256xi32>
    %eq3A_1142 = arith.cmpi eq, %iota3A_950, %eq3A_1141 : vector<512x256xi32>
    %convert_element_type3A_1143 = arith.sitofp %broadcast_in_dim3A_1140 : vector<1x256xi32> to vector<1x256xf32>
    %eq3A_1144 = arith.constant 6 : i32
    %eq3A_1145 = vector.broadcast %eq3A_1144 : i32 to vector<32x256xi32>
    %eq3A_1146 = arith.cmpi eq, %iota3A_951, %eq3A_1145 : vector<32x256xi32>
    %broadcast_in_dim3A_1147 = vector.shape_cast %broadcast_in_dim3A_1132 : vector<1x256xf32> to vector<1x256xf32>
    %broadcast_in_dim3A_1148 = vector.broadcast %broadcast_in_dim3A_1147 : vector<1x256xf32> to vector<32x256xf32>
    %select_n3A_1149 = arith.select %eq3A_1146, %broadcast_in_dim3A_1148, %select_n3A_1120 : vector<32x256xi1>, vector<32x256xf32>
    %eq3A_1150 = arith.constant 6 : i32
    %eq3A_1151 = vector.broadcast %eq3A_1150 : i32 to vector<32x256xi32>
    %eq3A_1152 = arith.cmpi eq, %iota3A_951, %eq3A_1151 : vector<32x256xi32>
    %broadcast_in_dim3A_1153 = vector.shape_cast %convert_element_type3A_1143 : vector<1x256xf32> to vector<1x256xf32>
    %broadcast_in_dim3A_1154 = vector.broadcast %broadcast_in_dim3A_1153 : vector<1x256xf32> to vector<32x256xf32>
    %select_n3A_1155 = arith.select %eq3A_1152, %broadcast_in_dim3A_1154, %select_n3A_1126 : vector<32x256xi1>, vector<32x256xf32>
    %jit3A_1156 = arith.constant 0xFF800000 : f32
    %broadcast_in_dim3A_1157 = vector.broadcast %jit3A_1156 : f32 to vector<512x256xf32>
    %select_n3A_1158 = arith.select %eq3A_1142, %broadcast_in_dim3A_1157, %select_n3A_1129 : vector<512x256xi1>, vector<512x256xf32>
    %reduce_max3A_1159 = arith.constant dense<0xFF800000> : vector<256xf32>
    %reduce_max3A_1160 = vector.multi_reduction <maximumf>, %select_n3A_1158, %reduce_max3A_1159 [0] : vector<512x256xf32> to vector<256xf32>
    %broadcast_in_dim3A_1161 = vector.shape_cast %reduce_max3A_1160 : vector<256xf32> to vector<1x256xf32>
    %eq3A_1162 = vector.broadcast %broadcast_in_dim3A_1161 : vector<1x256xf32> to vector<512x256xf32>
    %eq3A_1163 = arith.cmpf oeq, %select_n3A_1158, %eq3A_1162 : vector<512x256xf32>
    %jit3A_1164 = arith.constant 512 : i32
    %broadcast_in_dim3A_1165 = vector.broadcast %jit3A_1164 : i32 to vector<512x256xi32>
    %select_n3A_1166 = arith.select %eq3A_1163, %iota3A_950, %broadcast_in_dim3A_1165 : vector<512x256xi1>, vector<512x256xi32>
    %reduce_min3A_1167 = arith.constant dense<2147483647> : vector<256xi32>
    %reduce_min3A_1168 = vector.multi_reduction <minsi>, %select_n3A_1166, %reduce_min3A_1167 [0] : vector<512x256xi32> to vector<256xi32>
    %broadcast_in_dim3A_1169 = vector.shape_cast %reduce_min3A_1168 : vector<256xi32> to vector<1x256xi32>
    %eq3A_1170 = vector.broadcast %broadcast_in_dim3A_1169 : vector<1x256xi32> to vector<512x256xi32>
    %eq3A_1171 = arith.cmpi eq, %iota3A_950, %eq3A_1170 : vector<512x256xi32>
    %convert_element_type3A_1172 = arith.sitofp %broadcast_in_dim3A_1169 : vector<1x256xi32> to vector<1x256xf32>
    %eq3A_1173 = arith.constant 7 : i32
    %eq3A_1174 = vector.broadcast %eq3A_1173 : i32 to vector<32x256xi32>
    %eq3A_1175 = arith.cmpi eq, %iota3A_951, %eq3A_1174 : vector<32x256xi32>
    %broadcast_in_dim3A_1176 = vector.shape_cast %broadcast_in_dim3A_1161 : vector<1x256xf32> to vector<1x256xf32>
    %broadcast_in_dim3A_1177 = vector.broadcast %broadcast_in_dim3A_1176 : vector<1x256xf32> to vector<32x256xf32>
    %select_n3A_1178 = arith.select %eq3A_1175, %broadcast_in_dim3A_1177, %select_n3A_1149 : vector<32x256xi1>, vector<32x256xf32>
    %eq3A_1179 = arith.constant 7 : i32
    %eq3A_1180 = vector.broadcast %eq3A_1179 : i32 to vector<32x256xi32>
    %eq3A_1181 = arith.cmpi eq, %iota3A_951, %eq3A_1180 : vector<32x256xi32>
    %broadcast_in_dim3A_1182 = vector.shape_cast %convert_element_type3A_1172 : vector<1x256xf32> to vector<1x256xf32>
    %broadcast_in_dim3A_1183 = vector.broadcast %broadcast_in_dim3A_1182 : vector<1x256xf32> to vector<32x256xf32>
    %select_n3A_1184 = arith.select %eq3A_1181, %broadcast_in_dim3A_1183, %select_n3A_1155 : vector<32x256xi1>, vector<32x256xf32>
    %jit3A_1185 = arith.constant 0xFF800000 : f32
    %broadcast_in_dim3A_1186 = vector.broadcast %jit3A_1185 : f32 to vector<512x256xf32>
    %select_n3A_1187 = arith.select %eq3A_1171, %broadcast_in_dim3A_1186, %select_n3A_1158 : vector<512x256xi1>, vector<512x256xf32>
    %reduce_max3A_1188 = arith.constant dense<0xFF800000> : vector<256xf32>
    %reduce_max3A_1189 = vector.multi_reduction <maximumf>, %select_n3A_1187, %reduce_max3A_1188 [0] : vector<512x256xf32> to vector<256xf32>
    %broadcast_in_dim3A_1190 = vector.shape_cast %reduce_max3A_1189 : vector<256xf32> to vector<1x256xf32>
    %eq3A_1191 = vector.broadcast %broadcast_in_dim3A_1190 : vector<1x256xf32> to vector<512x256xf32>
    %eq3A_1192 = arith.cmpf oeq, %select_n3A_1187, %eq3A_1191 : vector<512x256xf32>
    %jit3A_1193 = arith.constant 512 : i32
    %broadcast_in_dim3A_1194 = vector.broadcast %jit3A_1193 : i32 to vector<512x256xi32>
    %select_n3A_1195 = arith.select %eq3A_1192, %iota3A_950, %broadcast_in_dim3A_1194 : vector<512x256xi1>, vector<512x256xi32>
    %reduce_min3A_1196 = arith.constant dense<2147483647> : vector<256xi32>
    %reduce_min3A_1197 = vector.multi_reduction <minsi>, %select_n3A_1195, %reduce_min3A_1196 [0] : vector<512x256xi32> to vector<256xi32>
    %broadcast_in_dim3A_1198 = vector.shape_cast %reduce_min3A_1197 : vector<256xi32> to vector<1x256xi32>
    %eq3A_1199 = vector.broadcast %broadcast_in_dim3A_1198 : vector<1x256xi32> to vector<512x256xi32>
    %eq3A_1200 = arith.cmpi eq, %iota3A_950, %eq3A_1199 : vector<512x256xi32>
    %convert_element_type3A_1201 = arith.sitofp %broadcast_in_dim3A_1198 : vector<1x256xi32> to vector<1x256xf32>
    %eq3A_1202 = arith.constant 8 : i32
    %eq3A_1203 = vector.broadcast %eq3A_1202 : i32 to vector<32x256xi32>
    %eq3A_1204 = arith.cmpi eq, %iota3A_951, %eq3A_1203 : vector<32x256xi32>
    %broadcast_in_dim3A_1205 = vector.shape_cast %broadcast_in_dim3A_1190 : vector<1x256xf32> to vector<1x256xf32>
    %broadcast_in_dim3A_1206 = vector.broadcast %broadcast_in_dim3A_1205 : vector<1x256xf32> to vector<32x256xf32>
    %select_n3A_1207 = arith.select %eq3A_1204, %broadcast_in_dim3A_1206, %select_n3A_1178 : vector<32x256xi1>, vector<32x256xf32>
    %eq3A_1208 = arith.constant 8 : i32
    %eq3A_1209 = vector.broadcast %eq3A_1208 : i32 to vector<32x256xi32>
    %eq3A_1210 = arith.cmpi eq, %iota3A_951, %eq3A_1209 : vector<32x256xi32>
    %broadcast_in_dim3A_1211 = vector.shape_cast %convert_element_type3A_1201 : vector<1x256xf32> to vector<1x256xf32>
    %broadcast_in_dim3A_1212 = vector.broadcast %broadcast_in_dim3A_1211 : vector<1x256xf32> to vector<32x256xf32>
    %select_n3A_1213 = arith.select %eq3A_1210, %broadcast_in_dim3A_1212, %select_n3A_1184 : vector<32x256xi1>, vector<32x256xf32>
    %jit3A_1214 = arith.constant 0xFF800000 : f32
    %broadcast_in_dim3A_1215 = vector.broadcast %jit3A_1214 : f32 to vector<512x256xf32>
    %select_n3A_1216 = arith.select %eq3A_1200, %broadcast_in_dim3A_1215, %select_n3A_1187 : vector<512x256xi1>, vector<512x256xf32>
    %reduce_max3A_1217 = arith.constant dense<0xFF800000> : vector<256xf32>
    %reduce_max3A_1218 = vector.multi_reduction <maximumf>, %select_n3A_1216, %reduce_max3A_1217 [0] : vector<512x256xf32> to vector<256xf32>
    %broadcast_in_dim3A_1219 = vector.shape_cast %reduce_max3A_1218 : vector<256xf32> to vector<1x256xf32>
    %eq3A_1220 = vector.broadcast %broadcast_in_dim3A_1219 : vector<1x256xf32> to vector<512x256xf32>
    %eq3A_1221 = arith.cmpf oeq, %select_n3A_1216, %eq3A_1220 : vector<512x256xf32>
    %jit3A_1222 = arith.constant 512 : i32
    %broadcast_in_dim3A_1223 = vector.broadcast %jit3A_1222 : i32 to vector<512x256xi32>
    %select_n3A_1224 = arith.select %eq3A_1221, %iota3A_950, %broadcast_in_dim3A_1223 : vector<512x256xi1>, vector<512x256xi32>
    %reduce_min3A_1225 = arith.constant dense<2147483647> : vector<256xi32>
    %reduce_min3A_1226 = vector.multi_reduction <minsi>, %select_n3A_1224, %reduce_min3A_1225 [0] : vector<512x256xi32> to vector<256xi32>
    %broadcast_in_dim3A_1227 = vector.shape_cast %reduce_min3A_1226 : vector<256xi32> to vector<1x256xi32>
    %eq3A_1228 = vector.broadcast %broadcast_in_dim3A_1227 : vector<1x256xi32> to vector<512x256xi32>
    %eq3A_1229 = arith.cmpi eq, %iota3A_950, %eq3A_1228 : vector<512x256xi32>
    %convert_element_type3A_1230 = arith.sitofp %broadcast_in_dim3A_1227 : vector<1x256xi32> to vector<1x256xf32>
    %eq3A_1231 = arith.constant 9 : i32
    %eq3A_1232 = vector.broadcast %eq3A_1231 : i32 to vector<32x256xi32>
    %eq3A_1233 = arith.cmpi eq, %iota3A_951, %eq3A_1232 : vector<32x256xi32>
    %broadcast_in_dim3A_1234 = vector.shape_cast %broadcast_in_dim3A_1219 : vector<1x256xf32> to vector<1x256xf32>
    %broadcast_in_dim3A_1235 = vector.broadcast %broadcast_in_dim3A_1234 : vector<1x256xf32> to vector<32x256xf32>
    %select_n3A_1236 = arith.select %eq3A_1233, %broadcast_in_dim3A_1235, %select_n3A_1207 : vector<32x256xi1>, vector<32x256xf32>
    %eq3A_1237 = arith.constant 9 : i32
    %eq3A_1238 = vector.broadcast %eq3A_1237 : i32 to vector<32x256xi32>
    %eq3A_1239 = arith.cmpi eq, %iota3A_951, %eq3A_1238 : vector<32x256xi32>
    %broadcast_in_dim3A_1240 = vector.shape_cast %convert_element_type3A_1230 : vector<1x256xf32> to vector<1x256xf32>
    %broadcast_in_dim3A_1241 = vector.broadcast %broadcast_in_dim3A_1240 : vector<1x256xf32> to vector<32x256xf32>
    %select_n3A_1242 = arith.select %eq3A_1239, %broadcast_in_dim3A_1241, %select_n3A_1213 : vector<32x256xi1>, vector<32x256xf32>
    %jit3A_1243 = arith.constant 0xFF800000 : f32
    %broadcast_in_dim3A_1244 = vector.broadcast %jit3A_1243 : f32 to vector<512x256xf32>
    %select_n3A_1245 = arith.select %eq3A_1229, %broadcast_in_dim3A_1244, %select_n3A_1216 : vector<512x256xi1>, vector<512x256xf32>
    %reduce_max3A_1246 = arith.constant dense<0xFF800000> : vector<256xf32>
    %reduce_max3A_1247 = vector.multi_reduction <maximumf>, %select_n3A_1245, %reduce_max3A_1246 [0] : vector<512x256xf32> to vector<256xf32>
    %broadcast_in_dim3A_1248 = vector.shape_cast %reduce_max3A_1247 : vector<256xf32> to vector<1x256xf32>
    %eq3A_1249 = vector.broadcast %broadcast_in_dim3A_1248 : vector<1x256xf32> to vector<512x256xf32>
    %eq3A_1250 = arith.cmpf oeq, %select_n3A_1245, %eq3A_1249 : vector<512x256xf32>
    %jit3A_1251 = arith.constant 512 : i32
    %broadcast_in_dim3A_1252 = vector.broadcast %jit3A_1251 : i32 to vector<512x256xi32>
    %select_n3A_1253 = arith.select %eq3A_1250, %iota3A_950, %broadcast_in_dim3A_1252 : vector<512x256xi1>, vector<512x256xi32>
    %reduce_min3A_1254 = arith.constant dense<2147483647> : vector<256xi32>
    %reduce_min3A_1255 = vector.multi_reduction <minsi>, %select_n3A_1253, %reduce_min3A_1254 [0] : vector<512x256xi32> to vector<256xi32>
    %broadcast_in_dim3A_1256 = vector.shape_cast %reduce_min3A_1255 : vector<256xi32> to vector<1x256xi32>
    %eq3A_1257 = vector.broadcast %broadcast_in_dim3A_1256 : vector<1x256xi32> to vector<512x256xi32>
    %eq3A_1258 = arith.cmpi eq, %iota3A_950, %eq3A_1257 : vector<512x256xi32>
    %convert_element_type3A_1259 = arith.sitofp %broadcast_in_dim3A_1256 : vector<1x256xi32> to vector<1x256xf32>
    %eq3A_1260 = arith.constant 10 : i32
    %eq3A_1261 = vector.broadcast %eq3A_1260 : i32 to vector<32x256xi32>
    %eq3A_1262 = arith.cmpi eq, %iota3A_951, %eq3A_1261 : vector<32x256xi32>
    %broadcast_in_dim3A_1263 = vector.shape_cast %broadcast_in_dim3A_1248 : vector<1x256xf32> to vector<1x256xf32>
    %broadcast_in_dim3A_1264 = vector.broadcast %broadcast_in_dim3A_1263 : vector<1x256xf32> to vector<32x256xf32>
    %select_n3A_1265 = arith.select %eq3A_1262, %broadcast_in_dim3A_1264, %select_n3A_1236 : vector<32x256xi1>, vector<32x256xf32>
    %eq3A_1266 = arith.constant 10 : i32
    %eq3A_1267 = vector.broadcast %eq3A_1266 : i32 to vector<32x256xi32>
    %eq3A_1268 = arith.cmpi eq, %iota3A_951, %eq3A_1267 : vector<32x256xi32>
    %broadcast_in_dim3A_1269 = vector.shape_cast %convert_element_type3A_1259 : vector<1x256xf32> to vector<1x256xf32>
    %broadcast_in_dim3A_1270 = vector.broadcast %broadcast_in_dim3A_1269 : vector<1x256xf32> to vector<32x256xf32>
    %select_n3A_1271 = arith.select %eq3A_1268, %broadcast_in_dim3A_1270, %select_n3A_1242 : vector<32x256xi1>, vector<32x256xf32>
    %jit3A_1272 = arith.constant 0xFF800000 : f32
    %broadcast_in_dim3A_1273 = vector.broadcast %jit3A_1272 : f32 to vector<512x256xf32>
    %select_n3A_1274 = arith.select %eq3A_1258, %broadcast_in_dim3A_1273, %select_n3A_1245 : vector<512x256xi1>, vector<512x256xf32>
    %reduce_max3A_1275 = arith.constant dense<0xFF800000> : vector<256xf32>
    %reduce_max3A_1276 = vector.multi_reduction <maximumf>, %select_n3A_1274, %reduce_max3A_1275 [0] : vector<512x256xf32> to vector<256xf32>
    %broadcast_in_dim3A_1277 = vector.shape_cast %reduce_max3A_1276 : vector<256xf32> to vector<1x256xf32>
    %eq3A_1278 = vector.broadcast %broadcast_in_dim3A_1277 : vector<1x256xf32> to vector<512x256xf32>
    %eq3A_1279 = arith.cmpf oeq, %select_n3A_1274, %eq3A_1278 : vector<512x256xf32>
    %jit3A_1280 = arith.constant 512 : i32
    %broadcast_in_dim3A_1281 = vector.broadcast %jit3A_1280 : i32 to vector<512x256xi32>
    %select_n3A_1282 = arith.select %eq3A_1279, %iota3A_950, %broadcast_in_dim3A_1281 : vector<512x256xi1>, vector<512x256xi32>
    %reduce_min3A_1283 = arith.constant dense<2147483647> : vector<256xi32>
    %reduce_min3A_1284 = vector.multi_reduction <minsi>, %select_n3A_1282, %reduce_min3A_1283 [0] : vector<512x256xi32> to vector<256xi32>
    %broadcast_in_dim3A_1285 = vector.shape_cast %reduce_min3A_1284 : vector<256xi32> to vector<1x256xi32>
    %eq3A_1286 = vector.broadcast %broadcast_in_dim3A_1285 : vector<1x256xi32> to vector<512x256xi32>
    %eq3A_1287 = arith.cmpi eq, %iota3A_950, %eq3A_1286 : vector<512x256xi32>
    %convert_element_type3A_1288 = arith.sitofp %broadcast_in_dim3A_1285 : vector<1x256xi32> to vector<1x256xf32>
    %eq3A_1289 = arith.constant 11 : i32
    %eq3A_1290 = vector.broadcast %eq3A_1289 : i32 to vector<32x256xi32>
    %eq3A_1291 = arith.cmpi eq, %iota3A_951, %eq3A_1290 : vector<32x256xi32>
    %broadcast_in_dim3A_1292 = vector.shape_cast %broadcast_in_dim3A_1277 : vector<1x256xf32> to vector<1x256xf32>
    %broadcast_in_dim3A_1293 = vector.broadcast %broadcast_in_dim3A_1292 : vector<1x256xf32> to vector<32x256xf32>
    %select_n3A_1294 = arith.select %eq3A_1291, %broadcast_in_dim3A_1293, %select_n3A_1265 : vector<32x256xi1>, vector<32x256xf32>
    %eq3A_1295 = arith.constant 11 : i32
    %eq3A_1296 = vector.broadcast %eq3A_1295 : i32 to vector<32x256xi32>
    %eq3A_1297 = arith.cmpi eq, %iota3A_951, %eq3A_1296 : vector<32x256xi32>
    %broadcast_in_dim3A_1298 = vector.shape_cast %convert_element_type3A_1288 : vector<1x256xf32> to vector<1x256xf32>
    %broadcast_in_dim3A_1299 = vector.broadcast %broadcast_in_dim3A_1298 : vector<1x256xf32> to vector<32x256xf32>
    %select_n3A_1300 = arith.select %eq3A_1297, %broadcast_in_dim3A_1299, %select_n3A_1271 : vector<32x256xi1>, vector<32x256xf32>
    %jit3A_1301 = arith.constant 0xFF800000 : f32
    %broadcast_in_dim3A_1302 = vector.broadcast %jit3A_1301 : f32 to vector<512x256xf32>
    %select_n3A_1303 = arith.select %eq3A_1287, %broadcast_in_dim3A_1302, %select_n3A_1274 : vector<512x256xi1>, vector<512x256xf32>
    %reduce_max3A_1304 = arith.constant dense<0xFF800000> : vector<256xf32>
    %reduce_max3A_1305 = vector.multi_reduction <maximumf>, %select_n3A_1303, %reduce_max3A_1304 [0] : vector<512x256xf32> to vector<256xf32>
    %broadcast_in_dim3A_1306 = vector.shape_cast %reduce_max3A_1305 : vector<256xf32> to vector<1x256xf32>
    %eq3A_1307 = vector.broadcast %broadcast_in_dim3A_1306 : vector<1x256xf32> to vector<512x256xf32>
    %eq3A_1308 = arith.cmpf oeq, %select_n3A_1303, %eq3A_1307 : vector<512x256xf32>
    %jit3A_1309 = arith.constant 512 : i32
    %broadcast_in_dim3A_1310 = vector.broadcast %jit3A_1309 : i32 to vector<512x256xi32>
    %select_n3A_1311 = arith.select %eq3A_1308, %iota3A_950, %broadcast_in_dim3A_1310 : vector<512x256xi1>, vector<512x256xi32>
    %reduce_min3A_1312 = arith.constant dense<2147483647> : vector<256xi32>
    %reduce_min3A_1313 = vector.multi_reduction <minsi>, %select_n3A_1311, %reduce_min3A_1312 [0] : vector<512x256xi32> to vector<256xi32>
    %broadcast_in_dim3A_1314 = vector.shape_cast %reduce_min3A_1313 : vector<256xi32> to vector<1x256xi32>
    %eq3A_1315 = vector.broadcast %broadcast_in_dim3A_1314 : vector<1x256xi32> to vector<512x256xi32>
    %eq3A_1316 = arith.cmpi eq, %iota3A_950, %eq3A_1315 : vector<512x256xi32>
    %convert_element_type3A_1317 = arith.sitofp %broadcast_in_dim3A_1314 : vector<1x256xi32> to vector<1x256xf32>
    %eq3A_1318 = arith.constant 12 : i32
    %eq3A_1319 = vector.broadcast %eq3A_1318 : i32 to vector<32x256xi32>
    %eq3A_1320 = arith.cmpi eq, %iota3A_951, %eq3A_1319 : vector<32x256xi32>
    %broadcast_in_dim3A_1321 = vector.shape_cast %broadcast_in_dim3A_1306 : vector<1x256xf32> to vector<1x256xf32>
    %broadcast_in_dim3A_1322 = vector.broadcast %broadcast_in_dim3A_1321 : vector<1x256xf32> to vector<32x256xf32>
    %select_n3A_1323 = arith.select %eq3A_1320, %broadcast_in_dim3A_1322, %select_n3A_1294 : vector<32x256xi1>, vector<32x256xf32>
    %eq3A_1324 = arith.constant 12 : i32
    %eq3A_1325 = vector.broadcast %eq3A_1324 : i32 to vector<32x256xi32>
    %eq3A_1326 = arith.cmpi eq, %iota3A_951, %eq3A_1325 : vector<32x256xi32>
    %broadcast_in_dim3A_1327 = vector.shape_cast %convert_element_type3A_1317 : vector<1x256xf32> to vector<1x256xf32>
    %broadcast_in_dim3A_1328 = vector.broadcast %broadcast_in_dim3A_1327 : vector<1x256xf32> to vector<32x256xf32>
    %select_n3A_1329 = arith.select %eq3A_1326, %broadcast_in_dim3A_1328, %select_n3A_1300 : vector<32x256xi1>, vector<32x256xf32>
    %jit3A_1330 = arith.constant 0xFF800000 : f32
    %broadcast_in_dim3A_1331 = vector.broadcast %jit3A_1330 : f32 to vector<512x256xf32>
    %select_n3A_1332 = arith.select %eq3A_1316, %broadcast_in_dim3A_1331, %select_n3A_1303 : vector<512x256xi1>, vector<512x256xf32>
    %reduce_max3A_1333 = arith.constant dense<0xFF800000> : vector<256xf32>
    %reduce_max3A_1334 = vector.multi_reduction <maximumf>, %select_n3A_1332, %reduce_max3A_1333 [0] : vector<512x256xf32> to vector<256xf32>
    %broadcast_in_dim3A_1335 = vector.shape_cast %reduce_max3A_1334 : vector<256xf32> to vector<1x256xf32>
    %eq3A_1336 = vector.broadcast %broadcast_in_dim3A_1335 : vector<1x256xf32> to vector<512x256xf32>
    %eq3A_1337 = arith.cmpf oeq, %select_n3A_1332, %eq3A_1336 : vector<512x256xf32>
    %jit3A_1338 = arith.constant 512 : i32
    %broadcast_in_dim3A_1339 = vector.broadcast %jit3A_1338 : i32 to vector<512x256xi32>
    %select_n3A_1340 = arith.select %eq3A_1337, %iota3A_950, %broadcast_in_dim3A_1339 : vector<512x256xi1>, vector<512x256xi32>
    %reduce_min3A_1341 = arith.constant dense<2147483647> : vector<256xi32>
    %reduce_min3A_1342 = vector.multi_reduction <minsi>, %select_n3A_1340, %reduce_min3A_1341 [0] : vector<512x256xi32> to vector<256xi32>
    %broadcast_in_dim3A_1343 = vector.shape_cast %reduce_min3A_1342 : vector<256xi32> to vector<1x256xi32>
    %eq3A_1344 = vector.broadcast %broadcast_in_dim3A_1343 : vector<1x256xi32> to vector<512x256xi32>
    %eq3A_1345 = arith.cmpi eq, %iota3A_950, %eq3A_1344 : vector<512x256xi32>
    %convert_element_type3A_1346 = arith.sitofp %broadcast_in_dim3A_1343 : vector<1x256xi32> to vector<1x256xf32>
    %eq3A_1347 = arith.constant 13 : i32
    %eq3A_1348 = vector.broadcast %eq3A_1347 : i32 to vector<32x256xi32>
    %eq3A_1349 = arith.cmpi eq, %iota3A_951, %eq3A_1348 : vector<32x256xi32>
    %broadcast_in_dim3A_1350 = vector.shape_cast %broadcast_in_dim3A_1335 : vector<1x256xf32> to vector<1x256xf32>
    %broadcast_in_dim3A_1351 = vector.broadcast %broadcast_in_dim3A_1350 : vector<1x256xf32> to vector<32x256xf32>
    %select_n3A_1352 = arith.select %eq3A_1349, %broadcast_in_dim3A_1351, %select_n3A_1323 : vector<32x256xi1>, vector<32x256xf32>
    %eq3A_1353 = arith.constant 13 : i32
    %eq3A_1354 = vector.broadcast %eq3A_1353 : i32 to vector<32x256xi32>
    %eq3A_1355 = arith.cmpi eq, %iota3A_951, %eq3A_1354 : vector<32x256xi32>
    %broadcast_in_dim3A_1356 = vector.shape_cast %convert_element_type3A_1346 : vector<1x256xf32> to vector<1x256xf32>
    %broadcast_in_dim3A_1357 = vector.broadcast %broadcast_in_dim3A_1356 : vector<1x256xf32> to vector<32x256xf32>
    %select_n3A_1358 = arith.select %eq3A_1355, %broadcast_in_dim3A_1357, %select_n3A_1329 : vector<32x256xi1>, vector<32x256xf32>
    %jit3A_1359 = arith.constant 0xFF800000 : f32
    %broadcast_in_dim3A_1360 = vector.broadcast %jit3A_1359 : f32 to vector<512x256xf32>
    %select_n3A_1361 = arith.select %eq3A_1345, %broadcast_in_dim3A_1360, %select_n3A_1332 : vector<512x256xi1>, vector<512x256xf32>
    %reduce_max3A_1362 = arith.constant dense<0xFF800000> : vector<256xf32>
    %reduce_max3A_1363 = vector.multi_reduction <maximumf>, %select_n3A_1361, %reduce_max3A_1362 [0] : vector<512x256xf32> to vector<256xf32>
    %broadcast_in_dim3A_1364 = vector.shape_cast %reduce_max3A_1363 : vector<256xf32> to vector<1x256xf32>
    %eq3A_1365 = vector.broadcast %broadcast_in_dim3A_1364 : vector<1x256xf32> to vector<512x256xf32>
    %eq3A_1366 = arith.cmpf oeq, %select_n3A_1361, %eq3A_1365 : vector<512x256xf32>
    %jit3A_1367 = arith.constant 512 : i32
    %broadcast_in_dim3A_1368 = vector.broadcast %jit3A_1367 : i32 to vector<512x256xi32>
    %select_n3A_1369 = arith.select %eq3A_1366, %iota3A_950, %broadcast_in_dim3A_1368 : vector<512x256xi1>, vector<512x256xi32>
    %reduce_min3A_1370 = arith.constant dense<2147483647> : vector<256xi32>
    %reduce_min3A_1371 = vector.multi_reduction <minsi>, %select_n3A_1369, %reduce_min3A_1370 [0] : vector<512x256xi32> to vector<256xi32>
    %broadcast_in_dim3A_1372 = vector.shape_cast %reduce_min3A_1371 : vector<256xi32> to vector<1x256xi32>
    %eq3A_1373 = vector.broadcast %broadcast_in_dim3A_1372 : vector<1x256xi32> to vector<512x256xi32>
    %eq3A_1374 = arith.cmpi eq, %iota3A_950, %eq3A_1373 : vector<512x256xi32>
    %convert_element_type3A_1375 = arith.sitofp %broadcast_in_dim3A_1372 : vector<1x256xi32> to vector<1x256xf32>
    %eq3A_1376 = arith.constant 14 : i32
    %eq3A_1377 = vector.broadcast %eq3A_1376 : i32 to vector<32x256xi32>
    %eq3A_1378 = arith.cmpi eq, %iota3A_951, %eq3A_1377 : vector<32x256xi32>
    %broadcast_in_dim3A_1379 = vector.shape_cast %broadcast_in_dim3A_1364 : vector<1x256xf32> to vector<1x256xf32>
    %broadcast_in_dim3A_1380 = vector.broadcast %broadcast_in_dim3A_1379 : vector<1x256xf32> to vector<32x256xf32>
    %select_n3A_1381 = arith.select %eq3A_1378, %broadcast_in_dim3A_1380, %select_n3A_1352 : vector<32x256xi1>, vector<32x256xf32>
    %eq3A_1382 = arith.constant 14 : i32
    %eq3A_1383 = vector.broadcast %eq3A_1382 : i32 to vector<32x256xi32>
    %eq3A_1384 = arith.cmpi eq, %iota3A_951, %eq3A_1383 : vector<32x256xi32>
    %broadcast_in_dim3A_1385 = vector.shape_cast %convert_element_type3A_1375 : vector<1x256xf32> to vector<1x256xf32>
    %broadcast_in_dim3A_1386 = vector.broadcast %broadcast_in_dim3A_1385 : vector<1x256xf32> to vector<32x256xf32>
    %select_n3A_1387 = arith.select %eq3A_1384, %broadcast_in_dim3A_1386, %select_n3A_1358 : vector<32x256xi1>, vector<32x256xf32>
    %jit3A_1388 = arith.constant 0xFF800000 : f32
    %broadcast_in_dim3A_1389 = vector.broadcast %jit3A_1388 : f32 to vector<512x256xf32>
    %select_n3A_1390 = arith.select %eq3A_1374, %broadcast_in_dim3A_1389, %select_n3A_1361 : vector<512x256xi1>, vector<512x256xf32>
    %reduce_max3A_1391 = arith.constant dense<0xFF800000> : vector<256xf32>
    %reduce_max3A_1392 = vector.multi_reduction <maximumf>, %select_n3A_1390, %reduce_max3A_1391 [0] : vector<512x256xf32> to vector<256xf32>
    %broadcast_in_dim3A_1393 = vector.shape_cast %reduce_max3A_1392 : vector<256xf32> to vector<1x256xf32>
    %eq3A_1394 = vector.broadcast %broadcast_in_dim3A_1393 : vector<1x256xf32> to vector<512x256xf32>
    %eq3A_1395 = arith.cmpf oeq, %select_n3A_1390, %eq3A_1394 : vector<512x256xf32>
    %jit3A_1396 = arith.constant 512 : i32
    %broadcast_in_dim3A_1397 = vector.broadcast %jit3A_1396 : i32 to vector<512x256xi32>
    %select_n3A_1398 = arith.select %eq3A_1395, %iota3A_950, %broadcast_in_dim3A_1397 : vector<512x256xi1>, vector<512x256xi32>
    %reduce_min3A_1399 = arith.constant dense<2147483647> : vector<256xi32>
    %reduce_min3A_1400 = vector.multi_reduction <minsi>, %select_n3A_1398, %reduce_min3A_1399 [0] : vector<512x256xi32> to vector<256xi32>
    %broadcast_in_dim3A_1401 = vector.shape_cast %reduce_min3A_1400 : vector<256xi32> to vector<1x256xi32>
    %eq3A_1402 = vector.broadcast %broadcast_in_dim3A_1401 : vector<1x256xi32> to vector<512x256xi32>
    %eq3A_1403 = arith.cmpi eq, %iota3A_950, %eq3A_1402 : vector<512x256xi32>
    %convert_element_type3A_1404 = arith.sitofp %broadcast_in_dim3A_1401 : vector<1x256xi32> to vector<1x256xf32>
    %eq3A_1405 = arith.constant 15 : i32
    %eq3A_1406 = vector.broadcast %eq3A_1405 : i32 to vector<32x256xi32>
    %eq3A_1407 = arith.cmpi eq, %iota3A_951, %eq3A_1406 : vector<32x256xi32>
    %broadcast_in_dim3A_1408 = vector.shape_cast %broadcast_in_dim3A_1393 : vector<1x256xf32> to vector<1x256xf32>
    %broadcast_in_dim3A_1409 = vector.broadcast %broadcast_in_dim3A_1408 : vector<1x256xf32> to vector<32x256xf32>
    %select_n3A_1410 = arith.select %eq3A_1407, %broadcast_in_dim3A_1409, %select_n3A_1381 : vector<32x256xi1>, vector<32x256xf32>
    %eq3A_1411 = arith.constant 15 : i32
    %eq3A_1412 = vector.broadcast %eq3A_1411 : i32 to vector<32x256xi32>
    %eq3A_1413 = arith.cmpi eq, %iota3A_951, %eq3A_1412 : vector<32x256xi32>
    %broadcast_in_dim3A_1414 = vector.shape_cast %convert_element_type3A_1404 : vector<1x256xf32> to vector<1x256xf32>
    %broadcast_in_dim3A_1415 = vector.broadcast %broadcast_in_dim3A_1414 : vector<1x256xf32> to vector<32x256xf32>
    %select_n3A_1416 = arith.select %eq3A_1413, %broadcast_in_dim3A_1415, %select_n3A_1387 : vector<32x256xi1>, vector<32x256xf32>
    %jit3A_1417 = arith.constant 0xFF800000 : f32
    %broadcast_in_dim3A_1418 = vector.broadcast %jit3A_1417 : f32 to vector<512x256xf32>
    %select_n3A_1419 = arith.select %eq3A_1403, %broadcast_in_dim3A_1418, %select_n3A_1390 : vector<512x256xi1>, vector<512x256xf32>
    %reduce_max3A_1420 = arith.constant dense<0xFF800000> : vector<256xf32>
    %reduce_max3A_1421 = vector.multi_reduction <maximumf>, %select_n3A_1419, %reduce_max3A_1420 [0] : vector<512x256xf32> to vector<256xf32>
    %broadcast_in_dim3A_1422 = vector.shape_cast %reduce_max3A_1421 : vector<256xf32> to vector<1x256xf32>
    %eq3A_1423 = vector.broadcast %broadcast_in_dim3A_1422 : vector<1x256xf32> to vector<512x256xf32>
    %eq3A_1424 = arith.cmpf oeq, %select_n3A_1419, %eq3A_1423 : vector<512x256xf32>
    %jit3A_1425 = arith.constant 512 : i32
    %broadcast_in_dim3A_1426 = vector.broadcast %jit3A_1425 : i32 to vector<512x256xi32>
    %select_n3A_1427 = arith.select %eq3A_1424, %iota3A_950, %broadcast_in_dim3A_1426 : vector<512x256xi1>, vector<512x256xi32>
    %reduce_min3A_1428 = arith.constant dense<2147483647> : vector<256xi32>
    %reduce_min3A_1429 = vector.multi_reduction <minsi>, %select_n3A_1427, %reduce_min3A_1428 [0] : vector<512x256xi32> to vector<256xi32>
    %broadcast_in_dim3A_1430 = vector.shape_cast %reduce_min3A_1429 : vector<256xi32> to vector<1x256xi32>
    %eq3A_1431 = vector.broadcast %broadcast_in_dim3A_1430 : vector<1x256xi32> to vector<512x256xi32>
    %eq3A_1432 = arith.cmpi eq, %iota3A_950, %eq3A_1431 : vector<512x256xi32>
    %convert_element_type3A_1433 = arith.sitofp %broadcast_in_dim3A_1430 : vector<1x256xi32> to vector<1x256xf32>
    %eq3A_1434 = arith.constant 16 : i32
    %eq3A_1435 = vector.broadcast %eq3A_1434 : i32 to vector<32x256xi32>
    %eq3A_1436 = arith.cmpi eq, %iota3A_951, %eq3A_1435 : vector<32x256xi32>
    %broadcast_in_dim3A_1437 = vector.shape_cast %broadcast_in_dim3A_1422 : vector<1x256xf32> to vector<1x256xf32>
    %broadcast_in_dim3A_1438 = vector.broadcast %broadcast_in_dim3A_1437 : vector<1x256xf32> to vector<32x256xf32>
    %select_n3A_1439 = arith.select %eq3A_1436, %broadcast_in_dim3A_1438, %select_n3A_1410 : vector<32x256xi1>, vector<32x256xf32>
    %eq3A_1440 = arith.constant 16 : i32
    %eq3A_1441 = vector.broadcast %eq3A_1440 : i32 to vector<32x256xi32>
    %eq3A_1442 = arith.cmpi eq, %iota3A_951, %eq3A_1441 : vector<32x256xi32>
    %broadcast_in_dim3A_1443 = vector.shape_cast %convert_element_type3A_1433 : vector<1x256xf32> to vector<1x256xf32>
    %broadcast_in_dim3A_1444 = vector.broadcast %broadcast_in_dim3A_1443 : vector<1x256xf32> to vector<32x256xf32>
    %select_n3A_1445 = arith.select %eq3A_1442, %broadcast_in_dim3A_1444, %select_n3A_1416 : vector<32x256xi1>, vector<32x256xf32>
    %jit3A_1446 = arith.constant 0xFF800000 : f32
    %broadcast_in_dim3A_1447 = vector.broadcast %jit3A_1446 : f32 to vector<512x256xf32>
    %select_n3A_1448 = arith.select %eq3A_1432, %broadcast_in_dim3A_1447, %select_n3A_1419 : vector<512x256xi1>, vector<512x256xf32>
    %reduce_max3A_1449 = arith.constant dense<0xFF800000> : vector<256xf32>
    %reduce_max3A_1450 = vector.multi_reduction <maximumf>, %select_n3A_1448, %reduce_max3A_1449 [0] : vector<512x256xf32> to vector<256xf32>
    %broadcast_in_dim3A_1451 = vector.shape_cast %reduce_max3A_1450 : vector<256xf32> to vector<1x256xf32>
    %eq3A_1452 = vector.broadcast %broadcast_in_dim3A_1451 : vector<1x256xf32> to vector<512x256xf32>
    %eq3A_1453 = arith.cmpf oeq, %select_n3A_1448, %eq3A_1452 : vector<512x256xf32>
    %jit3A_1454 = arith.constant 512 : i32
    %broadcast_in_dim3A_1455 = vector.broadcast %jit3A_1454 : i32 to vector<512x256xi32>
    %select_n3A_1456 = arith.select %eq3A_1453, %iota3A_950, %broadcast_in_dim3A_1455 : vector<512x256xi1>, vector<512x256xi32>
    %reduce_min3A_1457 = arith.constant dense<2147483647> : vector<256xi32>
    %reduce_min3A_1458 = vector.multi_reduction <minsi>, %select_n3A_1456, %reduce_min3A_1457 [0] : vector<512x256xi32> to vector<256xi32>
    %broadcast_in_dim3A_1459 = vector.shape_cast %reduce_min3A_1458 : vector<256xi32> to vector<1x256xi32>
    %eq3A_1460 = vector.broadcast %broadcast_in_dim3A_1459 : vector<1x256xi32> to vector<512x256xi32>
    %eq3A_1461 = arith.cmpi eq, %iota3A_950, %eq3A_1460 : vector<512x256xi32>
    %convert_element_type3A_1462 = arith.sitofp %broadcast_in_dim3A_1459 : vector<1x256xi32> to vector<1x256xf32>
    %eq3A_1463 = arith.constant 17 : i32
    %eq3A_1464 = vector.broadcast %eq3A_1463 : i32 to vector<32x256xi32>
    %eq3A_1465 = arith.cmpi eq, %iota3A_951, %eq3A_1464 : vector<32x256xi32>
    %broadcast_in_dim3A_1466 = vector.shape_cast %broadcast_in_dim3A_1451 : vector<1x256xf32> to vector<1x256xf32>
    %broadcast_in_dim3A_1467 = vector.broadcast %broadcast_in_dim3A_1466 : vector<1x256xf32> to vector<32x256xf32>
    %select_n3A_1468 = arith.select %eq3A_1465, %broadcast_in_dim3A_1467, %select_n3A_1439 : vector<32x256xi1>, vector<32x256xf32>
    %eq3A_1469 = arith.constant 17 : i32
    %eq3A_1470 = vector.broadcast %eq3A_1469 : i32 to vector<32x256xi32>
    %eq3A_1471 = arith.cmpi eq, %iota3A_951, %eq3A_1470 : vector<32x256xi32>
    %broadcast_in_dim3A_1472 = vector.shape_cast %convert_element_type3A_1462 : vector<1x256xf32> to vector<1x256xf32>
    %broadcast_in_dim3A_1473 = vector.broadcast %broadcast_in_dim3A_1472 : vector<1x256xf32> to vector<32x256xf32>
    %select_n3A_1474 = arith.select %eq3A_1471, %broadcast_in_dim3A_1473, %select_n3A_1445 : vector<32x256xi1>, vector<32x256xf32>
    %jit3A_1475 = arith.constant 0xFF800000 : f32
    %broadcast_in_dim3A_1476 = vector.broadcast %jit3A_1475 : f32 to vector<512x256xf32>
    %select_n3A_1477 = arith.select %eq3A_1461, %broadcast_in_dim3A_1476, %select_n3A_1448 : vector<512x256xi1>, vector<512x256xf32>
    %reduce_max3A_1478 = arith.constant dense<0xFF800000> : vector<256xf32>
    %reduce_max3A_1479 = vector.multi_reduction <maximumf>, %select_n3A_1477, %reduce_max3A_1478 [0] : vector<512x256xf32> to vector<256xf32>
    %broadcast_in_dim3A_1480 = vector.shape_cast %reduce_max3A_1479 : vector<256xf32> to vector<1x256xf32>
    %eq3A_1481 = vector.broadcast %broadcast_in_dim3A_1480 : vector<1x256xf32> to vector<512x256xf32>
    %eq3A_1482 = arith.cmpf oeq, %select_n3A_1477, %eq3A_1481 : vector<512x256xf32>
    %jit3A_1483 = arith.constant 512 : i32
    %broadcast_in_dim3A_1484 = vector.broadcast %jit3A_1483 : i32 to vector<512x256xi32>
    %select_n3A_1485 = arith.select %eq3A_1482, %iota3A_950, %broadcast_in_dim3A_1484 : vector<512x256xi1>, vector<512x256xi32>
    %reduce_min3A_1486 = arith.constant dense<2147483647> : vector<256xi32>
    %reduce_min3A_1487 = vector.multi_reduction <minsi>, %select_n3A_1485, %reduce_min3A_1486 [0] : vector<512x256xi32> to vector<256xi32>
    %broadcast_in_dim3A_1488 = vector.shape_cast %reduce_min3A_1487 : vector<256xi32> to vector<1x256xi32>
    %eq3A_1489 = vector.broadcast %broadcast_in_dim3A_1488 : vector<1x256xi32> to vector<512x256xi32>
    %eq3A_1490 = arith.cmpi eq, %iota3A_950, %eq3A_1489 : vector<512x256xi32>
    %convert_element_type3A_1491 = arith.sitofp %broadcast_in_dim3A_1488 : vector<1x256xi32> to vector<1x256xf32>
    %eq3A_1492 = arith.constant 18 : i32
    %eq3A_1493 = vector.broadcast %eq3A_1492 : i32 to vector<32x256xi32>
    %eq3A_1494 = arith.cmpi eq, %iota3A_951, %eq3A_1493 : vector<32x256xi32>
    %broadcast_in_dim3A_1495 = vector.shape_cast %broadcast_in_dim3A_1480 : vector<1x256xf32> to vector<1x256xf32>
    %broadcast_in_dim3A_1496 = vector.broadcast %broadcast_in_dim3A_1495 : vector<1x256xf32> to vector<32x256xf32>
    %select_n3A_1497 = arith.select %eq3A_1494, %broadcast_in_dim3A_1496, %select_n3A_1468 : vector<32x256xi1>, vector<32x256xf32>
    %eq3A_1498 = arith.constant 18 : i32
    %eq3A_1499 = vector.broadcast %eq3A_1498 : i32 to vector<32x256xi32>
    %eq3A_1500 = arith.cmpi eq, %iota3A_951, %eq3A_1499 : vector<32x256xi32>
    %broadcast_in_dim3A_1501 = vector.shape_cast %convert_element_type3A_1491 : vector<1x256xf32> to vector<1x256xf32>
    %broadcast_in_dim3A_1502 = vector.broadcast %broadcast_in_dim3A_1501 : vector<1x256xf32> to vector<32x256xf32>
    %select_n3A_1503 = arith.select %eq3A_1500, %broadcast_in_dim3A_1502, %select_n3A_1474 : vector<32x256xi1>, vector<32x256xf32>
    %jit3A_1504 = arith.constant 0xFF800000 : f32
    %broadcast_in_dim3A_1505 = vector.broadcast %jit3A_1504 : f32 to vector<512x256xf32>
    %select_n3A_1506 = arith.select %eq3A_1490, %broadcast_in_dim3A_1505, %select_n3A_1477 : vector<512x256xi1>, vector<512x256xf32>
    %reduce_max3A_1507 = arith.constant dense<0xFF800000> : vector<256xf32>
    %reduce_max3A_1508 = vector.multi_reduction <maximumf>, %select_n3A_1506, %reduce_max3A_1507 [0] : vector<512x256xf32> to vector<256xf32>
    %broadcast_in_dim3A_1509 = vector.shape_cast %reduce_max3A_1508 : vector<256xf32> to vector<1x256xf32>
    %eq3A_1510 = vector.broadcast %broadcast_in_dim3A_1509 : vector<1x256xf32> to vector<512x256xf32>
    %eq3A_1511 = arith.cmpf oeq, %select_n3A_1506, %eq3A_1510 : vector<512x256xf32>
    %jit3A_1512 = arith.constant 512 : i32
    %broadcast_in_dim3A_1513 = vector.broadcast %jit3A_1512 : i32 to vector<512x256xi32>
    %select_n3A_1514 = arith.select %eq3A_1511, %iota3A_950, %broadcast_in_dim3A_1513 : vector<512x256xi1>, vector<512x256xi32>
    %reduce_min3A_1515 = arith.constant dense<2147483647> : vector<256xi32>
    %reduce_min3A_1516 = vector.multi_reduction <minsi>, %select_n3A_1514, %reduce_min3A_1515 [0] : vector<512x256xi32> to vector<256xi32>
    %broadcast_in_dim3A_1517 = vector.shape_cast %reduce_min3A_1516 : vector<256xi32> to vector<1x256xi32>
    %eq3A_1518 = vector.broadcast %broadcast_in_dim3A_1517 : vector<1x256xi32> to vector<512x256xi32>
    %eq3A_1519 = arith.cmpi eq, %iota3A_950, %eq3A_1518 : vector<512x256xi32>
    %convert_element_type3A_1520 = arith.sitofp %broadcast_in_dim3A_1517 : vector<1x256xi32> to vector<1x256xf32>
    %eq3A_1521 = arith.constant 19 : i32
    %eq3A_1522 = vector.broadcast %eq3A_1521 : i32 to vector<32x256xi32>
    %eq3A_1523 = arith.cmpi eq, %iota3A_951, %eq3A_1522 : vector<32x256xi32>
    %broadcast_in_dim3A_1524 = vector.shape_cast %broadcast_in_dim3A_1509 : vector<1x256xf32> to vector<1x256xf32>
    %broadcast_in_dim3A_1525 = vector.broadcast %broadcast_in_dim3A_1524 : vector<1x256xf32> to vector<32x256xf32>
    %select_n3A_1526 = arith.select %eq3A_1523, %broadcast_in_dim3A_1525, %select_n3A_1497 : vector<32x256xi1>, vector<32x256xf32>
    %eq3A_1527 = arith.constant 19 : i32
    %eq3A_1528 = vector.broadcast %eq3A_1527 : i32 to vector<32x256xi32>
    %eq3A_1529 = arith.cmpi eq, %iota3A_951, %eq3A_1528 : vector<32x256xi32>
    %broadcast_in_dim3A_1530 = vector.shape_cast %convert_element_type3A_1520 : vector<1x256xf32> to vector<1x256xf32>
    %broadcast_in_dim3A_1531 = vector.broadcast %broadcast_in_dim3A_1530 : vector<1x256xf32> to vector<32x256xf32>
    %select_n3A_1532 = arith.select %eq3A_1529, %broadcast_in_dim3A_1531, %select_n3A_1503 : vector<32x256xi1>, vector<32x256xf32>
    %jit3A_1533 = arith.constant 0xFF800000 : f32
    %broadcast_in_dim3A_1534 = vector.broadcast %jit3A_1533 : f32 to vector<512x256xf32>
    %select_n3A_1535 = arith.select %eq3A_1519, %broadcast_in_dim3A_1534, %select_n3A_1506 : vector<512x256xi1>, vector<512x256xf32>
    %reduce_max3A_1536 = arith.constant dense<0xFF800000> : vector<256xf32>
    %reduce_max3A_1537 = vector.multi_reduction <maximumf>, %select_n3A_1535, %reduce_max3A_1536 [0] : vector<512x256xf32> to vector<256xf32>
    %broadcast_in_dim3A_1538 = vector.shape_cast %reduce_max3A_1537 : vector<256xf32> to vector<1x256xf32>
    %eq3A_1539 = vector.broadcast %broadcast_in_dim3A_1538 : vector<1x256xf32> to vector<512x256xf32>
    %eq3A_1540 = arith.cmpf oeq, %select_n3A_1535, %eq3A_1539 : vector<512x256xf32>
    %jit3A_1541 = arith.constant 512 : i32
    %broadcast_in_dim3A_1542 = vector.broadcast %jit3A_1541 : i32 to vector<512x256xi32>
    %select_n3A_1543 = arith.select %eq3A_1540, %iota3A_950, %broadcast_in_dim3A_1542 : vector<512x256xi1>, vector<512x256xi32>
    %reduce_min3A_1544 = arith.constant dense<2147483647> : vector<256xi32>
    %reduce_min3A_1545 = vector.multi_reduction <minsi>, %select_n3A_1543, %reduce_min3A_1544 [0] : vector<512x256xi32> to vector<256xi32>
    %broadcast_in_dim3A_1546 = vector.shape_cast %reduce_min3A_1545 : vector<256xi32> to vector<1x256xi32>
    %eq3A_1547 = vector.broadcast %broadcast_in_dim3A_1546 : vector<1x256xi32> to vector<512x256xi32>
    %eq3A_1548 = arith.cmpi eq, %iota3A_950, %eq3A_1547 : vector<512x256xi32>
    %convert_element_type3A_1549 = arith.sitofp %broadcast_in_dim3A_1546 : vector<1x256xi32> to vector<1x256xf32>
    %eq3A_1550 = arith.constant 20 : i32
    %eq3A_1551 = vector.broadcast %eq3A_1550 : i32 to vector<32x256xi32>
    %eq3A_1552 = arith.cmpi eq, %iota3A_951, %eq3A_1551 : vector<32x256xi32>
    %broadcast_in_dim3A_1553 = vector.shape_cast %broadcast_in_dim3A_1538 : vector<1x256xf32> to vector<1x256xf32>
    %broadcast_in_dim3A_1554 = vector.broadcast %broadcast_in_dim3A_1553 : vector<1x256xf32> to vector<32x256xf32>
    %select_n3A_1555 = arith.select %eq3A_1552, %broadcast_in_dim3A_1554, %select_n3A_1526 : vector<32x256xi1>, vector<32x256xf32>
    %eq3A_1556 = arith.constant 20 : i32
    %eq3A_1557 = vector.broadcast %eq3A_1556 : i32 to vector<32x256xi32>
    %eq3A_1558 = arith.cmpi eq, %iota3A_951, %eq3A_1557 : vector<32x256xi32>
    %broadcast_in_dim3A_1559 = vector.shape_cast %convert_element_type3A_1549 : vector<1x256xf32> to vector<1x256xf32>
    %broadcast_in_dim3A_1560 = vector.broadcast %broadcast_in_dim3A_1559 : vector<1x256xf32> to vector<32x256xf32>
    %select_n3A_1561 = arith.select %eq3A_1558, %broadcast_in_dim3A_1560, %select_n3A_1532 : vector<32x256xi1>, vector<32x256xf32>
    %jit3A_1562 = arith.constant 0xFF800000 : f32
    %broadcast_in_dim3A_1563 = vector.broadcast %jit3A_1562 : f32 to vector<512x256xf32>
    %select_n3A_1564 = arith.select %eq3A_1548, %broadcast_in_dim3A_1563, %select_n3A_1535 : vector<512x256xi1>, vector<512x256xf32>
    %reduce_max3A_1565 = arith.constant dense<0xFF800000> : vector<256xf32>
    %reduce_max3A_1566 = vector.multi_reduction <maximumf>, %select_n3A_1564, %reduce_max3A_1565 [0] : vector<512x256xf32> to vector<256xf32>
    %broadcast_in_dim3A_1567 = vector.shape_cast %reduce_max3A_1566 : vector<256xf32> to vector<1x256xf32>
    %eq3A_1568 = vector.broadcast %broadcast_in_dim3A_1567 : vector<1x256xf32> to vector<512x256xf32>
    %eq3A_1569 = arith.cmpf oeq, %select_n3A_1564, %eq3A_1568 : vector<512x256xf32>
    %jit3A_1570 = arith.constant 512 : i32
    %broadcast_in_dim3A_1571 = vector.broadcast %jit3A_1570 : i32 to vector<512x256xi32>
    %select_n3A_1572 = arith.select %eq3A_1569, %iota3A_950, %broadcast_in_dim3A_1571 : vector<512x256xi1>, vector<512x256xi32>
    %reduce_min3A_1573 = arith.constant dense<2147483647> : vector<256xi32>
    %reduce_min3A_1574 = vector.multi_reduction <minsi>, %select_n3A_1572, %reduce_min3A_1573 [0] : vector<512x256xi32> to vector<256xi32>
    %broadcast_in_dim3A_1575 = vector.shape_cast %reduce_min3A_1574 : vector<256xi32> to vector<1x256xi32>
    %eq3A_1576 = vector.broadcast %broadcast_in_dim3A_1575 : vector<1x256xi32> to vector<512x256xi32>
    %eq3A_1577 = arith.cmpi eq, %iota3A_950, %eq3A_1576 : vector<512x256xi32>
    %convert_element_type3A_1578 = arith.sitofp %broadcast_in_dim3A_1575 : vector<1x256xi32> to vector<1x256xf32>
    %eq3A_1579 = arith.constant 21 : i32
    %eq3A_1580 = vector.broadcast %eq3A_1579 : i32 to vector<32x256xi32>
    %eq3A_1581 = arith.cmpi eq, %iota3A_951, %eq3A_1580 : vector<32x256xi32>
    %broadcast_in_dim3A_1582 = vector.shape_cast %broadcast_in_dim3A_1567 : vector<1x256xf32> to vector<1x256xf32>
    %broadcast_in_dim3A_1583 = vector.broadcast %broadcast_in_dim3A_1582 : vector<1x256xf32> to vector<32x256xf32>
    %select_n3A_1584 = arith.select %eq3A_1581, %broadcast_in_dim3A_1583, %select_n3A_1555 : vector<32x256xi1>, vector<32x256xf32>
    %eq3A_1585 = arith.constant 21 : i32
    %eq3A_1586 = vector.broadcast %eq3A_1585 : i32 to vector<32x256xi32>
    %eq3A_1587 = arith.cmpi eq, %iota3A_951, %eq3A_1586 : vector<32x256xi32>
    %broadcast_in_dim3A_1588 = vector.shape_cast %convert_element_type3A_1578 : vector<1x256xf32> to vector<1x256xf32>
    %broadcast_in_dim3A_1589 = vector.broadcast %broadcast_in_dim3A_1588 : vector<1x256xf32> to vector<32x256xf32>
    %select_n3A_1590 = arith.select %eq3A_1587, %broadcast_in_dim3A_1589, %select_n3A_1561 : vector<32x256xi1>, vector<32x256xf32>
    %jit3A_1591 = arith.constant 0xFF800000 : f32
    %broadcast_in_dim3A_1592 = vector.broadcast %jit3A_1591 : f32 to vector<512x256xf32>
    %select_n3A_1593 = arith.select %eq3A_1577, %broadcast_in_dim3A_1592, %select_n3A_1564 : vector<512x256xi1>, vector<512x256xf32>
    %reduce_max3A_1594 = arith.constant dense<0xFF800000> : vector<256xf32>
    %reduce_max3A_1595 = vector.multi_reduction <maximumf>, %select_n3A_1593, %reduce_max3A_1594 [0] : vector<512x256xf32> to vector<256xf32>
    %broadcast_in_dim3A_1596 = vector.shape_cast %reduce_max3A_1595 : vector<256xf32> to vector<1x256xf32>
    %eq3A_1597 = vector.broadcast %broadcast_in_dim3A_1596 : vector<1x256xf32> to vector<512x256xf32>
    %eq3A_1598 = arith.cmpf oeq, %select_n3A_1593, %eq3A_1597 : vector<512x256xf32>
    %jit3A_1599 = arith.constant 512 : i32
    %broadcast_in_dim3A_1600 = vector.broadcast %jit3A_1599 : i32 to vector<512x256xi32>
    %select_n3A_1601 = arith.select %eq3A_1598, %iota3A_950, %broadcast_in_dim3A_1600 : vector<512x256xi1>, vector<512x256xi32>
    %reduce_min3A_1602 = arith.constant dense<2147483647> : vector<256xi32>
    %reduce_min3A_1603 = vector.multi_reduction <minsi>, %select_n3A_1601, %reduce_min3A_1602 [0] : vector<512x256xi32> to vector<256xi32>
    %broadcast_in_dim3A_1604 = vector.shape_cast %reduce_min3A_1603 : vector<256xi32> to vector<1x256xi32>
    %eq3A_1605 = vector.broadcast %broadcast_in_dim3A_1604 : vector<1x256xi32> to vector<512x256xi32>
    %eq3A_1606 = arith.cmpi eq, %iota3A_950, %eq3A_1605 : vector<512x256xi32>
    %convert_element_type3A_1607 = arith.sitofp %broadcast_in_dim3A_1604 : vector<1x256xi32> to vector<1x256xf32>
    %eq3A_1608 = arith.constant 22 : i32
    %eq3A_1609 = vector.broadcast %eq3A_1608 : i32 to vector<32x256xi32>
    %eq3A_1610 = arith.cmpi eq, %iota3A_951, %eq3A_1609 : vector<32x256xi32>
    %broadcast_in_dim3A_1611 = vector.shape_cast %broadcast_in_dim3A_1596 : vector<1x256xf32> to vector<1x256xf32>
    %broadcast_in_dim3A_1612 = vector.broadcast %broadcast_in_dim3A_1611 : vector<1x256xf32> to vector<32x256xf32>
    %select_n3A_1613 = arith.select %eq3A_1610, %broadcast_in_dim3A_1612, %select_n3A_1584 : vector<32x256xi1>, vector<32x256xf32>
    %eq3A_1614 = arith.constant 22 : i32
    %eq3A_1615 = vector.broadcast %eq3A_1614 : i32 to vector<32x256xi32>
    %eq3A_1616 = arith.cmpi eq, %iota3A_951, %eq3A_1615 : vector<32x256xi32>
    %broadcast_in_dim3A_1617 = vector.shape_cast %convert_element_type3A_1607 : vector<1x256xf32> to vector<1x256xf32>
    %broadcast_in_dim3A_1618 = vector.broadcast %broadcast_in_dim3A_1617 : vector<1x256xf32> to vector<32x256xf32>
    %select_n3A_1619 = arith.select %eq3A_1616, %broadcast_in_dim3A_1618, %select_n3A_1590 : vector<32x256xi1>, vector<32x256xf32>
    %jit3A_1620 = arith.constant 0xFF800000 : f32
    %broadcast_in_dim3A_1621 = vector.broadcast %jit3A_1620 : f32 to vector<512x256xf32>
    %select_n3A_1622 = arith.select %eq3A_1606, %broadcast_in_dim3A_1621, %select_n3A_1593 : vector<512x256xi1>, vector<512x256xf32>
    %reduce_max3A_1623 = arith.constant dense<0xFF800000> : vector<256xf32>
    %reduce_max3A_1624 = vector.multi_reduction <maximumf>, %select_n3A_1622, %reduce_max3A_1623 [0] : vector<512x256xf32> to vector<256xf32>
    %broadcast_in_dim3A_1625 = vector.shape_cast %reduce_max3A_1624 : vector<256xf32> to vector<1x256xf32>
    %eq3A_1626 = vector.broadcast %broadcast_in_dim3A_1625 : vector<1x256xf32> to vector<512x256xf32>
    %eq3A_1627 = arith.cmpf oeq, %select_n3A_1622, %eq3A_1626 : vector<512x256xf32>
    %jit3A_1628 = arith.constant 512 : i32
    %broadcast_in_dim3A_1629 = vector.broadcast %jit3A_1628 : i32 to vector<512x256xi32>
    %select_n3A_1630 = arith.select %eq3A_1627, %iota3A_950, %broadcast_in_dim3A_1629 : vector<512x256xi1>, vector<512x256xi32>
    %reduce_min3A_1631 = arith.constant dense<2147483647> : vector<256xi32>
    %reduce_min3A_1632 = vector.multi_reduction <minsi>, %select_n3A_1630, %reduce_min3A_1631 [0] : vector<512x256xi32> to vector<256xi32>
    %broadcast_in_dim3A_1633 = vector.shape_cast %reduce_min3A_1632 : vector<256xi32> to vector<1x256xi32>
    %eq3A_1634 = vector.broadcast %broadcast_in_dim3A_1633 : vector<1x256xi32> to vector<512x256xi32>
    %eq3A_1635 = arith.cmpi eq, %iota3A_950, %eq3A_1634 : vector<512x256xi32>
    %convert_element_type3A_1636 = arith.sitofp %broadcast_in_dim3A_1633 : vector<1x256xi32> to vector<1x256xf32>
    %eq3A_1637 = arith.constant 23 : i32
    %eq3A_1638 = vector.broadcast %eq3A_1637 : i32 to vector<32x256xi32>
    %eq3A_1639 = arith.cmpi eq, %iota3A_951, %eq3A_1638 : vector<32x256xi32>
    %broadcast_in_dim3A_1640 = vector.shape_cast %broadcast_in_dim3A_1625 : vector<1x256xf32> to vector<1x256xf32>
    %broadcast_in_dim3A_1641 = vector.broadcast %broadcast_in_dim3A_1640 : vector<1x256xf32> to vector<32x256xf32>
    %select_n3A_1642 = arith.select %eq3A_1639, %broadcast_in_dim3A_1641, %select_n3A_1613 : vector<32x256xi1>, vector<32x256xf32>
    %eq3A_1643 = arith.constant 23 : i32
    %eq3A_1644 = vector.broadcast %eq3A_1643 : i32 to vector<32x256xi32>
    %eq3A_1645 = arith.cmpi eq, %iota3A_951, %eq3A_1644 : vector<32x256xi32>
    %broadcast_in_dim3A_1646 = vector.shape_cast %convert_element_type3A_1636 : vector<1x256xf32> to vector<1x256xf32>
    %broadcast_in_dim3A_1647 = vector.broadcast %broadcast_in_dim3A_1646 : vector<1x256xf32> to vector<32x256xf32>
    %select_n3A_1648 = arith.select %eq3A_1645, %broadcast_in_dim3A_1647, %select_n3A_1619 : vector<32x256xi1>, vector<32x256xf32>
    %jit3A_1649 = arith.constant 0xFF800000 : f32
    %broadcast_in_dim3A_1650 = vector.broadcast %jit3A_1649 : f32 to vector<512x256xf32>
    %select_n3A_1651 = arith.select %eq3A_1635, %broadcast_in_dim3A_1650, %select_n3A_1622 : vector<512x256xi1>, vector<512x256xf32>
    %reduce_max3A_1652 = arith.constant dense<0xFF800000> : vector<256xf32>
    %reduce_max3A_1653 = vector.multi_reduction <maximumf>, %select_n3A_1651, %reduce_max3A_1652 [0] : vector<512x256xf32> to vector<256xf32>
    %broadcast_in_dim3A_1654 = vector.shape_cast %reduce_max3A_1653 : vector<256xf32> to vector<1x256xf32>
    %eq3A_1655 = vector.broadcast %broadcast_in_dim3A_1654 : vector<1x256xf32> to vector<512x256xf32>
    %eq3A_1656 = arith.cmpf oeq, %select_n3A_1651, %eq3A_1655 : vector<512x256xf32>
    %jit3A_1657 = arith.constant 512 : i32
    %broadcast_in_dim3A_1658 = vector.broadcast %jit3A_1657 : i32 to vector<512x256xi32>
    %select_n3A_1659 = arith.select %eq3A_1656, %iota3A_950, %broadcast_in_dim3A_1658 : vector<512x256xi1>, vector<512x256xi32>
    %reduce_min3A_1660 = arith.constant dense<2147483647> : vector<256xi32>
    %reduce_min3A_1661 = vector.multi_reduction <minsi>, %select_n3A_1659, %reduce_min3A_1660 [0] : vector<512x256xi32> to vector<256xi32>
    %broadcast_in_dim3A_1662 = vector.shape_cast %reduce_min3A_1661 : vector<256xi32> to vector<1x256xi32>
    %eq3A_1663 = vector.broadcast %broadcast_in_dim3A_1662 : vector<1x256xi32> to vector<512x256xi32>
    %eq3A_1664 = arith.cmpi eq, %iota3A_950, %eq3A_1663 : vector<512x256xi32>
    %convert_element_type3A_1665 = arith.sitofp %broadcast_in_dim3A_1662 : vector<1x256xi32> to vector<1x256xf32>
    %eq3A_1666 = arith.constant 24 : i32
    %eq3A_1667 = vector.broadcast %eq3A_1666 : i32 to vector<32x256xi32>
    %eq3A_1668 = arith.cmpi eq, %iota3A_951, %eq3A_1667 : vector<32x256xi32>
    %broadcast_in_dim3A_1669 = vector.shape_cast %broadcast_in_dim3A_1654 : vector<1x256xf32> to vector<1x256xf32>
    %broadcast_in_dim3A_1670 = vector.broadcast %broadcast_in_dim3A_1669 : vector<1x256xf32> to vector<32x256xf32>
    %select_n3A_1671 = arith.select %eq3A_1668, %broadcast_in_dim3A_1670, %select_n3A_1642 : vector<32x256xi1>, vector<32x256xf32>
    %eq3A_1672 = arith.constant 24 : i32
    %eq3A_1673 = vector.broadcast %eq3A_1672 : i32 to vector<32x256xi32>
    %eq3A_1674 = arith.cmpi eq, %iota3A_951, %eq3A_1673 : vector<32x256xi32>
    %broadcast_in_dim3A_1675 = vector.shape_cast %convert_element_type3A_1665 : vector<1x256xf32> to vector<1x256xf32>
    %broadcast_in_dim3A_1676 = vector.broadcast %broadcast_in_dim3A_1675 : vector<1x256xf32> to vector<32x256xf32>
    %select_n3A_1677 = arith.select %eq3A_1674, %broadcast_in_dim3A_1676, %select_n3A_1648 : vector<32x256xi1>, vector<32x256xf32>
    %jit3A_1678 = arith.constant 0xFF800000 : f32
    %broadcast_in_dim3A_1679 = vector.broadcast %jit3A_1678 : f32 to vector<512x256xf32>
    %select_n3A_1680 = arith.select %eq3A_1664, %broadcast_in_dim3A_1679, %select_n3A_1651 : vector<512x256xi1>, vector<512x256xf32>
    %reduce_max3A_1681 = arith.constant dense<0xFF800000> : vector<256xf32>
    %reduce_max3A_1682 = vector.multi_reduction <maximumf>, %select_n3A_1680, %reduce_max3A_1681 [0] : vector<512x256xf32> to vector<256xf32>
    %broadcast_in_dim3A_1683 = vector.shape_cast %reduce_max3A_1682 : vector<256xf32> to vector<1x256xf32>
    %eq3A_1684 = vector.broadcast %broadcast_in_dim3A_1683 : vector<1x256xf32> to vector<512x256xf32>
    %eq3A_1685 = arith.cmpf oeq, %select_n3A_1680, %eq3A_1684 : vector<512x256xf32>
    %jit3A_1686 = arith.constant 512 : i32
    %broadcast_in_dim3A_1687 = vector.broadcast %jit3A_1686 : i32 to vector<512x256xi32>
    %select_n3A_1688 = arith.select %eq3A_1685, %iota3A_950, %broadcast_in_dim3A_1687 : vector<512x256xi1>, vector<512x256xi32>
    %reduce_min3A_1689 = arith.constant dense<2147483647> : vector<256xi32>
    %reduce_min3A_1690 = vector.multi_reduction <minsi>, %select_n3A_1688, %reduce_min3A_1689 [0] : vector<512x256xi32> to vector<256xi32>
    %broadcast_in_dim3A_1691 = vector.shape_cast %reduce_min3A_1690 : vector<256xi32> to vector<1x256xi32>
    %eq3A_1692 = vector.broadcast %broadcast_in_dim3A_1691 : vector<1x256xi32> to vector<512x256xi32>
    %eq3A_1693 = arith.cmpi eq, %iota3A_950, %eq3A_1692 : vector<512x256xi32>
    %convert_element_type3A_1694 = arith.sitofp %broadcast_in_dim3A_1691 : vector<1x256xi32> to vector<1x256xf32>
    %eq3A_1695 = arith.constant 25 : i32
    %eq3A_1696 = vector.broadcast %eq3A_1695 : i32 to vector<32x256xi32>
    %eq3A_1697 = arith.cmpi eq, %iota3A_951, %eq3A_1696 : vector<32x256xi32>
    %broadcast_in_dim3A_1698 = vector.shape_cast %broadcast_in_dim3A_1683 : vector<1x256xf32> to vector<1x256xf32>
    %broadcast_in_dim3A_1699 = vector.broadcast %broadcast_in_dim3A_1698 : vector<1x256xf32> to vector<32x256xf32>
    %select_n3A_1700 = arith.select %eq3A_1697, %broadcast_in_dim3A_1699, %select_n3A_1671 : vector<32x256xi1>, vector<32x256xf32>
    %eq3A_1701 = arith.constant 25 : i32
    %eq3A_1702 = vector.broadcast %eq3A_1701 : i32 to vector<32x256xi32>
    %eq3A_1703 = arith.cmpi eq, %iota3A_951, %eq3A_1702 : vector<32x256xi32>
    %broadcast_in_dim3A_1704 = vector.shape_cast %convert_element_type3A_1694 : vector<1x256xf32> to vector<1x256xf32>
    %broadcast_in_dim3A_1705 = vector.broadcast %broadcast_in_dim3A_1704 : vector<1x256xf32> to vector<32x256xf32>
    %select_n3A_1706 = arith.select %eq3A_1703, %broadcast_in_dim3A_1705, %select_n3A_1677 : vector<32x256xi1>, vector<32x256xf32>
    %jit3A_1707 = arith.constant 0xFF800000 : f32
    %broadcast_in_dim3A_1708 = vector.broadcast %jit3A_1707 : f32 to vector<512x256xf32>
    %select_n3A_1709 = arith.select %eq3A_1693, %broadcast_in_dim3A_1708, %select_n3A_1680 : vector<512x256xi1>, vector<512x256xf32>
    %reduce_max3A_1710 = arith.constant dense<0xFF800000> : vector<256xf32>
    %reduce_max3A_1711 = vector.multi_reduction <maximumf>, %select_n3A_1709, %reduce_max3A_1710 [0] : vector<512x256xf32> to vector<256xf32>
    %broadcast_in_dim3A_1712 = vector.shape_cast %reduce_max3A_1711 : vector<256xf32> to vector<1x256xf32>
    %eq3A_1713 = vector.broadcast %broadcast_in_dim3A_1712 : vector<1x256xf32> to vector<512x256xf32>
    %eq3A_1714 = arith.cmpf oeq, %select_n3A_1709, %eq3A_1713 : vector<512x256xf32>
    %jit3A_1715 = arith.constant 512 : i32
    %broadcast_in_dim3A_1716 = vector.broadcast %jit3A_1715 : i32 to vector<512x256xi32>
    %select_n3A_1717 = arith.select %eq3A_1714, %iota3A_950, %broadcast_in_dim3A_1716 : vector<512x256xi1>, vector<512x256xi32>
    %reduce_min3A_1718 = arith.constant dense<2147483647> : vector<256xi32>
    %reduce_min3A_1719 = vector.multi_reduction <minsi>, %select_n3A_1717, %reduce_min3A_1718 [0] : vector<512x256xi32> to vector<256xi32>
    %broadcast_in_dim3A_1720 = vector.shape_cast %reduce_min3A_1719 : vector<256xi32> to vector<1x256xi32>
    %eq3A_1721 = vector.broadcast %broadcast_in_dim3A_1720 : vector<1x256xi32> to vector<512x256xi32>
    %eq3A_1722 = arith.cmpi eq, %iota3A_950, %eq3A_1721 : vector<512x256xi32>
    %convert_element_type3A_1723 = arith.sitofp %broadcast_in_dim3A_1720 : vector<1x256xi32> to vector<1x256xf32>
    %eq3A_1724 = arith.constant 26 : i32
    %eq3A_1725 = vector.broadcast %eq3A_1724 : i32 to vector<32x256xi32>
    %eq3A_1726 = arith.cmpi eq, %iota3A_951, %eq3A_1725 : vector<32x256xi32>
    %broadcast_in_dim3A_1727 = vector.shape_cast %broadcast_in_dim3A_1712 : vector<1x256xf32> to vector<1x256xf32>
    %broadcast_in_dim3A_1728 = vector.broadcast %broadcast_in_dim3A_1727 : vector<1x256xf32> to vector<32x256xf32>
    %select_n3A_1729 = arith.select %eq3A_1726, %broadcast_in_dim3A_1728, %select_n3A_1700 : vector<32x256xi1>, vector<32x256xf32>
    %eq3A_1730 = arith.constant 26 : i32
    %eq3A_1731 = vector.broadcast %eq3A_1730 : i32 to vector<32x256xi32>
    %eq3A_1732 = arith.cmpi eq, %iota3A_951, %eq3A_1731 : vector<32x256xi32>
    %broadcast_in_dim3A_1733 = vector.shape_cast %convert_element_type3A_1723 : vector<1x256xf32> to vector<1x256xf32>
    %broadcast_in_dim3A_1734 = vector.broadcast %broadcast_in_dim3A_1733 : vector<1x256xf32> to vector<32x256xf32>
    %select_n3A_1735 = arith.select %eq3A_1732, %broadcast_in_dim3A_1734, %select_n3A_1706 : vector<32x256xi1>, vector<32x256xf32>
    %jit3A_1736 = arith.constant 0xFF800000 : f32
    %broadcast_in_dim3A_1737 = vector.broadcast %jit3A_1736 : f32 to vector<512x256xf32>
    %select_n3A_1738 = arith.select %eq3A_1722, %broadcast_in_dim3A_1737, %select_n3A_1709 : vector<512x256xi1>, vector<512x256xf32>
    %reduce_max3A_1739 = arith.constant dense<0xFF800000> : vector<256xf32>
    %reduce_max3A_1740 = vector.multi_reduction <maximumf>, %select_n3A_1738, %reduce_max3A_1739 [0] : vector<512x256xf32> to vector<256xf32>
    %broadcast_in_dim3A_1741 = vector.shape_cast %reduce_max3A_1740 : vector<256xf32> to vector<1x256xf32>
    %eq3A_1742 = vector.broadcast %broadcast_in_dim3A_1741 : vector<1x256xf32> to vector<512x256xf32>
    %eq3A_1743 = arith.cmpf oeq, %select_n3A_1738, %eq3A_1742 : vector<512x256xf32>
    %jit3A_1744 = arith.constant 512 : i32
    %broadcast_in_dim3A_1745 = vector.broadcast %jit3A_1744 : i32 to vector<512x256xi32>
    %select_n3A_1746 = arith.select %eq3A_1743, %iota3A_950, %broadcast_in_dim3A_1745 : vector<512x256xi1>, vector<512x256xi32>
    %reduce_min3A_1747 = arith.constant dense<2147483647> : vector<256xi32>
    %reduce_min3A_1748 = vector.multi_reduction <minsi>, %select_n3A_1746, %reduce_min3A_1747 [0] : vector<512x256xi32> to vector<256xi32>
    %broadcast_in_dim3A_1749 = vector.shape_cast %reduce_min3A_1748 : vector<256xi32> to vector<1x256xi32>
    %eq3A_1750 = vector.broadcast %broadcast_in_dim3A_1749 : vector<1x256xi32> to vector<512x256xi32>
    %eq3A_1751 = arith.cmpi eq, %iota3A_950, %eq3A_1750 : vector<512x256xi32>
    %convert_element_type3A_1752 = arith.sitofp %broadcast_in_dim3A_1749 : vector<1x256xi32> to vector<1x256xf32>
    %eq3A_1753 = arith.constant 27 : i32
    %eq3A_1754 = vector.broadcast %eq3A_1753 : i32 to vector<32x256xi32>
    %eq3A_1755 = arith.cmpi eq, %iota3A_951, %eq3A_1754 : vector<32x256xi32>
    %broadcast_in_dim3A_1756 = vector.shape_cast %broadcast_in_dim3A_1741 : vector<1x256xf32> to vector<1x256xf32>
    %broadcast_in_dim3A_1757 = vector.broadcast %broadcast_in_dim3A_1756 : vector<1x256xf32> to vector<32x256xf32>
    %select_n3A_1758 = arith.select %eq3A_1755, %broadcast_in_dim3A_1757, %select_n3A_1729 : vector<32x256xi1>, vector<32x256xf32>
    %eq3A_1759 = arith.constant 27 : i32
    %eq3A_1760 = vector.broadcast %eq3A_1759 : i32 to vector<32x256xi32>
    %eq3A_1761 = arith.cmpi eq, %iota3A_951, %eq3A_1760 : vector<32x256xi32>
    %broadcast_in_dim3A_1762 = vector.shape_cast %convert_element_type3A_1752 : vector<1x256xf32> to vector<1x256xf32>
    %broadcast_in_dim3A_1763 = vector.broadcast %broadcast_in_dim3A_1762 : vector<1x256xf32> to vector<32x256xf32>
    %select_n3A_1764 = arith.select %eq3A_1761, %broadcast_in_dim3A_1763, %select_n3A_1735 : vector<32x256xi1>, vector<32x256xf32>
    %jit3A_1765 = arith.constant 0xFF800000 : f32
    %broadcast_in_dim3A_1766 = vector.broadcast %jit3A_1765 : f32 to vector<512x256xf32>
    %select_n3A_1767 = arith.select %eq3A_1751, %broadcast_in_dim3A_1766, %select_n3A_1738 : vector<512x256xi1>, vector<512x256xf32>
    %reduce_max3A_1768 = arith.constant dense<0xFF800000> : vector<256xf32>
    %reduce_max3A_1769 = vector.multi_reduction <maximumf>, %select_n3A_1767, %reduce_max3A_1768 [0] : vector<512x256xf32> to vector<256xf32>
    %broadcast_in_dim3A_1770 = vector.shape_cast %reduce_max3A_1769 : vector<256xf32> to vector<1x256xf32>
    %eq3A_1771 = vector.broadcast %broadcast_in_dim3A_1770 : vector<1x256xf32> to vector<512x256xf32>
    %eq3A_1772 = arith.cmpf oeq, %select_n3A_1767, %eq3A_1771 : vector<512x256xf32>
    %jit3A_1773 = arith.constant 512 : i32
    %broadcast_in_dim3A_1774 = vector.broadcast %jit3A_1773 : i32 to vector<512x256xi32>
    %select_n3A_1775 = arith.select %eq3A_1772, %iota3A_950, %broadcast_in_dim3A_1774 : vector<512x256xi1>, vector<512x256xi32>
    %reduce_min3A_1776 = arith.constant dense<2147483647> : vector<256xi32>
    %reduce_min3A_1777 = vector.multi_reduction <minsi>, %select_n3A_1775, %reduce_min3A_1776 [0] : vector<512x256xi32> to vector<256xi32>
    %broadcast_in_dim3A_1778 = vector.shape_cast %reduce_min3A_1777 : vector<256xi32> to vector<1x256xi32>
    %eq3A_1779 = vector.broadcast %broadcast_in_dim3A_1778 : vector<1x256xi32> to vector<512x256xi32>
    %eq3A_1780 = arith.cmpi eq, %iota3A_950, %eq3A_1779 : vector<512x256xi32>
    %convert_element_type3A_1781 = arith.sitofp %broadcast_in_dim3A_1778 : vector<1x256xi32> to vector<1x256xf32>
    %eq3A_1782 = arith.constant 28 : i32
    %eq3A_1783 = vector.broadcast %eq3A_1782 : i32 to vector<32x256xi32>
    %eq3A_1784 = arith.cmpi eq, %iota3A_951, %eq3A_1783 : vector<32x256xi32>
    %broadcast_in_dim3A_1785 = vector.shape_cast %broadcast_in_dim3A_1770 : vector<1x256xf32> to vector<1x256xf32>
    %broadcast_in_dim3A_1786 = vector.broadcast %broadcast_in_dim3A_1785 : vector<1x256xf32> to vector<32x256xf32>
    %select_n3A_1787 = arith.select %eq3A_1784, %broadcast_in_dim3A_1786, %select_n3A_1758 : vector<32x256xi1>, vector<32x256xf32>
    %eq3A_1788 = arith.constant 28 : i32
    %eq3A_1789 = vector.broadcast %eq3A_1788 : i32 to vector<32x256xi32>
    %eq3A_1790 = arith.cmpi eq, %iota3A_951, %eq3A_1789 : vector<32x256xi32>
    %broadcast_in_dim3A_1791 = vector.shape_cast %convert_element_type3A_1781 : vector<1x256xf32> to vector<1x256xf32>
    %broadcast_in_dim3A_1792 = vector.broadcast %broadcast_in_dim3A_1791 : vector<1x256xf32> to vector<32x256xf32>
    %select_n3A_1793 = arith.select %eq3A_1790, %broadcast_in_dim3A_1792, %select_n3A_1764 : vector<32x256xi1>, vector<32x256xf32>
    %jit3A_1794 = arith.constant 0xFF800000 : f32
    %broadcast_in_dim3A_1795 = vector.broadcast %jit3A_1794 : f32 to vector<512x256xf32>
    %select_n3A_1796 = arith.select %eq3A_1780, %broadcast_in_dim3A_1795, %select_n3A_1767 : vector<512x256xi1>, vector<512x256xf32>
    %reduce_max3A_1797 = arith.constant dense<0xFF800000> : vector<256xf32>
    %reduce_max3A_1798 = vector.multi_reduction <maximumf>, %select_n3A_1796, %reduce_max3A_1797 [0] : vector<512x256xf32> to vector<256xf32>
    %broadcast_in_dim3A_1799 = vector.shape_cast %reduce_max3A_1798 : vector<256xf32> to vector<1x256xf32>
    %eq3A_1800 = vector.broadcast %broadcast_in_dim3A_1799 : vector<1x256xf32> to vector<512x256xf32>
    %eq3A_1801 = arith.cmpf oeq, %select_n3A_1796, %eq3A_1800 : vector<512x256xf32>
    %jit3A_1802 = arith.constant 512 : i32
    %broadcast_in_dim3A_1803 = vector.broadcast %jit3A_1802 : i32 to vector<512x256xi32>
    %select_n3A_1804 = arith.select %eq3A_1801, %iota3A_950, %broadcast_in_dim3A_1803 : vector<512x256xi1>, vector<512x256xi32>
    %reduce_min3A_1805 = arith.constant dense<2147483647> : vector<256xi32>
    %reduce_min3A_1806 = vector.multi_reduction <minsi>, %select_n3A_1804, %reduce_min3A_1805 [0] : vector<512x256xi32> to vector<256xi32>
    %broadcast_in_dim3A_1807 = vector.shape_cast %reduce_min3A_1806 : vector<256xi32> to vector<1x256xi32>
    %eq3A_1808 = vector.broadcast %broadcast_in_dim3A_1807 : vector<1x256xi32> to vector<512x256xi32>
    %eq3A_1809 = arith.cmpi eq, %iota3A_950, %eq3A_1808 : vector<512x256xi32>
    %convert_element_type3A_1810 = arith.sitofp %broadcast_in_dim3A_1807 : vector<1x256xi32> to vector<1x256xf32>
    %eq3A_1811 = arith.constant 29 : i32
    %eq3A_1812 = vector.broadcast %eq3A_1811 : i32 to vector<32x256xi32>
    %eq3A_1813 = arith.cmpi eq, %iota3A_951, %eq3A_1812 : vector<32x256xi32>
    %broadcast_in_dim3A_1814 = vector.shape_cast %broadcast_in_dim3A_1799 : vector<1x256xf32> to vector<1x256xf32>
    %broadcast_in_dim3A_1815 = vector.broadcast %broadcast_in_dim3A_1814 : vector<1x256xf32> to vector<32x256xf32>
    %select_n3A_1816 = arith.select %eq3A_1813, %broadcast_in_dim3A_1815, %select_n3A_1787 : vector<32x256xi1>, vector<32x256xf32>
    %eq3A_1817 = arith.constant 29 : i32
    %eq3A_1818 = vector.broadcast %eq3A_1817 : i32 to vector<32x256xi32>
    %eq3A_1819 = arith.cmpi eq, %iota3A_951, %eq3A_1818 : vector<32x256xi32>
    %broadcast_in_dim3A_1820 = vector.shape_cast %convert_element_type3A_1810 : vector<1x256xf32> to vector<1x256xf32>
    %broadcast_in_dim3A_1821 = vector.broadcast %broadcast_in_dim3A_1820 : vector<1x256xf32> to vector<32x256xf32>
    %select_n3A_1822 = arith.select %eq3A_1819, %broadcast_in_dim3A_1821, %select_n3A_1793 : vector<32x256xi1>, vector<32x256xf32>
    %jit3A_1823 = arith.constant 0xFF800000 : f32
    %broadcast_in_dim3A_1824 = vector.broadcast %jit3A_1823 : f32 to vector<512x256xf32>
    %select_n3A_1825 = arith.select %eq3A_1809, %broadcast_in_dim3A_1824, %select_n3A_1796 : vector<512x256xi1>, vector<512x256xf32>
    %reduce_max3A_1826 = arith.constant dense<0xFF800000> : vector<256xf32>
    %reduce_max3A_1827 = vector.multi_reduction <maximumf>, %select_n3A_1825, %reduce_max3A_1826 [0] : vector<512x256xf32> to vector<256xf32>
    %broadcast_in_dim3A_1828 = vector.shape_cast %reduce_max3A_1827 : vector<256xf32> to vector<1x256xf32>
    %eq3A_1829 = vector.broadcast %broadcast_in_dim3A_1828 : vector<1x256xf32> to vector<512x256xf32>
    %eq3A_1830 = arith.cmpf oeq, %select_n3A_1825, %eq3A_1829 : vector<512x256xf32>
    %jit3A_1831 = arith.constant 512 : i32
    %broadcast_in_dim3A_1832 = vector.broadcast %jit3A_1831 : i32 to vector<512x256xi32>
    %select_n3A_1833 = arith.select %eq3A_1830, %iota3A_950, %broadcast_in_dim3A_1832 : vector<512x256xi1>, vector<512x256xi32>
    %reduce_min3A_1834 = arith.constant dense<2147483647> : vector<256xi32>
    %reduce_min3A_1835 = vector.multi_reduction <minsi>, %select_n3A_1833, %reduce_min3A_1834 [0] : vector<512x256xi32> to vector<256xi32>
    %broadcast_in_dim3A_1836 = vector.shape_cast %reduce_min3A_1835 : vector<256xi32> to vector<1x256xi32>
    %eq3A_1837 = vector.broadcast %broadcast_in_dim3A_1836 : vector<1x256xi32> to vector<512x256xi32>
    %eq3A_1838 = arith.cmpi eq, %iota3A_950, %eq3A_1837 : vector<512x256xi32>
    %convert_element_type3A_1839 = arith.sitofp %broadcast_in_dim3A_1836 : vector<1x256xi32> to vector<1x256xf32>
    %eq3A_1840 = arith.constant 30 : i32
    %eq3A_1841 = vector.broadcast %eq3A_1840 : i32 to vector<32x256xi32>
    %eq3A_1842 = arith.cmpi eq, %iota3A_951, %eq3A_1841 : vector<32x256xi32>
    %broadcast_in_dim3A_1843 = vector.shape_cast %broadcast_in_dim3A_1828 : vector<1x256xf32> to vector<1x256xf32>
    %broadcast_in_dim3A_1844 = vector.broadcast %broadcast_in_dim3A_1843 : vector<1x256xf32> to vector<32x256xf32>
    %select_n3A_1845 = arith.select %eq3A_1842, %broadcast_in_dim3A_1844, %select_n3A_1816 : vector<32x256xi1>, vector<32x256xf32>
    %eq3A_1846 = arith.constant 30 : i32
    %eq3A_1847 = vector.broadcast %eq3A_1846 : i32 to vector<32x256xi32>
    %eq3A_1848 = arith.cmpi eq, %iota3A_951, %eq3A_1847 : vector<32x256xi32>
    %broadcast_in_dim3A_1849 = vector.shape_cast %convert_element_type3A_1839 : vector<1x256xf32> to vector<1x256xf32>
    %broadcast_in_dim3A_1850 = vector.broadcast %broadcast_in_dim3A_1849 : vector<1x256xf32> to vector<32x256xf32>
    %select_n3A_1851 = arith.select %eq3A_1848, %broadcast_in_dim3A_1850, %select_n3A_1822 : vector<32x256xi1>, vector<32x256xf32>
    %jit3A_1852 = arith.constant 0xFF800000 : f32
    %broadcast_in_dim3A_1853 = vector.broadcast %jit3A_1852 : f32 to vector<512x256xf32>
    %select_n3A_1854 = arith.select %eq3A_1838, %broadcast_in_dim3A_1853, %select_n3A_1825 : vector<512x256xi1>, vector<512x256xf32>
    %reduce_max3A_1855 = arith.constant dense<0xFF800000> : vector<256xf32>
    %reduce_max3A_1856 = vector.multi_reduction <maximumf>, %select_n3A_1854, %reduce_max3A_1855 [0] : vector<512x256xf32> to vector<256xf32>
    %broadcast_in_dim3A_1857 = vector.shape_cast %reduce_max3A_1856 : vector<256xf32> to vector<1x256xf32>
    %eq3A_1858 = vector.broadcast %broadcast_in_dim3A_1857 : vector<1x256xf32> to vector<512x256xf32>
    %eq3A_1859 = arith.cmpf oeq, %select_n3A_1854, %eq3A_1858 : vector<512x256xf32>
    %jit3A_1860 = arith.constant 512 : i32
    %broadcast_in_dim3A_1861 = vector.broadcast %jit3A_1860 : i32 to vector<512x256xi32>
    %select_n3A_1862 = arith.select %eq3A_1859, %iota3A_950, %broadcast_in_dim3A_1861 : vector<512x256xi1>, vector<512x256xi32>
    %reduce_min3A_1863 = arith.constant dense<2147483647> : vector<256xi32>
    %reduce_min3A_1864 = vector.multi_reduction <minsi>, %select_n3A_1862, %reduce_min3A_1863 [0] : vector<512x256xi32> to vector<256xi32>
    %broadcast_in_dim3A_1865 = vector.shape_cast %reduce_min3A_1864 : vector<256xi32> to vector<1x256xi32>
    %convert_element_type3A_1866 = arith.sitofp %broadcast_in_dim3A_1865 : vector<1x256xi32> to vector<1x256xf32>
    %eq3A_1867 = arith.constant 31 : i32
    %eq3A_1868 = vector.broadcast %eq3A_1867 : i32 to vector<32x256xi32>
    %eq3A_1869 = arith.cmpi eq, %iota3A_951, %eq3A_1868 : vector<32x256xi32>
    %broadcast_in_dim3A_1870 = vector.shape_cast %broadcast_in_dim3A_1857 : vector<1x256xf32> to vector<1x256xf32>
    %broadcast_in_dim3A_1871 = vector.broadcast %broadcast_in_dim3A_1870 : vector<1x256xf32> to vector<32x256xf32>
    %select_n3A_1872 = arith.select %eq3A_1869, %broadcast_in_dim3A_1871, %select_n3A_1845 : vector<32x256xi1>, vector<32x256xf32>
    %eq3A_1873 = arith.constant 31 : i32
    %eq3A_1874 = vector.broadcast %eq3A_1873 : i32 to vector<32x256xi32>
    %eq3A_1875 = arith.cmpi eq, %iota3A_951, %eq3A_1874 : vector<32x256xi32>
    %broadcast_in_dim3A_1876 = vector.shape_cast %convert_element_type3A_1866 : vector<1x256xf32> to vector<1x256xf32>
    %broadcast_in_dim3A_1877 = vector.broadcast %broadcast_in_dim3A_1876 : vector<1x256xf32> to vector<32x256xf32>
    %select_n3A_1878 = arith.select %eq3A_1875, %broadcast_in_dim3A_1877, %select_n3A_1851 : vector<32x256xi1>, vector<32x256xf32>
    %get3A_1879 = arith.constant 0 : index
    %get3A_1880 = arith.constant 0 : index
    %get3A_1881 = vector.load %arg6[%get3A_1879, %get3A_1880] : memref<32x128xf32, #tpu.memory_space<vmem>>, vector<32x128xf32>
    %get3A_1882 = arith.constant 0 : index
    %get3A_1883 = arith.constant 0 : index
    %get3A_1884 = vector.load %arg7[%get3A_1882, %get3A_1883] : memref<32x128xf32, #tpu.memory_space<vmem>>, vector<32x128xf32>
    %dot_general3A_1885 = arith.constant dense<0.000000e+00> : vector<128x256xf32>
    %dot_general3A_1886 = tpu.matmul %get3A_1881, %select_n3A_943, %dot_general3A_1885 {dimension_numbers = #tpu.dot_dimension_numbers<[0], [0], [1], [1], [0, 1, 1, 1], [], []>, precision = #tpu.contract_precision<fp32>, transpose_lhs_hint = false} : vector<32x128xf32>, vector<32x256xf32>, vector<128x256xf32> -> vector<128x256xf32>
    %dot_general3A_1887 = arith.constant dense<0.000000e+00> : vector<128x256xf32>
    %dot_general3A_1888 = tpu.matmul %get3A_1884, %select_n3A_1872, %dot_general3A_1887 {dimension_numbers = #tpu.dot_dimension_numbers<[0], [0], [1], [1], [0, 1, 1, 1], [], []>, precision = #tpu.contract_precision<fp32>, transpose_lhs_hint = false} : vector<32x128xf32>, vector<32x256xf32>, vector<128x256xf32> -> vector<128x256xf32>
    %add3A_1889 = arith.addf %dot_general3A_1886, %dot_general3A_1888 : vector<128x256xf32>
    %get3A_1890 = arith.constant 0 : index
    %get3A_1891 = arith.constant 0 : index
    %get3A_1892 = vector.load %arg8[%get3A_1890, %get3A_1891] : memref<128x1xf32, #tpu.memory_space<vmem>>, vector<128x1xf32>
    %add3A_1893 = vector.broadcast %get3A_1892 : vector<128x1xf32> to vector<128x256xf32>
    %add3A_1894 = arith.addf %add3A_1889, %add3A_1893 : vector<128x256xf32>
    %dot_general3A_1895 = arith.constant dense<0.000000e+00> : vector<128x256xf32>
    %dot_general3A_1896 = tpu.matmul %get3A_1881, %select_n3A_949, %dot_general3A_1895 {dimension_numbers = #tpu.dot_dimension_numbers<[0], [0], [1], [1], [0, 1, 1, 1], [], []>, precision = #tpu.contract_precision<fp32>, transpose_lhs_hint = false} : vector<32x128xf32>, vector<32x256xf32>, vector<128x256xf32> -> vector<128x256xf32>
    %mul3A = arith.constant 5.120000e+02 : f32
    %mul3A_1897 = vector.broadcast %mul3A : f32 to vector<128x256xf32>
    %mul3A_1898 = arith.mulf %dot_general3A_1896, %mul3A_1897 : vector<128x256xf32>
    %dot_general3A_1899 = arith.constant dense<0.000000e+00> : vector<128x256xf32>
    %dot_general3A_1900 = tpu.matmul %get3A_1884, %select_n3A_1878, %dot_general3A_1899 {dimension_numbers = #tpu.dot_dimension_numbers<[0], [0], [1], [1], [0, 1, 1, 1], [], []>, precision = #tpu.contract_precision<fp32>, transpose_lhs_hint = false} : vector<32x128xf32>, vector<32x256xf32>, vector<128x256xf32> -> vector<128x256xf32>
    %add3A_1901 = arith.addf %mul3A_1898, %dot_general3A_1900 : vector<128x256xf32>
    %iota3A_1902 = tpu.iota {dimensions = array<i32: 0>} : vector<128x256xi32>
    %iota3A_1903 = tpu.iota {dimensions = array<i32: 0>} : vector<32x256xi32>
    %broadcast_in_dim3A_1904 = arith.constant 0.000000e+00 : f32
    %broadcast_in_dim3A_1905 = vector.broadcast %broadcast_in_dim3A_1904 : f32 to vector<32x256xf32>
    %broadcast_in_dim3A_1906 = arith.constant 0.000000e+00 : f32
    %broadcast_in_dim3A_1907 = vector.broadcast %broadcast_in_dim3A_1906 : f32 to vector<32x256xf32>
    %reduce_max3A_1908 = arith.constant dense<0xFF800000> : vector<256xf32>
    %reduce_max3A_1909 = vector.multi_reduction <maximumf>, %add3A_1894, %reduce_max3A_1908 [0] : vector<128x256xf32> to vector<256xf32>
    %broadcast_in_dim3A_1910 = vector.shape_cast %reduce_max3A_1909 : vector<256xf32> to vector<1x256xf32>
    %eq3A_1911 = vector.broadcast %broadcast_in_dim3A_1910 : vector<1x256xf32> to vector<128x256xf32>
    %eq3A_1912 = arith.cmpf oeq, %add3A_1894, %eq3A_1911 : vector<128x256xf32>
    %jit3A_1913 = arith.constant 128 : i32
    %broadcast_in_dim3A_1914 = vector.broadcast %jit3A_1913 : i32 to vector<128x256xi32>
    %select_n3A_1915 = arith.select %eq3A_1912, %iota3A_1902, %broadcast_in_dim3A_1914 : vector<128x256xi1>, vector<128x256xi32>
    %reduce_min3A_1916 = arith.constant dense<2147483647> : vector<256xi32>
    %reduce_min3A_1917 = vector.multi_reduction <minsi>, %select_n3A_1915, %reduce_min3A_1916 [0] : vector<128x256xi32> to vector<256xi32>
    %broadcast_in_dim3A_1918 = vector.shape_cast %reduce_min3A_1917 : vector<256xi32> to vector<1x256xi32>
    %eq3A_1919 = vector.broadcast %broadcast_in_dim3A_1918 : vector<1x256xi32> to vector<128x256xi32>
    %eq3A_1920 = arith.cmpi eq, %iota3A_1902, %eq3A_1919 : vector<128x256xi32>
    %jit3A_1921 = arith.constant 0.000000e+00 : f32
    %broadcast_in_dim3A_1922 = vector.broadcast %jit3A_1921 : f32 to vector<128x256xf32>
    %select_n3A_1923 = arith.select %eq3A_1920, %add3A_1901, %broadcast_in_dim3A_1922 : vector<128x256xi1>, vector<128x256xf32>
    %reduce_sum3A = arith.constant dense<0.000000e+00> : vector<256xf32>
    %reduce_sum3A_1924 = vector.multi_reduction <add>, %select_n3A_1923, %reduce_sum3A [0] : vector<128x256xf32> to vector<256xf32>
    %broadcast_in_dim3A_1925 = vector.shape_cast %reduce_sum3A_1924 : vector<256xf32> to vector<1x256xf32>
    %eq3A_1926 = arith.constant 0 : i32
    %eq3A_1927 = vector.broadcast %eq3A_1926 : i32 to vector<32x256xi32>
    %eq3A_1928 = arith.cmpi eq, %iota3A_1903, %eq3A_1927 : vector<32x256xi32>
    %broadcast_in_dim3A_1929 = vector.shape_cast %broadcast_in_dim3A_1910 : vector<1x256xf32> to vector<1x256xf32>
    %broadcast_in_dim3A_1930 = vector.broadcast %broadcast_in_dim3A_1929 : vector<1x256xf32> to vector<32x256xf32>
    %select_n3A_1931 = arith.select %eq3A_1928, %broadcast_in_dim3A_1930, %broadcast_in_dim3A_1905 : vector<32x256xi1>, vector<32x256xf32>
    %eq3A_1932 = arith.constant 0 : i32
    %eq3A_1933 = vector.broadcast %eq3A_1932 : i32 to vector<32x256xi32>
    %eq3A_1934 = arith.cmpi eq, %iota3A_1903, %eq3A_1933 : vector<32x256xi32>
    %broadcast_in_dim3A_1935 = vector.shape_cast %broadcast_in_dim3A_1925 : vector<1x256xf32> to vector<1x256xf32>
    %broadcast_in_dim3A_1936 = vector.broadcast %broadcast_in_dim3A_1935 : vector<1x256xf32> to vector<32x256xf32>
    %select_n3A_1937 = arith.select %eq3A_1934, %broadcast_in_dim3A_1936, %broadcast_in_dim3A_1907 : vector<32x256xi1>, vector<32x256xf32>
    %jit3A_1938 = arith.constant 0xFF800000 : f32
    %broadcast_in_dim3A_1939 = vector.broadcast %jit3A_1938 : f32 to vector<128x256xf32>
    %select_n3A_1940 = arith.select %eq3A_1920, %broadcast_in_dim3A_1939, %add3A_1894 : vector<128x256xi1>, vector<128x256xf32>
    %reduce_max3A_1941 = arith.constant dense<0xFF800000> : vector<256xf32>
    %reduce_max3A_1942 = vector.multi_reduction <maximumf>, %select_n3A_1940, %reduce_max3A_1941 [0] : vector<128x256xf32> to vector<256xf32>
    %broadcast_in_dim3A_1943 = vector.shape_cast %reduce_max3A_1942 : vector<256xf32> to vector<1x256xf32>
    %eq3A_1944 = vector.broadcast %broadcast_in_dim3A_1943 : vector<1x256xf32> to vector<128x256xf32>
    %eq3A_1945 = arith.cmpf oeq, %select_n3A_1940, %eq3A_1944 : vector<128x256xf32>
    %jit3A_1946 = arith.constant 128 : i32
    %broadcast_in_dim3A_1947 = vector.broadcast %jit3A_1946 : i32 to vector<128x256xi32>
    %select_n3A_1948 = arith.select %eq3A_1945, %iota3A_1902, %broadcast_in_dim3A_1947 : vector<128x256xi1>, vector<128x256xi32>
    %reduce_min3A_1949 = arith.constant dense<2147483647> : vector<256xi32>
    %reduce_min3A_1950 = vector.multi_reduction <minsi>, %select_n3A_1948, %reduce_min3A_1949 [0] : vector<128x256xi32> to vector<256xi32>
    %broadcast_in_dim3A_1951 = vector.shape_cast %reduce_min3A_1950 : vector<256xi32> to vector<1x256xi32>
    %eq3A_1952 = vector.broadcast %broadcast_in_dim3A_1951 : vector<1x256xi32> to vector<128x256xi32>
    %eq3A_1953 = arith.cmpi eq, %iota3A_1902, %eq3A_1952 : vector<128x256xi32>
    %jit3A_1954 = arith.constant 0.000000e+00 : f32
    %broadcast_in_dim3A_1955 = vector.broadcast %jit3A_1954 : f32 to vector<128x256xf32>
    %select_n3A_1956 = arith.select %eq3A_1953, %add3A_1901, %broadcast_in_dim3A_1955 : vector<128x256xi1>, vector<128x256xf32>
    %reduce_sum3A_1957 = arith.constant dense<0.000000e+00> : vector<256xf32>
    %reduce_sum3A_1958 = vector.multi_reduction <add>, %select_n3A_1956, %reduce_sum3A_1957 [0] : vector<128x256xf32> to vector<256xf32>
    %broadcast_in_dim3A_1959 = vector.shape_cast %reduce_sum3A_1958 : vector<256xf32> to vector<1x256xf32>
    %eq3A_1960 = arith.constant 1 : i32
    %eq3A_1961 = vector.broadcast %eq3A_1960 : i32 to vector<32x256xi32>
    %eq3A_1962 = arith.cmpi eq, %iota3A_1903, %eq3A_1961 : vector<32x256xi32>
    %broadcast_in_dim3A_1963 = vector.shape_cast %broadcast_in_dim3A_1943 : vector<1x256xf32> to vector<1x256xf32>
    %broadcast_in_dim3A_1964 = vector.broadcast %broadcast_in_dim3A_1963 : vector<1x256xf32> to vector<32x256xf32>
    %select_n3A_1965 = arith.select %eq3A_1962, %broadcast_in_dim3A_1964, %select_n3A_1931 : vector<32x256xi1>, vector<32x256xf32>
    %eq3A_1966 = arith.constant 1 : i32
    %eq3A_1967 = vector.broadcast %eq3A_1966 : i32 to vector<32x256xi32>
    %eq3A_1968 = arith.cmpi eq, %iota3A_1903, %eq3A_1967 : vector<32x256xi32>
    %broadcast_in_dim3A_1969 = vector.shape_cast %broadcast_in_dim3A_1959 : vector<1x256xf32> to vector<1x256xf32>
    %broadcast_in_dim3A_1970 = vector.broadcast %broadcast_in_dim3A_1969 : vector<1x256xf32> to vector<32x256xf32>
    %select_n3A_1971 = arith.select %eq3A_1968, %broadcast_in_dim3A_1970, %select_n3A_1937 : vector<32x256xi1>, vector<32x256xf32>
    %jit3A_1972 = arith.constant 0xFF800000 : f32
    %broadcast_in_dim3A_1973 = vector.broadcast %jit3A_1972 : f32 to vector<128x256xf32>
    %select_n3A_1974 = arith.select %eq3A_1953, %broadcast_in_dim3A_1973, %select_n3A_1940 : vector<128x256xi1>, vector<128x256xf32>
    %reduce_max3A_1975 = arith.constant dense<0xFF800000> : vector<256xf32>
    %reduce_max3A_1976 = vector.multi_reduction <maximumf>, %select_n3A_1974, %reduce_max3A_1975 [0] : vector<128x256xf32> to vector<256xf32>
    %broadcast_in_dim3A_1977 = vector.shape_cast %reduce_max3A_1976 : vector<256xf32> to vector<1x256xf32>
    %eq3A_1978 = vector.broadcast %broadcast_in_dim3A_1977 : vector<1x256xf32> to vector<128x256xf32>
    %eq3A_1979 = arith.cmpf oeq, %select_n3A_1974, %eq3A_1978 : vector<128x256xf32>
    %jit3A_1980 = arith.constant 128 : i32
    %broadcast_in_dim3A_1981 = vector.broadcast %jit3A_1980 : i32 to vector<128x256xi32>
    %select_n3A_1982 = arith.select %eq3A_1979, %iota3A_1902, %broadcast_in_dim3A_1981 : vector<128x256xi1>, vector<128x256xi32>
    %reduce_min3A_1983 = arith.constant dense<2147483647> : vector<256xi32>
    %reduce_min3A_1984 = vector.multi_reduction <minsi>, %select_n3A_1982, %reduce_min3A_1983 [0] : vector<128x256xi32> to vector<256xi32>
    %broadcast_in_dim3A_1985 = vector.shape_cast %reduce_min3A_1984 : vector<256xi32> to vector<1x256xi32>
    %eq3A_1986 = vector.broadcast %broadcast_in_dim3A_1985 : vector<1x256xi32> to vector<128x256xi32>
    %eq3A_1987 = arith.cmpi eq, %iota3A_1902, %eq3A_1986 : vector<128x256xi32>
    %jit3A_1988 = arith.constant 0.000000e+00 : f32
    %broadcast_in_dim3A_1989 = vector.broadcast %jit3A_1988 : f32 to vector<128x256xf32>
    %select_n3A_1990 = arith.select %eq3A_1987, %add3A_1901, %broadcast_in_dim3A_1989 : vector<128x256xi1>, vector<128x256xf32>
    %reduce_sum3A_1991 = arith.constant dense<0.000000e+00> : vector<256xf32>
    %reduce_sum3A_1992 = vector.multi_reduction <add>, %select_n3A_1990, %reduce_sum3A_1991 [0] : vector<128x256xf32> to vector<256xf32>
    %broadcast_in_dim3A_1993 = vector.shape_cast %reduce_sum3A_1992 : vector<256xf32> to vector<1x256xf32>
    %eq3A_1994 = arith.constant 2 : i32
    %eq3A_1995 = vector.broadcast %eq3A_1994 : i32 to vector<32x256xi32>
    %eq3A_1996 = arith.cmpi eq, %iota3A_1903, %eq3A_1995 : vector<32x256xi32>
    %broadcast_in_dim3A_1997 = vector.shape_cast %broadcast_in_dim3A_1977 : vector<1x256xf32> to vector<1x256xf32>
    %broadcast_in_dim3A_1998 = vector.broadcast %broadcast_in_dim3A_1997 : vector<1x256xf32> to vector<32x256xf32>
    %select_n3A_1999 = arith.select %eq3A_1996, %broadcast_in_dim3A_1998, %select_n3A_1965 : vector<32x256xi1>, vector<32x256xf32>
    %eq3A_2000 = arith.constant 2 : i32
    %eq3A_2001 = vector.broadcast %eq3A_2000 : i32 to vector<32x256xi32>
    %eq3A_2002 = arith.cmpi eq, %iota3A_1903, %eq3A_2001 : vector<32x256xi32>
    %broadcast_in_dim3A_2003 = vector.shape_cast %broadcast_in_dim3A_1993 : vector<1x256xf32> to vector<1x256xf32>
    %broadcast_in_dim3A_2004 = vector.broadcast %broadcast_in_dim3A_2003 : vector<1x256xf32> to vector<32x256xf32>
    %select_n3A_2005 = arith.select %eq3A_2002, %broadcast_in_dim3A_2004, %select_n3A_1971 : vector<32x256xi1>, vector<32x256xf32>
    %jit3A_2006 = arith.constant 0xFF800000 : f32
    %broadcast_in_dim3A_2007 = vector.broadcast %jit3A_2006 : f32 to vector<128x256xf32>
    %select_n3A_2008 = arith.select %eq3A_1987, %broadcast_in_dim3A_2007, %select_n3A_1974 : vector<128x256xi1>, vector<128x256xf32>
    %reduce_max3A_2009 = arith.constant dense<0xFF800000> : vector<256xf32>
    %reduce_max3A_2010 = vector.multi_reduction <maximumf>, %select_n3A_2008, %reduce_max3A_2009 [0] : vector<128x256xf32> to vector<256xf32>
    %broadcast_in_dim3A_2011 = vector.shape_cast %reduce_max3A_2010 : vector<256xf32> to vector<1x256xf32>
    %eq3A_2012 = vector.broadcast %broadcast_in_dim3A_2011 : vector<1x256xf32> to vector<128x256xf32>
    %eq3A_2013 = arith.cmpf oeq, %select_n3A_2008, %eq3A_2012 : vector<128x256xf32>
    %jit3A_2014 = arith.constant 128 : i32
    %broadcast_in_dim3A_2015 = vector.broadcast %jit3A_2014 : i32 to vector<128x256xi32>
    %select_n3A_2016 = arith.select %eq3A_2013, %iota3A_1902, %broadcast_in_dim3A_2015 : vector<128x256xi1>, vector<128x256xi32>
    %reduce_min3A_2017 = arith.constant dense<2147483647> : vector<256xi32>
    %reduce_min3A_2018 = vector.multi_reduction <minsi>, %select_n3A_2016, %reduce_min3A_2017 [0] : vector<128x256xi32> to vector<256xi32>
    %broadcast_in_dim3A_2019 = vector.shape_cast %reduce_min3A_2018 : vector<256xi32> to vector<1x256xi32>
    %eq3A_2020 = vector.broadcast %broadcast_in_dim3A_2019 : vector<1x256xi32> to vector<128x256xi32>
    %eq3A_2021 = arith.cmpi eq, %iota3A_1902, %eq3A_2020 : vector<128x256xi32>
    %jit3A_2022 = arith.constant 0.000000e+00 : f32
    %broadcast_in_dim3A_2023 = vector.broadcast %jit3A_2022 : f32 to vector<128x256xf32>
    %select_n3A_2024 = arith.select %eq3A_2021, %add3A_1901, %broadcast_in_dim3A_2023 : vector<128x256xi1>, vector<128x256xf32>
    %reduce_sum3A_2025 = arith.constant dense<0.000000e+00> : vector<256xf32>
    %reduce_sum3A_2026 = vector.multi_reduction <add>, %select_n3A_2024, %reduce_sum3A_2025 [0] : vector<128x256xf32> to vector<256xf32>
    %broadcast_in_dim3A_2027 = vector.shape_cast %reduce_sum3A_2026 : vector<256xf32> to vector<1x256xf32>
    %eq3A_2028 = arith.constant 3 : i32
    %eq3A_2029 = vector.broadcast %eq3A_2028 : i32 to vector<32x256xi32>
    %eq3A_2030 = arith.cmpi eq, %iota3A_1903, %eq3A_2029 : vector<32x256xi32>
    %broadcast_in_dim3A_2031 = vector.shape_cast %broadcast_in_dim3A_2011 : vector<1x256xf32> to vector<1x256xf32>
    %broadcast_in_dim3A_2032 = vector.broadcast %broadcast_in_dim3A_2031 : vector<1x256xf32> to vector<32x256xf32>
    %select_n3A_2033 = arith.select %eq3A_2030, %broadcast_in_dim3A_2032, %select_n3A_1999 : vector<32x256xi1>, vector<32x256xf32>
    %eq3A_2034 = arith.constant 3 : i32
    %eq3A_2035 = vector.broadcast %eq3A_2034 : i32 to vector<32x256xi32>
    %eq3A_2036 = arith.cmpi eq, %iota3A_1903, %eq3A_2035 : vector<32x256xi32>
    %broadcast_in_dim3A_2037 = vector.shape_cast %broadcast_in_dim3A_2027 : vector<1x256xf32> to vector<1x256xf32>
    %broadcast_in_dim3A_2038 = vector.broadcast %broadcast_in_dim3A_2037 : vector<1x256xf32> to vector<32x256xf32>
    %select_n3A_2039 = arith.select %eq3A_2036, %broadcast_in_dim3A_2038, %select_n3A_2005 : vector<32x256xi1>, vector<32x256xf32>
    %jit3A_2040 = arith.constant 0xFF800000 : f32
    %broadcast_in_dim3A_2041 = vector.broadcast %jit3A_2040 : f32 to vector<128x256xf32>
    %select_n3A_2042 = arith.select %eq3A_2021, %broadcast_in_dim3A_2041, %select_n3A_2008 : vector<128x256xi1>, vector<128x256xf32>
    %reduce_max3A_2043 = arith.constant dense<0xFF800000> : vector<256xf32>
    %reduce_max3A_2044 = vector.multi_reduction <maximumf>, %select_n3A_2042, %reduce_max3A_2043 [0] : vector<128x256xf32> to vector<256xf32>
    %broadcast_in_dim3A_2045 = vector.shape_cast %reduce_max3A_2044 : vector<256xf32> to vector<1x256xf32>
    %eq3A_2046 = vector.broadcast %broadcast_in_dim3A_2045 : vector<1x256xf32> to vector<128x256xf32>
    %eq3A_2047 = arith.cmpf oeq, %select_n3A_2042, %eq3A_2046 : vector<128x256xf32>
    %jit3A_2048 = arith.constant 128 : i32
    %broadcast_in_dim3A_2049 = vector.broadcast %jit3A_2048 : i32 to vector<128x256xi32>
    %select_n3A_2050 = arith.select %eq3A_2047, %iota3A_1902, %broadcast_in_dim3A_2049 : vector<128x256xi1>, vector<128x256xi32>
    %reduce_min3A_2051 = arith.constant dense<2147483647> : vector<256xi32>
    %reduce_min3A_2052 = vector.multi_reduction <minsi>, %select_n3A_2050, %reduce_min3A_2051 [0] : vector<128x256xi32> to vector<256xi32>
    %broadcast_in_dim3A_2053 = vector.shape_cast %reduce_min3A_2052 : vector<256xi32> to vector<1x256xi32>
    %eq3A_2054 = vector.broadcast %broadcast_in_dim3A_2053 : vector<1x256xi32> to vector<128x256xi32>
    %eq3A_2055 = arith.cmpi eq, %iota3A_1902, %eq3A_2054 : vector<128x256xi32>
    %jit3A_2056 = arith.constant 0.000000e+00 : f32
    %broadcast_in_dim3A_2057 = vector.broadcast %jit3A_2056 : f32 to vector<128x256xf32>
    %select_n3A_2058 = arith.select %eq3A_2055, %add3A_1901, %broadcast_in_dim3A_2057 : vector<128x256xi1>, vector<128x256xf32>
    %reduce_sum3A_2059 = arith.constant dense<0.000000e+00> : vector<256xf32>
    %reduce_sum3A_2060 = vector.multi_reduction <add>, %select_n3A_2058, %reduce_sum3A_2059 [0] : vector<128x256xf32> to vector<256xf32>
    %broadcast_in_dim3A_2061 = vector.shape_cast %reduce_sum3A_2060 : vector<256xf32> to vector<1x256xf32>
    %eq3A_2062 = arith.constant 4 : i32
    %eq3A_2063 = vector.broadcast %eq3A_2062 : i32 to vector<32x256xi32>
    %eq3A_2064 = arith.cmpi eq, %iota3A_1903, %eq3A_2063 : vector<32x256xi32>
    %broadcast_in_dim3A_2065 = vector.shape_cast %broadcast_in_dim3A_2045 : vector<1x256xf32> to vector<1x256xf32>
    %broadcast_in_dim3A_2066 = vector.broadcast %broadcast_in_dim3A_2065 : vector<1x256xf32> to vector<32x256xf32>
    %select_n3A_2067 = arith.select %eq3A_2064, %broadcast_in_dim3A_2066, %select_n3A_2033 : vector<32x256xi1>, vector<32x256xf32>
    %eq3A_2068 = arith.constant 4 : i32
    %eq3A_2069 = vector.broadcast %eq3A_2068 : i32 to vector<32x256xi32>
    %eq3A_2070 = arith.cmpi eq, %iota3A_1903, %eq3A_2069 : vector<32x256xi32>
    %broadcast_in_dim3A_2071 = vector.shape_cast %broadcast_in_dim3A_2061 : vector<1x256xf32> to vector<1x256xf32>
    %broadcast_in_dim3A_2072 = vector.broadcast %broadcast_in_dim3A_2071 : vector<1x256xf32> to vector<32x256xf32>
    %select_n3A_2073 = arith.select %eq3A_2070, %broadcast_in_dim3A_2072, %select_n3A_2039 : vector<32x256xi1>, vector<32x256xf32>
    %jit3A_2074 = arith.constant 0xFF800000 : f32
    %broadcast_in_dim3A_2075 = vector.broadcast %jit3A_2074 : f32 to vector<128x256xf32>
    %select_n3A_2076 = arith.select %eq3A_2055, %broadcast_in_dim3A_2075, %select_n3A_2042 : vector<128x256xi1>, vector<128x256xf32>
    %reduce_max3A_2077 = arith.constant dense<0xFF800000> : vector<256xf32>
    %reduce_max3A_2078 = vector.multi_reduction <maximumf>, %select_n3A_2076, %reduce_max3A_2077 [0] : vector<128x256xf32> to vector<256xf32>
    %broadcast_in_dim3A_2079 = vector.shape_cast %reduce_max3A_2078 : vector<256xf32> to vector<1x256xf32>
    %eq3A_2080 = vector.broadcast %broadcast_in_dim3A_2079 : vector<1x256xf32> to vector<128x256xf32>
    %eq3A_2081 = arith.cmpf oeq, %select_n3A_2076, %eq3A_2080 : vector<128x256xf32>
    %jit3A_2082 = arith.constant 128 : i32
    %broadcast_in_dim3A_2083 = vector.broadcast %jit3A_2082 : i32 to vector<128x256xi32>
    %select_n3A_2084 = arith.select %eq3A_2081, %iota3A_1902, %broadcast_in_dim3A_2083 : vector<128x256xi1>, vector<128x256xi32>
    %reduce_min3A_2085 = arith.constant dense<2147483647> : vector<256xi32>
    %reduce_min3A_2086 = vector.multi_reduction <minsi>, %select_n3A_2084, %reduce_min3A_2085 [0] : vector<128x256xi32> to vector<256xi32>
    %broadcast_in_dim3A_2087 = vector.shape_cast %reduce_min3A_2086 : vector<256xi32> to vector<1x256xi32>
    %eq3A_2088 = vector.broadcast %broadcast_in_dim3A_2087 : vector<1x256xi32> to vector<128x256xi32>
    %eq3A_2089 = arith.cmpi eq, %iota3A_1902, %eq3A_2088 : vector<128x256xi32>
    %jit3A_2090 = arith.constant 0.000000e+00 : f32
    %broadcast_in_dim3A_2091 = vector.broadcast %jit3A_2090 : f32 to vector<128x256xf32>
    %select_n3A_2092 = arith.select %eq3A_2089, %add3A_1901, %broadcast_in_dim3A_2091 : vector<128x256xi1>, vector<128x256xf32>
    %reduce_sum3A_2093 = arith.constant dense<0.000000e+00> : vector<256xf32>
    %reduce_sum3A_2094 = vector.multi_reduction <add>, %select_n3A_2092, %reduce_sum3A_2093 [0] : vector<128x256xf32> to vector<256xf32>
    %broadcast_in_dim3A_2095 = vector.shape_cast %reduce_sum3A_2094 : vector<256xf32> to vector<1x256xf32>
    %eq3A_2096 = arith.constant 5 : i32
    %eq3A_2097 = vector.broadcast %eq3A_2096 : i32 to vector<32x256xi32>
    %eq3A_2098 = arith.cmpi eq, %iota3A_1903, %eq3A_2097 : vector<32x256xi32>
    %broadcast_in_dim3A_2099 = vector.shape_cast %broadcast_in_dim3A_2079 : vector<1x256xf32> to vector<1x256xf32>
    %broadcast_in_dim3A_2100 = vector.broadcast %broadcast_in_dim3A_2099 : vector<1x256xf32> to vector<32x256xf32>
    %select_n3A_2101 = arith.select %eq3A_2098, %broadcast_in_dim3A_2100, %select_n3A_2067 : vector<32x256xi1>, vector<32x256xf32>
    %eq3A_2102 = arith.constant 5 : i32
    %eq3A_2103 = vector.broadcast %eq3A_2102 : i32 to vector<32x256xi32>
    %eq3A_2104 = arith.cmpi eq, %iota3A_1903, %eq3A_2103 : vector<32x256xi32>
    %broadcast_in_dim3A_2105 = vector.shape_cast %broadcast_in_dim3A_2095 : vector<1x256xf32> to vector<1x256xf32>
    %broadcast_in_dim3A_2106 = vector.broadcast %broadcast_in_dim3A_2105 : vector<1x256xf32> to vector<32x256xf32>
    %select_n3A_2107 = arith.select %eq3A_2104, %broadcast_in_dim3A_2106, %select_n3A_2073 : vector<32x256xi1>, vector<32x256xf32>
    %jit3A_2108 = arith.constant 0xFF800000 : f32
    %broadcast_in_dim3A_2109 = vector.broadcast %jit3A_2108 : f32 to vector<128x256xf32>
    %select_n3A_2110 = arith.select %eq3A_2089, %broadcast_in_dim3A_2109, %select_n3A_2076 : vector<128x256xi1>, vector<128x256xf32>
    %reduce_max3A_2111 = arith.constant dense<0xFF800000> : vector<256xf32>
    %reduce_max3A_2112 = vector.multi_reduction <maximumf>, %select_n3A_2110, %reduce_max3A_2111 [0] : vector<128x256xf32> to vector<256xf32>
    %broadcast_in_dim3A_2113 = vector.shape_cast %reduce_max3A_2112 : vector<256xf32> to vector<1x256xf32>
    %eq3A_2114 = vector.broadcast %broadcast_in_dim3A_2113 : vector<1x256xf32> to vector<128x256xf32>
    %eq3A_2115 = arith.cmpf oeq, %select_n3A_2110, %eq3A_2114 : vector<128x256xf32>
    %jit3A_2116 = arith.constant 128 : i32
    %broadcast_in_dim3A_2117 = vector.broadcast %jit3A_2116 : i32 to vector<128x256xi32>
    %select_n3A_2118 = arith.select %eq3A_2115, %iota3A_1902, %broadcast_in_dim3A_2117 : vector<128x256xi1>, vector<128x256xi32>
    %reduce_min3A_2119 = arith.constant dense<2147483647> : vector<256xi32>
    %reduce_min3A_2120 = vector.multi_reduction <minsi>, %select_n3A_2118, %reduce_min3A_2119 [0] : vector<128x256xi32> to vector<256xi32>
    %broadcast_in_dim3A_2121 = vector.shape_cast %reduce_min3A_2120 : vector<256xi32> to vector<1x256xi32>
    %eq3A_2122 = vector.broadcast %broadcast_in_dim3A_2121 : vector<1x256xi32> to vector<128x256xi32>
    %eq3A_2123 = arith.cmpi eq, %iota3A_1902, %eq3A_2122 : vector<128x256xi32>
    %jit3A_2124 = arith.constant 0.000000e+00 : f32
    %broadcast_in_dim3A_2125 = vector.broadcast %jit3A_2124 : f32 to vector<128x256xf32>
    %select_n3A_2126 = arith.select %eq3A_2123, %add3A_1901, %broadcast_in_dim3A_2125 : vector<128x256xi1>, vector<128x256xf32>
    %reduce_sum3A_2127 = arith.constant dense<0.000000e+00> : vector<256xf32>
    %reduce_sum3A_2128 = vector.multi_reduction <add>, %select_n3A_2126, %reduce_sum3A_2127 [0] : vector<128x256xf32> to vector<256xf32>
    %broadcast_in_dim3A_2129 = vector.shape_cast %reduce_sum3A_2128 : vector<256xf32> to vector<1x256xf32>
    %eq3A_2130 = arith.constant 6 : i32
    %eq3A_2131 = vector.broadcast %eq3A_2130 : i32 to vector<32x256xi32>
    %eq3A_2132 = arith.cmpi eq, %iota3A_1903, %eq3A_2131 : vector<32x256xi32>
    %broadcast_in_dim3A_2133 = vector.shape_cast %broadcast_in_dim3A_2113 : vector<1x256xf32> to vector<1x256xf32>
    %broadcast_in_dim3A_2134 = vector.broadcast %broadcast_in_dim3A_2133 : vector<1x256xf32> to vector<32x256xf32>
    %select_n3A_2135 = arith.select %eq3A_2132, %broadcast_in_dim3A_2134, %select_n3A_2101 : vector<32x256xi1>, vector<32x256xf32>
    %eq3A_2136 = arith.constant 6 : i32
    %eq3A_2137 = vector.broadcast %eq3A_2136 : i32 to vector<32x256xi32>
    %eq3A_2138 = arith.cmpi eq, %iota3A_1903, %eq3A_2137 : vector<32x256xi32>
    %broadcast_in_dim3A_2139 = vector.shape_cast %broadcast_in_dim3A_2129 : vector<1x256xf32> to vector<1x256xf32>
    %broadcast_in_dim3A_2140 = vector.broadcast %broadcast_in_dim3A_2139 : vector<1x256xf32> to vector<32x256xf32>
    %select_n3A_2141 = arith.select %eq3A_2138, %broadcast_in_dim3A_2140, %select_n3A_2107 : vector<32x256xi1>, vector<32x256xf32>
    %jit3A_2142 = arith.constant 0xFF800000 : f32
    %broadcast_in_dim3A_2143 = vector.broadcast %jit3A_2142 : f32 to vector<128x256xf32>
    %select_n3A_2144 = arith.select %eq3A_2123, %broadcast_in_dim3A_2143, %select_n3A_2110 : vector<128x256xi1>, vector<128x256xf32>
    %reduce_max3A_2145 = arith.constant dense<0xFF800000> : vector<256xf32>
    %reduce_max3A_2146 = vector.multi_reduction <maximumf>, %select_n3A_2144, %reduce_max3A_2145 [0] : vector<128x256xf32> to vector<256xf32>
    %broadcast_in_dim3A_2147 = vector.shape_cast %reduce_max3A_2146 : vector<256xf32> to vector<1x256xf32>
    %eq3A_2148 = vector.broadcast %broadcast_in_dim3A_2147 : vector<1x256xf32> to vector<128x256xf32>
    %eq3A_2149 = arith.cmpf oeq, %select_n3A_2144, %eq3A_2148 : vector<128x256xf32>
    %jit3A_2150 = arith.constant 128 : i32
    %broadcast_in_dim3A_2151 = vector.broadcast %jit3A_2150 : i32 to vector<128x256xi32>
    %select_n3A_2152 = arith.select %eq3A_2149, %iota3A_1902, %broadcast_in_dim3A_2151 : vector<128x256xi1>, vector<128x256xi32>
    %reduce_min3A_2153 = arith.constant dense<2147483647> : vector<256xi32>
    %reduce_min3A_2154 = vector.multi_reduction <minsi>, %select_n3A_2152, %reduce_min3A_2153 [0] : vector<128x256xi32> to vector<256xi32>
    %broadcast_in_dim3A_2155 = vector.shape_cast %reduce_min3A_2154 : vector<256xi32> to vector<1x256xi32>
    %eq3A_2156 = vector.broadcast %broadcast_in_dim3A_2155 : vector<1x256xi32> to vector<128x256xi32>
    %eq3A_2157 = arith.cmpi eq, %iota3A_1902, %eq3A_2156 : vector<128x256xi32>
    %jit3A_2158 = arith.constant 0.000000e+00 : f32
    %broadcast_in_dim3A_2159 = vector.broadcast %jit3A_2158 : f32 to vector<128x256xf32>
    %select_n3A_2160 = arith.select %eq3A_2157, %add3A_1901, %broadcast_in_dim3A_2159 : vector<128x256xi1>, vector<128x256xf32>
    %reduce_sum3A_2161 = arith.constant dense<0.000000e+00> : vector<256xf32>
    %reduce_sum3A_2162 = vector.multi_reduction <add>, %select_n3A_2160, %reduce_sum3A_2161 [0] : vector<128x256xf32> to vector<256xf32>
    %broadcast_in_dim3A_2163 = vector.shape_cast %reduce_sum3A_2162 : vector<256xf32> to vector<1x256xf32>
    %eq3A_2164 = arith.constant 7 : i32
    %eq3A_2165 = vector.broadcast %eq3A_2164 : i32 to vector<32x256xi32>
    %eq3A_2166 = arith.cmpi eq, %iota3A_1903, %eq3A_2165 : vector<32x256xi32>
    %broadcast_in_dim3A_2167 = vector.shape_cast %broadcast_in_dim3A_2147 : vector<1x256xf32> to vector<1x256xf32>
    %broadcast_in_dim3A_2168 = vector.broadcast %broadcast_in_dim3A_2167 : vector<1x256xf32> to vector<32x256xf32>
    %select_n3A_2169 = arith.select %eq3A_2166, %broadcast_in_dim3A_2168, %select_n3A_2135 : vector<32x256xi1>, vector<32x256xf32>
    %eq3A_2170 = arith.constant 7 : i32
    %eq3A_2171 = vector.broadcast %eq3A_2170 : i32 to vector<32x256xi32>
    %eq3A_2172 = arith.cmpi eq, %iota3A_1903, %eq3A_2171 : vector<32x256xi32>
    %broadcast_in_dim3A_2173 = vector.shape_cast %broadcast_in_dim3A_2163 : vector<1x256xf32> to vector<1x256xf32>
    %broadcast_in_dim3A_2174 = vector.broadcast %broadcast_in_dim3A_2173 : vector<1x256xf32> to vector<32x256xf32>
    %select_n3A_2175 = arith.select %eq3A_2172, %broadcast_in_dim3A_2174, %select_n3A_2141 : vector<32x256xi1>, vector<32x256xf32>
    %jit3A_2176 = arith.constant 0xFF800000 : f32
    %broadcast_in_dim3A_2177 = vector.broadcast %jit3A_2176 : f32 to vector<128x256xf32>
    %select_n3A_2178 = arith.select %eq3A_2157, %broadcast_in_dim3A_2177, %select_n3A_2144 : vector<128x256xi1>, vector<128x256xf32>
    %reduce_max3A_2179 = arith.constant dense<0xFF800000> : vector<256xf32>
    %reduce_max3A_2180 = vector.multi_reduction <maximumf>, %select_n3A_2178, %reduce_max3A_2179 [0] : vector<128x256xf32> to vector<256xf32>
    %broadcast_in_dim3A_2181 = vector.shape_cast %reduce_max3A_2180 : vector<256xf32> to vector<1x256xf32>
    %eq3A_2182 = vector.broadcast %broadcast_in_dim3A_2181 : vector<1x256xf32> to vector<128x256xf32>
    %eq3A_2183 = arith.cmpf oeq, %select_n3A_2178, %eq3A_2182 : vector<128x256xf32>
    %jit3A_2184 = arith.constant 128 : i32
    %broadcast_in_dim3A_2185 = vector.broadcast %jit3A_2184 : i32 to vector<128x256xi32>
    %select_n3A_2186 = arith.select %eq3A_2183, %iota3A_1902, %broadcast_in_dim3A_2185 : vector<128x256xi1>, vector<128x256xi32>
    %reduce_min3A_2187 = arith.constant dense<2147483647> : vector<256xi32>
    %reduce_min3A_2188 = vector.multi_reduction <minsi>, %select_n3A_2186, %reduce_min3A_2187 [0] : vector<128x256xi32> to vector<256xi32>
    %broadcast_in_dim3A_2189 = vector.shape_cast %reduce_min3A_2188 : vector<256xi32> to vector<1x256xi32>
    %eq3A_2190 = vector.broadcast %broadcast_in_dim3A_2189 : vector<1x256xi32> to vector<128x256xi32>
    %eq3A_2191 = arith.cmpi eq, %iota3A_1902, %eq3A_2190 : vector<128x256xi32>
    %jit3A_2192 = arith.constant 0.000000e+00 : f32
    %broadcast_in_dim3A_2193 = vector.broadcast %jit3A_2192 : f32 to vector<128x256xf32>
    %select_n3A_2194 = arith.select %eq3A_2191, %add3A_1901, %broadcast_in_dim3A_2193 : vector<128x256xi1>, vector<128x256xf32>
    %reduce_sum3A_2195 = arith.constant dense<0.000000e+00> : vector<256xf32>
    %reduce_sum3A_2196 = vector.multi_reduction <add>, %select_n3A_2194, %reduce_sum3A_2195 [0] : vector<128x256xf32> to vector<256xf32>
    %broadcast_in_dim3A_2197 = vector.shape_cast %reduce_sum3A_2196 : vector<256xf32> to vector<1x256xf32>
    %eq3A_2198 = arith.constant 8 : i32
    %eq3A_2199 = vector.broadcast %eq3A_2198 : i32 to vector<32x256xi32>
    %eq3A_2200 = arith.cmpi eq, %iota3A_1903, %eq3A_2199 : vector<32x256xi32>
    %broadcast_in_dim3A_2201 = vector.shape_cast %broadcast_in_dim3A_2181 : vector<1x256xf32> to vector<1x256xf32>
    %broadcast_in_dim3A_2202 = vector.broadcast %broadcast_in_dim3A_2201 : vector<1x256xf32> to vector<32x256xf32>
    %select_n3A_2203 = arith.select %eq3A_2200, %broadcast_in_dim3A_2202, %select_n3A_2169 : vector<32x256xi1>, vector<32x256xf32>
    %eq3A_2204 = arith.constant 8 : i32
    %eq3A_2205 = vector.broadcast %eq3A_2204 : i32 to vector<32x256xi32>
    %eq3A_2206 = arith.cmpi eq, %iota3A_1903, %eq3A_2205 : vector<32x256xi32>
    %broadcast_in_dim3A_2207 = vector.shape_cast %broadcast_in_dim3A_2197 : vector<1x256xf32> to vector<1x256xf32>
    %broadcast_in_dim3A_2208 = vector.broadcast %broadcast_in_dim3A_2207 : vector<1x256xf32> to vector<32x256xf32>
    %select_n3A_2209 = arith.select %eq3A_2206, %broadcast_in_dim3A_2208, %select_n3A_2175 : vector<32x256xi1>, vector<32x256xf32>
    %jit3A_2210 = arith.constant 0xFF800000 : f32
    %broadcast_in_dim3A_2211 = vector.broadcast %jit3A_2210 : f32 to vector<128x256xf32>
    %select_n3A_2212 = arith.select %eq3A_2191, %broadcast_in_dim3A_2211, %select_n3A_2178 : vector<128x256xi1>, vector<128x256xf32>
    %reduce_max3A_2213 = arith.constant dense<0xFF800000> : vector<256xf32>
    %reduce_max3A_2214 = vector.multi_reduction <maximumf>, %select_n3A_2212, %reduce_max3A_2213 [0] : vector<128x256xf32> to vector<256xf32>
    %broadcast_in_dim3A_2215 = vector.shape_cast %reduce_max3A_2214 : vector<256xf32> to vector<1x256xf32>
    %eq3A_2216 = vector.broadcast %broadcast_in_dim3A_2215 : vector<1x256xf32> to vector<128x256xf32>
    %eq3A_2217 = arith.cmpf oeq, %select_n3A_2212, %eq3A_2216 : vector<128x256xf32>
    %jit3A_2218 = arith.constant 128 : i32
    %broadcast_in_dim3A_2219 = vector.broadcast %jit3A_2218 : i32 to vector<128x256xi32>
    %select_n3A_2220 = arith.select %eq3A_2217, %iota3A_1902, %broadcast_in_dim3A_2219 : vector<128x256xi1>, vector<128x256xi32>
    %reduce_min3A_2221 = arith.constant dense<2147483647> : vector<256xi32>
    %reduce_min3A_2222 = vector.multi_reduction <minsi>, %select_n3A_2220, %reduce_min3A_2221 [0] : vector<128x256xi32> to vector<256xi32>
    %broadcast_in_dim3A_2223 = vector.shape_cast %reduce_min3A_2222 : vector<256xi32> to vector<1x256xi32>
    %eq3A_2224 = vector.broadcast %broadcast_in_dim3A_2223 : vector<1x256xi32> to vector<128x256xi32>
    %eq3A_2225 = arith.cmpi eq, %iota3A_1902, %eq3A_2224 : vector<128x256xi32>
    %jit3A_2226 = arith.constant 0.000000e+00 : f32
    %broadcast_in_dim3A_2227 = vector.broadcast %jit3A_2226 : f32 to vector<128x256xf32>
    %select_n3A_2228 = arith.select %eq3A_2225, %add3A_1901, %broadcast_in_dim3A_2227 : vector<128x256xi1>, vector<128x256xf32>
    %reduce_sum3A_2229 = arith.constant dense<0.000000e+00> : vector<256xf32>
    %reduce_sum3A_2230 = vector.multi_reduction <add>, %select_n3A_2228, %reduce_sum3A_2229 [0] : vector<128x256xf32> to vector<256xf32>
    %broadcast_in_dim3A_2231 = vector.shape_cast %reduce_sum3A_2230 : vector<256xf32> to vector<1x256xf32>
    %eq3A_2232 = arith.constant 9 : i32
    %eq3A_2233 = vector.broadcast %eq3A_2232 : i32 to vector<32x256xi32>
    %eq3A_2234 = arith.cmpi eq, %iota3A_1903, %eq3A_2233 : vector<32x256xi32>
    %broadcast_in_dim3A_2235 = vector.shape_cast %broadcast_in_dim3A_2215 : vector<1x256xf32> to vector<1x256xf32>
    %broadcast_in_dim3A_2236 = vector.broadcast %broadcast_in_dim3A_2235 : vector<1x256xf32> to vector<32x256xf32>
    %select_n3A_2237 = arith.select %eq3A_2234, %broadcast_in_dim3A_2236, %select_n3A_2203 : vector<32x256xi1>, vector<32x256xf32>
    %eq3A_2238 = arith.constant 9 : i32
    %eq3A_2239 = vector.broadcast %eq3A_2238 : i32 to vector<32x256xi32>
    %eq3A_2240 = arith.cmpi eq, %iota3A_1903, %eq3A_2239 : vector<32x256xi32>
    %broadcast_in_dim3A_2241 = vector.shape_cast %broadcast_in_dim3A_2231 : vector<1x256xf32> to vector<1x256xf32>
    %broadcast_in_dim3A_2242 = vector.broadcast %broadcast_in_dim3A_2241 : vector<1x256xf32> to vector<32x256xf32>
    %select_n3A_2243 = arith.select %eq3A_2240, %broadcast_in_dim3A_2242, %select_n3A_2209 : vector<32x256xi1>, vector<32x256xf32>
    %jit3A_2244 = arith.constant 0xFF800000 : f32
    %broadcast_in_dim3A_2245 = vector.broadcast %jit3A_2244 : f32 to vector<128x256xf32>
    %select_n3A_2246 = arith.select %eq3A_2225, %broadcast_in_dim3A_2245, %select_n3A_2212 : vector<128x256xi1>, vector<128x256xf32>
    %reduce_max3A_2247 = arith.constant dense<0xFF800000> : vector<256xf32>
    %reduce_max3A_2248 = vector.multi_reduction <maximumf>, %select_n3A_2246, %reduce_max3A_2247 [0] : vector<128x256xf32> to vector<256xf32>
    %broadcast_in_dim3A_2249 = vector.shape_cast %reduce_max3A_2248 : vector<256xf32> to vector<1x256xf32>
    %eq3A_2250 = vector.broadcast %broadcast_in_dim3A_2249 : vector<1x256xf32> to vector<128x256xf32>
    %eq3A_2251 = arith.cmpf oeq, %select_n3A_2246, %eq3A_2250 : vector<128x256xf32>
    %jit3A_2252 = arith.constant 128 : i32
    %broadcast_in_dim3A_2253 = vector.broadcast %jit3A_2252 : i32 to vector<128x256xi32>
    %select_n3A_2254 = arith.select %eq3A_2251, %iota3A_1902, %broadcast_in_dim3A_2253 : vector<128x256xi1>, vector<128x256xi32>
    %reduce_min3A_2255 = arith.constant dense<2147483647> : vector<256xi32>
    %reduce_min3A_2256 = vector.multi_reduction <minsi>, %select_n3A_2254, %reduce_min3A_2255 [0] : vector<128x256xi32> to vector<256xi32>
    %broadcast_in_dim3A_2257 = vector.shape_cast %reduce_min3A_2256 : vector<256xi32> to vector<1x256xi32>
    %eq3A_2258 = vector.broadcast %broadcast_in_dim3A_2257 : vector<1x256xi32> to vector<128x256xi32>
    %eq3A_2259 = arith.cmpi eq, %iota3A_1902, %eq3A_2258 : vector<128x256xi32>
    %jit3A_2260 = arith.constant 0.000000e+00 : f32
    %broadcast_in_dim3A_2261 = vector.broadcast %jit3A_2260 : f32 to vector<128x256xf32>
    %select_n3A_2262 = arith.select %eq3A_2259, %add3A_1901, %broadcast_in_dim3A_2261 : vector<128x256xi1>, vector<128x256xf32>
    %reduce_sum3A_2263 = arith.constant dense<0.000000e+00> : vector<256xf32>
    %reduce_sum3A_2264 = vector.multi_reduction <add>, %select_n3A_2262, %reduce_sum3A_2263 [0] : vector<128x256xf32> to vector<256xf32>
    %broadcast_in_dim3A_2265 = vector.shape_cast %reduce_sum3A_2264 : vector<256xf32> to vector<1x256xf32>
    %eq3A_2266 = arith.constant 10 : i32
    %eq3A_2267 = vector.broadcast %eq3A_2266 : i32 to vector<32x256xi32>
    %eq3A_2268 = arith.cmpi eq, %iota3A_1903, %eq3A_2267 : vector<32x256xi32>
    %broadcast_in_dim3A_2269 = vector.shape_cast %broadcast_in_dim3A_2249 : vector<1x256xf32> to vector<1x256xf32>
    %broadcast_in_dim3A_2270 = vector.broadcast %broadcast_in_dim3A_2269 : vector<1x256xf32> to vector<32x256xf32>
    %select_n3A_2271 = arith.select %eq3A_2268, %broadcast_in_dim3A_2270, %select_n3A_2237 : vector<32x256xi1>, vector<32x256xf32>
    %eq3A_2272 = arith.constant 10 : i32
    %eq3A_2273 = vector.broadcast %eq3A_2272 : i32 to vector<32x256xi32>
    %eq3A_2274 = arith.cmpi eq, %iota3A_1903, %eq3A_2273 : vector<32x256xi32>
    %broadcast_in_dim3A_2275 = vector.shape_cast %broadcast_in_dim3A_2265 : vector<1x256xf32> to vector<1x256xf32>
    %broadcast_in_dim3A_2276 = vector.broadcast %broadcast_in_dim3A_2275 : vector<1x256xf32> to vector<32x256xf32>
    %select_n3A_2277 = arith.select %eq3A_2274, %broadcast_in_dim3A_2276, %select_n3A_2243 : vector<32x256xi1>, vector<32x256xf32>
    %jit3A_2278 = arith.constant 0xFF800000 : f32
    %broadcast_in_dim3A_2279 = vector.broadcast %jit3A_2278 : f32 to vector<128x256xf32>
    %select_n3A_2280 = arith.select %eq3A_2259, %broadcast_in_dim3A_2279, %select_n3A_2246 : vector<128x256xi1>, vector<128x256xf32>
    %reduce_max3A_2281 = arith.constant dense<0xFF800000> : vector<256xf32>
    %reduce_max3A_2282 = vector.multi_reduction <maximumf>, %select_n3A_2280, %reduce_max3A_2281 [0] : vector<128x256xf32> to vector<256xf32>
    %broadcast_in_dim3A_2283 = vector.shape_cast %reduce_max3A_2282 : vector<256xf32> to vector<1x256xf32>
    %eq3A_2284 = vector.broadcast %broadcast_in_dim3A_2283 : vector<1x256xf32> to vector<128x256xf32>
    %eq3A_2285 = arith.cmpf oeq, %select_n3A_2280, %eq3A_2284 : vector<128x256xf32>
    %jit3A_2286 = arith.constant 128 : i32
    %broadcast_in_dim3A_2287 = vector.broadcast %jit3A_2286 : i32 to vector<128x256xi32>
    %select_n3A_2288 = arith.select %eq3A_2285, %iota3A_1902, %broadcast_in_dim3A_2287 : vector<128x256xi1>, vector<128x256xi32>
    %reduce_min3A_2289 = arith.constant dense<2147483647> : vector<256xi32>
    %reduce_min3A_2290 = vector.multi_reduction <minsi>, %select_n3A_2288, %reduce_min3A_2289 [0] : vector<128x256xi32> to vector<256xi32>
    %broadcast_in_dim3A_2291 = vector.shape_cast %reduce_min3A_2290 : vector<256xi32> to vector<1x256xi32>
    %eq3A_2292 = vector.broadcast %broadcast_in_dim3A_2291 : vector<1x256xi32> to vector<128x256xi32>
    %eq3A_2293 = arith.cmpi eq, %iota3A_1902, %eq3A_2292 : vector<128x256xi32>
    %jit3A_2294 = arith.constant 0.000000e+00 : f32
    %broadcast_in_dim3A_2295 = vector.broadcast %jit3A_2294 : f32 to vector<128x256xf32>
    %select_n3A_2296 = arith.select %eq3A_2293, %add3A_1901, %broadcast_in_dim3A_2295 : vector<128x256xi1>, vector<128x256xf32>
    %reduce_sum3A_2297 = arith.constant dense<0.000000e+00> : vector<256xf32>
    %reduce_sum3A_2298 = vector.multi_reduction <add>, %select_n3A_2296, %reduce_sum3A_2297 [0] : vector<128x256xf32> to vector<256xf32>
    %broadcast_in_dim3A_2299 = vector.shape_cast %reduce_sum3A_2298 : vector<256xf32> to vector<1x256xf32>
    %eq3A_2300 = arith.constant 11 : i32
    %eq3A_2301 = vector.broadcast %eq3A_2300 : i32 to vector<32x256xi32>
    %eq3A_2302 = arith.cmpi eq, %iota3A_1903, %eq3A_2301 : vector<32x256xi32>
    %broadcast_in_dim3A_2303 = vector.shape_cast %broadcast_in_dim3A_2283 : vector<1x256xf32> to vector<1x256xf32>
    %broadcast_in_dim3A_2304 = vector.broadcast %broadcast_in_dim3A_2303 : vector<1x256xf32> to vector<32x256xf32>
    %select_n3A_2305 = arith.select %eq3A_2302, %broadcast_in_dim3A_2304, %select_n3A_2271 : vector<32x256xi1>, vector<32x256xf32>
    %eq3A_2306 = arith.constant 11 : i32
    %eq3A_2307 = vector.broadcast %eq3A_2306 : i32 to vector<32x256xi32>
    %eq3A_2308 = arith.cmpi eq, %iota3A_1903, %eq3A_2307 : vector<32x256xi32>
    %broadcast_in_dim3A_2309 = vector.shape_cast %broadcast_in_dim3A_2299 : vector<1x256xf32> to vector<1x256xf32>
    %broadcast_in_dim3A_2310 = vector.broadcast %broadcast_in_dim3A_2309 : vector<1x256xf32> to vector<32x256xf32>
    %select_n3A_2311 = arith.select %eq3A_2308, %broadcast_in_dim3A_2310, %select_n3A_2277 : vector<32x256xi1>, vector<32x256xf32>
    %jit3A_2312 = arith.constant 0xFF800000 : f32
    %broadcast_in_dim3A_2313 = vector.broadcast %jit3A_2312 : f32 to vector<128x256xf32>
    %select_n3A_2314 = arith.select %eq3A_2293, %broadcast_in_dim3A_2313, %select_n3A_2280 : vector<128x256xi1>, vector<128x256xf32>
    %reduce_max3A_2315 = arith.constant dense<0xFF800000> : vector<256xf32>
    %reduce_max3A_2316 = vector.multi_reduction <maximumf>, %select_n3A_2314, %reduce_max3A_2315 [0] : vector<128x256xf32> to vector<256xf32>
    %broadcast_in_dim3A_2317 = vector.shape_cast %reduce_max3A_2316 : vector<256xf32> to vector<1x256xf32>
    %eq3A_2318 = vector.broadcast %broadcast_in_dim3A_2317 : vector<1x256xf32> to vector<128x256xf32>
    %eq3A_2319 = arith.cmpf oeq, %select_n3A_2314, %eq3A_2318 : vector<128x256xf32>
    %jit3A_2320 = arith.constant 128 : i32
    %broadcast_in_dim3A_2321 = vector.broadcast %jit3A_2320 : i32 to vector<128x256xi32>
    %select_n3A_2322 = arith.select %eq3A_2319, %iota3A_1902, %broadcast_in_dim3A_2321 : vector<128x256xi1>, vector<128x256xi32>
    %reduce_min3A_2323 = arith.constant dense<2147483647> : vector<256xi32>
    %reduce_min3A_2324 = vector.multi_reduction <minsi>, %select_n3A_2322, %reduce_min3A_2323 [0] : vector<128x256xi32> to vector<256xi32>
    %broadcast_in_dim3A_2325 = vector.shape_cast %reduce_min3A_2324 : vector<256xi32> to vector<1x256xi32>
    %eq3A_2326 = vector.broadcast %broadcast_in_dim3A_2325 : vector<1x256xi32> to vector<128x256xi32>
    %eq3A_2327 = arith.cmpi eq, %iota3A_1902, %eq3A_2326 : vector<128x256xi32>
    %jit3A_2328 = arith.constant 0.000000e+00 : f32
    %broadcast_in_dim3A_2329 = vector.broadcast %jit3A_2328 : f32 to vector<128x256xf32>
    %select_n3A_2330 = arith.select %eq3A_2327, %add3A_1901, %broadcast_in_dim3A_2329 : vector<128x256xi1>, vector<128x256xf32>
    %reduce_sum3A_2331 = arith.constant dense<0.000000e+00> : vector<256xf32>
    %reduce_sum3A_2332 = vector.multi_reduction <add>, %select_n3A_2330, %reduce_sum3A_2331 [0] : vector<128x256xf32> to vector<256xf32>
    %broadcast_in_dim3A_2333 = vector.shape_cast %reduce_sum3A_2332 : vector<256xf32> to vector<1x256xf32>
    %eq3A_2334 = arith.constant 12 : i32
    %eq3A_2335 = vector.broadcast %eq3A_2334 : i32 to vector<32x256xi32>
    %eq3A_2336 = arith.cmpi eq, %iota3A_1903, %eq3A_2335 : vector<32x256xi32>
    %broadcast_in_dim3A_2337 = vector.shape_cast %broadcast_in_dim3A_2317 : vector<1x256xf32> to vector<1x256xf32>
    %broadcast_in_dim3A_2338 = vector.broadcast %broadcast_in_dim3A_2337 : vector<1x256xf32> to vector<32x256xf32>
    %select_n3A_2339 = arith.select %eq3A_2336, %broadcast_in_dim3A_2338, %select_n3A_2305 : vector<32x256xi1>, vector<32x256xf32>
    %eq3A_2340 = arith.constant 12 : i32
    %eq3A_2341 = vector.broadcast %eq3A_2340 : i32 to vector<32x256xi32>
    %eq3A_2342 = arith.cmpi eq, %iota3A_1903, %eq3A_2341 : vector<32x256xi32>
    %broadcast_in_dim3A_2343 = vector.shape_cast %broadcast_in_dim3A_2333 : vector<1x256xf32> to vector<1x256xf32>
    %broadcast_in_dim3A_2344 = vector.broadcast %broadcast_in_dim3A_2343 : vector<1x256xf32> to vector<32x256xf32>
    %select_n3A_2345 = arith.select %eq3A_2342, %broadcast_in_dim3A_2344, %select_n3A_2311 : vector<32x256xi1>, vector<32x256xf32>
    %jit3A_2346 = arith.constant 0xFF800000 : f32
    %broadcast_in_dim3A_2347 = vector.broadcast %jit3A_2346 : f32 to vector<128x256xf32>
    %select_n3A_2348 = arith.select %eq3A_2327, %broadcast_in_dim3A_2347, %select_n3A_2314 : vector<128x256xi1>, vector<128x256xf32>
    %reduce_max3A_2349 = arith.constant dense<0xFF800000> : vector<256xf32>
    %reduce_max3A_2350 = vector.multi_reduction <maximumf>, %select_n3A_2348, %reduce_max3A_2349 [0] : vector<128x256xf32> to vector<256xf32>
    %broadcast_in_dim3A_2351 = vector.shape_cast %reduce_max3A_2350 : vector<256xf32> to vector<1x256xf32>
    %eq3A_2352 = vector.broadcast %broadcast_in_dim3A_2351 : vector<1x256xf32> to vector<128x256xf32>
    %eq3A_2353 = arith.cmpf oeq, %select_n3A_2348, %eq3A_2352 : vector<128x256xf32>
    %jit3A_2354 = arith.constant 128 : i32
    %broadcast_in_dim3A_2355 = vector.broadcast %jit3A_2354 : i32 to vector<128x256xi32>
    %select_n3A_2356 = arith.select %eq3A_2353, %iota3A_1902, %broadcast_in_dim3A_2355 : vector<128x256xi1>, vector<128x256xi32>
    %reduce_min3A_2357 = arith.constant dense<2147483647> : vector<256xi32>
    %reduce_min3A_2358 = vector.multi_reduction <minsi>, %select_n3A_2356, %reduce_min3A_2357 [0] : vector<128x256xi32> to vector<256xi32>
    %broadcast_in_dim3A_2359 = vector.shape_cast %reduce_min3A_2358 : vector<256xi32> to vector<1x256xi32>
    %eq3A_2360 = vector.broadcast %broadcast_in_dim3A_2359 : vector<1x256xi32> to vector<128x256xi32>
    %eq3A_2361 = arith.cmpi eq, %iota3A_1902, %eq3A_2360 : vector<128x256xi32>
    %jit3A_2362 = arith.constant 0.000000e+00 : f32
    %broadcast_in_dim3A_2363 = vector.broadcast %jit3A_2362 : f32 to vector<128x256xf32>
    %select_n3A_2364 = arith.select %eq3A_2361, %add3A_1901, %broadcast_in_dim3A_2363 : vector<128x256xi1>, vector<128x256xf32>
    %reduce_sum3A_2365 = arith.constant dense<0.000000e+00> : vector<256xf32>
    %reduce_sum3A_2366 = vector.multi_reduction <add>, %select_n3A_2364, %reduce_sum3A_2365 [0] : vector<128x256xf32> to vector<256xf32>
    %broadcast_in_dim3A_2367 = vector.shape_cast %reduce_sum3A_2366 : vector<256xf32> to vector<1x256xf32>
    %eq3A_2368 = arith.constant 13 : i32
    %eq3A_2369 = vector.broadcast %eq3A_2368 : i32 to vector<32x256xi32>
    %eq3A_2370 = arith.cmpi eq, %iota3A_1903, %eq3A_2369 : vector<32x256xi32>
    %broadcast_in_dim3A_2371 = vector.shape_cast %broadcast_in_dim3A_2351 : vector<1x256xf32> to vector<1x256xf32>
    %broadcast_in_dim3A_2372 = vector.broadcast %broadcast_in_dim3A_2371 : vector<1x256xf32> to vector<32x256xf32>
    %select_n3A_2373 = arith.select %eq3A_2370, %broadcast_in_dim3A_2372, %select_n3A_2339 : vector<32x256xi1>, vector<32x256xf32>
    %eq3A_2374 = arith.constant 13 : i32
    %eq3A_2375 = vector.broadcast %eq3A_2374 : i32 to vector<32x256xi32>
    %eq3A_2376 = arith.cmpi eq, %iota3A_1903, %eq3A_2375 : vector<32x256xi32>
    %broadcast_in_dim3A_2377 = vector.shape_cast %broadcast_in_dim3A_2367 : vector<1x256xf32> to vector<1x256xf32>
    %broadcast_in_dim3A_2378 = vector.broadcast %broadcast_in_dim3A_2377 : vector<1x256xf32> to vector<32x256xf32>
    %select_n3A_2379 = arith.select %eq3A_2376, %broadcast_in_dim3A_2378, %select_n3A_2345 : vector<32x256xi1>, vector<32x256xf32>
    %jit3A_2380 = arith.constant 0xFF800000 : f32
    %broadcast_in_dim3A_2381 = vector.broadcast %jit3A_2380 : f32 to vector<128x256xf32>
    %select_n3A_2382 = arith.select %eq3A_2361, %broadcast_in_dim3A_2381, %select_n3A_2348 : vector<128x256xi1>, vector<128x256xf32>
    %reduce_max3A_2383 = arith.constant dense<0xFF800000> : vector<256xf32>
    %reduce_max3A_2384 = vector.multi_reduction <maximumf>, %select_n3A_2382, %reduce_max3A_2383 [0] : vector<128x256xf32> to vector<256xf32>
    %broadcast_in_dim3A_2385 = vector.shape_cast %reduce_max3A_2384 : vector<256xf32> to vector<1x256xf32>
    %eq3A_2386 = vector.broadcast %broadcast_in_dim3A_2385 : vector<1x256xf32> to vector<128x256xf32>
    %eq3A_2387 = arith.cmpf oeq, %select_n3A_2382, %eq3A_2386 : vector<128x256xf32>
    %jit3A_2388 = arith.constant 128 : i32
    %broadcast_in_dim3A_2389 = vector.broadcast %jit3A_2388 : i32 to vector<128x256xi32>
    %select_n3A_2390 = arith.select %eq3A_2387, %iota3A_1902, %broadcast_in_dim3A_2389 : vector<128x256xi1>, vector<128x256xi32>
    %reduce_min3A_2391 = arith.constant dense<2147483647> : vector<256xi32>
    %reduce_min3A_2392 = vector.multi_reduction <minsi>, %select_n3A_2390, %reduce_min3A_2391 [0] : vector<128x256xi32> to vector<256xi32>
    %broadcast_in_dim3A_2393 = vector.shape_cast %reduce_min3A_2392 : vector<256xi32> to vector<1x256xi32>
    %eq3A_2394 = vector.broadcast %broadcast_in_dim3A_2393 : vector<1x256xi32> to vector<128x256xi32>
    %eq3A_2395 = arith.cmpi eq, %iota3A_1902, %eq3A_2394 : vector<128x256xi32>
    %jit3A_2396 = arith.constant 0.000000e+00 : f32
    %broadcast_in_dim3A_2397 = vector.broadcast %jit3A_2396 : f32 to vector<128x256xf32>
    %select_n3A_2398 = arith.select %eq3A_2395, %add3A_1901, %broadcast_in_dim3A_2397 : vector<128x256xi1>, vector<128x256xf32>
    %reduce_sum3A_2399 = arith.constant dense<0.000000e+00> : vector<256xf32>
    %reduce_sum3A_2400 = vector.multi_reduction <add>, %select_n3A_2398, %reduce_sum3A_2399 [0] : vector<128x256xf32> to vector<256xf32>
    %broadcast_in_dim3A_2401 = vector.shape_cast %reduce_sum3A_2400 : vector<256xf32> to vector<1x256xf32>
    %eq3A_2402 = arith.constant 14 : i32
    %eq3A_2403 = vector.broadcast %eq3A_2402 : i32 to vector<32x256xi32>
    %eq3A_2404 = arith.cmpi eq, %iota3A_1903, %eq3A_2403 : vector<32x256xi32>
    %broadcast_in_dim3A_2405 = vector.shape_cast %broadcast_in_dim3A_2385 : vector<1x256xf32> to vector<1x256xf32>
    %broadcast_in_dim3A_2406 = vector.broadcast %broadcast_in_dim3A_2405 : vector<1x256xf32> to vector<32x256xf32>
    %select_n3A_2407 = arith.select %eq3A_2404, %broadcast_in_dim3A_2406, %select_n3A_2373 : vector<32x256xi1>, vector<32x256xf32>
    %eq3A_2408 = arith.constant 14 : i32
    %eq3A_2409 = vector.broadcast %eq3A_2408 : i32 to vector<32x256xi32>
    %eq3A_2410 = arith.cmpi eq, %iota3A_1903, %eq3A_2409 : vector<32x256xi32>
    %broadcast_in_dim3A_2411 = vector.shape_cast %broadcast_in_dim3A_2401 : vector<1x256xf32> to vector<1x256xf32>
    %broadcast_in_dim3A_2412 = vector.broadcast %broadcast_in_dim3A_2411 : vector<1x256xf32> to vector<32x256xf32>
    %select_n3A_2413 = arith.select %eq3A_2410, %broadcast_in_dim3A_2412, %select_n3A_2379 : vector<32x256xi1>, vector<32x256xf32>
    %jit3A_2414 = arith.constant 0xFF800000 : f32
    %broadcast_in_dim3A_2415 = vector.broadcast %jit3A_2414 : f32 to vector<128x256xf32>
    %select_n3A_2416 = arith.select %eq3A_2395, %broadcast_in_dim3A_2415, %select_n3A_2382 : vector<128x256xi1>, vector<128x256xf32>
    %reduce_max3A_2417 = arith.constant dense<0xFF800000> : vector<256xf32>
    %reduce_max3A_2418 = vector.multi_reduction <maximumf>, %select_n3A_2416, %reduce_max3A_2417 [0] : vector<128x256xf32> to vector<256xf32>
    %broadcast_in_dim3A_2419 = vector.shape_cast %reduce_max3A_2418 : vector<256xf32> to vector<1x256xf32>
    %eq3A_2420 = vector.broadcast %broadcast_in_dim3A_2419 : vector<1x256xf32> to vector<128x256xf32>
    %eq3A_2421 = arith.cmpf oeq, %select_n3A_2416, %eq3A_2420 : vector<128x256xf32>
    %jit3A_2422 = arith.constant 128 : i32
    %broadcast_in_dim3A_2423 = vector.broadcast %jit3A_2422 : i32 to vector<128x256xi32>
    %select_n3A_2424 = arith.select %eq3A_2421, %iota3A_1902, %broadcast_in_dim3A_2423 : vector<128x256xi1>, vector<128x256xi32>
    %reduce_min3A_2425 = arith.constant dense<2147483647> : vector<256xi32>
    %reduce_min3A_2426 = vector.multi_reduction <minsi>, %select_n3A_2424, %reduce_min3A_2425 [0] : vector<128x256xi32> to vector<256xi32>
    %broadcast_in_dim3A_2427 = vector.shape_cast %reduce_min3A_2426 : vector<256xi32> to vector<1x256xi32>
    %eq3A_2428 = vector.broadcast %broadcast_in_dim3A_2427 : vector<1x256xi32> to vector<128x256xi32>
    %eq3A_2429 = arith.cmpi eq, %iota3A_1902, %eq3A_2428 : vector<128x256xi32>
    %jit3A_2430 = arith.constant 0.000000e+00 : f32
    %broadcast_in_dim3A_2431 = vector.broadcast %jit3A_2430 : f32 to vector<128x256xf32>
    %select_n3A_2432 = arith.select %eq3A_2429, %add3A_1901, %broadcast_in_dim3A_2431 : vector<128x256xi1>, vector<128x256xf32>
    %reduce_sum3A_2433 = arith.constant dense<0.000000e+00> : vector<256xf32>
    %reduce_sum3A_2434 = vector.multi_reduction <add>, %select_n3A_2432, %reduce_sum3A_2433 [0] : vector<128x256xf32> to vector<256xf32>
    %broadcast_in_dim3A_2435 = vector.shape_cast %reduce_sum3A_2434 : vector<256xf32> to vector<1x256xf32>
    %eq3A_2436 = arith.constant 15 : i32
    %eq3A_2437 = vector.broadcast %eq3A_2436 : i32 to vector<32x256xi32>
    %eq3A_2438 = arith.cmpi eq, %iota3A_1903, %eq3A_2437 : vector<32x256xi32>
    %broadcast_in_dim3A_2439 = vector.shape_cast %broadcast_in_dim3A_2419 : vector<1x256xf32> to vector<1x256xf32>
    %broadcast_in_dim3A_2440 = vector.broadcast %broadcast_in_dim3A_2439 : vector<1x256xf32> to vector<32x256xf32>
    %select_n3A_2441 = arith.select %eq3A_2438, %broadcast_in_dim3A_2440, %select_n3A_2407 : vector<32x256xi1>, vector<32x256xf32>
    %eq3A_2442 = arith.constant 15 : i32
    %eq3A_2443 = vector.broadcast %eq3A_2442 : i32 to vector<32x256xi32>
    %eq3A_2444 = arith.cmpi eq, %iota3A_1903, %eq3A_2443 : vector<32x256xi32>
    %broadcast_in_dim3A_2445 = vector.shape_cast %broadcast_in_dim3A_2435 : vector<1x256xf32> to vector<1x256xf32>
    %broadcast_in_dim3A_2446 = vector.broadcast %broadcast_in_dim3A_2445 : vector<1x256xf32> to vector<32x256xf32>
    %select_n3A_2447 = arith.select %eq3A_2444, %broadcast_in_dim3A_2446, %select_n3A_2413 : vector<32x256xi1>, vector<32x256xf32>
    %jit3A_2448 = arith.constant 0xFF800000 : f32
    %broadcast_in_dim3A_2449 = vector.broadcast %jit3A_2448 : f32 to vector<128x256xf32>
    %select_n3A_2450 = arith.select %eq3A_2429, %broadcast_in_dim3A_2449, %select_n3A_2416 : vector<128x256xi1>, vector<128x256xf32>
    %reduce_max3A_2451 = arith.constant dense<0xFF800000> : vector<256xf32>
    %reduce_max3A_2452 = vector.multi_reduction <maximumf>, %select_n3A_2450, %reduce_max3A_2451 [0] : vector<128x256xf32> to vector<256xf32>
    %broadcast_in_dim3A_2453 = vector.shape_cast %reduce_max3A_2452 : vector<256xf32> to vector<1x256xf32>
    %eq3A_2454 = vector.broadcast %broadcast_in_dim3A_2453 : vector<1x256xf32> to vector<128x256xf32>
    %eq3A_2455 = arith.cmpf oeq, %select_n3A_2450, %eq3A_2454 : vector<128x256xf32>
    %jit3A_2456 = arith.constant 128 : i32
    %broadcast_in_dim3A_2457 = vector.broadcast %jit3A_2456 : i32 to vector<128x256xi32>
    %select_n3A_2458 = arith.select %eq3A_2455, %iota3A_1902, %broadcast_in_dim3A_2457 : vector<128x256xi1>, vector<128x256xi32>
    %reduce_min3A_2459 = arith.constant dense<2147483647> : vector<256xi32>
    %reduce_min3A_2460 = vector.multi_reduction <minsi>, %select_n3A_2458, %reduce_min3A_2459 [0] : vector<128x256xi32> to vector<256xi32>
    %broadcast_in_dim3A_2461 = vector.shape_cast %reduce_min3A_2460 : vector<256xi32> to vector<1x256xi32>
    %eq3A_2462 = vector.broadcast %broadcast_in_dim3A_2461 : vector<1x256xi32> to vector<128x256xi32>
    %eq3A_2463 = arith.cmpi eq, %iota3A_1902, %eq3A_2462 : vector<128x256xi32>
    %jit3A_2464 = arith.constant 0.000000e+00 : f32
    %broadcast_in_dim3A_2465 = vector.broadcast %jit3A_2464 : f32 to vector<128x256xf32>
    %select_n3A_2466 = arith.select %eq3A_2463, %add3A_1901, %broadcast_in_dim3A_2465 : vector<128x256xi1>, vector<128x256xf32>
    %reduce_sum3A_2467 = arith.constant dense<0.000000e+00> : vector<256xf32>
    %reduce_sum3A_2468 = vector.multi_reduction <add>, %select_n3A_2466, %reduce_sum3A_2467 [0] : vector<128x256xf32> to vector<256xf32>
    %broadcast_in_dim3A_2469 = vector.shape_cast %reduce_sum3A_2468 : vector<256xf32> to vector<1x256xf32>
    %eq3A_2470 = arith.constant 16 : i32
    %eq3A_2471 = vector.broadcast %eq3A_2470 : i32 to vector<32x256xi32>
    %eq3A_2472 = arith.cmpi eq, %iota3A_1903, %eq3A_2471 : vector<32x256xi32>
    %broadcast_in_dim3A_2473 = vector.shape_cast %broadcast_in_dim3A_2453 : vector<1x256xf32> to vector<1x256xf32>
    %broadcast_in_dim3A_2474 = vector.broadcast %broadcast_in_dim3A_2473 : vector<1x256xf32> to vector<32x256xf32>
    %select_n3A_2475 = arith.select %eq3A_2472, %broadcast_in_dim3A_2474, %select_n3A_2441 : vector<32x256xi1>, vector<32x256xf32>
    %eq3A_2476 = arith.constant 16 : i32
    %eq3A_2477 = vector.broadcast %eq3A_2476 : i32 to vector<32x256xi32>
    %eq3A_2478 = arith.cmpi eq, %iota3A_1903, %eq3A_2477 : vector<32x256xi32>
    %broadcast_in_dim3A_2479 = vector.shape_cast %broadcast_in_dim3A_2469 : vector<1x256xf32> to vector<1x256xf32>
    %broadcast_in_dim3A_2480 = vector.broadcast %broadcast_in_dim3A_2479 : vector<1x256xf32> to vector<32x256xf32>
    %select_n3A_2481 = arith.select %eq3A_2478, %broadcast_in_dim3A_2480, %select_n3A_2447 : vector<32x256xi1>, vector<32x256xf32>
    %jit3A_2482 = arith.constant 0xFF800000 : f32
    %broadcast_in_dim3A_2483 = vector.broadcast %jit3A_2482 : f32 to vector<128x256xf32>
    %select_n3A_2484 = arith.select %eq3A_2463, %broadcast_in_dim3A_2483, %select_n3A_2450 : vector<128x256xi1>, vector<128x256xf32>
    %reduce_max3A_2485 = arith.constant dense<0xFF800000> : vector<256xf32>
    %reduce_max3A_2486 = vector.multi_reduction <maximumf>, %select_n3A_2484, %reduce_max3A_2485 [0] : vector<128x256xf32> to vector<256xf32>
    %broadcast_in_dim3A_2487 = vector.shape_cast %reduce_max3A_2486 : vector<256xf32> to vector<1x256xf32>
    %eq3A_2488 = vector.broadcast %broadcast_in_dim3A_2487 : vector<1x256xf32> to vector<128x256xf32>
    %eq3A_2489 = arith.cmpf oeq, %select_n3A_2484, %eq3A_2488 : vector<128x256xf32>
    %jit3A_2490 = arith.constant 128 : i32
    %broadcast_in_dim3A_2491 = vector.broadcast %jit3A_2490 : i32 to vector<128x256xi32>
    %select_n3A_2492 = arith.select %eq3A_2489, %iota3A_1902, %broadcast_in_dim3A_2491 : vector<128x256xi1>, vector<128x256xi32>
    %reduce_min3A_2493 = arith.constant dense<2147483647> : vector<256xi32>
    %reduce_min3A_2494 = vector.multi_reduction <minsi>, %select_n3A_2492, %reduce_min3A_2493 [0] : vector<128x256xi32> to vector<256xi32>
    %broadcast_in_dim3A_2495 = vector.shape_cast %reduce_min3A_2494 : vector<256xi32> to vector<1x256xi32>
    %eq3A_2496 = vector.broadcast %broadcast_in_dim3A_2495 : vector<1x256xi32> to vector<128x256xi32>
    %eq3A_2497 = arith.cmpi eq, %iota3A_1902, %eq3A_2496 : vector<128x256xi32>
    %jit3A_2498 = arith.constant 0.000000e+00 : f32
    %broadcast_in_dim3A_2499 = vector.broadcast %jit3A_2498 : f32 to vector<128x256xf32>
    %select_n3A_2500 = arith.select %eq3A_2497, %add3A_1901, %broadcast_in_dim3A_2499 : vector<128x256xi1>, vector<128x256xf32>
    %reduce_sum3A_2501 = arith.constant dense<0.000000e+00> : vector<256xf32>
    %reduce_sum3A_2502 = vector.multi_reduction <add>, %select_n3A_2500, %reduce_sum3A_2501 [0] : vector<128x256xf32> to vector<256xf32>
    %broadcast_in_dim3A_2503 = vector.shape_cast %reduce_sum3A_2502 : vector<256xf32> to vector<1x256xf32>
    %eq3A_2504 = arith.constant 17 : i32
    %eq3A_2505 = vector.broadcast %eq3A_2504 : i32 to vector<32x256xi32>
    %eq3A_2506 = arith.cmpi eq, %iota3A_1903, %eq3A_2505 : vector<32x256xi32>
    %broadcast_in_dim3A_2507 = vector.shape_cast %broadcast_in_dim3A_2487 : vector<1x256xf32> to vector<1x256xf32>
    %broadcast_in_dim3A_2508 = vector.broadcast %broadcast_in_dim3A_2507 : vector<1x256xf32> to vector<32x256xf32>
    %select_n3A_2509 = arith.select %eq3A_2506, %broadcast_in_dim3A_2508, %select_n3A_2475 : vector<32x256xi1>, vector<32x256xf32>
    %eq3A_2510 = arith.constant 17 : i32
    %eq3A_2511 = vector.broadcast %eq3A_2510 : i32 to vector<32x256xi32>
    %eq3A_2512 = arith.cmpi eq, %iota3A_1903, %eq3A_2511 : vector<32x256xi32>
    %broadcast_in_dim3A_2513 = vector.shape_cast %broadcast_in_dim3A_2503 : vector<1x256xf32> to vector<1x256xf32>
    %broadcast_in_dim3A_2514 = vector.broadcast %broadcast_in_dim3A_2513 : vector<1x256xf32> to vector<32x256xf32>
    %select_n3A_2515 = arith.select %eq3A_2512, %broadcast_in_dim3A_2514, %select_n3A_2481 : vector<32x256xi1>, vector<32x256xf32>
    %jit3A_2516 = arith.constant 0xFF800000 : f32
    %broadcast_in_dim3A_2517 = vector.broadcast %jit3A_2516 : f32 to vector<128x256xf32>
    %select_n3A_2518 = arith.select %eq3A_2497, %broadcast_in_dim3A_2517, %select_n3A_2484 : vector<128x256xi1>, vector<128x256xf32>
    %reduce_max3A_2519 = arith.constant dense<0xFF800000> : vector<256xf32>
    %reduce_max3A_2520 = vector.multi_reduction <maximumf>, %select_n3A_2518, %reduce_max3A_2519 [0] : vector<128x256xf32> to vector<256xf32>
    %broadcast_in_dim3A_2521 = vector.shape_cast %reduce_max3A_2520 : vector<256xf32> to vector<1x256xf32>
    %eq3A_2522 = vector.broadcast %broadcast_in_dim3A_2521 : vector<1x256xf32> to vector<128x256xf32>
    %eq3A_2523 = arith.cmpf oeq, %select_n3A_2518, %eq3A_2522 : vector<128x256xf32>
    %jit3A_2524 = arith.constant 128 : i32
    %broadcast_in_dim3A_2525 = vector.broadcast %jit3A_2524 : i32 to vector<128x256xi32>
    %select_n3A_2526 = arith.select %eq3A_2523, %iota3A_1902, %broadcast_in_dim3A_2525 : vector<128x256xi1>, vector<128x256xi32>
    %reduce_min3A_2527 = arith.constant dense<2147483647> : vector<256xi32>
    %reduce_min3A_2528 = vector.multi_reduction <minsi>, %select_n3A_2526, %reduce_min3A_2527 [0] : vector<128x256xi32> to vector<256xi32>
    %broadcast_in_dim3A_2529 = vector.shape_cast %reduce_min3A_2528 : vector<256xi32> to vector<1x256xi32>
    %eq3A_2530 = vector.broadcast %broadcast_in_dim3A_2529 : vector<1x256xi32> to vector<128x256xi32>
    %eq3A_2531 = arith.cmpi eq, %iota3A_1902, %eq3A_2530 : vector<128x256xi32>
    %jit3A_2532 = arith.constant 0.000000e+00 : f32
    %broadcast_in_dim3A_2533 = vector.broadcast %jit3A_2532 : f32 to vector<128x256xf32>
    %select_n3A_2534 = arith.select %eq3A_2531, %add3A_1901, %broadcast_in_dim3A_2533 : vector<128x256xi1>, vector<128x256xf32>
    %reduce_sum3A_2535 = arith.constant dense<0.000000e+00> : vector<256xf32>
    %reduce_sum3A_2536 = vector.multi_reduction <add>, %select_n3A_2534, %reduce_sum3A_2535 [0] : vector<128x256xf32> to vector<256xf32>
    %broadcast_in_dim3A_2537 = vector.shape_cast %reduce_sum3A_2536 : vector<256xf32> to vector<1x256xf32>
    %eq3A_2538 = arith.constant 18 : i32
    %eq3A_2539 = vector.broadcast %eq3A_2538 : i32 to vector<32x256xi32>
    %eq3A_2540 = arith.cmpi eq, %iota3A_1903, %eq3A_2539 : vector<32x256xi32>
    %broadcast_in_dim3A_2541 = vector.shape_cast %broadcast_in_dim3A_2521 : vector<1x256xf32> to vector<1x256xf32>
    %broadcast_in_dim3A_2542 = vector.broadcast %broadcast_in_dim3A_2541 : vector<1x256xf32> to vector<32x256xf32>
    %select_n3A_2543 = arith.select %eq3A_2540, %broadcast_in_dim3A_2542, %select_n3A_2509 : vector<32x256xi1>, vector<32x256xf32>
    %eq3A_2544 = arith.constant 18 : i32
    %eq3A_2545 = vector.broadcast %eq3A_2544 : i32 to vector<32x256xi32>
    %eq3A_2546 = arith.cmpi eq, %iota3A_1903, %eq3A_2545 : vector<32x256xi32>
    %broadcast_in_dim3A_2547 = vector.shape_cast %broadcast_in_dim3A_2537 : vector<1x256xf32> to vector<1x256xf32>
    %broadcast_in_dim3A_2548 = vector.broadcast %broadcast_in_dim3A_2547 : vector<1x256xf32> to vector<32x256xf32>
    %select_n3A_2549 = arith.select %eq3A_2546, %broadcast_in_dim3A_2548, %select_n3A_2515 : vector<32x256xi1>, vector<32x256xf32>
    %jit3A_2550 = arith.constant 0xFF800000 : f32
    %broadcast_in_dim3A_2551 = vector.broadcast %jit3A_2550 : f32 to vector<128x256xf32>
    %select_n3A_2552 = arith.select %eq3A_2531, %broadcast_in_dim3A_2551, %select_n3A_2518 : vector<128x256xi1>, vector<128x256xf32>
    %reduce_max3A_2553 = arith.constant dense<0xFF800000> : vector<256xf32>
    %reduce_max3A_2554 = vector.multi_reduction <maximumf>, %select_n3A_2552, %reduce_max3A_2553 [0] : vector<128x256xf32> to vector<256xf32>
    %broadcast_in_dim3A_2555 = vector.shape_cast %reduce_max3A_2554 : vector<256xf32> to vector<1x256xf32>
    %eq3A_2556 = vector.broadcast %broadcast_in_dim3A_2555 : vector<1x256xf32> to vector<128x256xf32>
    %eq3A_2557 = arith.cmpf oeq, %select_n3A_2552, %eq3A_2556 : vector<128x256xf32>
    %jit3A_2558 = arith.constant 128 : i32
    %broadcast_in_dim3A_2559 = vector.broadcast %jit3A_2558 : i32 to vector<128x256xi32>
    %select_n3A_2560 = arith.select %eq3A_2557, %iota3A_1902, %broadcast_in_dim3A_2559 : vector<128x256xi1>, vector<128x256xi32>
    %reduce_min3A_2561 = arith.constant dense<2147483647> : vector<256xi32>
    %reduce_min3A_2562 = vector.multi_reduction <minsi>, %select_n3A_2560, %reduce_min3A_2561 [0] : vector<128x256xi32> to vector<256xi32>
    %broadcast_in_dim3A_2563 = vector.shape_cast %reduce_min3A_2562 : vector<256xi32> to vector<1x256xi32>
    %eq3A_2564 = vector.broadcast %broadcast_in_dim3A_2563 : vector<1x256xi32> to vector<128x256xi32>
    %eq3A_2565 = arith.cmpi eq, %iota3A_1902, %eq3A_2564 : vector<128x256xi32>
    %jit3A_2566 = arith.constant 0.000000e+00 : f32
    %broadcast_in_dim3A_2567 = vector.broadcast %jit3A_2566 : f32 to vector<128x256xf32>
    %select_n3A_2568 = arith.select %eq3A_2565, %add3A_1901, %broadcast_in_dim3A_2567 : vector<128x256xi1>, vector<128x256xf32>
    %reduce_sum3A_2569 = arith.constant dense<0.000000e+00> : vector<256xf32>
    %reduce_sum3A_2570 = vector.multi_reduction <add>, %select_n3A_2568, %reduce_sum3A_2569 [0] : vector<128x256xf32> to vector<256xf32>
    %broadcast_in_dim3A_2571 = vector.shape_cast %reduce_sum3A_2570 : vector<256xf32> to vector<1x256xf32>
    %eq3A_2572 = arith.constant 19 : i32
    %eq3A_2573 = vector.broadcast %eq3A_2572 : i32 to vector<32x256xi32>
    %eq3A_2574 = arith.cmpi eq, %iota3A_1903, %eq3A_2573 : vector<32x256xi32>
    %broadcast_in_dim3A_2575 = vector.shape_cast %broadcast_in_dim3A_2555 : vector<1x256xf32> to vector<1x256xf32>
    %broadcast_in_dim3A_2576 = vector.broadcast %broadcast_in_dim3A_2575 : vector<1x256xf32> to vector<32x256xf32>
    %select_n3A_2577 = arith.select %eq3A_2574, %broadcast_in_dim3A_2576, %select_n3A_2543 : vector<32x256xi1>, vector<32x256xf32>
    %eq3A_2578 = arith.constant 19 : i32
    %eq3A_2579 = vector.broadcast %eq3A_2578 : i32 to vector<32x256xi32>
    %eq3A_2580 = arith.cmpi eq, %iota3A_1903, %eq3A_2579 : vector<32x256xi32>
    %broadcast_in_dim3A_2581 = vector.shape_cast %broadcast_in_dim3A_2571 : vector<1x256xf32> to vector<1x256xf32>
    %broadcast_in_dim3A_2582 = vector.broadcast %broadcast_in_dim3A_2581 : vector<1x256xf32> to vector<32x256xf32>
    %select_n3A_2583 = arith.select %eq3A_2580, %broadcast_in_dim3A_2582, %select_n3A_2549 : vector<32x256xi1>, vector<32x256xf32>
    %jit3A_2584 = arith.constant 0xFF800000 : f32
    %broadcast_in_dim3A_2585 = vector.broadcast %jit3A_2584 : f32 to vector<128x256xf32>
    %select_n3A_2586 = arith.select %eq3A_2565, %broadcast_in_dim3A_2585, %select_n3A_2552 : vector<128x256xi1>, vector<128x256xf32>
    %reduce_max3A_2587 = arith.constant dense<0xFF800000> : vector<256xf32>
    %reduce_max3A_2588 = vector.multi_reduction <maximumf>, %select_n3A_2586, %reduce_max3A_2587 [0] : vector<128x256xf32> to vector<256xf32>
    %broadcast_in_dim3A_2589 = vector.shape_cast %reduce_max3A_2588 : vector<256xf32> to vector<1x256xf32>
    %eq3A_2590 = vector.broadcast %broadcast_in_dim3A_2589 : vector<1x256xf32> to vector<128x256xf32>
    %eq3A_2591 = arith.cmpf oeq, %select_n3A_2586, %eq3A_2590 : vector<128x256xf32>
    %jit3A_2592 = arith.constant 128 : i32
    %broadcast_in_dim3A_2593 = vector.broadcast %jit3A_2592 : i32 to vector<128x256xi32>
    %select_n3A_2594 = arith.select %eq3A_2591, %iota3A_1902, %broadcast_in_dim3A_2593 : vector<128x256xi1>, vector<128x256xi32>
    %reduce_min3A_2595 = arith.constant dense<2147483647> : vector<256xi32>
    %reduce_min3A_2596 = vector.multi_reduction <minsi>, %select_n3A_2594, %reduce_min3A_2595 [0] : vector<128x256xi32> to vector<256xi32>
    %broadcast_in_dim3A_2597 = vector.shape_cast %reduce_min3A_2596 : vector<256xi32> to vector<1x256xi32>
    %eq3A_2598 = vector.broadcast %broadcast_in_dim3A_2597 : vector<1x256xi32> to vector<128x256xi32>
    %eq3A_2599 = arith.cmpi eq, %iota3A_1902, %eq3A_2598 : vector<128x256xi32>
    %jit3A_2600 = arith.constant 0.000000e+00 : f32
    %broadcast_in_dim3A_2601 = vector.broadcast %jit3A_2600 : f32 to vector<128x256xf32>
    %select_n3A_2602 = arith.select %eq3A_2599, %add3A_1901, %broadcast_in_dim3A_2601 : vector<128x256xi1>, vector<128x256xf32>
    %reduce_sum3A_2603 = arith.constant dense<0.000000e+00> : vector<256xf32>
    %reduce_sum3A_2604 = vector.multi_reduction <add>, %select_n3A_2602, %reduce_sum3A_2603 [0] : vector<128x256xf32> to vector<256xf32>
    %broadcast_in_dim3A_2605 = vector.shape_cast %reduce_sum3A_2604 : vector<256xf32> to vector<1x256xf32>
    %eq3A_2606 = arith.constant 20 : i32
    %eq3A_2607 = vector.broadcast %eq3A_2606 : i32 to vector<32x256xi32>
    %eq3A_2608 = arith.cmpi eq, %iota3A_1903, %eq3A_2607 : vector<32x256xi32>
    %broadcast_in_dim3A_2609 = vector.shape_cast %broadcast_in_dim3A_2589 : vector<1x256xf32> to vector<1x256xf32>
    %broadcast_in_dim3A_2610 = vector.broadcast %broadcast_in_dim3A_2609 : vector<1x256xf32> to vector<32x256xf32>
    %select_n3A_2611 = arith.select %eq3A_2608, %broadcast_in_dim3A_2610, %select_n3A_2577 : vector<32x256xi1>, vector<32x256xf32>
    %eq3A_2612 = arith.constant 20 : i32
    %eq3A_2613 = vector.broadcast %eq3A_2612 : i32 to vector<32x256xi32>
    %eq3A_2614 = arith.cmpi eq, %iota3A_1903, %eq3A_2613 : vector<32x256xi32>
    %broadcast_in_dim3A_2615 = vector.shape_cast %broadcast_in_dim3A_2605 : vector<1x256xf32> to vector<1x256xf32>
    %broadcast_in_dim3A_2616 = vector.broadcast %broadcast_in_dim3A_2615 : vector<1x256xf32> to vector<32x256xf32>
    %select_n3A_2617 = arith.select %eq3A_2614, %broadcast_in_dim3A_2616, %select_n3A_2583 : vector<32x256xi1>, vector<32x256xf32>
    %jit3A_2618 = arith.constant 0xFF800000 : f32
    %broadcast_in_dim3A_2619 = vector.broadcast %jit3A_2618 : f32 to vector<128x256xf32>
    %select_n3A_2620 = arith.select %eq3A_2599, %broadcast_in_dim3A_2619, %select_n3A_2586 : vector<128x256xi1>, vector<128x256xf32>
    %reduce_max3A_2621 = arith.constant dense<0xFF800000> : vector<256xf32>
    %reduce_max3A_2622 = vector.multi_reduction <maximumf>, %select_n3A_2620, %reduce_max3A_2621 [0] : vector<128x256xf32> to vector<256xf32>
    %broadcast_in_dim3A_2623 = vector.shape_cast %reduce_max3A_2622 : vector<256xf32> to vector<1x256xf32>
    %eq3A_2624 = vector.broadcast %broadcast_in_dim3A_2623 : vector<1x256xf32> to vector<128x256xf32>
    %eq3A_2625 = arith.cmpf oeq, %select_n3A_2620, %eq3A_2624 : vector<128x256xf32>
    %jit3A_2626 = arith.constant 128 : i32
    %broadcast_in_dim3A_2627 = vector.broadcast %jit3A_2626 : i32 to vector<128x256xi32>
    %select_n3A_2628 = arith.select %eq3A_2625, %iota3A_1902, %broadcast_in_dim3A_2627 : vector<128x256xi1>, vector<128x256xi32>
    %reduce_min3A_2629 = arith.constant dense<2147483647> : vector<256xi32>
    %reduce_min3A_2630 = vector.multi_reduction <minsi>, %select_n3A_2628, %reduce_min3A_2629 [0] : vector<128x256xi32> to vector<256xi32>
    %broadcast_in_dim3A_2631 = vector.shape_cast %reduce_min3A_2630 : vector<256xi32> to vector<1x256xi32>
    %eq3A_2632 = vector.broadcast %broadcast_in_dim3A_2631 : vector<1x256xi32> to vector<128x256xi32>
    %eq3A_2633 = arith.cmpi eq, %iota3A_1902, %eq3A_2632 : vector<128x256xi32>
    %jit3A_2634 = arith.constant 0.000000e+00 : f32
    %broadcast_in_dim3A_2635 = vector.broadcast %jit3A_2634 : f32 to vector<128x256xf32>
    %select_n3A_2636 = arith.select %eq3A_2633, %add3A_1901, %broadcast_in_dim3A_2635 : vector<128x256xi1>, vector<128x256xf32>
    %reduce_sum3A_2637 = arith.constant dense<0.000000e+00> : vector<256xf32>
    %reduce_sum3A_2638 = vector.multi_reduction <add>, %select_n3A_2636, %reduce_sum3A_2637 [0] : vector<128x256xf32> to vector<256xf32>
    %broadcast_in_dim3A_2639 = vector.shape_cast %reduce_sum3A_2638 : vector<256xf32> to vector<1x256xf32>
    %eq3A_2640 = arith.constant 21 : i32
    %eq3A_2641 = vector.broadcast %eq3A_2640 : i32 to vector<32x256xi32>
    %eq3A_2642 = arith.cmpi eq, %iota3A_1903, %eq3A_2641 : vector<32x256xi32>
    %broadcast_in_dim3A_2643 = vector.shape_cast %broadcast_in_dim3A_2623 : vector<1x256xf32> to vector<1x256xf32>
    %broadcast_in_dim3A_2644 = vector.broadcast %broadcast_in_dim3A_2643 : vector<1x256xf32> to vector<32x256xf32>
    %select_n3A_2645 = arith.select %eq3A_2642, %broadcast_in_dim3A_2644, %select_n3A_2611 : vector<32x256xi1>, vector<32x256xf32>
    %eq3A_2646 = arith.constant 21 : i32
    %eq3A_2647 = vector.broadcast %eq3A_2646 : i32 to vector<32x256xi32>
    %eq3A_2648 = arith.cmpi eq, %iota3A_1903, %eq3A_2647 : vector<32x256xi32>
    %broadcast_in_dim3A_2649 = vector.shape_cast %broadcast_in_dim3A_2639 : vector<1x256xf32> to vector<1x256xf32>
    %broadcast_in_dim3A_2650 = vector.broadcast %broadcast_in_dim3A_2649 : vector<1x256xf32> to vector<32x256xf32>
    %select_n3A_2651 = arith.select %eq3A_2648, %broadcast_in_dim3A_2650, %select_n3A_2617 : vector<32x256xi1>, vector<32x256xf32>
    %jit3A_2652 = arith.constant 0xFF800000 : f32
    %broadcast_in_dim3A_2653 = vector.broadcast %jit3A_2652 : f32 to vector<128x256xf32>
    %select_n3A_2654 = arith.select %eq3A_2633, %broadcast_in_dim3A_2653, %select_n3A_2620 : vector<128x256xi1>, vector<128x256xf32>
    %reduce_max3A_2655 = arith.constant dense<0xFF800000> : vector<256xf32>
    %reduce_max3A_2656 = vector.multi_reduction <maximumf>, %select_n3A_2654, %reduce_max3A_2655 [0] : vector<128x256xf32> to vector<256xf32>
    %broadcast_in_dim3A_2657 = vector.shape_cast %reduce_max3A_2656 : vector<256xf32> to vector<1x256xf32>
    %eq3A_2658 = vector.broadcast %broadcast_in_dim3A_2657 : vector<1x256xf32> to vector<128x256xf32>
    %eq3A_2659 = arith.cmpf oeq, %select_n3A_2654, %eq3A_2658 : vector<128x256xf32>
    %jit3A_2660 = arith.constant 128 : i32
    %broadcast_in_dim3A_2661 = vector.broadcast %jit3A_2660 : i32 to vector<128x256xi32>
    %select_n3A_2662 = arith.select %eq3A_2659, %iota3A_1902, %broadcast_in_dim3A_2661 : vector<128x256xi1>, vector<128x256xi32>
    %reduce_min3A_2663 = arith.constant dense<2147483647> : vector<256xi32>
    %reduce_min3A_2664 = vector.multi_reduction <minsi>, %select_n3A_2662, %reduce_min3A_2663 [0] : vector<128x256xi32> to vector<256xi32>
    %broadcast_in_dim3A_2665 = vector.shape_cast %reduce_min3A_2664 : vector<256xi32> to vector<1x256xi32>
    %eq3A_2666 = vector.broadcast %broadcast_in_dim3A_2665 : vector<1x256xi32> to vector<128x256xi32>
    %eq3A_2667 = arith.cmpi eq, %iota3A_1902, %eq3A_2666 : vector<128x256xi32>
    %jit3A_2668 = arith.constant 0.000000e+00 : f32
    %broadcast_in_dim3A_2669 = vector.broadcast %jit3A_2668 : f32 to vector<128x256xf32>
    %select_n3A_2670 = arith.select %eq3A_2667, %add3A_1901, %broadcast_in_dim3A_2669 : vector<128x256xi1>, vector<128x256xf32>
    %reduce_sum3A_2671 = arith.constant dense<0.000000e+00> : vector<256xf32>
    %reduce_sum3A_2672 = vector.multi_reduction <add>, %select_n3A_2670, %reduce_sum3A_2671 [0] : vector<128x256xf32> to vector<256xf32>
    %broadcast_in_dim3A_2673 = vector.shape_cast %reduce_sum3A_2672 : vector<256xf32> to vector<1x256xf32>
    %eq3A_2674 = arith.constant 22 : i32
    %eq3A_2675 = vector.broadcast %eq3A_2674 : i32 to vector<32x256xi32>
    %eq3A_2676 = arith.cmpi eq, %iota3A_1903, %eq3A_2675 : vector<32x256xi32>
    %broadcast_in_dim3A_2677 = vector.shape_cast %broadcast_in_dim3A_2657 : vector<1x256xf32> to vector<1x256xf32>
    %broadcast_in_dim3A_2678 = vector.broadcast %broadcast_in_dim3A_2677 : vector<1x256xf32> to vector<32x256xf32>
    %select_n3A_2679 = arith.select %eq3A_2676, %broadcast_in_dim3A_2678, %select_n3A_2645 : vector<32x256xi1>, vector<32x256xf32>
    %eq3A_2680 = arith.constant 22 : i32
    %eq3A_2681 = vector.broadcast %eq3A_2680 : i32 to vector<32x256xi32>
    %eq3A_2682 = arith.cmpi eq, %iota3A_1903, %eq3A_2681 : vector<32x256xi32>
    %broadcast_in_dim3A_2683 = vector.shape_cast %broadcast_in_dim3A_2673 : vector<1x256xf32> to vector<1x256xf32>
    %broadcast_in_dim3A_2684 = vector.broadcast %broadcast_in_dim3A_2683 : vector<1x256xf32> to vector<32x256xf32>
    %select_n3A_2685 = arith.select %eq3A_2682, %broadcast_in_dim3A_2684, %select_n3A_2651 : vector<32x256xi1>, vector<32x256xf32>
    %jit3A_2686 = arith.constant 0xFF800000 : f32
    %broadcast_in_dim3A_2687 = vector.broadcast %jit3A_2686 : f32 to vector<128x256xf32>
    %select_n3A_2688 = arith.select %eq3A_2667, %broadcast_in_dim3A_2687, %select_n3A_2654 : vector<128x256xi1>, vector<128x256xf32>
    %reduce_max3A_2689 = arith.constant dense<0xFF800000> : vector<256xf32>
    %reduce_max3A_2690 = vector.multi_reduction <maximumf>, %select_n3A_2688, %reduce_max3A_2689 [0] : vector<128x256xf32> to vector<256xf32>
    %broadcast_in_dim3A_2691 = vector.shape_cast %reduce_max3A_2690 : vector<256xf32> to vector<1x256xf32>
    %eq3A_2692 = vector.broadcast %broadcast_in_dim3A_2691 : vector<1x256xf32> to vector<128x256xf32>
    %eq3A_2693 = arith.cmpf oeq, %select_n3A_2688, %eq3A_2692 : vector<128x256xf32>
    %jit3A_2694 = arith.constant 128 : i32
    %broadcast_in_dim3A_2695 = vector.broadcast %jit3A_2694 : i32 to vector<128x256xi32>
    %select_n3A_2696 = arith.select %eq3A_2693, %iota3A_1902, %broadcast_in_dim3A_2695 : vector<128x256xi1>, vector<128x256xi32>
    %reduce_min3A_2697 = arith.constant dense<2147483647> : vector<256xi32>
    %reduce_min3A_2698 = vector.multi_reduction <minsi>, %select_n3A_2696, %reduce_min3A_2697 [0] : vector<128x256xi32> to vector<256xi32>
    %broadcast_in_dim3A_2699 = vector.shape_cast %reduce_min3A_2698 : vector<256xi32> to vector<1x256xi32>
    %eq3A_2700 = vector.broadcast %broadcast_in_dim3A_2699 : vector<1x256xi32> to vector<128x256xi32>
    %eq3A_2701 = arith.cmpi eq, %iota3A_1902, %eq3A_2700 : vector<128x256xi32>
    %jit3A_2702 = arith.constant 0.000000e+00 : f32
    %broadcast_in_dim3A_2703 = vector.broadcast %jit3A_2702 : f32 to vector<128x256xf32>
    %select_n3A_2704 = arith.select %eq3A_2701, %add3A_1901, %broadcast_in_dim3A_2703 : vector<128x256xi1>, vector<128x256xf32>
    %reduce_sum3A_2705 = arith.constant dense<0.000000e+00> : vector<256xf32>
    %reduce_sum3A_2706 = vector.multi_reduction <add>, %select_n3A_2704, %reduce_sum3A_2705 [0] : vector<128x256xf32> to vector<256xf32>
    %broadcast_in_dim3A_2707 = vector.shape_cast %reduce_sum3A_2706 : vector<256xf32> to vector<1x256xf32>
    %eq3A_2708 = arith.constant 23 : i32
    %eq3A_2709 = vector.broadcast %eq3A_2708 : i32 to vector<32x256xi32>
    %eq3A_2710 = arith.cmpi eq, %iota3A_1903, %eq3A_2709 : vector<32x256xi32>
    %broadcast_in_dim3A_2711 = vector.shape_cast %broadcast_in_dim3A_2691 : vector<1x256xf32> to vector<1x256xf32>
    %broadcast_in_dim3A_2712 = vector.broadcast %broadcast_in_dim3A_2711 : vector<1x256xf32> to vector<32x256xf32>
    %select_n3A_2713 = arith.select %eq3A_2710, %broadcast_in_dim3A_2712, %select_n3A_2679 : vector<32x256xi1>, vector<32x256xf32>
    %eq3A_2714 = arith.constant 23 : i32
    %eq3A_2715 = vector.broadcast %eq3A_2714 : i32 to vector<32x256xi32>
    %eq3A_2716 = arith.cmpi eq, %iota3A_1903, %eq3A_2715 : vector<32x256xi32>
    %broadcast_in_dim3A_2717 = vector.shape_cast %broadcast_in_dim3A_2707 : vector<1x256xf32> to vector<1x256xf32>
    %broadcast_in_dim3A_2718 = vector.broadcast %broadcast_in_dim3A_2717 : vector<1x256xf32> to vector<32x256xf32>
    %select_n3A_2719 = arith.select %eq3A_2716, %broadcast_in_dim3A_2718, %select_n3A_2685 : vector<32x256xi1>, vector<32x256xf32>
    %jit3A_2720 = arith.constant 0xFF800000 : f32
    %broadcast_in_dim3A_2721 = vector.broadcast %jit3A_2720 : f32 to vector<128x256xf32>
    %select_n3A_2722 = arith.select %eq3A_2701, %broadcast_in_dim3A_2721, %select_n3A_2688 : vector<128x256xi1>, vector<128x256xf32>
    %reduce_max3A_2723 = arith.constant dense<0xFF800000> : vector<256xf32>
    %reduce_max3A_2724 = vector.multi_reduction <maximumf>, %select_n3A_2722, %reduce_max3A_2723 [0] : vector<128x256xf32> to vector<256xf32>
    %broadcast_in_dim3A_2725 = vector.shape_cast %reduce_max3A_2724 : vector<256xf32> to vector<1x256xf32>
    %eq3A_2726 = vector.broadcast %broadcast_in_dim3A_2725 : vector<1x256xf32> to vector<128x256xf32>
    %eq3A_2727 = arith.cmpf oeq, %select_n3A_2722, %eq3A_2726 : vector<128x256xf32>
    %jit3A_2728 = arith.constant 128 : i32
    %broadcast_in_dim3A_2729 = vector.broadcast %jit3A_2728 : i32 to vector<128x256xi32>
    %select_n3A_2730 = arith.select %eq3A_2727, %iota3A_1902, %broadcast_in_dim3A_2729 : vector<128x256xi1>, vector<128x256xi32>
    %reduce_min3A_2731 = arith.constant dense<2147483647> : vector<256xi32>
    %reduce_min3A_2732 = vector.multi_reduction <minsi>, %select_n3A_2730, %reduce_min3A_2731 [0] : vector<128x256xi32> to vector<256xi32>
    %broadcast_in_dim3A_2733 = vector.shape_cast %reduce_min3A_2732 : vector<256xi32> to vector<1x256xi32>
    %eq3A_2734 = vector.broadcast %broadcast_in_dim3A_2733 : vector<1x256xi32> to vector<128x256xi32>
    %eq3A_2735 = arith.cmpi eq, %iota3A_1902, %eq3A_2734 : vector<128x256xi32>
    %jit3A_2736 = arith.constant 0.000000e+00 : f32
    %broadcast_in_dim3A_2737 = vector.broadcast %jit3A_2736 : f32 to vector<128x256xf32>
    %select_n3A_2738 = arith.select %eq3A_2735, %add3A_1901, %broadcast_in_dim3A_2737 : vector<128x256xi1>, vector<128x256xf32>
    %reduce_sum3A_2739 = arith.constant dense<0.000000e+00> : vector<256xf32>
    %reduce_sum3A_2740 = vector.multi_reduction <add>, %select_n3A_2738, %reduce_sum3A_2739 [0] : vector<128x256xf32> to vector<256xf32>
    %broadcast_in_dim3A_2741 = vector.shape_cast %reduce_sum3A_2740 : vector<256xf32> to vector<1x256xf32>
    %eq3A_2742 = arith.constant 24 : i32
    %eq3A_2743 = vector.broadcast %eq3A_2742 : i32 to vector<32x256xi32>
    %eq3A_2744 = arith.cmpi eq, %iota3A_1903, %eq3A_2743 : vector<32x256xi32>
    %broadcast_in_dim3A_2745 = vector.shape_cast %broadcast_in_dim3A_2725 : vector<1x256xf32> to vector<1x256xf32>
    %broadcast_in_dim3A_2746 = vector.broadcast %broadcast_in_dim3A_2745 : vector<1x256xf32> to vector<32x256xf32>
    %select_n3A_2747 = arith.select %eq3A_2744, %broadcast_in_dim3A_2746, %select_n3A_2713 : vector<32x256xi1>, vector<32x256xf32>
    %eq3A_2748 = arith.constant 24 : i32
    %eq3A_2749 = vector.broadcast %eq3A_2748 : i32 to vector<32x256xi32>
    %eq3A_2750 = arith.cmpi eq, %iota3A_1903, %eq3A_2749 : vector<32x256xi32>
    %broadcast_in_dim3A_2751 = vector.shape_cast %broadcast_in_dim3A_2741 : vector<1x256xf32> to vector<1x256xf32>
    %broadcast_in_dim3A_2752 = vector.broadcast %broadcast_in_dim3A_2751 : vector<1x256xf32> to vector<32x256xf32>
    %select_n3A_2753 = arith.select %eq3A_2750, %broadcast_in_dim3A_2752, %select_n3A_2719 : vector<32x256xi1>, vector<32x256xf32>
    %jit3A_2754 = arith.constant 0xFF800000 : f32
    %broadcast_in_dim3A_2755 = vector.broadcast %jit3A_2754 : f32 to vector<128x256xf32>
    %select_n3A_2756 = arith.select %eq3A_2735, %broadcast_in_dim3A_2755, %select_n3A_2722 : vector<128x256xi1>, vector<128x256xf32>
    %reduce_max3A_2757 = arith.constant dense<0xFF800000> : vector<256xf32>
    %reduce_max3A_2758 = vector.multi_reduction <maximumf>, %select_n3A_2756, %reduce_max3A_2757 [0] : vector<128x256xf32> to vector<256xf32>
    %broadcast_in_dim3A_2759 = vector.shape_cast %reduce_max3A_2758 : vector<256xf32> to vector<1x256xf32>
    %eq3A_2760 = vector.broadcast %broadcast_in_dim3A_2759 : vector<1x256xf32> to vector<128x256xf32>
    %eq3A_2761 = arith.cmpf oeq, %select_n3A_2756, %eq3A_2760 : vector<128x256xf32>
    %jit3A_2762 = arith.constant 128 : i32
    %broadcast_in_dim3A_2763 = vector.broadcast %jit3A_2762 : i32 to vector<128x256xi32>
    %select_n3A_2764 = arith.select %eq3A_2761, %iota3A_1902, %broadcast_in_dim3A_2763 : vector<128x256xi1>, vector<128x256xi32>
    %reduce_min3A_2765 = arith.constant dense<2147483647> : vector<256xi32>
    %reduce_min3A_2766 = vector.multi_reduction <minsi>, %select_n3A_2764, %reduce_min3A_2765 [0] : vector<128x256xi32> to vector<256xi32>
    %broadcast_in_dim3A_2767 = vector.shape_cast %reduce_min3A_2766 : vector<256xi32> to vector<1x256xi32>
    %eq3A_2768 = vector.broadcast %broadcast_in_dim3A_2767 : vector<1x256xi32> to vector<128x256xi32>
    %eq3A_2769 = arith.cmpi eq, %iota3A_1902, %eq3A_2768 : vector<128x256xi32>
    %jit3A_2770 = arith.constant 0.000000e+00 : f32
    %broadcast_in_dim3A_2771 = vector.broadcast %jit3A_2770 : f32 to vector<128x256xf32>
    %select_n3A_2772 = arith.select %eq3A_2769, %add3A_1901, %broadcast_in_dim3A_2771 : vector<128x256xi1>, vector<128x256xf32>
    %reduce_sum3A_2773 = arith.constant dense<0.000000e+00> : vector<256xf32>
    %reduce_sum3A_2774 = vector.multi_reduction <add>, %select_n3A_2772, %reduce_sum3A_2773 [0] : vector<128x256xf32> to vector<256xf32>
    %broadcast_in_dim3A_2775 = vector.shape_cast %reduce_sum3A_2774 : vector<256xf32> to vector<1x256xf32>
    %eq3A_2776 = arith.constant 25 : i32
    %eq3A_2777 = vector.broadcast %eq3A_2776 : i32 to vector<32x256xi32>
    %eq3A_2778 = arith.cmpi eq, %iota3A_1903, %eq3A_2777 : vector<32x256xi32>
    %broadcast_in_dim3A_2779 = vector.shape_cast %broadcast_in_dim3A_2759 : vector<1x256xf32> to vector<1x256xf32>
    %broadcast_in_dim3A_2780 = vector.broadcast %broadcast_in_dim3A_2779 : vector<1x256xf32> to vector<32x256xf32>
    %select_n3A_2781 = arith.select %eq3A_2778, %broadcast_in_dim3A_2780, %select_n3A_2747 : vector<32x256xi1>, vector<32x256xf32>
    %eq3A_2782 = arith.constant 25 : i32
    %eq3A_2783 = vector.broadcast %eq3A_2782 : i32 to vector<32x256xi32>
    %eq3A_2784 = arith.cmpi eq, %iota3A_1903, %eq3A_2783 : vector<32x256xi32>
    %broadcast_in_dim3A_2785 = vector.shape_cast %broadcast_in_dim3A_2775 : vector<1x256xf32> to vector<1x256xf32>
    %broadcast_in_dim3A_2786 = vector.broadcast %broadcast_in_dim3A_2785 : vector<1x256xf32> to vector<32x256xf32>
    %select_n3A_2787 = arith.select %eq3A_2784, %broadcast_in_dim3A_2786, %select_n3A_2753 : vector<32x256xi1>, vector<32x256xf32>
    %jit3A_2788 = arith.constant 0xFF800000 : f32
    %broadcast_in_dim3A_2789 = vector.broadcast %jit3A_2788 : f32 to vector<128x256xf32>
    %select_n3A_2790 = arith.select %eq3A_2769, %broadcast_in_dim3A_2789, %select_n3A_2756 : vector<128x256xi1>, vector<128x256xf32>
    %reduce_max3A_2791 = arith.constant dense<0xFF800000> : vector<256xf32>
    %reduce_max3A_2792 = vector.multi_reduction <maximumf>, %select_n3A_2790, %reduce_max3A_2791 [0] : vector<128x256xf32> to vector<256xf32>
    %broadcast_in_dim3A_2793 = vector.shape_cast %reduce_max3A_2792 : vector<256xf32> to vector<1x256xf32>
    %eq3A_2794 = vector.broadcast %broadcast_in_dim3A_2793 : vector<1x256xf32> to vector<128x256xf32>
    %eq3A_2795 = arith.cmpf oeq, %select_n3A_2790, %eq3A_2794 : vector<128x256xf32>
    %jit3A_2796 = arith.constant 128 : i32
    %broadcast_in_dim3A_2797 = vector.broadcast %jit3A_2796 : i32 to vector<128x256xi32>
    %select_n3A_2798 = arith.select %eq3A_2795, %iota3A_1902, %broadcast_in_dim3A_2797 : vector<128x256xi1>, vector<128x256xi32>
    %reduce_min3A_2799 = arith.constant dense<2147483647> : vector<256xi32>
    %reduce_min3A_2800 = vector.multi_reduction <minsi>, %select_n3A_2798, %reduce_min3A_2799 [0] : vector<128x256xi32> to vector<256xi32>
    %broadcast_in_dim3A_2801 = vector.shape_cast %reduce_min3A_2800 : vector<256xi32> to vector<1x256xi32>
    %eq3A_2802 = vector.broadcast %broadcast_in_dim3A_2801 : vector<1x256xi32> to vector<128x256xi32>
    %eq3A_2803 = arith.cmpi eq, %iota3A_1902, %eq3A_2802 : vector<128x256xi32>
    %jit3A_2804 = arith.constant 0.000000e+00 : f32
    %broadcast_in_dim3A_2805 = vector.broadcast %jit3A_2804 : f32 to vector<128x256xf32>
    %select_n3A_2806 = arith.select %eq3A_2803, %add3A_1901, %broadcast_in_dim3A_2805 : vector<128x256xi1>, vector<128x256xf32>
    %reduce_sum3A_2807 = arith.constant dense<0.000000e+00> : vector<256xf32>
    %reduce_sum3A_2808 = vector.multi_reduction <add>, %select_n3A_2806, %reduce_sum3A_2807 [0] : vector<128x256xf32> to vector<256xf32>
    %broadcast_in_dim3A_2809 = vector.shape_cast %reduce_sum3A_2808 : vector<256xf32> to vector<1x256xf32>
    %eq3A_2810 = arith.constant 26 : i32
    %eq3A_2811 = vector.broadcast %eq3A_2810 : i32 to vector<32x256xi32>
    %eq3A_2812 = arith.cmpi eq, %iota3A_1903, %eq3A_2811 : vector<32x256xi32>
    %broadcast_in_dim3A_2813 = vector.shape_cast %broadcast_in_dim3A_2793 : vector<1x256xf32> to vector<1x256xf32>
    %broadcast_in_dim3A_2814 = vector.broadcast %broadcast_in_dim3A_2813 : vector<1x256xf32> to vector<32x256xf32>
    %select_n3A_2815 = arith.select %eq3A_2812, %broadcast_in_dim3A_2814, %select_n3A_2781 : vector<32x256xi1>, vector<32x256xf32>
    %eq3A_2816 = arith.constant 26 : i32
    %eq3A_2817 = vector.broadcast %eq3A_2816 : i32 to vector<32x256xi32>
    %eq3A_2818 = arith.cmpi eq, %iota3A_1903, %eq3A_2817 : vector<32x256xi32>
    %broadcast_in_dim3A_2819 = vector.shape_cast %broadcast_in_dim3A_2809 : vector<1x256xf32> to vector<1x256xf32>
    %broadcast_in_dim3A_2820 = vector.broadcast %broadcast_in_dim3A_2819 : vector<1x256xf32> to vector<32x256xf32>
    %select_n3A_2821 = arith.select %eq3A_2818, %broadcast_in_dim3A_2820, %select_n3A_2787 : vector<32x256xi1>, vector<32x256xf32>
    %jit3A_2822 = arith.constant 0xFF800000 : f32
    %broadcast_in_dim3A_2823 = vector.broadcast %jit3A_2822 : f32 to vector<128x256xf32>
    %select_n3A_2824 = arith.select %eq3A_2803, %broadcast_in_dim3A_2823, %select_n3A_2790 : vector<128x256xi1>, vector<128x256xf32>
    %reduce_max3A_2825 = arith.constant dense<0xFF800000> : vector<256xf32>
    %reduce_max3A_2826 = vector.multi_reduction <maximumf>, %select_n3A_2824, %reduce_max3A_2825 [0] : vector<128x256xf32> to vector<256xf32>
    %broadcast_in_dim3A_2827 = vector.shape_cast %reduce_max3A_2826 : vector<256xf32> to vector<1x256xf32>
    %eq3A_2828 = vector.broadcast %broadcast_in_dim3A_2827 : vector<1x256xf32> to vector<128x256xf32>
    %eq3A_2829 = arith.cmpf oeq, %select_n3A_2824, %eq3A_2828 : vector<128x256xf32>
    %jit3A_2830 = arith.constant 128 : i32
    %broadcast_in_dim3A_2831 = vector.broadcast %jit3A_2830 : i32 to vector<128x256xi32>
    %select_n3A_2832 = arith.select %eq3A_2829, %iota3A_1902, %broadcast_in_dim3A_2831 : vector<128x256xi1>, vector<128x256xi32>
    %reduce_min3A_2833 = arith.constant dense<2147483647> : vector<256xi32>
    %reduce_min3A_2834 = vector.multi_reduction <minsi>, %select_n3A_2832, %reduce_min3A_2833 [0] : vector<128x256xi32> to vector<256xi32>
    %broadcast_in_dim3A_2835 = vector.shape_cast %reduce_min3A_2834 : vector<256xi32> to vector<1x256xi32>
    %eq3A_2836 = vector.broadcast %broadcast_in_dim3A_2835 : vector<1x256xi32> to vector<128x256xi32>
    %eq3A_2837 = arith.cmpi eq, %iota3A_1902, %eq3A_2836 : vector<128x256xi32>
    %jit3A_2838 = arith.constant 0.000000e+00 : f32
    %broadcast_in_dim3A_2839 = vector.broadcast %jit3A_2838 : f32 to vector<128x256xf32>
    %select_n3A_2840 = arith.select %eq3A_2837, %add3A_1901, %broadcast_in_dim3A_2839 : vector<128x256xi1>, vector<128x256xf32>
    %reduce_sum3A_2841 = arith.constant dense<0.000000e+00> : vector<256xf32>
    %reduce_sum3A_2842 = vector.multi_reduction <add>, %select_n3A_2840, %reduce_sum3A_2841 [0] : vector<128x256xf32> to vector<256xf32>
    %broadcast_in_dim3A_2843 = vector.shape_cast %reduce_sum3A_2842 : vector<256xf32> to vector<1x256xf32>
    %eq3A_2844 = arith.constant 27 : i32
    %eq3A_2845 = vector.broadcast %eq3A_2844 : i32 to vector<32x256xi32>
    %eq3A_2846 = arith.cmpi eq, %iota3A_1903, %eq3A_2845 : vector<32x256xi32>
    %broadcast_in_dim3A_2847 = vector.shape_cast %broadcast_in_dim3A_2827 : vector<1x256xf32> to vector<1x256xf32>
    %broadcast_in_dim3A_2848 = vector.broadcast %broadcast_in_dim3A_2847 : vector<1x256xf32> to vector<32x256xf32>
    %select_n3A_2849 = arith.select %eq3A_2846, %broadcast_in_dim3A_2848, %select_n3A_2815 : vector<32x256xi1>, vector<32x256xf32>
    %eq3A_2850 = arith.constant 27 : i32
    %eq3A_2851 = vector.broadcast %eq3A_2850 : i32 to vector<32x256xi32>
    %eq3A_2852 = arith.cmpi eq, %iota3A_1903, %eq3A_2851 : vector<32x256xi32>
    %broadcast_in_dim3A_2853 = vector.shape_cast %broadcast_in_dim3A_2843 : vector<1x256xf32> to vector<1x256xf32>
    %broadcast_in_dim3A_2854 = vector.broadcast %broadcast_in_dim3A_2853 : vector<1x256xf32> to vector<32x256xf32>
    %select_n3A_2855 = arith.select %eq3A_2852, %broadcast_in_dim3A_2854, %select_n3A_2821 : vector<32x256xi1>, vector<32x256xf32>
    %jit3A_2856 = arith.constant 0xFF800000 : f32
    %broadcast_in_dim3A_2857 = vector.broadcast %jit3A_2856 : f32 to vector<128x256xf32>
    %select_n3A_2858 = arith.select %eq3A_2837, %broadcast_in_dim3A_2857, %select_n3A_2824 : vector<128x256xi1>, vector<128x256xf32>
    %reduce_max3A_2859 = arith.constant dense<0xFF800000> : vector<256xf32>
    %reduce_max3A_2860 = vector.multi_reduction <maximumf>, %select_n3A_2858, %reduce_max3A_2859 [0] : vector<128x256xf32> to vector<256xf32>
    %broadcast_in_dim3A_2861 = vector.shape_cast %reduce_max3A_2860 : vector<256xf32> to vector<1x256xf32>
    %eq3A_2862 = vector.broadcast %broadcast_in_dim3A_2861 : vector<1x256xf32> to vector<128x256xf32>
    %eq3A_2863 = arith.cmpf oeq, %select_n3A_2858, %eq3A_2862 : vector<128x256xf32>
    %jit3A_2864 = arith.constant 128 : i32
    %broadcast_in_dim3A_2865 = vector.broadcast %jit3A_2864 : i32 to vector<128x256xi32>
    %select_n3A_2866 = arith.select %eq3A_2863, %iota3A_1902, %broadcast_in_dim3A_2865 : vector<128x256xi1>, vector<128x256xi32>
    %reduce_min3A_2867 = arith.constant dense<2147483647> : vector<256xi32>
    %reduce_min3A_2868 = vector.multi_reduction <minsi>, %select_n3A_2866, %reduce_min3A_2867 [0] : vector<128x256xi32> to vector<256xi32>
    %broadcast_in_dim3A_2869 = vector.shape_cast %reduce_min3A_2868 : vector<256xi32> to vector<1x256xi32>
    %eq3A_2870 = vector.broadcast %broadcast_in_dim3A_2869 : vector<1x256xi32> to vector<128x256xi32>
    %eq3A_2871 = arith.cmpi eq, %iota3A_1902, %eq3A_2870 : vector<128x256xi32>
    %jit3A_2872 = arith.constant 0.000000e+00 : f32
    %broadcast_in_dim3A_2873 = vector.broadcast %jit3A_2872 : f32 to vector<128x256xf32>
    %select_n3A_2874 = arith.select %eq3A_2871, %add3A_1901, %broadcast_in_dim3A_2873 : vector<128x256xi1>, vector<128x256xf32>
    %reduce_sum3A_2875 = arith.constant dense<0.000000e+00> : vector<256xf32>
    %reduce_sum3A_2876 = vector.multi_reduction <add>, %select_n3A_2874, %reduce_sum3A_2875 [0] : vector<128x256xf32> to vector<256xf32>
    %broadcast_in_dim3A_2877 = vector.shape_cast %reduce_sum3A_2876 : vector<256xf32> to vector<1x256xf32>
    %eq3A_2878 = arith.constant 28 : i32
    %eq3A_2879 = vector.broadcast %eq3A_2878 : i32 to vector<32x256xi32>
    %eq3A_2880 = arith.cmpi eq, %iota3A_1903, %eq3A_2879 : vector<32x256xi32>
    %broadcast_in_dim3A_2881 = vector.shape_cast %broadcast_in_dim3A_2861 : vector<1x256xf32> to vector<1x256xf32>
    %broadcast_in_dim3A_2882 = vector.broadcast %broadcast_in_dim3A_2881 : vector<1x256xf32> to vector<32x256xf32>
    %select_n3A_2883 = arith.select %eq3A_2880, %broadcast_in_dim3A_2882, %select_n3A_2849 : vector<32x256xi1>, vector<32x256xf32>
    %eq3A_2884 = arith.constant 28 : i32
    %eq3A_2885 = vector.broadcast %eq3A_2884 : i32 to vector<32x256xi32>
    %eq3A_2886 = arith.cmpi eq, %iota3A_1903, %eq3A_2885 : vector<32x256xi32>
    %broadcast_in_dim3A_2887 = vector.shape_cast %broadcast_in_dim3A_2877 : vector<1x256xf32> to vector<1x256xf32>
    %broadcast_in_dim3A_2888 = vector.broadcast %broadcast_in_dim3A_2887 : vector<1x256xf32> to vector<32x256xf32>
    %select_n3A_2889 = arith.select %eq3A_2886, %broadcast_in_dim3A_2888, %select_n3A_2855 : vector<32x256xi1>, vector<32x256xf32>
    %jit3A_2890 = arith.constant 0xFF800000 : f32
    %broadcast_in_dim3A_2891 = vector.broadcast %jit3A_2890 : f32 to vector<128x256xf32>
    %select_n3A_2892 = arith.select %eq3A_2871, %broadcast_in_dim3A_2891, %select_n3A_2858 : vector<128x256xi1>, vector<128x256xf32>
    %reduce_max3A_2893 = arith.constant dense<0xFF800000> : vector<256xf32>
    %reduce_max3A_2894 = vector.multi_reduction <maximumf>, %select_n3A_2892, %reduce_max3A_2893 [0] : vector<128x256xf32> to vector<256xf32>
    %broadcast_in_dim3A_2895 = vector.shape_cast %reduce_max3A_2894 : vector<256xf32> to vector<1x256xf32>
    %eq3A_2896 = vector.broadcast %broadcast_in_dim3A_2895 : vector<1x256xf32> to vector<128x256xf32>
    %eq3A_2897 = arith.cmpf oeq, %select_n3A_2892, %eq3A_2896 : vector<128x256xf32>
    %jit3A_2898 = arith.constant 128 : i32
    %broadcast_in_dim3A_2899 = vector.broadcast %jit3A_2898 : i32 to vector<128x256xi32>
    %select_n3A_2900 = arith.select %eq3A_2897, %iota3A_1902, %broadcast_in_dim3A_2899 : vector<128x256xi1>, vector<128x256xi32>
    %reduce_min3A_2901 = arith.constant dense<2147483647> : vector<256xi32>
    %reduce_min3A_2902 = vector.multi_reduction <minsi>, %select_n3A_2900, %reduce_min3A_2901 [0] : vector<128x256xi32> to vector<256xi32>
    %broadcast_in_dim3A_2903 = vector.shape_cast %reduce_min3A_2902 : vector<256xi32> to vector<1x256xi32>
    %eq3A_2904 = vector.broadcast %broadcast_in_dim3A_2903 : vector<1x256xi32> to vector<128x256xi32>
    %eq3A_2905 = arith.cmpi eq, %iota3A_1902, %eq3A_2904 : vector<128x256xi32>
    %jit3A_2906 = arith.constant 0.000000e+00 : f32
    %broadcast_in_dim3A_2907 = vector.broadcast %jit3A_2906 : f32 to vector<128x256xf32>
    %select_n3A_2908 = arith.select %eq3A_2905, %add3A_1901, %broadcast_in_dim3A_2907 : vector<128x256xi1>, vector<128x256xf32>
    %reduce_sum3A_2909 = arith.constant dense<0.000000e+00> : vector<256xf32>
    %reduce_sum3A_2910 = vector.multi_reduction <add>, %select_n3A_2908, %reduce_sum3A_2909 [0] : vector<128x256xf32> to vector<256xf32>
    %broadcast_in_dim3A_2911 = vector.shape_cast %reduce_sum3A_2910 : vector<256xf32> to vector<1x256xf32>
    %eq3A_2912 = arith.constant 29 : i32
    %eq3A_2913 = vector.broadcast %eq3A_2912 : i32 to vector<32x256xi32>
    %eq3A_2914 = arith.cmpi eq, %iota3A_1903, %eq3A_2913 : vector<32x256xi32>
    %broadcast_in_dim3A_2915 = vector.shape_cast %broadcast_in_dim3A_2895 : vector<1x256xf32> to vector<1x256xf32>
    %broadcast_in_dim3A_2916 = vector.broadcast %broadcast_in_dim3A_2915 : vector<1x256xf32> to vector<32x256xf32>
    %select_n3A_2917 = arith.select %eq3A_2914, %broadcast_in_dim3A_2916, %select_n3A_2883 : vector<32x256xi1>, vector<32x256xf32>
    %eq3A_2918 = arith.constant 29 : i32
    %eq3A_2919 = vector.broadcast %eq3A_2918 : i32 to vector<32x256xi32>
    %eq3A_2920 = arith.cmpi eq, %iota3A_1903, %eq3A_2919 : vector<32x256xi32>
    %broadcast_in_dim3A_2921 = vector.shape_cast %broadcast_in_dim3A_2911 : vector<1x256xf32> to vector<1x256xf32>
    %broadcast_in_dim3A_2922 = vector.broadcast %broadcast_in_dim3A_2921 : vector<1x256xf32> to vector<32x256xf32>
    %select_n3A_2923 = arith.select %eq3A_2920, %broadcast_in_dim3A_2922, %select_n3A_2889 : vector<32x256xi1>, vector<32x256xf32>
    %jit3A_2924 = arith.constant 0xFF800000 : f32
    %broadcast_in_dim3A_2925 = vector.broadcast %jit3A_2924 : f32 to vector<128x256xf32>
    %select_n3A_2926 = arith.select %eq3A_2905, %broadcast_in_dim3A_2925, %select_n3A_2892 : vector<128x256xi1>, vector<128x256xf32>
    %reduce_max3A_2927 = arith.constant dense<0xFF800000> : vector<256xf32>
    %reduce_max3A_2928 = vector.multi_reduction <maximumf>, %select_n3A_2926, %reduce_max3A_2927 [0] : vector<128x256xf32> to vector<256xf32>
    %broadcast_in_dim3A_2929 = vector.shape_cast %reduce_max3A_2928 : vector<256xf32> to vector<1x256xf32>
    %eq3A_2930 = vector.broadcast %broadcast_in_dim3A_2929 : vector<1x256xf32> to vector<128x256xf32>
    %eq3A_2931 = arith.cmpf oeq, %select_n3A_2926, %eq3A_2930 : vector<128x256xf32>
    %jit3A_2932 = arith.constant 128 : i32
    %broadcast_in_dim3A_2933 = vector.broadcast %jit3A_2932 : i32 to vector<128x256xi32>
    %select_n3A_2934 = arith.select %eq3A_2931, %iota3A_1902, %broadcast_in_dim3A_2933 : vector<128x256xi1>, vector<128x256xi32>
    %reduce_min3A_2935 = arith.constant dense<2147483647> : vector<256xi32>
    %reduce_min3A_2936 = vector.multi_reduction <minsi>, %select_n3A_2934, %reduce_min3A_2935 [0] : vector<128x256xi32> to vector<256xi32>
    %broadcast_in_dim3A_2937 = vector.shape_cast %reduce_min3A_2936 : vector<256xi32> to vector<1x256xi32>
    %eq3A_2938 = vector.broadcast %broadcast_in_dim3A_2937 : vector<1x256xi32> to vector<128x256xi32>
    %eq3A_2939 = arith.cmpi eq, %iota3A_1902, %eq3A_2938 : vector<128x256xi32>
    %jit3A_2940 = arith.constant 0.000000e+00 : f32
    %broadcast_in_dim3A_2941 = vector.broadcast %jit3A_2940 : f32 to vector<128x256xf32>
    %select_n3A_2942 = arith.select %eq3A_2939, %add3A_1901, %broadcast_in_dim3A_2941 : vector<128x256xi1>, vector<128x256xf32>
    %reduce_sum3A_2943 = arith.constant dense<0.000000e+00> : vector<256xf32>
    %reduce_sum3A_2944 = vector.multi_reduction <add>, %select_n3A_2942, %reduce_sum3A_2943 [0] : vector<128x256xf32> to vector<256xf32>
    %broadcast_in_dim3A_2945 = vector.shape_cast %reduce_sum3A_2944 : vector<256xf32> to vector<1x256xf32>
    %eq3A_2946 = arith.constant 30 : i32
    %eq3A_2947 = vector.broadcast %eq3A_2946 : i32 to vector<32x256xi32>
    %eq3A_2948 = arith.cmpi eq, %iota3A_1903, %eq3A_2947 : vector<32x256xi32>
    %broadcast_in_dim3A_2949 = vector.shape_cast %broadcast_in_dim3A_2929 : vector<1x256xf32> to vector<1x256xf32>
    %broadcast_in_dim3A_2950 = vector.broadcast %broadcast_in_dim3A_2949 : vector<1x256xf32> to vector<32x256xf32>
    %select_n3A_2951 = arith.select %eq3A_2948, %broadcast_in_dim3A_2950, %select_n3A_2917 : vector<32x256xi1>, vector<32x256xf32>
    %eq3A_2952 = arith.constant 30 : i32
    %eq3A_2953 = vector.broadcast %eq3A_2952 : i32 to vector<32x256xi32>
    %eq3A_2954 = arith.cmpi eq, %iota3A_1903, %eq3A_2953 : vector<32x256xi32>
    %broadcast_in_dim3A_2955 = vector.shape_cast %broadcast_in_dim3A_2945 : vector<1x256xf32> to vector<1x256xf32>
    %broadcast_in_dim3A_2956 = vector.broadcast %broadcast_in_dim3A_2955 : vector<1x256xf32> to vector<32x256xf32>
    %select_n3A_2957 = arith.select %eq3A_2954, %broadcast_in_dim3A_2956, %select_n3A_2923 : vector<32x256xi1>, vector<32x256xf32>
    %jit3A_2958 = arith.constant 0xFF800000 : f32
    %broadcast_in_dim3A_2959 = vector.broadcast %jit3A_2958 : f32 to vector<128x256xf32>
    %select_n3A_2960 = arith.select %eq3A_2939, %broadcast_in_dim3A_2959, %select_n3A_2926 : vector<128x256xi1>, vector<128x256xf32>
    %reduce_max3A_2961 = arith.constant dense<0xFF800000> : vector<256xf32>
    %reduce_max3A_2962 = vector.multi_reduction <maximumf>, %select_n3A_2960, %reduce_max3A_2961 [0] : vector<128x256xf32> to vector<256xf32>
    %broadcast_in_dim3A_2963 = vector.shape_cast %reduce_max3A_2962 : vector<256xf32> to vector<1x256xf32>
    %eq3A_2964 = vector.broadcast %broadcast_in_dim3A_2963 : vector<1x256xf32> to vector<128x256xf32>
    %eq3A_2965 = arith.cmpf oeq, %select_n3A_2960, %eq3A_2964 : vector<128x256xf32>
    %jit3A_2966 = arith.constant 128 : i32
    %broadcast_in_dim3A_2967 = vector.broadcast %jit3A_2966 : i32 to vector<128x256xi32>
    %select_n3A_2968 = arith.select %eq3A_2965, %iota3A_1902, %broadcast_in_dim3A_2967 : vector<128x256xi1>, vector<128x256xi32>
    %reduce_min3A_2969 = arith.constant dense<2147483647> : vector<256xi32>
    %reduce_min3A_2970 = vector.multi_reduction <minsi>, %select_n3A_2968, %reduce_min3A_2969 [0] : vector<128x256xi32> to vector<256xi32>
    %broadcast_in_dim3A_2971 = vector.shape_cast %reduce_min3A_2970 : vector<256xi32> to vector<1x256xi32>
    %eq3A_2972 = vector.broadcast %broadcast_in_dim3A_2971 : vector<1x256xi32> to vector<128x256xi32>
    %eq3A_2973 = arith.cmpi eq, %iota3A_1902, %eq3A_2972 : vector<128x256xi32>
    %jit3A_2974 = arith.constant 0.000000e+00 : f32
    %broadcast_in_dim3A_2975 = vector.broadcast %jit3A_2974 : f32 to vector<128x256xf32>
    %select_n3A_2976 = arith.select %eq3A_2973, %add3A_1901, %broadcast_in_dim3A_2975 : vector<128x256xi1>, vector<128x256xf32>
    %reduce_sum3A_2977 = arith.constant dense<0.000000e+00> : vector<256xf32>
    %reduce_sum3A_2978 = vector.multi_reduction <add>, %select_n3A_2976, %reduce_sum3A_2977 [0] : vector<128x256xf32> to vector<256xf32>
    %broadcast_in_dim3A_2979 = vector.shape_cast %reduce_sum3A_2978 : vector<256xf32> to vector<1x256xf32>
    %eq3A_2980 = arith.constant 31 : i32
    %eq3A_2981 = vector.broadcast %eq3A_2980 : i32 to vector<32x256xi32>
    %eq3A_2982 = arith.cmpi eq, %iota3A_1903, %eq3A_2981 : vector<32x256xi32>
    %broadcast_in_dim3A_2983 = vector.shape_cast %broadcast_in_dim3A_2963 : vector<1x256xf32> to vector<1x256xf32>
    %broadcast_in_dim3A_2984 = vector.broadcast %broadcast_in_dim3A_2983 : vector<1x256xf32> to vector<32x256xf32>
    %select_n3A_2985 = arith.select %eq3A_2982, %broadcast_in_dim3A_2984, %select_n3A_2951 : vector<32x256xi1>, vector<32x256xf32>
    %eq3A_2986 = arith.constant 31 : i32
    %eq3A_2987 = vector.broadcast %eq3A_2986 : i32 to vector<32x256xi32>
    %eq3A_2988 = arith.cmpi eq, %iota3A_1903, %eq3A_2987 : vector<32x256xi32>
    %broadcast_in_dim3A_2989 = vector.shape_cast %broadcast_in_dim3A_2979 : vector<1x256xf32> to vector<1x256xf32>
    %broadcast_in_dim3A_2990 = vector.broadcast %broadcast_in_dim3A_2989 : vector<1x256xf32> to vector<32x256xf32>
    %select_n3A_2991 = arith.select %eq3A_2988, %broadcast_in_dim3A_2990, %select_n3A_2957 : vector<32x256xi1>, vector<32x256xf32>
    %slice3A_2992 = vector.extract_strided_slice %select_n3A_2985 {offsets = [0, 0], sizes = [1, 256], strides = [1, 1]} : vector<32x256xf32> to vector<1x256xf32>
    %sub3A = vector.broadcast %slice3A_2992 : vector<1x256xf32> to vector<32x256xf32>
    %sub3A_2993 = arith.subf %select_n3A_2985, %sub3A : vector<32x256xf32>
    %exp3A = math.exp %sub3A_2993 : vector<32x256xf32>
    %reduce_sum3A_2994 = arith.constant dense<0.000000e+00> : vector<256xf32>
    %reduce_sum3A_2995 = vector.multi_reduction <add>, %exp3A, %reduce_sum3A_2994 [0] : vector<32x256xf32> to vector<256xf32>
    %broadcast_in_dim3A_2996 = vector.shape_cast %reduce_sum3A_2995 : vector<256xf32> to vector<1x256xf32>
    %div3A = vector.broadcast %broadcast_in_dim3A_2996 : vector<1x256xf32> to vector<32x256xf32>
    %div3A_2997 = arith.divf %exp3A, %div3A : vector<32x256xf32>
    %get3A_2998 = arith.constant 0 : index
    %get3A_2999 = arith.constant 0 : index
    %get3A_3000 = vector.load %arg9[%get3A_2998, %get3A_2999] : memref<32x32xf32, #tpu.memory_space<vmem>>, vector<32x32xf32>
    %dot_general3A_3001 = arith.constant dense<0.000000e+00> : vector<256x32xf32>
    %dot_general3A_3002 = tpu.matmul %div3A_2997, %get3A_3000, %dot_general3A_3001 {dimension_numbers = #tpu.dot_dimension_numbers<[0], [0], [1], [1], [0, 1, 1, 1], [], []>, precision = #tpu.contract_precision<fp32>, transpose_lhs_hint = false} : vector<32x256xf32>, vector<32x32xf32>, vector<256x32xf32> -> vector<256x32xf32>
    %dot_general3A_3003 = arith.constant dense<0.000000e+00> : vector<256x32xf32>
    %dot_general3A_3004 = tpu.matmul %select_n3A_2991, %get3A_3000, %dot_general3A_3003 {dimension_numbers = #tpu.dot_dimension_numbers<[0], [0], [1], [1], [0, 1, 1, 1], [], []>, precision = #tpu.contract_precision<fp32>, transpose_lhs_hint = false} : vector<32x256xf32>, vector<32x32xf32>, vector<256x32xf32> -> vector<256x32xf32>
    %swap3A = arith.index_cast %arg1 : i32 to index
    %swap3A_3005 = arith.constant 0 : index
    %swap3A_3006 = arith.constant 0 : index
    %swap3A_3007 = vector.load %arg12[%swap3A, %swap3A_3005, %swap3A_3006] : memref<8x256x32xf32, #tpu.memory_space<vmem>>, vector<1x256x32xf32>
    %swap3A_3008 = vector.shape_cast %swap3A_3007 : vector<1x256x32xf32> to vector<256x32xf32>
    %swap3A_3009 = vector.shape_cast %dot_general3A_3002 : vector<256x32xf32> to vector<1x256x32xf32>
    tpu.vector_store %arg12[%swap3A, %swap3A_3005, %swap3A_3006], %swap3A_3009 {strides = array<i32>} : memref<8x256x32xf32, #tpu.memory_space<vmem>>, vector<1x256x32xf32>,
    %add3A_3010 = arith.constant 5.000000e-01 : f32
    %add3A_3011 = vector.broadcast %add3A_3010 : f32 to vector<256x32xf32>
    %add3A_3012 = arith.addf %dot_general3A_3004, %add3A_3011 : vector<256x32xf32>
    %convert_element_type3A_3013 = arith.fptosi %add3A_3012 : vector<256x32xf32> to vector<256x32xi32>
    %swap3A_3014 = arith.index_cast %arg1 : i32 to index
    %swap3A_3015 = arith.constant 0 : index
    %swap3A_3016 = arith.constant 0 : index
    %swap3A_3017 = vector.load %arg13[%swap3A_3014, %swap3A_3015, %swap3A_3016] : memref<8x256x32xi32, #tpu.memory_space<vmem>>, vector<1x256x32xi32>
    %swap3A_3018 = vector.shape_cast %swap3A_3017 : vector<1x256x32xi32> to vector<256x32xi32>
    %swap3A_3019 = vector.shape_cast %convert_element_type3A_3013 : vector<256x32xi32> to vector<1x256x32xi32>
    tpu.vector_store %arg13[%swap3A_3014, %swap3A_3015, %swap3A_3016], %swap3A_3019 {strides = array<i32>} : memref<8x256x32xi32, #tpu.memory_space<vmem>>, vector<1x256x32xi32>,
    %eq3A_3020 = arith.constant 7 : i32
    %eq3A_3021 = arith.cmpi eq, %arg1, %eq3A_3020 : i32
    %convert_element_type3A_3022 = arith.extui %eq3A_3021 : i1 to i32
    %cond3A = arith.constant 0 : i32
    %cond3A_3023 = arith.cmpi ne, %convert_element_type3A_3022, %cond3A : i32
    scf.if %cond3A_3023 {
      %get3A_3024 = arith.constant 0 : index
      %get3A_3025 = arith.constant 0 : index
      %get3A_3026 = arith.constant 0 : index
      %get3A_3027 = vector.load %arg12[%get3A_3024, %get3A_3025, %get3A_3026] : memref<8x256x32xf32, #tpu.memory_space<vmem>>, vector<1x256x32xf32>
      %get3A_3028 = vector.shape_cast %get3A_3027 : vector<1x256x32xf32> to vector<256x32xf32>
      %get3A_3029 = arith.constant 1 : index
      %get3A_3030 = arith.constant 0 : index
      %get3A_3031 = arith.constant 0 : index
      %get3A_3032 = vector.load %arg12[%get3A_3029, %get3A_3030, %get3A_3031] : memref<8x256x32xf32, #tpu.memory_space<vmem>>, vector<1x256x32xf32>
      %get3A_3033 = vector.shape_cast %get3A_3032 : vector<1x256x32xf32> to vector<256x32xf32>
      %get3A_3034 = arith.constant 2 : index
      %get3A_3035 = arith.constant 0 : index
      %get3A_3036 = arith.constant 0 : index
      %get3A_3037 = vector.load %arg12[%get3A_3034, %get3A_3035, %get3A_3036] : memref<8x256x32xf32, #tpu.memory_space<vmem>>, vector<1x256x32xf32>
      %get3A_3038 = vector.shape_cast %get3A_3037 : vector<1x256x32xf32> to vector<256x32xf32>
      %get3A_3039 = arith.constant 3 : index
      %get3A_3040 = arith.constant 0 : index
      %get3A_3041 = arith.constant 0 : index
      %get3A_3042 = vector.load %arg12[%get3A_3039, %get3A_3040, %get3A_3041] : memref<8x256x32xf32, #tpu.memory_space<vmem>>, vector<1x256x32xf32>
      %get3A_3043 = vector.shape_cast %get3A_3042 : vector<1x256x32xf32> to vector<256x32xf32>
      %get3A_3044 = arith.constant 4 : index
      %get3A_3045 = arith.constant 0 : index
      %get3A_3046 = arith.constant 0 : index
      %get3A_3047 = vector.load %arg12[%get3A_3044, %get3A_3045, %get3A_3046] : memref<8x256x32xf32, #tpu.memory_space<vmem>>, vector<1x256x32xf32>
      %get3A_3048 = vector.shape_cast %get3A_3047 : vector<1x256x32xf32> to vector<256x32xf32>
      %get3A_3049 = arith.constant 5 : index
      %get3A_3050 = arith.constant 0 : index
      %get3A_3051 = arith.constant 0 : index
      %get3A_3052 = vector.load %arg12[%get3A_3049, %get3A_3050, %get3A_3051] : memref<8x256x32xf32, #tpu.memory_space<vmem>>, vector<1x256x32xf32>
      %get3A_3053 = vector.shape_cast %get3A_3052 : vector<1x256x32xf32> to vector<256x32xf32>
      %get3A_3054 = arith.constant 6 : index
      %get3A_3055 = arith.constant 0 : index
      %get3A_3056 = arith.constant 0 : index
      %get3A_3057 = vector.load %arg12[%get3A_3054, %get3A_3055, %get3A_3056] : memref<8x256x32xf32, #tpu.memory_space<vmem>>, vector<1x256x32xf32>
      %get3A_3058 = vector.shape_cast %get3A_3057 : vector<1x256x32xf32> to vector<256x32xf32>
      %get3A_3059 = arith.constant 7 : index
      %get3A_3060 = arith.constant 0 : index
      %get3A_3061 = arith.constant 0 : index
      %get3A_3062 = vector.load %arg12[%get3A_3059, %get3A_3060, %get3A_3061] : memref<8x256x32xf32, #tpu.memory_space<vmem>>, vector<1x256x32xf32>
      %get3A_3063 = vector.shape_cast %get3A_3062 : vector<1x256x32xf32> to vector<256x32xf32>
      %concatenate3A = tpu.concatenate %get3A_3028, %get3A_3033, %get3A_3038, %get3A_3043, %get3A_3048, %get3A_3053, %get3A_3058, %get3A_3063 in 1 : vector<256x32xf32>, vector<256x32xf32>, vector<256x32xf32>, vector<256x32xf32>, vector<256x32xf32>, vector<256x32xf32>, vector<256x32xf32>, vector<256x32xf32> -> vector<256x256xf32>
      %get3A_3064 = arith.constant 0 : index
      %get3A_3065 = arith.constant 0 : index
      %get3A_3066 = arith.constant 0 : index
      %get3A_3067 = vector.load %arg13[%get3A_3064, %get3A_3065, %get3A_3066] : memref<8x256x32xi32, #tpu.memory_space<vmem>>, vector<1x256x32xi32>
      %get3A_3068 = vector.shape_cast %get3A_3067 : vector<1x256x32xi32> to vector<256x32xi32>
      %get3A_3069 = arith.constant 1 : index
      %get3A_3070 = arith.constant 0 : index
      %get3A_3071 = arith.constant 0 : index
      %get3A_3072 = vector.load %arg13[%get3A_3069, %get3A_3070, %get3A_3071] : memref<8x256x32xi32, #tpu.memory_space<vmem>>, vector<1x256x32xi32>
      %get3A_3073 = vector.shape_cast %get3A_3072 : vector<1x256x32xi32> to vector<256x32xi32>
      %get3A_3074 = arith.constant 2 : index
      %get3A_3075 = arith.constant 0 : index
      %get3A_3076 = arith.constant 0 : index
      %get3A_3077 = vector.load %arg13[%get3A_3074, %get3A_3075, %get3A_3076] : memref<8x256x32xi32, #tpu.memory_space<vmem>>, vector<1x256x32xi32>
      %get3A_3078 = vector.shape_cast %get3A_3077 : vector<1x256x32xi32> to vector<256x32xi32>
      %get3A_3079 = arith.constant 3 : index
      %get3A_3080 = arith.constant 0 : index
      %get3A_3081 = arith.constant 0 : index
      %get3A_3082 = vector.load %arg13[%get3A_3079, %get3A_3080, %get3A_3081] : memref<8x256x32xi32, #tpu.memory_space<vmem>>, vector<1x256x32xi32>
      %get3A_3083 = vector.shape_cast %get3A_3082 : vector<1x256x32xi32> to vector<256x32xi32>
      %get3A_3084 = arith.constant 4 : index
      %get3A_3085 = arith.constant 0 : index
      %get3A_3086 = arith.constant 0 : index
      %get3A_3087 = vector.load %arg13[%get3A_3084, %get3A_3085, %get3A_3086] : memref<8x256x32xi32, #tpu.memory_space<vmem>>, vector<1x256x32xi32>
      %get3A_3088 = vector.shape_cast %get3A_3087 : vector<1x256x32xi32> to vector<256x32xi32>
      %get3A_3089 = arith.constant 5 : index
      %get3A_3090 = arith.constant 0 : index
      %get3A_3091 = arith.constant 0 : index
      %get3A_3092 = vector.load %arg13[%get3A_3089, %get3A_3090, %get3A_3091] : memref<8x256x32xi32, #tpu.memory_space<vmem>>, vector<1x256x32xi32>
      %get3A_3093 = vector.shape_cast %get3A_3092 : vector<1x256x32xi32> to vector<256x32xi32>
      %get3A_3094 = arith.constant 6 : index
      %get3A_3095 = arith.constant 0 : index
      %get3A_3096 = arith.constant 0 : index
      %get3A_3097 = vector.load %arg13[%get3A_3094, %get3A_3095, %get3A_3096] : memref<8x256x32xi32, #tpu.memory_space<vmem>>, vector<1x256x32xi32>
      %get3A_3098 = vector.shape_cast %get3A_3097 : vector<1x256x32xi32> to vector<256x32xi32>
      %get3A_3099 = arith.constant 7 : index
      %get3A_3100 = arith.constant 0 : index
      %get3A_3101 = arith.constant 0 : index
      %get3A_3102 = vector.load %arg13[%get3A_3099, %get3A_3100, %get3A_3101] : memref<8x256x32xi32, #tpu.memory_space<vmem>>, vector<1x256x32xi32>
      %get3A_3103 = vector.shape_cast %get3A_3102 : vector<1x256x32xi32> to vector<256x32xi32>
      %concatenate3A_3104 = tpu.concatenate %get3A_3068, %get3A_3073, %get3A_3078, %get3A_3083, %get3A_3088, %get3A_3093, %get3A_3098, %get3A_3103 in 1 : vector<256x32xi32>, vector<256x32xi32>, vector<256x32xi32>, vector<256x32xi32>, vector<256x32xi32>, vector<256x32xi32>, vector<256x32xi32>, vector<256x32xi32> -> vector<256x256xi32>
      %reshape3A = vector.shape_cast %concatenate3A : vector<256x256xf32> to vector<512x128xf32>
      %swap3A_3105 = arith.constant 0 : index
      %swap3A_3106 = arith.constant 0 : index
      %swap3A_3107 = vector.load %arg10[%swap3A_3105, %swap3A_3106] : memref<512x128xf32, #tpu.memory_space<vmem>>, vector<512x128xf32>
      tpu.vector_store %arg10[%swap3A_3105, %swap3A_3106], %reshape3A {strides = array<i32>} : memref<512x128xf32, #tpu.memory_space<vmem>>, vector<512x128xf32>,
      %reshape3A_3108 = vector.shape_cast %concatenate3A_3104 : vector<256x256xi32> to vector<512x128xi32>
      %swap3A_3109 = arith.constant 0 : index
      %swap3A_3110 = arith.constant 0 : index
      %swap3A_3111 = vector.load %arg11[%swap3A_3109, %swap3A_3110] : memref<512x128xi32, #tpu.memory_space<vmem>>, vector<512x128xi32>
      tpu.vector_store %arg11[%swap3A_3109, %swap3A_3110], %reshape3A_3108 {strides = array<i32>} : memref<512x128xi32, #tpu.memory_space<vmem>>, vector<512x128xi32>,
    } else {
    }
    return
  }
  func.func @transform_0(%arg0: i32, %arg1: i32) -> (i32, i32) {
    %c0_i32 = arith.constant 0 : i32
    %c0_i32_0 = arith.constant 0 : i32
    return %arg0, %c0_i32 : i32, i32
  }
  func.func @transform_1(%arg0: i32, %arg1: i32) -> (i32, i32) {
    %c0_i32 = arith.constant 0 : i32
    %c0_i32_0 = arith.constant 0 : i32
    return %c0_i32, %arg1 : i32, i32
  }
  func.func @transform_2(%arg0: i32, %arg1: i32) -> (i32, i32, i32) {
    %c0_i32 = arith.constant 0 : i32
    %c0_i32_0 = arith.constant 0 : i32
    %c0_i32_1 = arith.constant 0 : i32
    return %arg1, %c0_i32, %c0_i32_0 : i32, i32, i32
  }
  func.func @transform_3(%arg0: i32, %arg1: i32) -> (i32, i32, i32, i32) {
    %c0_i32 = arith.constant 0 : i32
    %c0_i32_0 = arith.constant 0 : i32
    %c0_i32_1 = arith.constant 0 : i32
    %c0_i32_2 = arith.constant 0 : i32
    return %arg1, %c0_i32, %c0_i32_0, %c0_i32_1 : i32, i32, i32, i32
  }
  func.func @transform_4(%arg0: i32, %arg1: i32) -> (i32, i32) {
    %c0_i32 = arith.constant 0 : i32
    %c0_i32_0 = arith.constant 0 : i32
    %c0_i32_1 = arith.constant 0 : i32
    return %c0_i32, %c0_i32_0 : i32, i32
  }
  func.func @transform_5(%arg0: i32, %arg1: i32) -> (i32, i32) {
    %c0_i32 = arith.constant 0 : i32
    %c0_i32_0 = arith.constant 0 : i32
    %c0_i32_1 = arith.constant 0 : i32
    return %c0_i32, %c0_i32_0 : i32, i32
  }
  func.func @transform_6(%arg0: i32, %arg1: i32) -> (i32, i32) {
    %c0_i32 = arith.constant 0 : i32
    %c0_i32_0 = arith.constant 0 : i32
    %c0_i32_1 = arith.constant 0 : i32
    return %c0_i32, %c0_i32_0 : i32, i32
  }
  func.func @transform_7(%arg0: i32, %arg1: i32) -> (i32, i32) {
    %c0_i32 = arith.constant 0 : i32
    %c0_i32_0 = arith.constant 0 : i32
    %c0_i32_1 = arith.constant 0 : i32
    return %c0_i32, %c0_i32_0 : i32, i32
  }
  func.func @transform_8(%arg0: i32, %arg1: i32) -> (i32, i32) {
    %c0_i32 = arith.constant 0 : i32
    %c0_i32_0 = arith.constant 0 : i32
    return %arg0, %c0_i32 : i32, i32
  }
  func.func @transform_9(%arg0: i32, %arg1: i32) -> (i32, i32) {
    %c0_i32 = arith.constant 0 : i32
    %c0_i32_0 = arith.constant 0 : i32
    return %arg0, %c0_i32 : i32, i32
  }
}

</mosaic_0001>

<sc_bundles>
// kernel: kernel.4.cloned.1.call-start
scs
__scs_entry_jumppad:
0x0: {  	(pc) =	sbr.rel $0x88, $3  }
0x1: {  	(tag) =	ssettag $0x0;
	lr =	simm.s32 $0x1  }
0x2: {  	[smem:$0x3F9C] =	sst lr;
	_ =	strace $0xD0000000  }
0x3: {  	_ = 	snop  }
0x4: {  	_ = 	snop  }
0x5: {  	_ = 	snop  }
0x6: {  	_ = 	snop  }
0x7: {  	_ = 	snop  }
__scs_overlays_trampoline_lowered:
0x8: {  	[smem:$0x3FAB] =	sst s0  }
0x9: {  	[smem:$0x3FAC] =	sst s1  }
0xa: {  	[smem:$0x3FAD] =	sst s2  }
0xb: {  	[smem:$0x3FAE] =	sst s3  }
0xc: {  	[smem:$0x3FAF] =	sst s4  }
0xd: {  	[smem:$0x3FB0] =	sst s5  }
0xe: {  	[smem:$0x3FB1] =	sst s6  }
0xf: {  	[smem:$0x3FB2] =	sst s7  }
0x10: {  	[smem:$0x3FB3] =	sst s8  }
0x11: {  	[smem:$0x3FB4] =	sst s9;
	s0 =	simm.s32 @!p0 $0x0  }
0x12: {  	s1 =	sld [smem:$0x3F9A];
	s0 =	simm.s32 @p0 $0x1  }
0x13: {  	[smem:$0x3FB5] =	sst s0;
	s0 =	simm.s32 @!p1 $0x0  }
0x14: {  	s2 =	sld [smem:$0x3F99];
	s0 =	simm.s32 @p1 $0x1  }
0x15: {  	[smem:$0x3FB6] =	sst s0;
	s0 =	simm.s32 @!p2 $0x0  }
0x16: {  	s3 =	sld [smem:$0x3FDB];
	s0 =	simm.s32 @p2 $0x1  }
0x17: {  	s4 =	simm.s32 $0x1BF5;
	[smem:$0x3FB8] =	sst s0  }
0x18: {  	s0 =	sld [smem:$0x3F9B];
	_ =	swait.ge [sflag:s4], $0x0  }
0x19: {  	s7 =	sld [smem:$0x3F9C]  }
0x1a: {  	s8 =	sadd.s32 $0xFFFFE003, lr  }
0x1b: {  	s9 =	sadd.s32 $0xFFFFFEF7, lr;
	s5 =	simm.s32 $0xFFFFFFFF;
	p2 =	slt.u32 s8, $0xFFFFF086  }
0x1c: {  	p1 =	slt.u32 s9, $0xF7A;
	s5 =	simm.s32 @!p2 $0x0  }
0x1d: {  	s5 =	simm.s32 @p1 $0x1;
	p0 =	seq.s32 s7, s2  }
0x1e: {  	s7 =	smul.u32 @!p0 $0xF7A, s2;
	p2 =	seq.s32 @!p0 s5, $0x0  }
0x1f: {  	s9 =	smul.u32 $0xF7A, s1;
	s8 =	simm.s32 @!p0 $0x1BF5;
	p2 =	por !p2, p0  }
0x20: {  	[sflag:s8] =	ssyncset.s32 @!p0 $0xFFFFF086;
	s6 =	sadd.s32 @!p0 s3, s7;
	s7 =	simm.s32 @!p0 $0x108  }
0x21: {  	s3 =	sadd.s32 s3, s9;
	s6 =	sadd.s32 @!p0 $0x88, s6;
	s7 =	simm.s32 @p2 $0x1082  }
0x22: {  	[simem:s7], [sflag:s8] =	dma.local @!p0 [hbm:s6], $0xF7A  }
0x23: {  	s9 =	sor.u32 $0xD0000000, s2;
	s6 =	simm.s32 $0x108;
	_ =	swait.ge @!p0 [sflag:s8], $0x0  }
0x24: {  	s3 =	sadd.s32 $0x88, s3;
	s6 =	simm.s32 @!p1 $0x1082;
	[sflag:s4] =	ssyncset.s32 $0xFFFFF086  }
0x25: {  	[simem:s6], [sflag:s4] =	dma.local [hbm:s3], $0xF7A  }
0x26: {  	[smem:$0x3F9C] =	sst s1;
	(tag) =	ssettag s2;
	_ =	strace s9  }
0x27: {  	s1 =	sld [smem:$0x3FAC]  }
0x28: {  	s2 =	sld [smem:$0x3FAD]  }
0x29: {  	s4 =	sld [smem:$0x3FAF]  }
0x2a: {  	p0 =	seq.s32 s5, $0x0;
	s5 =	sld [smem:$0x3FB0]  }
0x2b: {  	s6 =	sld [smem:$0x3FB1]  }
0x2c: {  	s7 =	sld [smem:$0x3FB2]  }
0x2d: {  	s3 =	simm.s32 $0x108;
	s8 =	sld [smem:$0x3FB3]  }
0x2e: {  	s3 =	simm.s32 @!p0 $0x1082;
	s9 =	sld [smem:$0x3FB4]  }
0x2f: {  	lr =	sadd.s32 s0, s3;
	s0 =	sld [smem:$0x3FAB]  }
0x30: {  	s3 =	sld [smem:$0x3FAE]  }
0x31: {  	[smem:$0x3FB7] =	sst s10  }
0x32: {  	s10 =	sld [smem:$0x3FB5];
	_ =	sdelay $0x3  }
0x33: {  	p0 =	seq.s32 s10, $0x1;
	s10 =	sld [smem:$0x3FB7];
	_ =	sdelay $0x3  }
0x34: {  	[smem:$0x3FB7] =	sst s10  }
0x35: {  	s10 =	sld [smem:$0x3FB6];
	_ =	sdelay $0x3  }
0x36: {  	p1 =	seq.s32 s10, $0x1;
	s10 =	sld [smem:$0x3FB7];
	_ =	sdelay $0x3  }
0x37: {  	[smem:$0x3FB7] =	sst s10  }
0x38: {  	s10 =	sld [smem:$0x3FB8]  }
0x39: {  	_ = 	snop;
	(pc) =	sbr.ind lr, $3  }
0x3a: {  	_ = 	snop  }
0x3b: {  	_ = 	snop  }
0x3c: {  	p2 =	seq.s32 s10, $0x1;
	s10 =	sld [smem:$0x3FB7]  }
0x3d: {  	_ =	shalt  }
0x3e: {  	_ =	shalt  }
0x3f: {  	_ =	shalt  }
0x40: {  	_ =	shalt  }
0x41: {  	_ =	shalt  }
0x42: {  	_ =	shalt  }
0x43: {  	_ =	shalt  }
0x44: {  	_ =	shalt  }
0x45: {  	_ =	shalt  }
0x46: {  	_ =	shalt  }
0x47: {  	_ =	shalt  }
0x48: {  	_ =	shalt  }
0x49: {  	_ =	shalt  }
0x4a: {  	_ =	shalt  }
0x4b: {  	_ =	shalt  }
0x4c: {  	_ =	shalt  }
0x4d: {  	_ =	shalt  }
0x4e: {  	_ =	shalt  }
0x4f: {  	_ =	shalt  }
0x50: {  	_ =	shalt  }
0x51: {  	_ =	shalt  }
0x52: {  	_ =	shalt  }
0x53: {  	_ =	shalt  }
0x54: {  	_ =	shalt  }
0x55: {  	_ =	shalt  }
0x56: {  	_ =	shalt  }
0x57: {  	_ =	shalt  }
0x58: {  	_ =	shalt  }
0x59: {  	_ =	shalt  }
0x5a: {  	_ =	shalt  }
0x5b: {  	_ =	shalt  }
0x5c: {  	_ =	shalt  }
0x5d: {  	_ =	shalt  }
0x5e: {  	_ =	shalt  }
0x5f: {  	_ =	shalt  }
0x60: {  	_ =	shalt  }
0x61: {  	_ =	shalt  }
0x62: {  	_ =	shalt  }
0x63: {  	_ =	shalt  }
0x64: {  	_ =	shalt  }
0x65: {  	_ =	shalt  }
0x66: {  	_ =	shalt  }
0x67: {  	_ =	shalt  }
0x68: {  	_ =	shalt  }
0x69: {  	_ =	shalt  }
0x6a: {  	_ =	shalt  }
0x6b: {  	_ =	shalt  }
0x6c: {  	_ =	shalt  }
0x6d: {  	_ =	shalt  }
0x6e: {  	_ =	shalt  }
0x6f: {  	_ =	shalt  }
0x70: {  	_ =	shalt  }
0x71: {  	_ =	shalt  }
0x72: {  	_ =	shalt  }
0x73: {  	_ =	shalt  }
0x74: {  	_ =	shalt  }
0x75: {  	_ =	shalt  }
0x76: {  	_ =	shalt  }
0x77: {  	_ =	shalt  }
0x78: {  	_ =	shalt  }
0x79: {  	_ =	shalt  }
0x7a: {  	_ =	shalt  }
0x7b: {  	_ =	shalt  }
0x7c: {  	_ =	shalt  }
0x7d: {  	_ =	shalt  }
0x7e: {  	_ =	shalt  }
0x7f: {  	_ =	shalt  }
0x80: {  	_ =	shalt  }
0x81: {  	_ =	shalt  }
0x82: {  	_ =	shalt  }
0x83: {  	_ =	shalt  }
0x84: {  	_ =	shalt  }
0x85: {  	_ =	shalt  }
0x86: {  	_ =	shalt  }
0x87: {  	_ =	shalt  }
.Lfunc_end0:
.L_simem_size_0:
called_computation.1_lowered:
.L_overlay_start_0:
0x88: {  	s2 =	sld [smem:$0x3FD9]  }
0x89: {  	s3 =	sld [smem:$0x3FFE];
	_ =	sdelay $0x1  }
0x8a: {  	s1 =	srdreg.scid  }
0x8b: {  	s0 =	sand.u32 $0x1, s1  }
0x8c: {  	s17 =	sshll.u32 s0, $0xA;
	s2 =	sadd.s32 s3, s2  }
0x8d: {  	s2 =	sadd.s32 s2, s17  }
0x8e: {  	[smem:$0x3FC3] =	sst s2  }
0x8f: {  	_ = 	snop  }
0x90: {  	s2 =	sld [smem:$0x3FD0];
	(tm) =	ssettm $0x1  }
0x91: {  	s18 =	sld [smem:$0x3FFB];
	_ =	sdelay $0x3  }
0x92: {  	_ =	strace s18  }
0x93: {  	s3 =	sld [smem:$0x3FFC];
	_ =	sdelay $0x3  }
0x94: {  	_ =	strace s3  }
0x95: {  	s3 =	sld [smem:$0x3FFD];
	_ =	sdelay $0x3  }
0x96: {  	_ =	strace s3  }
0x97: {  	_ =	strace $0x8FFFFFFF  }
0x98: {  	s19 =	sld [smem:$0x3FDB];
	_ =	sdelay $0x1  }
0x99: {  	s4 =	simm.s32 $_scs_section_size  }
0x9a: {  	s5 =	simm.s32 $_size__tile_overlayer_lowered;
	s6 =	simm.s32 $_tile_overlayer_lowered  }
0x9b: {  	s22 =	simm.s32 $0x1BFF;
	s21 =	sshll.u32 s6, $0x1;
	s3 =	sadd.s32 s4, s19  }
0x9c: {  	s7 =	simm.s32 $0x0;
	s20 =	sshll.u32 s5, $0x1;
	s5 =	sadd.s32 s21, s3  }
0x9d: {  	[timem:s7], [sflag:s22] =	dma.local [hbm:s5], s20  }
0x9e: {  	_ =	swait.ge [sflag:s22], s20  }
0x9f: {  	s4 =	ssub.s32 $0x0, s20;
	[sflag:s22] =	ssyncset.done $0x0  }
0xa0: {  	[sflag:s22] =	ssyncadd.s32 s4;
	_ =	sdelay $0x1  }
0xa1: {  	s23 =	simm.s32 $0x1B8B  }
0xa2: {  	_ =	swait.ge [sflag:s23], $0x1  }
0xa3: {  	[sflag:s23] =	ssyncset.done $0x0  }
0xa4: {  	s25 =	simm.s32 $0x1B8E;
	s24 =	sld [smem:$0x3FFE];
	[sflag:s23] =	ssyncadd.s32 $0xFFFFFFFF  }
0xa5: {  	s26 =	simm.s32 $execute0_lowered;
	[smem:$0x3FD2] =	sst s25  }
0xa6: {  	s5 =	sshll.u32 s26, $0x1;
	_ =	strace $0x80000049;
	[dreg:$0x1] =	wrdreg $0xFFFFFFFF  }
0xa7: {  	s28 =	simm.s32 $_size_execute0_lowered;
	s3 =	sadd.s32 s3, s5;
	[dreg:$0x0] =	wrdreg $0x0  }
0xa8: {  	s5 =	sshll.u32 s28, $0x1;
	[dreg:$0x2] =	wrdreg s3  }
0xa9: {  	[dreg:$0x3] =	wrdreg s5  }
0xaa: {  	[dreg:$0x4] =	wrdreg $0xC0  }
0xab: {  	_ =	task [dreg:s7], $0x5FFFF  }
0xac: {  	[dreg:$0x1] =	wrdreg $0xFFFFFFFF  }
0xad: {  	[dreg:$0x0] =	wrdreg $0x60  }
0xae: {  	[dreg:$0x2] =	wrdreg s24  }
0xaf: {  	[dreg:$0x3] =	wrdreg s2  }
0xb0: {  	[dreg:$0x4] =	wrdreg $0x9  }
0xb1: {  	_ =	task.clear_ibuf [dreg:s7], $0x5FFFF;
	_ =	strace $0x90000049  }
0xb2: {  	s29 =	simm.s32 $0x9;
	_ =	strace $0x8000004B  }
0xb3: {  	_ =	swait.ge [sflag:s29], $0x1  }
0xb4: {  	[sflag:s29] =	ssyncadd.s32 $0xFFFFFFFF  }
0xb5: {  	_ =	strace $0x9000004B  }
0xb6: {  	_ =	sfence  }
0xb7: {  	s30 =	sld [smem:$0x0];
	_ =	sdelay $0x2  }
0xb8: {  	s31 =	sshll.u32 s1, $0xD;
	s1 =	sshrl.u32 s1, $0x2  }
0xb9: {  	s3 =	sand.u32 $0x4000, s31;
	s1 =	sadd.s32 s1, s30  }
0xba: {  	s0 =	sor.u32 s3, s0;
	s1 =	sshll.u32 s1, $0x11  }
0xbb: {  	s0 =	sor.u32 s1, s0  }
0xbc: {  	s0 =	sadd.s32 $0x8F2B, s0  }
0xbd: {  	[sflag:s0] =	ssyncadd.remote.s32 $0x1  }
0xbe: {  	_ =	sfence.sel $0xFFFF  }
0xbf: {  	[dreg:$0x0] =	wrdreg $0xFFFFFFFF;
	(pc) =	sbr.abs _section_cstart, $3  }
0xc0: {  	[dreg:$0x1] =	wrdreg $0xFFFFFFFF  }
0xc1: {  	_ =	task.clear_ibuf [dreg:s7], $0x2FFFF;
	_ =	strace $0x9FFFFFFF  }
0xc2: {  	(tm) =	ssettm $0x7FFFFFFF  }
0xc3: {  	_ =	shalt  }
tec
execute0_lowered:
.L_overlay_start_1:
0x0: {  	(tag) =	ssettag $0x1  }
0x1: {  	s4 =	rddreg [dreg:$0x0]  }
0x2: {  	s5 =	rddreg [dreg:$0x1]  }
0x3: {  	s0 =	rddreg [dreg:$0x2]  }
0x4: {  	s2 =	simm.s32 $0x0;
	s3 =	srdreg.scid;
	s1 =	stileid.u32  }
0x5: {  	s10 =	simm.s32 $0x80;
	s11 =	simm.s32 $0x8000;
	s12 =	simm.s32 $0x10000  }
0x6: {  	s13 =	simm.s32 $0x1;
	s14 =	simm.s32 $0x2;
	s15 =	simm.s32 $0x18000  }
0x7: {  	s16 =	simm.s32 $0x0;
	[smem:$0x7FF] =	sst s2;
	s3 =	sand.u32 $0x1, s3  }
0x8: {  	s6 =	sshll.u32 s1, $0xC;
	s7 =	sshll.u32 s3, $0xB;
	s8 =	ssub.s32 $0x2, s3  }
0x9: {  	_ =	strace $0x8000004A;
	s6 =	sor.u32 s7, s6;
	s31 =	sshrl.u32 s8, $0x1  }
0xa: {  	s3 =	sadd.s32 $0x1A00, s4;
	s9 =	sadd.s32 s6, s4;
	s7 =	ssub.s32 s8, s31  }
0xb: {  	s4 =	sadd.s32 s5, s6;
	s8 =	simm.s32 $0x3;
	s5 =	sadd.s32 $0x801A00, s9  }
0xc: {  	s6 =	sadd.s32 $0x811A00, s9;
	s7 =	smax.u32 s7, $0x1;
	s9 =	simm.s32 $0x4000  }
.LBB2_1:
0xd: {  	[tilespmem:s2], [sflag:$0x3] =	stream.linear.gather [hbm4b:s4+s2], $0x4000, $0x38;
	[tilespmem:$0x1C000] =	vst v63  }
0xe: {  	_ =	swait.ge [sflag:s8], $0x4000  }
0xf: {  	[sflag:s8] =	ssyncset.done $0x0  }
0x10: {  	[sflag:s8] =	ssyncadd.s32 $0xFFFFC000  }
0x11: {  	[tilespmem:s9], [sflag:$0x3] =	stream.linear.gather [hbm4b:s5+s2], $0x4000, $0x38;
	[tilespmem:$0x1C000] =	vst v63  }
0x12: {  	_ =	swait.ge [sflag:s8], $0x4000  }
0x13: {  	[sflag:s8] =	ssyncset.done $0x0  }
0x14: {  	s17 =	simm.s32 $0x0;
	[sflag:s8] =	ssyncadd.s32 $0xFFFFC000  }
0x15: {  	[tilespmem:s11], [sflag:$0x1] =	stream.indirect.gather [hbm4b:s3+s10], $0x100, s2, s10, $0xb8;
	[tilespmem:$0x1C000] =	vst v63  }
.LBB2_2:
0x16: {  	s18 =	sshll.u32 s17, $0x8  }
0x17: {  	s19 =	sor.u32 $0x80, s18  }
0x18: {  	[tilespmem:s12], [sflag:$0x2] =	stream.indirect.gather [hbm4b:s3+s10], $0x100, s19, s10, $0xb8;
	[tilespmem:$0x1C000] =	vst v63  }
0x19: {  	_ =	swait.ge [sflag:s13], $0x8000  }
0x1a: {  	[sflag:s13] =	ssyncset.done $0x0  }
0x1b: {  	s20 =	simm.s32 $0x0;
	[sflag:s13] =	ssyncadd.s32 $0xFFFF8000  }
0x1c: {  	v0 =	vld [tilespmem:s20+$0x8300]  }
0x1d: {  	v1 =	vld [tilespmem:s20+$0x8310]  }
0x1e: {  	v4 =	vld [tilespmem:s20+$0x8320]  }
0x1f: {  	v5 =	vld [tilespmem:s20+$0x8330]  }
0x20: {  	v6 =	vld [tilespmem:s20+$0x8340]  }
0x21: {  	v7 =	vld [tilespmem:s20+$0x8350]  }
0x22: {  	v14 =	vld [tilespmem:s20+$0x8360]  }
0x23: {  	v15 =	vld [tilespmem:s20+$0x8370]  }
0x24: {  	v17 =	vld [tilespmem:s20+$0x8380]  }
0x25: {  	v19 =	vld [tilespmem:s20+$0x8390]  }
0x26: {  	v16 =	vld [tilespmem:s20+$0x83A0]  }
0x27: {  	v18 =	vld [tilespmem:s20+$0x83B0]  }
0x28: {  	v2 =	vld [tilespmem:s20+$0x83C0]  }
0x29: {  	v3 =	vld [tilespmem:s20+$0x83D0]  }
0x2a: {  	v8 =	vld [tilespmem:s20+$0x8200]  }
0x2b: {  	v9 =	vld [tilespmem:s20+$0x8210]  }
0x2c: {  	v10 =	vld [tilespmem:s20+$0x8220]  }
0x2d: {  	v11 =	vld [tilespmem:s20+$0x8230]  }
0x2e: {  	v12 =	vld [tilespmem:s20+$0x8240]  }
0x2f: {  	v13 =	vld [tilespmem:s20+$0x8250]  }
0x30: {  	v23 =	vld [tilespmem:s20+$0x8260]  }
0x31: {  	v24 =	vld [tilespmem:s20+$0x8270]  }
0x32: {  	v26 =	vld [tilespmem:s20+$0x8280]  }
0x33: {  	v28 =	vld [tilespmem:s20+$0x8290]  }
0x34: {  	v22 =	vld [tilespmem:s20+$0x82A0]  }
0x35: {  	v27 =	vld [tilespmem:s20+$0x82B0]  }
0x36: {  	v21 =	vld [tilespmem:s20+$0x82C0]  }
0x37: {  	v25 =	vld [tilespmem:s20+$0x8100]  }
0x38: {  	v29 =	vld [tilespmem:s20+$0x8110]  }
0x39: {  	v30 =	vld [tilespmem:s20+$0x8000]  }
0x3a: {  	v31 =	vld [tilespmem:s20+$0x8010]  }
0x3b: {  	v32 =	vld [tilespmem:s20+$0x8020]  }
0x3c: {  	v33 =	vld [tilespmem:s20+$0x8030]  }
0x3d: {  	v34 =	vld [tilespmem:s20+$0x8120]  }
0x3e: {  	v35 =	vld [tilespmem:s20+$0x8130]  }
0x3f: {  	v20 =	vimm.f32 $0.0e+00;
	v36 =	vld [tilespmem:s20+$0x8140]  }
0x40: {  	v37 =	vld [tilespmem:s20+$0x8150];
	v30 =	vadd.f32 v30, v20  }
0x41: {  	v60 =	vld [tilespmem:s20+$0x8070];
	v31 =	vadd.f32 v31, v20;
	v32 =	vadd.f32 v32, v20  }
0x42: {  	v38 =	vld [tilespmem:s20+$0x8040];
	v33 =	vadd.f32 v33, v20;
	v25 =	vadd.f32 v25, v30  }
0x43: {  	v39 =	vld [tilespmem:s20+$0x8050];
	v29 =	vadd.f32 v29, v31;
	v31 =	vadd.f32 v34, v32  }
0x44: {  	v30 =	vld [tilespmem:s20+$0x8060];
	v59 =	vadd.f32 v35, v33;
	v8 =	vadd.f32 v8, v25  }
0x45: {  	v61 =	vld [tilespmem:s20+$0x8080];
	v9 =	vadd.f32 v9, v29;
	v10 =	vadd.f32 v10, v31  }
0x46: {  	v25 =	vld [tilespmem:s20+$0x8160];
	v11 =	vadd.f32 v11, v59;
	v31 =	vadd.f32 v60, v20  }
0x47: {  	v29 =	vld [tilespmem:s20+$0x8170];
	v8 =	vadd.f32 v0, v8;
	v9 =	vadd.f32 v1, v9  }
0x48: {  	v62 =	vld [tilespmem:s20+$0x8090];
	v10 =	vadd.f32 v4, v10;
	v1 =	vadd.f32 v38, v20  }
0x49: {  	v63 =	vld [tilespmem:s20+$0x80A0];
	v4 =	vadd.f32 v39, v20;
	v30 =	vadd.f32 v30, v20  }
0x4a: {  	v32 =	vld [tilespmem:s20+$0x82D0];
	v11 =	vadd.f32 v5, v11;
	v1 =	vadd.f32 v36, v1  }
0x4b: {  	v0 =	vld [tilespmem:s20+$0x8180];
	v4 =	vadd.f32 v37, v4;
	v25 =	vadd.f32 v25, v30  }
0x4c: {  	v5 =	vld [tilespmem:s20+$0x8190];
	v29 =	vadd.f32 v29, v31;
	v1 =	vadd.f32 v12, v1  }
0x4d: {  	v30 =	vld [tilespmem:s20+$0x80B0];
	v4 =	vadd.f32 v13, v4;
	v23 =	vadd.f32 v23, v25  }
0x4e: {  	v31 =	vld [tilespmem:s20+$0x81A0];
	v24 =	vadd.f32 v24, v29;
	v12 =	vadd.f32 v6, v1  }
0x4f: {  	v25 =	vld [tilespmem:s20+$0x81B0];
	v13 =	vadd.f32 v7, v4;
	v1 =	vadd.f32 v61, v20  }
0x50: {  	v33 =	vld [tilespmem:s20+$0x81C0];
	v4 =	vadd.f32 v62, v20;
	v6 =	vadd.f32 v63, v20  }
0x51: {  	v34 =	vld [tilespmem:s20+$0x81D0];
	v14 =	vadd.f32 v14, v23;
	v15 =	vadd.f32 v15, v24  }
0x52: {  	v35 =	vld [tilespmem:s20+$0x80C0];
	v7 =	vadd.f32 v30, v20;
	v38 =	vadd.f32 v0, v1  }
0x53: {  	v36 =	vld [tilespmem:s20+$0x80D0];
	v29 =	vimm.f32 $0.0e+00;
	v39 =	vadd.f32 v5, v4;
	v40 =	vadd.f32 v31, v6  }
0x54: {  	s21 =	simm.s32 $0x1000;
	v37 =	vld [tilespmem:s20+$0x80E0];
	v31 =	vimm.f32 $0.0e+00;
	v30 =	vimm.f32 $0.0e+00;
	v41 =	vadd.f32 v25, v7  }
.LBB2_3:
0x55: {  	p0 =	sne.s32 s21, $0x1F000;
	v6 =	vld [tilespmem:s20+$0x80F0];
	v0 =	vadd.f32 v26, v38;
	v1 =	vadd.f32 v28, v39  }
0x56: {  	v7 =	vld [tilespmem:s20+$0x81E0];
	v4 =	vadd.f32 v22, v40;
	v5 =	vadd.f32 v27, v41  }
0x57: {  	v22 =	vld [tilespmem:s20+$0x81F0];
	v0 =	vadd.f32 v17, v0;
	v1 =	vadd.f32 v19, v1  }
0x58: {  	v17 =	vld [tilespmem:s20+$0x82E0];
	v4 =	vadd.f32 v16, v4;
	v5 =	vadd.f32 v18, v5  }
0x59: {  	v16 =	vadd.f32 v35, v20;
	v18 =	vadd.f32 v36, v31;
	v19 =	vld [tilespmem:s20+$0x82F0]  }
0x5a: {  	v20 =	vadd.f32 v37, v29;
	v6 =	vadd.f32 v6, v30;
	v23 =	vld [tilespmem:s20+$0x83E0]  }
0x5b: {  	v16 =	vadd.f32 v33, v16;
	v18 =	vadd.f32 v34, v18;
	v24 =	vld [tilespmem:s20+$0x83F0];
	s20 =	sshra.s32 s21, $0x2  }
0x5c: {  	v7 =	vadd.f32 v7, v20;
	v25 =	vld [tilespmem:s20+$0x8300];
	v6 =	vadd.f32 v22, v6  }
0x5d: {  	v16 =	vadd.f32 v21, v16;
	v18 =	vadd.f32 v32, v18;
	v33 =	vld [tilespmem:s20+$0x8310]  }
0x5e: {  	v7 =	vadd.f32 v17, v7;
	v34 =	vld [tilespmem:s20+$0x8320];
	v6 =	vadd.f32 v19, v6  }
0x5f: {  	v20 =	vadd.f32 v2, v16;
	v31 =	vadd.f32 v3, v18;
	v35 =	vld [tilespmem:s20+$0x8330]  }
0x60: {  	v29 =	vadd.f32 v23, v7;
	v36 =	vld [tilespmem:s20+$0x8340];
	v30 =	vadd.f32 v24, v6  }
0x61: {  	v6 =	vld [tilespmem:s20+$0x8350]  }
0x62: {  	v7 =	vld [tilespmem:s20+$0x8360]  }
0x63: {  	v23 =	vld [tilespmem:s20+$0x8370]  }
0x64: {  	v17 =	vld [tilespmem:s20+$0x8380]  }
0x65: {  	v19 =	vld [tilespmem:s20+$0x8390]  }
0x66: {  	v16 =	vld [tilespmem:s20+$0x83A0]  }
0x67: {  	v18 =	vld [tilespmem:s20+$0x83B0]  }
0x68: {  	v2 =	vld [tilespmem:s20+$0x83C0]  }
0x69: {  	v3 =	vld [tilespmem:s20+$0x83D0]  }
0x6a: {  	v24 =	vld [tilespmem:s20+$0x8200]  }
0x6b: {  	v37 =	vld [tilespmem:s20+$0x8210]  }
0x6c: {  	v38 =	vld [tilespmem:s20+$0x8220]  }
0x6d: {  	v39 =	vld [tilespmem:s20+$0x8230]  }
0x6e: {  	v40 =	vld [tilespmem:s20+$0x8240]  }
0x6f: {  	v41 =	vld [tilespmem:s20+$0x8250]  }
0x70: {  	v42 =	vld [tilespmem:s20+$0x8260]  }
0x71: {  	v43 =	vld [tilespmem:s20+$0x8270]  }
0x72: {  	v26 =	vld [tilespmem:s20+$0x8280]  }
0x73: {  	v28 =	vld [tilespmem:s20+$0x8290]  }
0x74: {  	v22 =	vld [tilespmem:s20+$0x82A0]  }
0x75: {  	v27 =	vld [tilespmem:s20+$0x82B0]  }
0x76: {  	v21 =	vld [tilespmem:s20+$0x82C0]  }
0x77: {  	v32 =	vld [tilespmem:s20+$0x82D0]  }
0x78: {  	v44 =	vld [tilespmem:s20+$0x8100]  }
0x79: {  	v45 =	vld [tilespmem:s20+$0x8110]  }
0x7a: {  	v46 =	vld [tilespmem:s20+$0x8000]  }
0x7b: {  	v47 =	vld [tilespmem:s20+$0x8010]  }
0x7c: {  	v48 =	vld [tilespmem:s20+$0x8020]  }
0x7d: {  	v49 =	vld [tilespmem:s20+$0x8030]  }
0x7e: {  	v50 =	vld [tilespmem:s20+$0x8120]  }
0x7f: {  	v51 =	vld [tilespmem:s20+$0x8130]  }
0x80: {  	v52 =	vld [tilespmem:s20+$0x8140]  }
0x81: {  	v8 =	vadd.f32 v46, v8;
	v9 =	vadd.f32 v47, v9;
	v46 =	vld [tilespmem:s20+$0x8150]  }
0x82: {  	v10 =	vadd.f32 v48, v10;
	v11 =	vadd.f32 v49, v11;
	v47 =	vld [tilespmem:s20+$0x8040]  }
0x83: {  	v8 =	vadd.f32 v44, v8;
	v9 =	vadd.f32 v45, v9;
	v48 =	vld [tilespmem:s20+$0x8050]  }
0x84: {  	v10 =	vadd.f32 v50, v10;
	v44 =	vld [tilespmem:s20+$0x8060];
	v11 =	vadd.f32 v51, v11  }
0x85: {  	v8 =	vadd.f32 v24, v8;
	v9 =	vadd.f32 v37, v9;
	v45 =	vld [tilespmem:s20+$0x8070]  }
0x86: {  	v10 =	vadd.f32 v38, v10;
	v24 =	vld [tilespmem:s20+$0x8160];
	v11 =	vadd.f32 v39, v11  }
0x87: {  	v8 =	vadd.f32 v25, v8;
	v9 =	vadd.f32 v33, v9;
	v37 =	vld [tilespmem:s20+$0x8170]  }
0x88: {  	v10 =	vadd.f32 v34, v10;
	v25 =	vld [tilespmem:s20+$0x8180];
	v11 =	vadd.f32 v35, v11  }
0x89: {  	v12 =	vadd.f32 v47, v12;
	v13 =	vadd.f32 v48, v13;
	v39 =	vld [tilespmem:s20+$0x8190]  }
0x8a: {  	v14 =	vadd.f32 v44, v14;
	v15 =	vadd.f32 v45, v15;
	v34 =	vld [tilespmem:s20+$0x8080]  }
0x8b: {  	v12 =	vadd.f32 v52, v12;
	v13 =	vadd.f32 v46, v13;
	v35 =	vld [tilespmem:s20+$0x8090]  }
0x8c: {  	v14 =	vadd.f32 v24, v14;
	v38 =	vld [tilespmem:s20+$0x80A0];
	v15 =	vadd.f32 v37, v15  }
0x8d: {  	v12 =	vadd.f32 v40, v12;
	v13 =	vadd.f32 v41, v13;
	v24 =	vld [tilespmem:s20+$0x80B0]  }
0x8e: {  	v14 =	vadd.f32 v42, v14;
	v40 =	vld [tilespmem:s20+$0x81A0];
	v15 =	vadd.f32 v43, v15  }
0x8f: {  	v12 =	vadd.f32 v36, v12;
	v13 =	vadd.f32 v6, v13;
	v41 =	vld [tilespmem:s20+$0x81B0]  }
.Ltmp0:
0x90: {  	v14 =	vadd.f32 v7, v14;
	v33 =	vld [tilespmem:s20+$0x81C0];
	v15 =	vadd.f32 v23, v15;
	(pc) =	sbr.rel @p0 .LBB2_3-.Ltmp0, $4  }
0x91: {  	v0 =	vadd.f32 v34, v0;
	v1 =	vadd.f32 v35, v1;
	v34 =	vld [tilespmem:s20+$0x81D0]  }
0x92: {  	v4 =	vadd.f32 v38, v4;
	v5 =	vadd.f32 v24, v5;
	v35 =	vld [tilespmem:s20+$0x80C0]  }
0x93: {  	v38 =	vadd.f32 v25, v0;
	v39 =	vadd.f32 v39, v1;
	v36 =	vld [tilespmem:s20+$0x80D0]  }
0x94: {  	s21 =	sadd.s32 $0x1000, s21;
	v40 =	vadd.f32 v40, v4;
	v37 =	vld [tilespmem:s20+$0x80E0];
	v41 =	vadd.f32 v41, v5  }
0x95: {  	v42 =	vld [tilespmem:s20+$0x80F0]  }
0x96: {  	v43 =	vld [tilespmem:s20+$0x81E0]  }
0x97: {  	v44 =	vld [tilespmem:s20+$0x81F0]  }
0x98: {  	v45 =	vld [tilespmem:s20+$0x82E0];
	p0 =	seq.s32 s17, $0x3F  }
0x99: {  	v46 =	vld [tilespmem:s20+$0x82F0];
	s21 =	sshll.u32 @!p0 s17, $0x8  }
0x9a: {  	v47 =	vld [tilespmem:s20+$0x83E0];
	s21 =	sand.u32 @!p0 $0x3FFFFF00, s21  }
0x9b: {  	v48 =	vld [tilespmem:s20+$0x83F0];
	s22 =	simm.s32 @!p0 $0x8000;
	s20 =	sadd.s32 @!p0 $0x100, s21;
	s21 =	simm.s32 @!p0 $0x80  }
0x9c: {  	[tilespmem:s22], [sflag:$0x1] =	stream.indirect.gather @!p0 [hbm4b:s3+s21], $0x100, s20, s21, $0xb8;
	[tilespmem:$0x1C000] =	vst v63  }
0x9d: {  	_ =	swait.ge [sflag:s14], $0x8000  }
0x9e: {  	[sflag:s14] =	ssyncset.done $0x0  }
0x9f: {  	s20 =	simm.s32 $0x0;
	[sflag:s14] =	ssyncadd.s32 $0xFFFF8000  }
0xa0: {  	v49 =	vld [tilespmem:s20+$0x10300]  }
0xa1: {  	v50 =	vld [tilespmem:s20+$0x10310]  }
0xa2: {  	v51 =	vld [tilespmem:s20+$0x10320]  }
0xa3: {  	v52 =	vld [tilespmem:s20+$0x10330]  }
0xa4: {  	v55 =	vld [tilespmem:s20+$0x10340]  }
0xa5: {  	v54 =	vld [tilespmem:s20+$0x10350]  }
0xa6: {  	v0 =	vld [tilespmem:s20+$0x10360]  }
0xa7: {  	v56 =	vld [tilespmem:s20+$0x10370]  }
0xa8: {  	v6 =	vld [tilespmem:s20+$0x10380]  }
0xa9: {  	v7 =	vld [tilespmem:s20+$0x10390]  }
0xaa: {  	v5 =	vld [tilespmem:s20+$0x103A0]  }
0xab: {  	v4 =	vld [tilespmem:s20+$0x103B0]  }
0xac: {  	v1 =	vld [tilespmem:s20+$0x103C0]  }
0xad: {  	v57 =	vld [tilespmem:s20+$0x10200]  }
0xae: {  	v58 =	vld [tilespmem:s20+$0x10210]  }
0xaf: {  	v59 =	vld [tilespmem:s20+$0x10220]  }
0xb0: {  	v60 =	vld [tilespmem:s20+$0x10230]  }
0xb1: {  	v61 =	vld [tilespmem:s20+$0x10240]  }
0xb2: {  	v62 =	vld [tilespmem:s20+$0x10250]  }
0xb3: {  	v63 =	vld [tilespmem:s20+$0x10260]  }
0xb4: {  	v53 =	vld [tilespmem:s20+$0x10270]  }
0xb5: {  	v24 =	vld [tilespmem:s20+$0x10280]  }
0xb6: {  	v25 =	vld [tilespmem:s20+$0x10290]  }
0xb7: {  	v23 =	vld [tilespmem:s20+$0x102A0]  }
0xb8: {  	v38 =	vadd.f32 v26, v38;
	v26 =	vld [tilespmem:s20+$0x102B0]  }
0xb9: {  	v28 =	vadd.f32 v28, v39;
	v39 =	vadd.f32 v22, v40;
	v22 =	vld [tilespmem:s20+$0x102C0]  }
0xba: {  	v27 =	vadd.f32 v27, v41;
	v38 =	vadd.f32 v17, v38;
	v17 =	vld [tilespmem:s20+$0x102D0]  }
0xbb: {  	v19 =	vadd.f32 v19, v28;
	v39 =	vadd.f32 v16, v39;
	v28 =	vld [tilespmem:s20+$0x10100]  }
0xbc: {  	v27 =	vadd.f32 v18, v27;
	v16 =	vadd.f32 v35, v20;
	v20 =	vld [tilespmem:s20+$0x10110]  }
0xbd: {  	v18 =	vadd.f32 v36, v31;
	v29 =	vadd.f32 v37, v29;
	v31 =	vld [tilespmem:s20+$0x10000]  }
0xbe: {  	v30 =	vadd.f32 v42, v30;
	v16 =	vadd.f32 v33, v16;
	v42 =	vld [tilespmem:s20+$0x10010]  }
0xbf: {  	v18 =	vadd.f32 v34, v18;
	v29 =	vadd.f32 v43, v29;
	v43 =	vld [tilespmem:s20+$0x10020]  }
0xc0: {  	v30 =	vadd.f32 v44, v30;
	v44 =	vld [tilespmem:s20+$0x10030]  }
0xc1: {  	v16 =	vadd.f32 v21, v16;
	v21 =	vadd.f32 v32, v18;
	v32 =	vld [tilespmem:s20+$0x100E0]  }
0xc2: {  	v29 =	vadd.f32 v45, v29;
	v30 =	vadd.f32 v46, v30;
	v46 =	vld [tilespmem:s20+$0x10120]  }
0xc3: {  	v3 =	vadd.f32 v3, v21;
	v21 =	vld [tilespmem:s20+$0x10130]  }
0xc4: {  	v18 =	vadd.f32 v2, v16;
	v16 =	vadd.f32 v47, v29;
	v29 =	vld [tilespmem:s20+$0x10140]  }
0xc5: {  	v47 =	vld [tilespmem:s20+$0x10050];
	v2 =	vadd.f32 v48, v30  }
0xc6: {  	v30 =	vld [tilespmem:s20+$0x10150];
	v8 =	vadd.f32 v31, v8;
	v9 =	vadd.f32 v42, v9  }
0xc7: {  	v10 =	vadd.f32 v43, v10;
	v11 =	vadd.f32 v44, v11;
	v31 =	vld [tilespmem:s20+$0x10040]  }
0xc8: {  	v8 =	vadd.f32 v28, v8;
	v9 =	vadd.f32 v20, v9;
	v20 =	vld [tilespmem:s20+$0x10060]  }
0xc9: {  	v10 =	vadd.f32 v46, v10;
	v11 =	vadd.f32 v21, v11;
	v21 =	vld [tilespmem:s20+$0x10070]  }
0xca: {  	v28 =	vld [tilespmem:s20+$0x10160];
	v13 =	vadd.f32 v47, v13;
	v8 =	vadd.f32 v57, v8  }
0xcb: {  	v9 =	vadd.f32 v58, v9;
	v48 =	vadd.f32 v59, v10;
	v58 =	vld [tilespmem:s20+$0x10170]  }
0xcc: {  	v57 =	vadd.f32 v60, v11;
	v59 =	vld [tilespmem:s20+$0x10180];
	v13 =	vadd.f32 v30, v13  }
0xcd: {  	v60 =	vld [tilespmem:s20+$0x10190];
	v12 =	vadd.f32 v31, v12;
	v11 =	vadd.f32 v49, v8  }
0xce: {  	v31 =	vld [tilespmem:s20+$0x100B0];
	v10 =	vadd.f32 v50, v9;
	v9 =	vadd.f32 v51, v48  }
0xcf: {  	v30 =	vld [tilespmem:s20+$0x100A0];
	v13 =	vadd.f32 v62, v13;
	v14 =	vadd.f32 v20, v14  }
0xd0: {  	v15 =	vadd.f32 v21, v15;
	v20 =	vld [tilespmem:s20+$0x10080];
	v12 =	vadd.f32 v29, v12  }
0xd1: {  	v8 =	vadd.f32 v52, v57;
	v21 =	vld [tilespmem:s20+$0x10090];
	v13 =	vadd.f32 v54, v13  }
0xd2: {  	v62 =	vld [tilespmem:s20+$0x101B0];
	v15 =	vadd.f32 v58, v15;
	v12 =	vadd.f32 v61, v12  }
0xd3: {  	[tilespmem:$0x1FFF0] =	vst v0;
	v14 =	vadd.f32 v28, v14;
	v61 =	vld [tilespmem:s20+$0x101A0];
	v27 =	vadd.f32 v31, v27  }
0xd4: {  	v29 =	vadd.f32 v53, v15;
	v15 =	vadd.f32 v55, v12;
	v12 =	vld [tilespmem:$0x1FFF0]  }
0xd5: {  	v0 =	vld [tilespmem:s20+$0x103D0];
	v14 =	vadd.f32 v63, v14;
	v20 =	vadd.f32 v20, v38  }
0xd6: {  	v28 =	vld [tilespmem:s20+$0x101C0];
	v63 =	vadd.f32 v30, v39;
	v21 =	vadd.f32 v21, v19  }
0xd7: {  	v31 =	vld [tilespmem:s20+$0x100C0];
	v27 =	vadd.f32 v62, v27;
	v19 =	vadd.f32 v59, v20  }
0xd8: {  	v30 =	vld [tilespmem:s20+$0x100D0];
	v20 =	vadd.f32 v60, v21;
	v21 =	vadd.f32 v61, v63  }
0xd9: {  	s21 =	simm.s32 $0x1000;
	v14 =	vadd.f32 v12, v14;
	v12 =	vadd.f32 v56, v29;
	v29 =	vld [tilespmem:s20+$0x101D0]  }
.LBB2_5:
0xda: {  	p0 =	sne.s32 s21, $0x1F000;
	v33 =	vld [tilespmem:s20+$0x100F0];
	v19 =	vadd.f32 v24, v19;
	v20 =	vadd.f32 v25, v20  }
0xdb: {  	v24 =	vld [tilespmem:s20+$0x101E0];
	v21 =	vadd.f32 v23, v21;
	v23 =	vadd.f32 v26, v27  }
0xdc: {  	v25 =	vld [tilespmem:s20+$0x101F0];
	v19 =	vadd.f32 v6, v19;
	v20 =	vadd.f32 v7, v20  }
0xdd: {  	v6 =	vld [tilespmem:s20+$0x102E0];
	v21 =	vadd.f32 v5, v21;
	v27 =	vadd.f32 v4, v23  }
0xde: {  	v4 =	vadd.f32 v31, v18;
	v3 =	vadd.f32 v30, v3;
	v5 =	vld [tilespmem:s20+$0x102F0]  }
0xdf: {  	v7 =	vadd.f32 v32, v16;
	v2 =	vadd.f32 v33, v2;
	v16 =	vld [tilespmem:s20+$0x103E0]  }
0xe0: {  	v4 =	vadd.f32 v28, v4;
	v3 =	vadd.f32 v29, v3;
	v23 =	vld [tilespmem:s20+$0x103F0];
	s20 =	sshra.s32 s21, $0x2  }
0xe1: {  	v7 =	vadd.f32 v24, v7;
	v28 =	vld [tilespmem:s20+$0x10300];
	v2 =	vadd.f32 v25, v2  }
0xe2: {  	v4 =	vadd.f32 v22, v4;
	v3 =	vadd.f32 v17, v3;
	v29 =	vld [tilespmem:s20+$0x10310]  }
0xe3: {  	v6 =	vadd.f32 v6, v7;
	v30 =	vld [tilespmem:s20+$0x10320];
	v2 =	vadd.f32 v5, v2  }
0xe4: {  	v18 =	vadd.f32 v1, v4;
	v3 =	vadd.f32 v0, v3;
	v31 =	vld [tilespmem:s20+$0x10330]  }
0xe5: {  	v16 =	vadd.f32 v16, v6;
	v32 =	vld [tilespmem:s20+$0x10340];
	v2 =	vadd.f32 v23, v2  }
0xe6: {  	v33 =	vld [tilespmem:s20+$0x10350]  }
0xe7: {  	v34 =	vld [tilespmem:s20+$0x10360]  }
0xe8: {  	v35 =	vld [tilespmem:s20+$0x10370]  }
0xe9: {  	v6 =	vld [tilespmem:s20+$0x10380]  }
0xea: {  	v7 =	vld [tilespmem:s20+$0x10390]  }
0xeb: {  	v5 =	vld [tilespmem:s20+$0x103A0]  }
0xec: {  	v4 =	vld [tilespmem:s20+$0x103B0]  }
0xed: {  	v1 =	vld [tilespmem:s20+$0x103C0]  }
0xee: {  	v0 =	vld [tilespmem:s20+$0x103D0]  }
0xef: {  	v36 =	vld [tilespmem:s20+$0x10200]  }
0xf0: {  	v37 =	vld [tilespmem:s20+$0x10210]  }
0xf1: {  	v38 =	vld [tilespmem:s20+$0x10220]  }
0xf2: {  	v39 =	vld [tilespmem:s20+$0x10230]  }
0xf3: {  	v40 =	vld [tilespmem:s20+$0x10240]  }
0xf4: {  	v41 =	vld [tilespmem:s20+$0x10250]  }
0xf5: {  	v42 =	vld [tilespmem:s20+$0x10260]  }
0xf6: {  	v43 =	vld [tilespmem:s20+$0x10270]  }
0xf7: {  	v24 =	vld [tilespmem:s20+$0x10280]  }
0xf8: {  	v25 =	vld [tilespmem:s20+$0x10290]  }
0xf9: {  	v23 =	vld [tilespmem:s20+$0x102A0]  }
0xfa: {  	v26 =	vld [tilespmem:s20+$0x102B0]  }
0xfb: {  	v22 =	vld [tilespmem:s20+$0x102C0]  }
0xfc: {  	v17 =	vld [tilespmem:s20+$0x102D0]  }
0xfd: {  	v44 =	vld [tilespmem:s20+$0x10100]  }
0xfe: {  	v45 =	vld [tilespmem:s20+$0x10110]  }
0xff: {  	v46 =	vld [tilespmem:s20+$0x10000]  }
0x100: {  	v47 =	vld [tilespmem:s20+$0x10010]  }
0x101: {  	v48 =	vld [tilespmem:s20+$0x10020]  }
0x102: {  	v49 =	vld [tilespmem:s20+$0x10030]  }
0x103: {  	v50 =	vld [tilespmem:s20+$0x10120]  }
0x104: {  	v51 =	vld [tilespmem:s20+$0x10130]  }
0x105: {  	v52 =	vld [tilespmem:s20+$0x10140]  }
0x106: {  	v11 =	vadd.f32 v46, v11;
	v10 =	vadd.f32 v47, v10;
	v46 =	vld [tilespmem:s20+$0x10150]  }
0x107: {  	v9 =	vadd.f32 v48, v9;
	v8 =	vadd.f32 v49, v8;
	v47 =	vld [tilespmem:s20+$0x10040]  }
0x108: {  	v11 =	vadd.f32 v44, v11;
	v10 =	vadd.f32 v45, v10;
	v48 =	vld [tilespmem:s20+$0x10050]  }
0x109: {  	v9 =	vadd.f32 v50, v9;
	v44 =	vld [tilespmem:s20+$0x10060];
	v8 =	vadd.f32 v51, v8  }
0x10a: {  	v11 =	vadd.f32 v36, v11;
	v10 =	vadd.f32 v37, v10;
	v45 =	vld [tilespmem:s20+$0x10070]  }
0x10b: {  	v9 =	vadd.f32 v38, v9;
	v36 =	vld [tilespmem:s20+$0x10160];
	v8 =	vadd.f32 v39, v8  }
0x10c: {  	v11 =	vadd.f32 v28, v11;
	v10 =	vadd.f32 v29, v10;
	v37 =	vld [tilespmem:s20+$0x10170]  }
0x10d: {  	v9 =	vadd.f32 v30, v9;
	v38 =	vld [tilespmem:s20+$0x10180];
	v8 =	vadd.f32 v31, v8  }
0x10e: {  	v15 =	vadd.f32 v47, v15;
	v13 =	vadd.f32 v48, v13;
	v39 =	vld [tilespmem:s20+$0x10190]  }
0x10f: {  	v14 =	vadd.f32 v44, v14;
	v12 =	vadd.f32 v45, v12;
	v29 =	vld [tilespmem:s20+$0x10080]  }
0x110: {  	v15 =	vadd.f32 v52, v15;
	v13 =	vadd.f32 v46, v13;
	v30 =	vld [tilespmem:s20+$0x10090]  }
0x111: {  	v14 =	vadd.f32 v36, v14;
	v31 =	vld [tilespmem:s20+$0x100A0];
	v12 =	vadd.f32 v37, v12  }
0x112: {  	v15 =	vadd.f32 v40, v15;
	v13 =	vadd.f32 v41, v13;
	v36 =	vld [tilespmem:s20+$0x100B0]  }
0x113: {  	v14 =	vadd.f32 v42, v14;
	v37 =	vld [tilespmem:s20+$0x101A0];
	v12 =	vadd.f32 v43, v12  }
0x114: {  	v15 =	vadd.f32 v32, v15;
	v13 =	vadd.f32 v33, v13;
	v40 =	vld [tilespmem:s20+$0x101B0]  }
.Ltmp1:
0x115: {  	v14 =	vadd.f32 v34, v14;
	v28 =	vld [tilespmem:s20+$0x101C0];
	v12 =	vadd.f32 v35, v12;
	(pc) =	sbr.rel @p0 .LBB2_5-.Ltmp1, $4  }
0x116: {  	v19 =	vadd.f32 v29, v19;
	v20 =	vadd.f32 v30, v20;
	v29 =	vld [tilespmem:s20+$0x101D0]  }
0x117: {  	v21 =	vadd.f32 v31, v21;
	v27 =	vadd.f32 v36, v27;
	v31 =	vld [tilespmem:s20+$0x100C0]  }
0x118: {  	v19 =	vadd.f32 v38, v19;
	v20 =	vadd.f32 v39, v20;
	v30 =	vld [tilespmem:s20+$0x100D0]  }
0x119: {  	s21 =	sadd.s32 $0x1000, s21;
	v21 =	vadd.f32 v37, v21;
	v32 =	vld [tilespmem:s20+$0x100E0];
	v27 =	vadd.f32 v40, v27  }
0x11a: {  	v33 =	vld [tilespmem:s20+$0x100F0]  }
0x11b: {  	v34 =	vld [tilespmem:s20+$0x101E0]  }
0x11c: {  	v35 =	vld [tilespmem:s20+$0x101F0]  }
0x11d: {  	v36 =	vld [tilespmem:s20+$0x102E0]  }
0x11e: {  	v37 =	vld [tilespmem:s20+$0x102F0]  }
0x11f: {  	v38 =	vld [tilespmem:s20+$0x103E0]  }
0x120: {  	v39 =	vld [tilespmem:s20+$0x103F0]  }
0x121: {  	v40 =	vld [tilespmem:s18+$0x4000]  }
0x122: {  	v41 =	vld [tilespmem:s18+$0x4010]  }
0x123: {  	v42 =	vld [tilespmem:s18+$0x4020]  }
0x124: {  	v43 =	vld [tilespmem:s18+$0x4030]  }
0x125: {  	v44 =	vld [tilespmem:s18+$0x4040]  }
0x126: {  	v62 =	vld [tilespmem:s18+$0x4050];
	v48 =	vadd.f32 v25, v20;
	v11 =	vmul.f32 v40, v11  }
0x127: {  	v63 =	vld [tilespmem:s18+$0x4060];
	v49 =	vadd.f32 v23, v21;
	v10 =	vmul.f32 v41, v10  }
0x128: {  	v50 =	vadd.f32 v26, v27;
	v7 =	vadd.f32 v7, v48;
	v9 =	vmul.f32 v42, v9;
	v42 =	vld [tilespmem:s18+$0x4070];
	[tilespmem:s18+$0x18000] =	vst v11  }
0x129: {  	v52 =	vld [tilespmem:s18+$0x4090];
	v51 =	vadd.f32 v31, v18;
	v3 =	vadd.f32 v30, v3;
	v8 =	vmul.f32 v43, v8;
	[tilespmem:s18+$0x18010] =	vst v10  }
0x12a: {  	v53 =	vld [tilespmem:s18+$0x40A0];
	v5 =	vadd.f32 v5, v49;
	v4 =	vadd.f32 v4, v50;
	v43 =	vmul.f32 v44, v15;
	[tilespmem:s18+$0x18020] =	vst v9  }
0x12b: {  	v55 =	vld [tilespmem:s18+$0x40B0];
	v44 =	vmul.f32 v62, v13;
	v2 =	vadd.f32 v33, v2;
	v3 =	vadd.f32 v29, v3;
	[tilespmem:s18+$0x18030] =	vst v8  }
0x12c: {  	v57 =	vld [tilespmem:s18+$0x40D0];
	v54 =	vadd.f32 v32, v16;
	v45 =	vmul.f32 v63, v14;
	[tilespmem:s18+$0x18040] =	vst v43;
	v9 =	vadd.f32 v28, v51  }
0x12d: {  	v56 =	vld [tilespmem:s18+$0x40C0];
	[tilespmem:s18+$0x18050] =	vst v44;
	v2 =	vadd.f32 v35, v2;
	v3 =	vadd.f32 v17, v3;
	v46 =	vmul.f32 v42, v12  }
0x12e: {  	v59 =	vld [tilespmem:s18+$0x40F0];
	v7 =	vmul.f32 v52, v7;
	[tilespmem:s18+$0x18060] =	vst v45;
	v9 =	vadd.f32 v22, v9;
	v12 =	vadd.f32 v34, v54  }
0x12f: {  	v58 =	vld [tilespmem:s18+$0x40E0];
	v5 =	vmul.f32 v53, v5;
	v2 =	vadd.f32 v37, v2;
	v0 =	vadd.f32 v0, v3;
	[tilespmem:s18+$0x18070] =	vst v46  }
0x130: {  	v60 =	vmul.f32 v55, v4;
	v1 =	vadd.f32 v1, v9;
	v12 =	vadd.f32 v36, v12;
	v8 =	vld [tilespmem:s19+$0x4000];
	[tilespmem:s18+$0x18090] =	vst v7  }
0x131: {  	v47 =	vadd.f32 v24, v19;
	s17 =	sadd.s32 $0x1, s17;
	v2 =	vadd.f32 v39, v2;
	v0 =	vmul.f32 v57, v0;
	[tilespmem:s18+$0x180A0] =	vst v5  }
0x132: {  	p0 =	sne.s32 s17, $0x40;
	v1 =	vmul.f32 v56, v1;
	[tilespmem:s18+$0x180B0] =	vst v60;
	v61 =	vadd.f32 v38, v12  }
.Ltmp2:
0x133: {  	v6 =	vadd.f32 v6, v47;
	[tilespmem:s18+$0x180D0] =	vst v0;
	v63 =	vmul.f32 v59, v2;
	(pc) =	sbr.rel @p0 .LBB2_2-.Ltmp2, $4  }
0x134: {  	[tilespmem:s18+$0x180C0] =	vst v1;
	v62 =	vmul.f32 v58, v61  }
0x135: {  	[tilespmem:s18+$0x180F0] =	vst v63;
	v6 =	vmul.f32 v8, v6  }
0x136: {  	[tilespmem:s18+$0x180E0] =	vst v62  }
0x137: {  	[tilespmem:s18+$0x18080] =	vst v6  }
0x138: {  	s16 =	sadd.s32 $0x1, s16  }
0x139: {  	p0 =	sne.s32 s16, s7  }
.Ltmp3:
0x13a: {  	_ = 	snop;
	(pc) =	sbr.rel @p0 .LBB2_1-.Ltmp3, $4  }
0x13b: {  	[hbm4b:s6+s2] =	stream.linear.scatter [tilespmem:s15], [sflag:$0x3], $0x4000, $0x38;
	[tilespmem:$0x1C000] =	vst v63  }
0x13c: {  	_ =	swait.ge [sflag:s8], $0x4000  }
0x13d: {  	[sflag:s8] =	ssyncset.done $0x0  }
0x13e: {  	[sflag:s8] =	ssyncadd.s32 $0xFFFFC000  }
0x13f: {  	_ =	sfence.sel $0x180000  }
0x140: {  	[bflag:$0x0] =	sbarrier.arrive $0xFFFF  }
0x141: {  	p0 =	sne.s32 s1, $0x0;
	_ =	strace $0x9000004A  }
0x142: {  	s0 =	sadd.s32 @!p0 $0x100000, s0;
	[bflag:$0x2] =	sbarrier.arrive $0xFFFF  }
0x143: {  	[sflag:s0] =	ssyncadd.tile.s32 @!p0 $0x1;
	_ =	shalt  }
.Lfunc_end2:
_tile_overlayer_lowered:
.L_overlay_start_2:
0x144: {  	(tag) =	ssettag $0x2  }
0x145: {  	s0 =	rddreg [dreg:$0x0];
	s2 =	stileid.u32  }
0x146: {  	s1 =	rddreg [dreg:$0x1];
	p0 =	sne.s32 s2, $0x0  }
0x147: {  	s3 =	rddreg [dreg:$0x2];
	[bflag:$0x3] =	sbarrier.arrive $0xFFFF;
	s2 =	simm.s32 @!p0 $0x1C03  }
0x148: {  	[timem:s3], [sflag:s2] =	dma.local @!p0 [hbm:s0], s1  }
0x149: {  	s0 =	simm.s32 @!p0 $0x3  }
0x14a: {  	_ =	swait.ge @!p0 [sflag:s0], s1  }
0x14b: {  	s1 =	ssub.s32 @!p0 $0x0, s1;
	[sflag:s0] =	ssyncset.done @!p0 $0x0  }
0x14c: {  	[sflag:s0] =	ssyncadd.s32 @!p0 s1  }
0x14d: {  	[bflag:$0x3] =	sbarrier.arrive $0xFFFF  }
0x14e: {  	_ =	shalt  }

// kernel: sparse-core-data-format-call.cloned.1.call-start
scs
called_computation_lowered:
.L_overlay_start_0:
0x0: {  	s2 =	sld [smem:$0x3FD9]  }
0x1: {  	s3 =	sld [smem:$0x3FFE];
	_ =	sdelay $0x1  }
0x2: {  	s1 =	srdreg.scid  }
0x3: {  	s0 =	sand.u32 $0x1, s1  }
0x4: {  	s18 =	sshll.u32 s0, $0xA;
	s2 =	sadd.s32 s3, s2  }
0x5: {  	s2 =	sadd.s32 s2, s18  }
0x6: {  	[smem:$0x3FC3] =	sst s2  }
0x7: {  	_ = 	snop  }
0x8: {  	s2 =	sld [smem:$0x3FC5];
	(tm) =	ssettm $0x1  }
0x9: {  	s19 =	sld [smem:$0x3FFB];
	_ =	sdelay $0x3  }
0xa: {  	_ =	strace s19  }
0xb: {  	s3 =	sld [smem:$0x3FFC];
	_ =	sdelay $0x3  }
0xc: {  	_ =	strace s3  }
0xd: {  	s3 =	sld [smem:$0x3FFD];
	_ =	sdelay $0x3  }
0xe: {  	_ =	strace s3  }
0xf: {  	_ =	strace $0x8FFFFFFF  }
0x10: {  	s20 =	sld [smem:$0x3FDB];
	_ =	sdelay $0x1  }
0x11: {  	s4 =	simm.s32 $_scs_section_size  }
0x12: {  	s5 =	simm.s32 $_size__tile_overlayer_lowered;
	s6 =	simm.s32 $_tile_overlayer_lowered  }
0x13: {  	s23 =	simm.s32 $0x1BFF;
	s22 =	sshll.u32 s6, $0x1;
	s3 =	sadd.s32 s4, s20  }
0x14: {  	s7 =	simm.s32 $0x0;
	s21 =	sshll.u32 s5, $0x1;
	s5 =	sadd.s32 s22, s3  }
0x15: {  	[timem:s7], [sflag:s23] =	dma.local [hbm:s5], s21  }
0x16: {  	_ =	swait.ge [sflag:s23], s21  }
0x17: {  	s4 =	ssub.s32 $0x0, s21;
	[sflag:s23] =	ssyncset.done $0x0  }
0x18: {  	[sflag:s23] =	ssyncadd.s32 s4;
	_ =	sdelay $0x1  }
0x19: {  	s24 =	simm.s32 $0x1B8B  }
0x1a: {  	_ =	swait.ge [sflag:s24], $0x1  }
0x1b: {  	[sflag:s24] =	ssyncset.done $0x0  }
0x1c: {  	s26 =	simm.s32 $0x1B8E;
	s25 =	sld [smem:$0x3FFE];
	[sflag:s24] =	ssyncadd.s32 $0xFFFFFFFF  }
0x1d: {  	s27 =	simm.s32 $execute0_lowered;
	[smem:$0x3FD2] =	sst s26  }
0x1e: {  	s5 =	sshll.u32 s27, $0x1;
	_ =	strace $0x80000046;
	[dreg:$0x1] =	wrdreg $0xFFFFFFFF  }
0x1f: {  	s28 =	simm.s32 $_size_execute0_lowered;
	s3 =	sadd.s32 s3, s5;
	[dreg:$0x0] =	wrdreg $0x0  }
0x20: {  	s5 =	sshll.u32 s28, $0x1;
	[dreg:$0x2] =	wrdreg s3  }
0x21: {  	[dreg:$0x3] =	wrdreg s5  }
0x22: {  	[dreg:$0x4] =	wrdreg $0xC0  }
0x23: {  	_ =	task [dreg:s7], $0x5FFFF  }
0x24: {  	[dreg:$0x1] =	wrdreg $0xFFFFFFFF  }
0x25: {  	[dreg:$0x0] =	wrdreg $0x60  }
0x26: {  	[dreg:$0x2] =	wrdreg s2  }
0x27: {  	[dreg:$0x3] =	wrdreg s25  }
0x28: {  	[dreg:$0x4] =	wrdreg $0x9  }
0x29: {  	_ =	task.clear_ibuf [dreg:s7], $0x5FFFF;
	_ =	strace $0x90000046  }
0x2a: {  	s29 =	simm.s32 $0x9;
	_ =	strace $0x80000048  }
0x2b: {  	_ =	swait.ge [sflag:s29], $0x1  }
0x2c: {  	[sflag:s29] =	ssyncadd.s32 $0xFFFFFFFF  }
0x2d: {  	_ =	strace $0x90000048  }
0x2e: {  	_ =	sfence  }
0x2f: {  	s30 =	sld [smem:$0x0];
	_ =	sdelay $0x2  }
0x30: {  	s31 =	sshll.u32 s1, $0xD;
	s1 =	sshrl.u32 s1, $0x2  }
0x31: {  	s3 =	sand.u32 $0x4000, s31;
	s1 =	sadd.s32 s1, s30  }
0x32: {  	s0 =	sor.u32 s3, s0;
	s1 =	sshll.u32 s1, $0x11  }
0x33: {  	s0 =	sor.u32 s1, s0  }
0x34: {  	s0 =	sadd.s32 $0x8F2B, s0  }
0x35: {  	[sflag:s0] =	ssyncadd.remote.s32 $0x1  }
0x36: {  	_ =	sfence.sel $0xFFFF  }
0x37: {  	[dreg:$0x0] =	wrdreg $0xFFFFFFFF;
	(pc) =	sbr.abs _section_cstart, $3  }
0x38: {  	[dreg:$0x1] =	wrdreg $0xFFFFFFFF  }
0x39: {  	_ =	task.clear_ibuf [dreg:s7], $0x2FFFF;
	_ =	strace $0x9FFFFFFF  }
0x3a: {  	(tm) =	ssettm $0x7FFFFFFF  }
0x3b: {  	_ =	shalt  }
tec
execute0_lowered:
.L_overlay_start_1:
0x0: {  	(tag) =	ssettag $0x1  }
0x1: {  	s0 =	srdreg.scid  }
0x2: {  	s1 =	sshll.u32 s0, $0x4  }
0x3: {  	s2 =	rddreg [dreg:$0x0];
	s0 =	stileid.u32;
	s1 =	sand.u32 $0x10, s1  }
0x4: {  	s4 =	rddreg [dreg:$0x1];
	s7 =	simm.s32 $0x1;
	s1 =	sor.u32 s0, s1  }
0x5: {  	s8 =	simm.s32 $0x2;
	s9 =	simm.s32 $0x0;
	s3 =	sshll.u32 s1, $0x3  }
0x6: {  	s12 =	simm.s32 $0x0;
	s11 =	simm.s32 $0x0;
	s6 =	ssub.s32 $0x8000, s3  }
.Ltmp0:
0x7: {  	s4 =	sadd.s32 $0x1A00, s4;
	s5 =	sand.u32 $0xF8, s6;
	(pc) =	sbr.rel .LBB1_1-.Ltmp0, $4  }
0x8: {  	s1 =	rddreg [dreg:$0x2];
	_ =	strace $0x80000047;
	p0 =	sne.s32 s5, $0x0  }
0x9: {  	s6 =	sshrl.u32 s6, $0x8;
	s5 =	simm.s32 $0x1;
	s7 =	simm.s32 @!p0 $0x0  }
0xa: {  	s10 =	smov.u32 s3;
	[sflag:s5] =	ssyncpa.u1 $0x0;
	s6 =	sadd.s32 s7, s6  }
0xb: {  	[sflag:s8] =	ssyncpa.u1 $0x0;
	s8 =	simm.s32 $0x0;
	s7 =	sadd.s32 $0x1, s6  }
.LBB1_9:
0xc: {  	s14 =	sadd.s32 $0x100, s10  }
0xd: {  	p1 =	sgt.s32 s14, $0x7FFF  }
0xe: {  	s14 =	smov.u32 @p1 s3;
	p1 =	sne.s32 s11, s7  }
.Ltmp1:
0xf: {  	p0 =	slt.u32 s11, $0x2;
	(pc) =	sbr.rel @!p1 .LBB1_10-.Ltmp1, $4  }
0x10: {  	s13 =	simm.s32 @!p0 $0x2  }
0x11: {  	s15 =	sadd.s32 $0x1, s11;
	_ =	swait.ge @!p0 [sflag:s13], $0x4000  }
0x12: {  	s12 =	smov.u32 s10;
	s9 =	sadd.s32 $0x4000, s9;
	[sflag:s13] =	ssyncset.done @!p0 $0x0  }
0x13: {  	s11 =	smov.u32 s15;
	s10 =	smov.u32 s14;
	[sflag:s13] =	ssyncadd.s32 @!p0 $0xFFFFC000  }
.LBB1_1:
0x14: {  	p0 =	sge.u32 s11, s6  }
0x15: {  	s13 =	sxor.u32 @!p0 $0xFFFFFFFF, s11  }
0x16: {  	s31 =	sadd.s32 $0xFFFFFFFF, s11;
	s14 =	sshll.u32 @!p0 s10, $0x8;
	s13 =	sshll.u32 @!p0 s13, $0xE  }
0x17: {  	s15 =	simm.s32 @!p0 $0x0;
	s14 =	sadd.s32 @!p0 s2, s14;
	s13 =	sand.u32 @!p0 $0x4000, s13  }
0x18: {  	[tilespmem:s13], [sflag:$0x1] =	stream.linear.gather @!p0 [hbm4b:s14+s15], $0x4000, $0x38;
	[tilespmem:$0x10000] =	vst v63  }
0x19: {  	p0 =	sge.u32 s31, s6  }
.Ltmp2:
0x1a: {  	_ = 	snop;
	(pc) =	sbr.rel @p0 .LBB1_9-.Ltmp2, $1  }
0x1b: {  	_ =	sdelay $0x3  }
0x1c: {  	s13 =	sshll.u32 s9, $0x2;
	_ =	swait.ge [sflag:s5], $0x4000;
	s14 =	sshll.u32 s11, $0xE  }
0x1d: {  	s16 =	simm.s32 $0x0;
	s17 =	simm.s32 $0x0;
	s15 =	sand.u32 $0x10000, s13  }
0x1e: {  	[sflag:s5] =	ssyncset.done $0x0;
	s31 =	sand.u32 $0x4000, s14;
	s14 =	sshrl.u32 s15, $0x2  }
0x1f: {  	[sflag:s5] =	ssyncadd.s32 $0xFFFFC000;
	s13 =	sor.u32 $0x8000, s31;
	s15 =	sor.u32 $0x8000, s14  }
.LBB1_3:
0x20: {  	s18 =	sshra.s32 s16, $0x2  }
0x21: {  	v0 =	vmov s18;
	_ =	sdelay $0x3  }
0x22: {  	p1 =	por $0x1, $0x1;
	s18 =	simm.s32 $0x0  }
.LBB1_4:
0x23: {  	_ = 	snop  }
0x24: {  	s19 =	sshll.u32 s18, $0xA  }
0x25: {  	s19 =	sand.u32 $0x3FFFFC00, s19  }
0x26: {  	s19 =	sadd.s32 s19, s14  }
0x27: {  	v5 =	vld.idx.msk [tilespmem:v0+s19+$0x70 ss:$0x1], $0xffff  }
0x28: {  	v6 =	vld.idx.msk [tilespmem:v0+s19+$0x10 ss:$0x1], $0xffff  }
0x29: {  	v7 =	vld.idx.msk [tilespmem:v0+s19+$0x20 ss:$0x1], $0xffff  }
0x2a: {  	s31 =	sshll.u32 s18, $0x7;
	v1 =	vld.idx.msk [tilespmem:v0+s19+$0x30 ss:$0x1], $0xffff  }
0x2b: {  	s18 =	sand.u32 $0x3FFFFF80, s31;
	v2 =	vld.idx.msk [tilespmem:v0+s19+$0x40 ss:$0x1], $0xffff  }
0x2c: {  	s18 =	sadd.s32 s18, s15;
	v3 =	vld.idx.msk [tilespmem:v0+s19+$0x50 ss:$0x1], $0xffff  }
0x2d: {  	v4 =	vld.idx.msk [tilespmem:v0+s19+$0x60 ss:$0x1], $0xffff;
	[tilespmem:v0+s18+$0x70 ss:$0x1] =	vst.idx.msk $0xffff, v5  }
0x2e: {  	v5 =	vld.idx.msk [tilespmem:v0+s19+$0x0 ss:$0x1], $0xffff;
	[tilespmem:v0+s18+$0x10 ss:$0x1] =	vst.idx.msk $0xffff, v6;
	s19 =	sadd.s32 $0x80, s19  }
0x2f: {  	p0 =	por p1, p1;
	s20 =	simm.s32 $0x6;
	[tilespmem:v0+s18+$0x20 ss:$0x1] =	vst.idx.msk $0xffff, v7;
	v6 =	vld.idx.msk [tilespmem:v0+s19+$0x70 ss:$0x1], $0xffff  }
.LBB1_5:
0x30: {  	p1 =	sne.s32 s20, $0x1;
	v7 =	vld.idx.msk [tilespmem:v0+s19+$0x10 ss:$0x1], $0xffff;
	[tilespmem:v0+s18+$0x30 ss:$0x1] =	vst.idx.msk $0xffff, v1  }
0x31: {  	v8 =	vld.idx.msk [tilespmem:v0+s19+$0x20 ss:$0x1], $0xffff;
	[tilespmem:v0+s18+$0x40 ss:$0x1] =	vst.idx.msk $0xffff, v2  }
0x32: {  	v1 =	vld.idx.msk [tilespmem:v0+s19+$0x30 ss:$0x1], $0xffff;
	[tilespmem:v0+s18+$0x50 ss:$0x1] =	vst.idx.msk $0xffff, v3  }
.Ltmp3:
0x33: {  	v2 =	vld.idx.msk [tilespmem:v0+s19+$0x40 ss:$0x1], $0xffff;
	[tilespmem:v0+s18+$0x60 ss:$0x1] =	vst.idx.msk $0xffff, v4;
	(pc) =	sbr.rel @p1 .LBB1_5-.Ltmp3, $4  }
0x34: {  	v3 =	vld.idx.msk [tilespmem:v0+s19+$0x50 ss:$0x1], $0xffff;
	[tilespmem:v0+s18+$0x0 ss:$0x1] =	vst.idx.msk $0xffff, v5;
	s18 =	sadd.s32 $0x100, s18  }
0x35: {  	v4 =	vld.idx.msk [tilespmem:v0+s19+$0x60 ss:$0x1], $0xffff;
	[tilespmem:v0+s18+$0x70 ss:$0x1] =	vst.idx.msk $0xffff, v6  }
0x36: {  	v5 =	vld.idx.msk [tilespmem:v0+s19+$0x0 ss:$0x1], $0xffff;
	[tilespmem:v0+s18+$0x10 ss:$0x1] =	vst.idx.msk $0xffff, v7;
	s19 =	sadd.s32 $0x80, s19  }
0x37: {  	s20 =	sadd.s32 $0xFFFFFFFF, s20;
	v6 =	vld.idx.msk [tilespmem:v0+s19+$0x70 ss:$0x1], $0xffff;
	[tilespmem:v0+s18+$0x20 ss:$0x1] =	vst.idx.msk $0xffff, v8  }
0x38: {  	_ =	sdelay $0x3  }
0x39: {  	[tilespmem:v0+s18+$0x30 ss:$0x1] =	vst.idx.msk $0xffff, v1  }
0x3a: {  	v1 =	vld.idx.msk [tilespmem:v0+s19+$0x10 ss:$0x1], $0xffff;
	[tilespmem:v0+s18+$0x40 ss:$0x1] =	vst.idx.msk $0xffff, v2  }
0x3b: {  	v2 =	vld.idx.msk [tilespmem:v0+s19+$0x20 ss:$0x1], $0xffff;
	[tilespmem:v0+s18+$0x50 ss:$0x1] =	vst.idx.msk $0xffff, v3  }
0x3c: {  	v61 =	vld.idx.msk [tilespmem:v0+s19+$0x40 ss:$0x1], $0xffff;
	[tilespmem:v0+s18+$0x60 ss:$0x1] =	vst.idx.msk $0xffff, v4  }
0x3d: {  	s31 =	sadd.s32 $0x100, s18;
	v62 =	vld.idx.msk [tilespmem:v0+s19+$0x50 ss:$0x1], $0xffff;
	[tilespmem:v0+s18+$0x0 ss:$0x1] =	vst.idx.msk $0xffff, v5  }
0x3e: {  	v63 =	vld.idx.msk [tilespmem:v0+s19+$0x60 ss:$0x1], $0xffff;
	[tilespmem:v0+s31+$0x70 ss:$0x1] =	vst.idx.msk $0xffff, v6  }
0x3f: {  	v3 =	vld.idx.msk [tilespmem:v0+s19+$0x30 ss:$0x1], $0xffff;
	[tilespmem:v0+s31+$0x10 ss:$0x1] =	vst.idx.msk $0xffff, v1  }
0x40: {  	v1 =	vld.idx.msk [tilespmem:v0+s19+$0x0 ss:$0x1], $0xffff;
	[tilespmem:v0+s31+$0x20 ss:$0x1] =	vst.idx.msk $0xffff, v2  }
.Ltmp4:
0x41: {  	[tilespmem:v0+s31+$0x40 ss:$0x1] =	vst.idx.msk $0xffff, v61;
	(pc) =	sbr.rel @p0 .LBB1_4-.Ltmp4, $4  }
0x42: {  	[tilespmem:v0+s31+$0x50 ss:$0x1] =	vst.idx.msk $0xffff, v62  }
0x43: {  	[tilespmem:v0+s31+$0x60 ss:$0x1] =	vst.idx.msk $0xffff, v63  }
0x44: {  	[tilespmem:v0+s31+$0x30 ss:$0x1] =	vst.idx.msk $0xffff, v3  }
0x45: {  	p1 =	por $0x0, $0x0;
	s18 =	simm.s32 $0x1;
	[tilespmem:v0+s31+$0x0 ss:$0x1] =	vst.idx.msk $0xffff, v1  }
0x46: {  	s17 =	sadd.s32 $0x1, s17  }
0x47: {  	p0 =	sne.s32 s17, $0x8  }
.Ltmp5:
0x48: {  	_ = 	snop;
	(pc) =	sbr.rel @p0 .LBB1_3-.Ltmp5, $2  }
0x49: {  	_ =	sdelay $0x2  }
0x4a: {  	s16 =	sadd.s32 $0x2000, s16  }
.Ltmp6:
0x4b: {  	(pc) =	sbr.rel .LBB1_9-.Ltmp6, $4  }
0x4c: {  	_ = 	snop  }
0x4d: {  	s12 =	sshll.u32 s12, $0x8  }
0x4e: {  	s12 =	sadd.s32 s4, s12  }
0x4f: {  	[hbm4b:s12+s8] =	stream.linear.scatter [tilespmem:s13], [sflag:$0x2], $0x4000, $0x38;
	[tilespmem:$0x10000] =	vst v63  }
.LBB1_10:
0x50: {  	_ =	sfence.sel $0x180000  }
0x51: {  	s2 =	simm.s32 $0x1;
	[bflag:$0x0] =	sbarrier.arrive $0xFFFF  }
0x52: {  	s31 =	simm.s32 $0x2;
	[sflag:s2] =	ssyncpa.u1 $0x1  }
0x53: {  	[sflag:s31] =	ssyncpa.u1 $0x1  }
0x54: {  	p0 =	sne.s32 s0, $0x0;
	_ =	strace $0x90000047  }
0x55: {  	s0 =	sadd.s32 @!p0 $0x100000, s1;
	[bflag:$0x2] =	sbarrier.arrive $0xFFFF  }
0x56: {  	[sflag:s0] =	ssyncadd.tile.s32 @!p0 $0x1;
	_ =	shalt  }
.Lfunc_end1:
_tile_overlayer_lowered:
.L_overlay_start_2:
0x57: {  	(tag) =	ssettag $0x2  }
0x58: {  	s0 =	rddreg [dreg:$0x0];
	s2 =	stileid.u32  }
0x59: {  	s1 =	rddreg [dreg:$0x1];
	p0 =	sne.s32 s2, $0x0  }
0x5a: {  	s3 =	rddreg [dreg:$0x2];
	[bflag:$0x3] =	sbarrier.arrive $0xFFFF;
	s2 =	simm.s32 @!p0 $0x1C01  }
0x5b: {  	[timem:s3], [sflag:s2] =	dma.local @!p0 [hbm:s0], s1  }
0x5c: {  	s0 =	simm.s32 @!p0 $0x1  }
0x5d: {  	_ =	swait.ge @!p0 [sflag:s0], s1  }
0x5e: {  	s1 =	ssub.s32 @!p0 $0x0, s1;
	[sflag:s0] =	ssyncset.done @!p0 $0x0  }
0x5f: {  	[sflag:s0] =	ssyncadd.s32 @!p0 s1  }
0x60: {  	[bflag:$0x3] =	sbarrier.arrive $0xFFFF  }
0x61: {  	_ =	shalt  }

</sc_bundles>
